<compile_context>
chip_gen: v7x
topology: tpu7x:2x2x1
jax: 0.10.2.dev20260603
libtpu: 0.0.44.dev20260713+nightly
codegen_flags: <defaults>
</compile_context>

<pallas_src>
import jax
import jax.numpy as jnp
from jax import lax
from jax.experimental import pallas as pl
from jax.experimental.pallas import tpu as pltpu
from jax.experimental.pallas import tpu_sc as plsc

N = 10000
E = 320000
D = 128
HW = 64
LAT = 64
G = 16
MN = 1024
NC, NS = 2, 16

IROWS = E // 128
IPAD = 2560
IRX = IPAD + 8
NTRASH = 512
DRPW = IPAD // (NC * NS)
DCH = 8
ARPT = IPAD // NS
ACH = 4
PCH = ARPT // ACH
CPT = 624
TAIL = N - CPT * NS
CC = 104

_SC_PARAMS = pltpu.CompilerParams(use_tc_tiling_on_sc=False)


def _sc_mesh():
    return plsc.VectorSubcoreMesh(core_axis_name="c", subcore_axis_name="s")


def _deg_body(dst_hbm, ones_hbm, zeros_hbm, out_hbm, dbuf, ones_v, stage, acc,
              sem):
    c = lax.axis_index("c")
    s = lax.axis_index("s")
    pltpu.sync_copy(zeros_hbm, stage)
    pltpu.sync_copy(stage.at[pl.ds(0, CPT)], acc.at[pl.ds(s * CPT, CPT)])

    @pl.when(s == NS - 1)
    def _():
        pltpu.sync_copy(stage.at[pl.ds(0, TAIL)],
                        acc.at[pl.ds(CPT * NS, TAIL)])

    pltpu.sync_copy(ones_hbm, ones_v)
    base = (c * NS + s) * DRPW
    pltpu.sync_copy(dst_hbm.at[pl.ds(base, DRPW), :], dbuf)
    plsc.subcore_barrier()

    ndch = jnp.where(s >= 0, DRPW // DCH, 0)

    def chunk(i, carry):
        descs = [
            pltpu.async_copy(ones_v, acc.at[dbuf.at[i * DCH + j]], sem,
                             add=True)
            for j in range(DCH)
        ]
        for d in descs:
            d.wait()
        return carry

    lax.fori_loop(0, ndch, chunk, 0)
    plsc.subcore_barrier()
    pltpu.sync_copy(acc.at[pl.ds(s * CPT, CPT)], stage.at[pl.ds(0, CPT)])
    pltpu.sync_copy(stage.at[pl.ds(0, CPT)],
                    out_hbm.at[pl.ds(c * N + s * CPT, CPT)])

    @pl.when(s == NS - 1)
    def _():
        pltpu.sync_copy(acc.at[pl.ds(CPT * NS, TAIL)],
                        stage.at[pl.ds(CPT, TAIL)])
        pltpu.sync_copy(stage.at[pl.ds(CPT, TAIL)],
                        out_hbm.at[pl.ds(c * N + CPT * NS, TAIL)])


def _sc_degree(dst3, ones128, zeros1):
    return pl.kernel(
        _deg_body,
        out_type=jax.ShapeDtypeStruct((NC * N,), jnp.float32),
        mesh=_sc_mesh(),
        scratch_types=[
            pltpu.VMEM((DRPW, 128), jnp.int32),
            pltpu.VMEM((128,), jnp.float32),
            pltpu.VMEM((CPT + TAIL,), jnp.float32),
            pltpu.VMEM_SHARED((N + NTRASH,), jnp.float32),
            pltpu.SemaphoreType.DMA,
        ],
        compiler_params=_SC_PARAMS,
    )(dst3, ones128, zeros1)


def _agg_body(hs_hbm, srcs_hbm, dst_hbm, zeros_hbm, out_hbm,
              sbufA, dbufA, sbufB, dbufB, rowsA, rowsB, stage, acc,
              semA, semB, isemB):
    c = lax.axis_index("c")
    s = lax.axis_index("s")
    pltpu.sync_copy(zeros_hbm, stage)
    for k in range(CPT // CC):
        pltpu.sync_copy(stage, acc.at[pl.ds(s * CPT + k * CC, CC)])

    @pl.when(s == NS - 1)
    def _():
        pltpu.sync_copy(stage.at[pl.ds(0, TAIL), :],
                        acc.at[pl.ds(CPT * NS, TAIL)])

    base = s * ARPT
    plsc.subcore_barrier()

    def idx_load(sbuf, dbuf, ch):
        rb = base + ch * ACH
        pltpu.sync_copy(srcs_hbm.at[c, pl.ds(rb, ACH), :], sbuf)
        pltpu.sync_copy(dst_hbm.at[pl.ds(rb, ACH), :], dbuf)

    def fire(sbuf, rows, sem):
        for j in range(ACH):
            pltpu.async_copy(hs_hbm.at[sbuf.at[j]],
                             rows.at[pl.ds(j * 128, 128)], sem)

    def gather_wait(sbuf, rows, sem):
        for j in range(ACH):
            pltpu.make_async_copy(hs_hbm.at[sbuf.at[j]],
                                  rows.at[pl.ds(j * 128, 128)], sem).wait()

    def scatter(dbuf, rows):
        for j in range(ACH):
            pltpu.sync_copy(rows.at[pl.ds(j * 128, 128)],
                            acc.at[dbuf.at[j]], add=True)

    def idx_fire(sbuf, dbuf, isem, ch):
        rb = base + ch * ACH
        pltpu.async_copy(srcs_hbm.at[c, pl.ds(rb, ACH), :], sbuf, isem)
        pltpu.async_copy(dst_hbm.at[pl.ds(rb, ACH), :], dbuf, isem)

    def idx_wait(sbuf, dbuf, isem, ch):
        rb = base + ch * ACH
        pltpu.make_async_copy(srcs_hbm.at[c, pl.ds(rb, ACH), :], sbuf,
                              isem).wait()
        pltpu.make_async_copy(dst_hbm.at[pl.ds(rb, ACH), :], dbuf,
                              isem).wait()

    idx_load(sbufA, dbufA, 0)
    fire(sbufA, rowsA, semA)
    idx_fire(sbufB, dbufB, isemB, 1)
    npair = jnp.where(s >= 0, PCH // 2, 0)

    def body(p, carry):
        a = 2 * p
        idx_wait(sbufB, dbufB, isemB, a + 1)
        gather_wait(sbufA, rowsA, semA)
        fire(sbufB, rowsB, semB)
        scatter(dbufA, rowsA)
        idx_load(sbufA, dbufA, a + 2)
        gather_wait(sbufB, rowsB, semB)
        fire(sbufA, rowsA, semA)
        scatter(dbufB, rowsB)
        idx_fire(sbufB, dbufB, isemB, a + 3)
        return carry

    lax.fori_loop(0, npair, body, 0)
    gather_wait(sbufA, rowsA, semA)
    idx_wait(sbufB, dbufB, isemB, PCH + 1)
    plsc.subcore_barrier()
    for k in range(CPT // CC):
        pltpu.sync_copy(acc.at[pl.ds(s * CPT + k * CC, CC)], stage)
        pltpu.sync_copy(stage, out_hbm.at[c, pl.ds(s * CPT + k * CC, CC), :])

    @pl.when(s == NS - 1)
    def _():
        pltpu.sync_copy(acc.at[pl.ds(CPT * NS, TAIL)],
                        stage.at[pl.ds(0, TAIL), :])
        pltpu.sync_copy(stage.at[pl.ds(0, TAIL), :],
                        out_hbm.at[c, pl.ds(CPT * NS, TAIL), :])


def _sc_aggregate(hs_flat, srcs3, dst3, zerosC):
    return pl.kernel(
        _agg_body,
        out_type=jax.ShapeDtypeStruct((NC, N, HW), jnp.float32),
        mesh=_sc_mesh(),
        scratch_types=[
            pltpu.VMEM((ACH, 128), jnp.int32),
            pltpu.VMEM((ACH, 128), jnp.int32),
            pltpu.VMEM((ACH, 128), jnp.int32),
            pltpu.VMEM((ACH, 128), jnp.int32),
            pltpu.VMEM((ACH * 128, HW), jnp.float32),
            pltpu.VMEM((ACH * 128, HW), jnp.float32),
            pltpu.VMEM((CC, HW), jnp.float32),
            pltpu.VMEM_SHARED((N + NTRASH, HW), jnp.float32),
            pltpu.SemaphoreType.DMA,
            pltpu.SemaphoreType.DMA,
            pltpu.SemaphoreType.DMA,
        ],
        compiler_params=_SC_PARAMS,
    )(hs_flat, srcs3, dst3, zerosC)


def _mm1_body(x_ref, w_ref, h_ref):
    h_ref[0] = jnp.dot(x_ref[...], w_ref[0], preferred_element_type=jnp.float32,
                       precision=lax.Precision.HIGHEST)


def _tc_mm1(x, w1s):
    return pl.pallas_call(
        _mm1_body,
        grid=(2,),
        in_specs=[
            pl.BlockSpec((N, D), lambda f: (0, 0)),
            pl.BlockSpec((1, D, HW), lambda f: (f, 0, 0)),
        ],
        out_specs=pl.BlockSpec((1, N, HW), lambda f: (f, 0, 0)),
        out_shape=jax.ShapeDtypeStruct((NC, N, HW), jnp.float32),
    )(x, w1s)


def _scale1_body(deg_ref, h_ref, hs_ref, dinv_ref):
    degsum = deg_ref[0] + deg_ref[1] + 1.0
    dinv = lax.rsqrt(degsum)
    dinv_ref[...] = dinv
    hs_ref[0] = h_ref[0] * dinv
    hs_ref[1] = h_ref[1] * dinv


def _tc_scale1(deg2, h1):
    return pl.pallas_call(
        _scale1_body,
        out_shape=[
            jax.ShapeDtypeStruct((NC, N, HW), jnp.float32),
            jax.ShapeDtypeStruct((N, 1), jnp.float32),
        ],
    )(deg2, h1)


def _tc2_body(agg_ref, hs_ref, dinv_ref, b_ref, w_ref, out_ref):
    dinv = dinv_ref[...]
    h0 = dinv * (agg_ref[0] + hs_ref[0])
    h1 = dinv * (agg_ref[1] + hs_ref[1])
    h = jnp.concatenate([h0, h1], axis=1) + b_ref[...]
    h = jnp.maximum(h, 0.0)
    h2 = jnp.dot(h, w_ref[...], preferred_element_type=jnp.float32,
                 precision=lax.Precision.HIGHEST)
    out_ref[0] = dinv * h2[:, :HW]
    out_ref[1] = dinv * h2[:, HW:]


NB = 2000


def _tc2(agg, hs, dinv, b1, w2):
    return pl.pallas_call(
        _tc2_body,
        grid=(N // NB,),
        in_specs=[
            pl.BlockSpec((NC, NB, HW), lambda i: (0, i, 0)),
            pl.BlockSpec((NC, NB, HW), lambda i: (0, i, 0)),
            pl.BlockSpec((NB, 1), lambda i: (i, 0)),
            pl.BlockSpec((1, D), lambda i: (0, 0)),
            pl.BlockSpec((D, D), lambda i: (0, 0)),
        ],
        out_specs=pl.BlockSpec((NC, NB, HW), lambda i: (0, i, 0)),
        out_shape=jax.ShapeDtypeStruct((NC, N, HW), jnp.float32),
    )(agg, hs, dinv, b1, w2)


ZP = N + NB


def _tc3_body(agg_ref, hs_ref, dinv_ref, b_ref, wmu_ref, bmu_ref, wlv_ref,
              blv_ref, eps_ref, batch_ref,
              mu_ref, lv_ref, zpad_ref, offs_ref, cnts_ref):
    i = pl.program_id(0)
    dinv = dinv_ref[...]
    h0 = dinv * (agg_ref[0] + hs_ref[0])
    h1 = dinv * (agg_ref[1] + hs_ref[1])
    h = jnp.concatenate([h0, h1], axis=1) + b_ref[...]
    h = jnp.maximum(h, 0.0)
    mu = jnp.dot(h, wmu_ref[...], preferred_element_type=jnp.float32,
                 precision=lax.Precision.HIGHEST) + bmu_ref[...]
    logvar = jnp.dot(h, wlv_ref[...], preferred_element_type=jnp.float32,
                     precision=lax.Precision.HIGHEST) + blv_ref[...]
    mu_ref[...] = mu
    lv_ref[...] = logvar
    lvc = jnp.clip(logvar, -20.0, 20.0)
    z = mu + eps_ref[...] * jnp.exp(0.5 * lvc)
    zpad_ref[...] = jnp.where(i < N // NB, z, 0.0)
    gids = lax.broadcasted_iota(jnp.int32, (G, N), 0)
    b = batch_ref[...]
    cnts_ref[...] = jnp.sum((b == gids).astype(jnp.int32), axis=1).reshape(1, G)
    offs_ref[...] = jnp.sum((b < gids).astype(jnp.int32), axis=1).reshape(1, G)


def _tc3(agg, hs, dinv, b2, wmu, bmu, wlv, blv, eps, batch2):
    clamp = lambda i: jnp.minimum(i, N // NB - 1)
    return pl.pallas_call(
        _tc3_body,
        grid=(ZP // NB,),
        in_specs=[
            pl.BlockSpec((NC, NB, HW), lambda i: (0, clamp(i), 0)),
            pl.BlockSpec((NC, NB, HW), lambda i: (0, clamp(i), 0)),
            pl.BlockSpec((NB, 1), lambda i: (clamp(i), 0)),
            pl.BlockSpec((1, D), lambda i: (0, 0)),
            pl.BlockSpec((D, LAT), lambda i: (0, 0)),
            pl.BlockSpec((1, LAT), lambda i: (0, 0)),
            pl.BlockSpec((D, LAT), lambda i: (0, 0)),
            pl.BlockSpec((1, LAT), lambda i: (0, 0)),
            pl.BlockSpec((NB, LAT), lambda i: (clamp(i), 0)),
            pl.BlockSpec((1, N), lambda i: (0, 0)),
        ],
        out_specs=[
            pl.BlockSpec((NB, LAT), lambda i: (clamp(i), 0)),
            pl.BlockSpec((NB, LAT), lambda i: (clamp(i), 0)),
            pl.BlockSpec((NB, LAT), lambda i: (i, 0)),
            pl.BlockSpec((1, G), lambda i: (0, 0)),
            pl.BlockSpec((1, G), lambda i: (0, 0)),
        ],
        out_shape=[
            jax.ShapeDtypeStruct((N, LAT), jnp.float32),
            jax.ShapeDtypeStruct((N, LAT), jnp.float32),
            jax.ShapeDtypeStruct((ZP, LAT), jnp.float32),
            jax.ShapeDtypeStruct((1, G), jnp.int32),
            jax.ShapeDtypeStruct((1, G), jnp.int32),
        ],
    )(agg, hs, dinv, b2, wmu, bmu, wlv, blv, eps, batch2)


def _dec_body(offs_ref, cnts_ref, z_ref, bias_ref, adj_ref, mask_ref):
    g = pl.program_id(0)
    off = offs_ref[g]
    cnt = cnts_ref[g]
    zb = z_ref[pl.ds(off, MN), :]
    colmask = lax.broadcasted_iota(jnp.int32, (MN, 1), 0) < cnt
    zm = jnp.where(colmask, zb, 0.0)
    logits = lax.dot_general(zm, zm, (((1,), (1,)), ((), ())),
                             preferred_element_type=jnp.float32,
                             precision=lax.Precision.HIGHEST)
    logits = logits * (LAT ** -0.5) + bias_ref[0]
    adj_ref[0] = jax.nn.sigmoid(logits)
    rowmask = lax.broadcasted_iota(jnp.int32, (1, MN), 1) < cnt
    mask_ref[0] = rowmask.astype(jnp.int32)


def _tc_decoder(offs, cnts, zpad, bias1):
    grid_spec = pltpu.PrefetchScalarGridSpec(
        num_scalar_prefetch=2,
        grid=(G,),
        in_specs=[
            pl.BlockSpec((ZP, LAT), lambda g, o, c: (0, 0)),
            pl.BlockSpec((1,), lambda g, o, c: (0,)),
        ],
        out_specs=[
            pl.BlockSpec((1, MN, MN), lambda g, o, c: (g, 0, 0)),
            pl.BlockSpec((1, 1, MN), lambda g, o, c: (g, 0, 0)),
        ],
    )
    return pl.pallas_call(
        _dec_body,
        grid_spec=grid_spec,
        out_shape=[
            jax.ShapeDtypeStruct((G, MN, MN), jnp.float32),
            jax.ShapeDtypeStruct((G, 1, MN), jnp.int32),
        ],
    )(offs, cnts, zpad, bias1)


def kernel(x, edge_index, batch, eps, W1, b1, W2, b2, Wmu, bmu, Wlv, blv,
           dec_bias):
    src = edge_index[0]
    dst = edge_index[1]
    npad = IRX * 128 - E
    padi = jnp.arange(npad, dtype=jnp.int32)
    srcp = jnp.concatenate([src, (padi * 97) % N])
    dstp = jnp.concatenate([dst, N + padi % NTRASH])
    dst3 = dstp.reshape(IRX, 128)
    srcs3 = jnp.stack([srcp, srcp + N], axis=0).reshape(NC, IRX, 128)
    ones128 = jnp.ones((128,), jnp.float32)
    zeros1 = jnp.zeros((CPT + TAIL,), jnp.float32)
    zerosC = jnp.zeros((CC, HW), jnp.float32)

    deg2 = _sc_degree(dst3, ones128, zeros1)

    w1s = jnp.stack([W1[:, :HW], W1[:, HW:]], axis=0)
    h1 = _tc_mm1(x, w1s)
    hs1, dinv = _tc_scale1(deg2.reshape(NC, N, 1), h1)
    agg1 = _sc_aggregate(hs1.reshape(NC * N, HW), srcs3, dst3, zerosC)

    hs2 = _tc2(agg1, hs1, dinv, b1.reshape(1, D), W2)
    agg2 = _sc_aggregate(hs2.reshape(NC * N, HW), srcs3, dst3, zerosC)

    mu, logvar, zpad, offs, cnts = _tc3(
        agg2, hs2, dinv, b2.reshape(1, D), Wmu, bmu.reshape(1, LAT),
        Wlv, blv.reshape(1, LAT), eps, batch.reshape(1, N))

    adj, maski = _tc_decoder(offs.reshape(G), cnts.reshape(G), zpad,
                             dec_bias.reshape(1))
    return adj, mu, logvar, maski.reshape(G, MN).astype(bool)

# --- scband reference (transcript-rebuilt; emitter-appended) ---
"""Pipeline reference for scband-graph-vae-2482491097961 (READ-ONLY COPY).

The authoritative reference and input builder live on the scoring server;
editing this copy changes nothing except your own understanding.
"""

import jax, jax.numpy as jnp
import numpy as np

N_NODES = 10000
N_EDGES = 320000
IN_CH = 128
HIDDEN = 128
LATENT = 64
N_GRAPHS = 16
MAX_NODES = 1024


def setup_inputs(seed: int = 0) -> dict:
    key = jax.random.key(seed)
    ks = jax.random.split(key, 12)
    x = jax.random.normal(ks[0], (N_NODES, IN_CH), dtype=jnp.float32)
    edge_index = jax.random.randint(ks[1], (2, N_EDGES), 0, N_NODES, dtype=jnp.int32)
    batch = jnp.sort(jax.random.randint(ks[2], (N_NODES,), 0, N_GRAPHS, dtype=jnp.int32))
    eps = jax.random.normal(ks[3], (N_NODES, LATENT), dtype=jnp.float32)
    W1 = jax.random.normal(ks[4], (IN_CH, HIDDEN), dtype=jnp.float32) * (1.0 / np.sqrt(IN_CH))
    b1 = jnp.zeros((HIDDEN,), dtype=jnp.float32)
    W2 = jax.random.normal(ks[5], (HIDDEN, HIDDEN), dtype=jnp.float32) * (1.0 / np.sqrt(HIDDEN))
    b2 = jnp.zeros((HIDDEN,), dtype=jnp.float32)
    Wmu = jax.random.normal(ks[6], (HIDDEN, LATENT), dtype=jnp.float32) * (1.0 / np.sqrt(HIDDEN))
    bmu = jnp.zeros((LATENT,), dtype=jnp.float32)
    Wlv = jax.random.normal(ks[7], (HIDDEN, LATENT), dtype=jnp.float32) * (1.0 / np.sqrt(HIDDEN))
    blv = jnp.zeros((LATENT,), dtype=jnp.float32)
    dec_bias = jnp.array(-2.0, dtype=jnp.float32)
    return {"x": x, "edge_index": edge_index, "batch": batch, "eps": eps,
            "W1": W1, "b1": b1, "W2": W2, "b2": b2,
            "Wmu": Wmu, "bmu": bmu, "Wlv": Wlv, "blv": blv, "dec_bias": dec_bias}


def _gcn_conv(x, src, dst, W, b, n):
    h = x @ W
    deg = jnp.zeros((n,), x.dtype).at[dst].add(1.0)
    dinv = jnp.where(deg > 0, 1.0 / jnp.sqrt(jnp.maximum(deg, 1e-12)), 0.0)
    norm = dinv[src] * dinv[dst]
    msg = h[src] * norm[:, None]
    out = jnp.zeros((n, W.shape[1]), x.dtype).at[dst].add(msg)
    return out + b


def reference(x, edge_index, batch, eps, W1, b1, W2, b2, Wmu, bmu, Wlv, blv, dec_bias):
    n = x.shape[0]
    loop = jnp.arange(n, dtype=edge_index.dtype)
    src = jnp.concatenate([edge_index[0], loop])
    dst = jnp.concatenate([edge_index[1], loop])
    h = jax.nn.relu(_gcn_conv(x, src, dst, W1, b1, n))
    h = jax.nn.relu(_gcn_conv(h, src, dst, W2, b2, n))
    mu = h @ Wmu + bmu
    logvar = h @ Wlv + blv
    lv = jnp.clip(logvar, -20.0, 20.0)
    std = jnp.exp(0.5 * lv)
    z = mu + eps * std
    counts = jnp.bincount(batch, length=N_GRAPHS)
    offsets = jnp.concatenate([jnp.zeros((1,), counts.dtype), jnp.cumsum(counts)[:-1]])
    pos = jnp.arange(n, dtype=counts.dtype) - offsets[batch]
    z_dense = jnp.zeros((N_GRAPHS, MAX_NODES, LATENT), z.dtype).at[batch, pos].set(z)
    mask = jnp.zeros((N_GRAPHS, MAX_NODES), dtype=bool).at[batch, pos].set(True)
    scale = LATENT ** (-0.5)
    logits = scale * jnp.einsum('bnd,bmd->bnm', z_dense, z_dense) + dec_bias
    adj_recon = jax.nn.sigmoid(logits)
    return (adj_recon, mu, logvar, mask)

if __name__ == "__main__":
    import jax
    _d = setup_inputs()
    print(jax.jit(kernel)(*tuple(_d.values())))

</pallas_src>

<mosaic_0001>
#map = affine_map<(d0, d1) -> (0, 0)>
#map1 = affine_map<(d0, d1) -> (0)>
module attributes {stable_mosaic.version = 14 : i64} {
  func.func @_deg_body(%arg0: i32, %arg1: i32, %arg2: memref<2568x128xi32, #tpu.memory_space<hbm>>, %arg3: memref<128xf32, #tpu.memory_space<hbm>>, %arg4: memref<640xf32, #tpu.memory_space<hbm>>, %arg5: memref<20000xf32, #tpu.memory_space<hbm>>, %arg6: memref<80x128xi32, #tpu.memory_space<vmem>>, %arg7: memref<128xf32, #tpu.memory_space<vmem>>, %arg8: memref<640xf32, #tpu.memory_space<vmem>>, %arg9: memref<10512xf32, #tpu.memory_space<vmem_shared>>, %arg10: memref<!tpu.dma_semaphore, #tpu.memory_space<semaphore_mem>>) attributes {dimension_semantics = [#tpu.dimension_semantics<core_parallel>, #tpu.dimension_semantics<subcore_parallel>], iteration_bounds = array<i64: 2, 16>, scalar_prefetch = 0 : i64, scratch_operands = 5 : i64, tpu.core_type = #tpu.core_type<sc_vector_subcore>, window_params = [{transform_indices = #map}, {transform_indices = #map1}, {transform_indices = #map1}, {transform_indices = #map1}]} {
    "tpu.region"() ({
      %run_scoped3A = tpu.sem_alloc : memref<!tpu.dma_semaphore, #tpu.memory_space<semaphore_mem>>
      tpu.enqueue_dma source(%arg4 : memref<640xf32, #tpu.memory_space<hbm>>) target(%arg8 : memref<640xf32, #tpu.memory_space<vmem>>) target_semaphore(%run_scoped3A : memref<!tpu.dma_semaphore, #tpu.memory_space<semaphore_mem>>)
      tpu.wait_dma2 semaphore(%run_scoped3A : memref<!tpu.dma_semaphore, #tpu.memory_space<semaphore_mem>>) src(%arg4 : memref<640xf32, #tpu.memory_space<hbm>>) dst(%arg8 : memref<640xf32, #tpu.memory_space<vmem>>)
      tpu.yield
    }) : () -> ()
    %mul3A = arith.constant 624 : i32
    %mul3A_0 = arith.muli %arg1, %mul3A : i32
    "tpu.region"() ({
      %run_scoped3A = tpu.sem_alloc : memref<!tpu.dma_semaphore, #tpu.memory_space<semaphore_mem>>
      %dma_start3A = arith.constant 0 : i32
      %dma_start3A_31 = tpu.memref_slice %arg8[%dma_start3A] : memref<640xf32, #tpu.memory_space<vmem>> -> memref<624xf32, #tpu.memory_space<vmem>>
      %dma_start3A_32 = tpu.memref_slice %arg9[%mul3A_0] : memref<10512xf32, #tpu.memory_space<vmem_shared>> -> memref<624xf32, #tpu.memory_space<vmem_shared>>
      %dma_start3A_33 = tpu.memref_slice %arg9[%mul3A_0] : memref<10512xf32, #tpu.memory_space<vmem_shared>> -> memref<624xf32, #tpu.memory_space<vmem_shared>>
      %dma_start3A_34 = arith.constant 0 : i32
      %dma_start3A_35 = tpu.memref_slice %arg8[%dma_start3A_34] : memref<640xf32, #tpu.memory_space<vmem>> -> memref<624xf32, #tpu.memory_space<vmem>>
      tpu.enqueue_dma source(%dma_start3A_35 : memref<624xf32, #tpu.memory_space<vmem>>) target(%dma_start3A_33 : memref<624xf32, #tpu.memory_space<vmem_shared>>) target_semaphore(%run_scoped3A : memref<!tpu.dma_semaphore, #tpu.memory_space<semaphore_mem>>)
      %dma_wait3A = arith.constant 0 : i32
      %dma_wait3A_36 = tpu.memref_slice %arg8[%dma_wait3A] : memref<640xf32, #tpu.memory_space<vmem>> -> memref<624xf32, #tpu.memory_space<vmem>>
      %dma_wait3A_37 = tpu.memref_slice %arg9[%mul3A_0] : memref<10512xf32, #tpu.memory_space<vmem_shared>> -> memref<624xf32, #tpu.memory_space<vmem_shared>>
      %dma_wait3A_38 = tpu.memref_slice %arg9[%mul3A_0] : memref<10512xf32, #tpu.memory_space<vmem_shared>> -> memref<624xf32, #tpu.memory_space<vmem_shared>>
      %dma_wait3A_39 = arith.constant 0 : i32
      %dma_wait3A_40 = tpu.memref_slice %arg8[%dma_wait3A_39] : memref<640xf32, #tpu.memory_space<vmem>> -> memref<624xf32, #tpu.memory_space<vmem>>
      tpu.wait_dma2 semaphore(%run_scoped3A : memref<!tpu.dma_semaphore, #tpu.memory_space<semaphore_mem>>) src(%dma_wait3A_40 : memref<624xf32, #tpu.memory_space<vmem>>) dst(%dma_wait3A_38 : memref<624xf32, #tpu.memory_space<vmem_shared>>)
      tpu.yield
    }) : () -> ()
    %eq3A = arith.constant 15 : i32
    %eq3A_1 = arith.cmpi eq, %arg1, %eq3A : i32
    %convert_element_type3A = arith.extui %eq3A_1 : i1 to i32
    %cond3A = arith.constant 0 : i32
    %cond3A_2 = arith.cmpi ne, %convert_element_type3A, %cond3A : i32
    scf.if %cond3A_2 {
      "tpu.region"() ({
        %run_scoped3A = tpu.sem_alloc : memref<!tpu.dma_semaphore, #tpu.memory_space<semaphore_mem>>
        %dma_start3A = arith.constant 0 : i32
        %dma_start3A_31 = tpu.memref_slice %arg8[%dma_start3A] : memref<640xf32, #tpu.memory_space<vmem>> -> memref<16xf32, #tpu.memory_space<vmem>>
        %dma_start3A_32 = arith.constant 9984 : i32
        %dma_start3A_33 = tpu.memref_slice %arg9[%dma_start3A_32] : memref<10512xf32, #tpu.memory_space<vmem_shared>> -> memref<16xf32, #tpu.memory_space<vmem_shared>>
        %dma_start3A_34 = arith.constant 9984 : i32
        %dma_start3A_35 = tpu.memref_slice %arg9[%dma_start3A_34] : memref<10512xf32, #tpu.memory_space<vmem_shared>> -> memref<16xf32, #tpu.memory_space<vmem_shared>>
        %dma_start3A_36 = arith.constant 0 : i32
        %dma_start3A_37 = tpu.memref_slice %arg8[%dma_start3A_36] : memref<640xf32, #tpu.memory_space<vmem>> -> memref<16xf32, #tpu.memory_space<vmem>>
        tpu.enqueue_dma source(%dma_start3A_37 : memref<16xf32, #tpu.memory_space<vmem>>) target(%dma_start3A_35 : memref<16xf32, #tpu.memory_space<vmem_shared>>) target_semaphore(%run_scoped3A : memref<!tpu.dma_semaphore, #tpu.memory_space<semaphore_mem>>)
        %dma_wait3A = arith.constant 0 : i32
        %dma_wait3A_38 = tpu.memref_slice %arg8[%dma_wait3A] : memref<640xf32, #tpu.memory_space<vmem>> -> memref<16xf32, #tpu.memory_space<vmem>>
        %dma_wait3A_39 = arith.constant 9984 : i32
        %dma_wait3A_40 = tpu.memref_slice %arg9[%dma_wait3A_39] : memref<10512xf32, #tpu.memory_space<vmem_shared>> -> memref<16xf32, #tpu.memory_space<vmem_shared>>
        %dma_wait3A_41 = arith.constant 9984 : i32
        %dma_wait3A_42 = tpu.memref_slice %arg9[%dma_wait3A_41] : memref<10512xf32, #tpu.memory_space<vmem_shared>> -> memref<16xf32, #tpu.memory_space<vmem_shared>>
        %dma_wait3A_43 = arith.constant 0 : i32
        %dma_wait3A_44 = tpu.memref_slice %arg8[%dma_wait3A_43] : memref<640xf32, #tpu.memory_space<vmem>> -> memref<16xf32, #tpu.memory_space<vmem>>
        tpu.wait_dma2 semaphore(%run_scoped3A : memref<!tpu.dma_semaphore, #tpu.memory_space<semaphore_mem>>) src(%dma_wait3A_44 : memref<16xf32, #tpu.memory_space<vmem>>) dst(%dma_wait3A_42 : memref<16xf32, #tpu.memory_space<vmem_shared>>)
        tpu.yield
      }) : () -> ()
    } else {
    }
    "tpu.region"() ({
      %run_scoped3A = tpu.sem_alloc : memref<!tpu.dma_semaphore, #tpu.memory_space<semaphore_mem>>
      tpu.enqueue_dma source(%arg3 : memref<128xf32, #tpu.memory_space<hbm>>) target(%arg7 : memref<128xf32, #tpu.memory_space<vmem>>) target_semaphore(%run_scoped3A : memref<!tpu.dma_semaphore, #tpu.memory_space<semaphore_mem>>)
      tpu.wait_dma2 semaphore(%run_scoped3A : memref<!tpu.dma_semaphore, #tpu.memory_space<semaphore_mem>>) src(%arg3 : memref<128xf32, #tpu.memory_space<hbm>>) dst(%arg7 : memref<128xf32, #tpu.memory_space<vmem>>)
      tpu.yield
    }) : () -> ()
    %mul3A_3 = arith.constant 16 : i32
    %mul3A_4 = arith.muli %arg0, %mul3A_3 : i32
    %add3A = arith.addi %mul3A_4, %arg1 : i32
    %mul3A_5 = arith.constant 80 : i32
    %mul3A_6 = arith.muli %add3A, %mul3A_5 : i32
    "tpu.region"() ({
      %run_scoped3A = tpu.sem_alloc : memref<!tpu.dma_semaphore, #tpu.memory_space<semaphore_mem>>
      %dma_start3A = arith.constant 0 : i32
      %dma_start3A_31 = tpu.memref_slice %arg2[%mul3A_6, %dma_start3A] : memref<2568x128xi32, #tpu.memory_space<hbm>> -> memref<80x128xi32, #tpu.memory_space<hbm>>
      %dma_start3A_32 = arith.constant 0 : i32
      %dma_start3A_33 = tpu.memref_slice %arg2[%mul3A_6, %dma_start3A_32] : memref<2568x128xi32, #tpu.memory_space<hbm>> -> memref<80x128xi32, #tpu.memory_space<hbm>>
      tpu.enqueue_dma source(%dma_start3A_33 : memref<80x128xi32, #tpu.memory_space<hbm>>) target(%arg6 : memref<80x128xi32, #tpu.memory_space<vmem>>) target_semaphore(%run_scoped3A : memref<!tpu.dma_semaphore, #tpu.memory_space<semaphore_mem>>)
      %dma_wait3A = arith.constant 0 : i32
      %dma_wait3A_34 = tpu.memref_slice %arg2[%mul3A_6, %dma_wait3A] : memref<2568x128xi32, #tpu.memory_space<hbm>> -> memref<80x128xi32, #tpu.memory_space<hbm>>
      %dma_wait3A_35 = arith.constant 0 : i32
      %dma_wait3A_36 = tpu.memref_slice %arg2[%mul3A_6, %dma_wait3A_35] : memref<2568x128xi32, #tpu.memory_space<hbm>> -> memref<80x128xi32, #tpu.memory_space<hbm>>
      tpu.wait_dma2 semaphore(%run_scoped3A : memref<!tpu.dma_semaphore, #tpu.memory_space<semaphore_mem>>) src(%dma_wait3A_36 : memref<80x128xi32, #tpu.memory_space<hbm>>) dst(%arg6 : memref<80x128xi32, #tpu.memory_space<vmem>>)
      tpu.yield
    }) : () -> ()
    %barrier3A = arith.constant 0 : index
    tpu.barrier barrier_id(%barrier3A)
    %ge3A = arith.constant 0 : i32
    %ge3A_7 = arith.cmpi sge, %arg1, %ge3A : i32
    %jit3A = arith.constant 10 : i32
    %jit3A_8 = arith.constant 0 : i32
    %select_n3A = arith.select %ge3A_7, %jit3A, %jit3A_8 : i32
    %while3A = arith.constant 0 : i32
    %while3A_9 = arith.constant 0 : i32
    %while3A_10 = arith.subi %select_n3A, %while3A_9 : i32
    %while3A_11 = arith.addi %while3A_9, %while3A_10 : i32
    %while3A_12 = arith.constant 1 : i32
    %while3A_13 = arith.divsi %while3A_10, %while3A_12 : i32
    %while3A_14 = arith.muli %while3A_13, %while3A_12 : i32
    %while3A_15 = arith.addi %while3A_9, %while3A_14 : i32
    %while3A_16 = arith.constant 1 : i32
    scf.for %while3A_31 = %while3A_9 to %while3A_15 step %while3A_16  : i32 {
      %mul3A_32 = arith.constant 8 : i32
      %mul3A_33 = arith.muli %while3A_31, %mul3A_32 : i32
      %add3A_34 = arith.constant 0 : i32
      %add3A_35 = arith.addi %mul3A_33, %add3A_34 : i32
      %dma_start3A = arith.constant 0 : i32
      %dma_start3A_36 = tpu.memref_slice %arg6[%add3A_35, %dma_start3A] : memref<80x128xi32, #tpu.memory_space<vmem>> -> memref<1x128xi32, #tpu.memory_space<vmem>>
      %dma_start3A_37 = tpu.memref_squeeze %dma_start3A_36 : memref<1x128xi32, #tpu.memory_space<vmem>> -> memref<128xi32, #tpu.memory_space<vmem>>
      %dma_start3A_38 = arith.constant 0 : i32
      %dma_start3A_39 = tpu.memref_slice %arg9[%dma_start3A_38] : memref<10512xf32, #tpu.memory_space<vmem_shared>> -> memref<10512xf32, #tpu.memory_space<vmem_shared>>
      tpu.enqueue_indirect_dma source(%arg7 : memref<128xf32, #tpu.memory_space<vmem>>) target(%dma_start3A_39 : memref<10512xf32, #tpu.memory_space<vmem_shared>>) offsets(%dma_start3A_37 : memref<128xi32, #tpu.memory_space<vmem>>) semaphore(%arg10 : memref<!tpu.dma_semaphore, #tpu.memory_space<semaphore_mem>>) {add = true}
      %mul3A_40 = arith.constant 8 : i32
      %mul3A_41 = arith.muli %while3A_31, %mul3A_40 : i32
      %add3A_42 = arith.constant 1 : i32
      %add3A_43 = arith.addi %mul3A_41, %add3A_42 : i32
      %dma_start3A_44 = arith.constant 0 : i32
      %dma_start3A_45 = tpu.memref_slice %arg6[%add3A_43, %dma_start3A_44] : memref<80x128xi32, #tpu.memory_space<vmem>> -> memref<1x128xi32, #tpu.memory_space<vmem>>
      %dma_start3A_46 = tpu.memref_squeeze %dma_start3A_45 : memref<1x128xi32, #tpu.memory_space<vmem>> -> memref<128xi32, #tpu.memory_space<vmem>>
      %dma_start3A_47 = arith.constant 0 : i32
      %dma_start3A_48 = tpu.memref_slice %arg9[%dma_start3A_47] : memref<10512xf32, #tpu.memory_space<vmem_shared>> -> memref<10512xf32, #tpu.memory_space<vmem_shared>>
      tpu.enqueue_indirect_dma source(%arg7 : memref<128xf32, #tpu.memory_space<vmem>>) target(%dma_start3A_48 : memref<10512xf32, #tpu.memory_space<vmem_shared>>) offsets(%dma_start3A_46 : memref<128xi32, #tpu.memory_space<vmem>>) semaphore(%arg10 : memref<!tpu.dma_semaphore, #tpu.memory_space<semaphore_mem>>) {add = true}
      %mul3A_49 = arith.constant 8 : i32
      %mul3A_50 = arith.muli %while3A_31, %mul3A_49 : i32
      %add3A_51 = arith.constant 2 : i32
      %add3A_52 = arith.addi %mul3A_50, %add3A_51 : i32
      %dma_start3A_53 = arith.constant 0 : i32
      %dma_start3A_54 = tpu.memref_slice %arg6[%add3A_52, %dma_start3A_53] : memref<80x128xi32, #tpu.memory_space<vmem>> -> memref<1x128xi32, #tpu.memory_space<vmem>>
      %dma_start3A_55 = tpu.memref_squeeze %dma_start3A_54 : memref<1x128xi32, #tpu.memory_space<vmem>> -> memref<128xi32, #tpu.memory_space<vmem>>
      %dma_start3A_56 = arith.constant 0 : i32
      %dma_start3A_57 = tpu.memref_slice %arg9[%dma_start3A_56] : memref<10512xf32, #tpu.memory_space<vmem_shared>> -> memref<10512xf32, #tpu.memory_space<vmem_shared>>
      tpu.enqueue_indirect_dma source(%arg7 : memref<128xf32, #tpu.memory_space<vmem>>) target(%dma_start3A_57 : memref<10512xf32, #tpu.memory_space<vmem_shared>>) offsets(%dma_start3A_55 : memref<128xi32, #tpu.memory_space<vmem>>) semaphore(%arg10 : memref<!tpu.dma_semaphore, #tpu.memory_space<semaphore_mem>>) {add = true}
      %mul3A_58 = arith.constant 8 : i32
      %mul3A_59 = arith.muli %while3A_31, %mul3A_58 : i32
      %add3A_60 = arith.constant 3 : i32
      %add3A_61 = arith.addi %mul3A_59, %add3A_60 : i32
      %dma_start3A_62 = arith.constant 0 : i32
      %dma_start3A_63 = tpu.memref_slice %arg6[%add3A_61, %dma_start3A_62] : memref<80x128xi32, #tpu.memory_space<vmem>> -> memref<1x128xi32, #tpu.memory_space<vmem>>
      %dma_start3A_64 = tpu.memref_squeeze %dma_start3A_63 : memref<1x128xi32, #tpu.memory_space<vmem>> -> memref<128xi32, #tpu.memory_space<vmem>>
      %dma_start3A_65 = arith.constant 0 : i32
      %dma_start3A_66 = tpu.memref_slice %arg9[%dma_start3A_65] : memref<10512xf32, #tpu.memory_space<vmem_shared>> -> memref<10512xf32, #tpu.memory_space<vmem_shared>>
      tpu.enqueue_indirect_dma source(%arg7 : memref<128xf32, #tpu.memory_space<vmem>>) target(%dma_start3A_66 : memref<10512xf32, #tpu.memory_space<vmem_shared>>) offsets(%dma_start3A_64 : memref<128xi32, #tpu.memory_space<vmem>>) semaphore(%arg10 : memref<!tpu.dma_semaphore, #tpu.memory_space<semaphore_mem>>) {add = true}
      %mul3A_67 = arith.constant 8 : i32
      %mul3A_68 = arith.muli %while3A_31, %mul3A_67 : i32
      %add3A_69 = arith.constant 4 : i32
      %add3A_70 = arith.addi %mul3A_68, %add3A_69 : i32
      %dma_start3A_71 = arith.constant 0 : i32
      %dma_start3A_72 = tpu.memref_slice %arg6[%add3A_70, %dma_start3A_71] : memref<80x128xi32, #tpu.memory_space<vmem>> -> memref<1x128xi32, #tpu.memory_space<vmem>>
      %dma_start3A_73 = tpu.memref_squeeze %dma_start3A_72 : memref<1x128xi32, #tpu.memory_space<vmem>> -> memref<128xi32, #tpu.memory_space<vmem>>
      %dma_start3A_74 = arith.constant 0 : i32
      %dma_start3A_75 = tpu.memref_slice %arg9[%dma_start3A_74] : memref<10512xf32, #tpu.memory_space<vmem_shared>> -> memref<10512xf32, #tpu.memory_space<vmem_shared>>
      tpu.enqueue_indirect_dma source(%arg7 : memref<128xf32, #tpu.memory_space<vmem>>) target(%dma_start3A_75 : memref<10512xf32, #tpu.memory_space<vmem_shared>>) offsets(%dma_start3A_73 : memref<128xi32, #tpu.memory_space<vmem>>) semaphore(%arg10 : memref<!tpu.dma_semaphore, #tpu.memory_space<semaphore_mem>>) {add = true}
      %mul3A_76 = arith.constant 8 : i32
      %mul3A_77 = arith.muli %while3A_31, %mul3A_76 : i32
      %add3A_78 = arith.constant 5 : i32
      %add3A_79 = arith.addi %mul3A_77, %add3A_78 : i32
      %dma_start3A_80 = arith.constant 0 : i32
      %dma_start3A_81 = tpu.memref_slice %arg6[%add3A_79, %dma_start3A_80] : memref<80x128xi32, #tpu.memory_space<vmem>> -> memref<1x128xi32, #tpu.memory_space<vmem>>
      %dma_start3A_82 = tpu.memref_squeeze %dma_start3A_81 : memref<1x128xi32, #tpu.memory_space<vmem>> -> memref<128xi32, #tpu.memory_space<vmem>>
      %dma_start3A_83 = arith.constant 0 : i32
      %dma_start3A_84 = tpu.memref_slice %arg9[%dma_start3A_83] : memref<10512xf32, #tpu.memory_space<vmem_shared>> -> memref<10512xf32, #tpu.memory_space<vmem_shared>>
      tpu.enqueue_indirect_dma source(%arg7 : memref<128xf32, #tpu.memory_space<vmem>>) target(%dma_start3A_84 : memref<10512xf32, #tpu.memory_space<vmem_shared>>) offsets(%dma_start3A_82 : memref<128xi32, #tpu.memory_space<vmem>>) semaphore(%arg10 : memref<!tpu.dma_semaphore, #tpu.memory_space<semaphore_mem>>) {add = true}
      %mul3A_85 = arith.constant 8 : i32
      %mul3A_86 = arith.muli %while3A_31, %mul3A_85 : i32
      %add3A_87 = arith.constant 6 : i32
      %add3A_88 = arith.addi %mul3A_86, %add3A_87 : i32
      %dma_start3A_89 = arith.constant 0 : i32
      %dma_start3A_90 = tpu.memref_slice %arg6[%add3A_88, %dma_start3A_89] : memref<80x128xi32, #tpu.memory_space<vmem>> -> memref<1x128xi32, #tpu.memory_space<vmem>>
      %dma_start3A_91 = tpu.memref_squeeze %dma_start3A_90 : memref<1x128xi32, #tpu.memory_space<vmem>> -> memref<128xi32, #tpu.memory_space<vmem>>
      %dma_start3A_92 = arith.constant 0 : i32
      %dma_start3A_93 = tpu.memref_slice %arg9[%dma_start3A_92] : memref<10512xf32, #tpu.memory_space<vmem_shared>> -> memref<10512xf32, #tpu.memory_space<vmem_shared>>
      tpu.enqueue_indirect_dma source(%arg7 : memref<128xf32, #tpu.memory_space<vmem>>) target(%dma_start3A_93 : memref<10512xf32, #tpu.memory_space<vmem_shared>>) offsets(%dma_start3A_91 : memref<128xi32, #tpu.memory_space<vmem>>) semaphore(%arg10 : memref<!tpu.dma_semaphore, #tpu.memory_space<semaphore_mem>>) {add = true}
      %mul3A_94 = arith.constant 8 : i32
      %mul3A_95 = arith.muli %while3A_31, %mul3A_94 : i32
      %add3A_96 = arith.constant 7 : i32
      %add3A_97 = arith.addi %mul3A_95, %add3A_96 : i32
      %dma_start3A_98 = arith.constant 0 : i32
      %dma_start3A_99 = tpu.memref_slice %arg6[%add3A_97, %dma_start3A_98] : memref<80x128xi32, #tpu.memory_space<vmem>> -> memref<1x128xi32, #tpu.memory_space<vmem>>
      %dma_start3A_100 = tpu.memref_squeeze %dma_start3A_99 : memref<1x128xi32, #tpu.memory_space<vmem>> -> memref<128xi32, #tpu.memory_space<vmem>>
      %dma_start3A_101 = arith.constant 0 : i32
      %dma_start3A_102 = tpu.memref_slice %arg9[%dma_start3A_101] : memref<10512xf32, #tpu.memory_space<vmem_shared>> -> memref<10512xf32, #tpu.memory_space<vmem_shared>>
      tpu.enqueue_indirect_dma source(%arg7 : memref<128xf32, #tpu.memory_space<vmem>>) target(%dma_start3A_102 : memref<10512xf32, #tpu.memory_space<vmem_shared>>) offsets(%dma_start3A_100 : memref<128xi32, #tpu.memory_space<vmem>>) semaphore(%arg10 : memref<!tpu.dma_semaphore, #tpu.memory_space<semaphore_mem>>) {add = true}
      %dma_wait3A = arith.constant 0 : i32
      %dma_wait3A_103 = tpu.memref_slice %arg6[%add3A_35, %dma_wait3A] : memref<80x128xi32, #tpu.memory_space<vmem>> -> memref<1x128xi32, #tpu.memory_space<vmem>>
      %dma_wait3A_104 = tpu.memref_squeeze %dma_wait3A_103 : memref<1x128xi32, #tpu.memory_space<vmem>> -> memref<128xi32, #tpu.memory_space<vmem>>
      %dma_wait3A_105 = arith.constant 0 : i32
      %dma_wait3A_106 = tpu.memref_slice %arg9[%dma_wait3A_105] : memref<10512xf32, #tpu.memory_space<vmem_shared>> -> memref<10512xf32, #tpu.memory_space<vmem_shared>>
      tpu.wait_indirect_dma semaphore(%arg10 : memref<!tpu.dma_semaphore, #tpu.memory_space<semaphore_mem>>) src(%arg7 : memref<128xf32, #tpu.memory_space<vmem>>) dst(%dma_wait3A_106 : memref<10512xf32, #tpu.memory_space<vmem_shared>>)
      %dma_wait3A_107 = arith.constant 0 : i32
      %dma_wait3A_108 = tpu.memref_slice %arg6[%add3A_43, %dma_wait3A_107] : memref<80x128xi32, #tpu.memory_space<vmem>> -> memref<1x128xi32, #tpu.memory_space<vmem>>
      %dma_wait3A_109 = tpu.memref_squeeze %dma_wait3A_108 : memref<1x128xi32, #tpu.memory_space<vmem>> -> memref<128xi32, #tpu.memory_space<vmem>>
      %dma_wait3A_110 = arith.constant 0 : i32
      %dma_wait3A_111 = tpu.memref_slice %arg9[%dma_wait3A_110] : memref<10512xf32, #tpu.memory_space<vmem_shared>> -> memref<10512xf32, #tpu.memory_space<vmem_shared>>
      tpu.wait_indirect_dma semaphore(%arg10 : memref<!tpu.dma_semaphore, #tpu.memory_space<semaphore_mem>>) src(%arg7 : memref<128xf32, #tpu.memory_space<vmem>>) dst(%dma_wait3A_111 : memref<10512xf32, #tpu.memory_space<vmem_shared>>)
      %dma_wait3A_112 = arith.constant 0 : i32
      %dma_wait3A_113 = tpu.memref_slice %arg6[%add3A_52, %dma_wait3A_112] : memref<80x128xi32, #tpu.memory_space<vmem>> -> memref<1x128xi32, #tpu.memory_space<vmem>>
      %dma_wait3A_114 = tpu.memref_squeeze %dma_wait3A_113 : memref<1x128xi32, #tpu.memory_space<vmem>> -> memref<128xi32, #tpu.memory_space<vmem>>
      %dma_wait3A_115 = arith.constant 0 : i32
      %dma_wait3A_116 = tpu.memref_slice %arg9[%dma_wait3A_115] : memref<10512xf32, #tpu.memory_space<vmem_shared>> -> memref<10512xf32, #tpu.memory_space<vmem_shared>>
      tpu.wait_indirect_dma semaphore(%arg10 : memref<!tpu.dma_semaphore, #tpu.memory_space<semaphore_mem>>) src(%arg7 : memref<128xf32, #tpu.memory_space<vmem>>) dst(%dma_wait3A_116 : memref<10512xf32, #tpu.memory_space<vmem_shared>>)
      %dma_wait3A_117 = arith.constant 0 : i32
      %dma_wait3A_118 = tpu.memref_slice %arg6[%add3A_61, %dma_wait3A_117] : memref<80x128xi32, #tpu.memory_space<vmem>> -> memref<1x128xi32, #tpu.memory_space<vmem>>
      %dma_wait3A_119 = tpu.memref_squeeze %dma_wait3A_118 : memref<1x128xi32, #tpu.memory_space<vmem>> -> memref<128xi32, #tpu.memory_space<vmem>>
      %dma_wait3A_120 = arith.constant 0 : i32
      %dma_wait3A_121 = tpu.memref_slice %arg9[%dma_wait3A_120] : memref<10512xf32, #tpu.memory_space<vmem_shared>> -> memref<10512xf32, #tpu.memory_space<vmem_shared>>
      tpu.wait_indirect_dma semaphore(%arg10 : memref<!tpu.dma_semaphore, #tpu.memory_space<semaphore_mem>>) src(%arg7 : memref<128xf32, #tpu.memory_space<vmem>>) dst(%dma_wait3A_121 : memref<10512xf32, #tpu.memory_space<vmem_shared>>)
      %dma_wait3A_122 = arith.constant 0 : i32
      %dma_wait3A_123 = tpu.memref_slice %arg6[%add3A_70, %dma_wait3A_122] : memref<80x128xi32, #tpu.memory_space<vmem>> -> memref<1x128xi32, #tpu.memory_space<vmem>>
      %dma_wait3A_124 = tpu.memref_squeeze %dma_wait3A_123 : memref<1x128xi32, #tpu.memory_space<vmem>> -> memref<128xi32, #tpu.memory_space<vmem>>
      %dma_wait3A_125 = arith.constant 0 : i32
      %dma_wait3A_126 = tpu.memref_slice %arg9[%dma_wait3A_125] : memref<10512xf32, #tpu.memory_space<vmem_shared>> -> memref<10512xf32, #tpu.memory_space<vmem_shared>>
      tpu.wait_indirect_dma semaphore(%arg10 : memref<!tpu.dma_semaphore, #tpu.memory_space<semaphore_mem>>) src(%arg7 : memref<128xf32, #tpu.memory_space<vmem>>) dst(%dma_wait3A_126 : memref<10512xf32, #tpu.memory_space<vmem_shared>>)
      %dma_wait3A_127 = arith.constant 0 : i32
      %dma_wait3A_128 = tpu.memref_slice %arg6[%add3A_79, %dma_wait3A_127] : memref<80x128xi32, #tpu.memory_space<vmem>> -> memref<1x128xi32, #tpu.memory_space<vmem>>
      %dma_wait3A_129 = tpu.memref_squeeze %dma_wait3A_128 : memref<1x128xi32, #tpu.memory_space<vmem>> -> memref<128xi32, #tpu.memory_space<vmem>>
      %dma_wait3A_130 = arith.constant 0 : i32
      %dma_wait3A_131 = tpu.memref_slice %arg9[%dma_wait3A_130] : memref<10512xf32, #tpu.memory_space<vmem_shared>> -> memref<10512xf32, #tpu.memory_space<vmem_shared>>
      tpu.wait_indirect_dma semaphore(%arg10 : memref<!tpu.dma_semaphore, #tpu.memory_space<semaphore_mem>>) src(%arg7 : memref<128xf32, #tpu.memory_space<vmem>>) dst(%dma_wait3A_131 : memref<10512xf32, #tpu.memory_space<vmem_shared>>)
      %dma_wait3A_132 = arith.constant 0 : i32
      %dma_wait3A_133 = tpu.memref_slice %arg6[%add3A_88, %dma_wait3A_132] : memref<80x128xi32, #tpu.memory_space<vmem>> -> memref<1x128xi32, #tpu.memory_space<vmem>>
      %dma_wait3A_134 = tpu.memref_squeeze %dma_wait3A_133 : memref<1x128xi32, #tpu.memory_space<vmem>> -> memref<128xi32, #tpu.memory_space<vmem>>
      %dma_wait3A_135 = arith.constant 0 : i32
      %dma_wait3A_136 = tpu.memref_slice %arg9[%dma_wait3A_135] : memref<10512xf32, #tpu.memory_space<vmem_shared>> -> memref<10512xf32, #tpu.memory_space<vmem_shared>>
      tpu.wait_indirect_dma semaphore(%arg10 : memref<!tpu.dma_semaphore, #tpu.memory_space<semaphore_mem>>) src(%arg7 : memref<128xf32, #tpu.memory_space<vmem>>) dst(%dma_wait3A_136 : memref<10512xf32, #tpu.memory_space<vmem_shared>>)
      %dma_wait3A_137 = arith.constant 0 : i32
      %dma_wait3A_138 = tpu.memref_slice %arg6[%add3A_97, %dma_wait3A_137] : memref<80x128xi32, #tpu.memory_space<vmem>> -> memref<1x128xi32, #tpu.memory_space<vmem>>
      %dma_wait3A_139 = tpu.memref_squeeze %dma_wait3A_138 : memref<1x128xi32, #tpu.memory_space<vmem>> -> memref<128xi32, #tpu.memory_space<vmem>>
      %dma_wait3A_140 = arith.constant 0 : i32
      %dma_wait3A_141 = tpu.memref_slice %arg9[%dma_wait3A_140] : memref<10512xf32, #tpu.memory_space<vmem_shared>> -> memref<10512xf32, #tpu.memory_space<vmem_shared>>
      tpu.wait_indirect_dma semaphore(%arg10 : memref<!tpu.dma_semaphore, #tpu.memory_space<semaphore_mem>>) src(%arg7 : memref<128xf32, #tpu.memory_space<vmem>>) dst(%dma_wait3A_141 : memref<10512xf32, #tpu.memory_space<vmem_shared>>)
    }
    %while3A_17 = arith.constant 1 : i32
    scf.for %while3A_31 = %while3A_15 to %while3A_11 step %while3A_17  : i32 {
      %mul3A_32 = arith.constant 8 : i32
      %mul3A_33 = arith.muli %while3A_31, %mul3A_32 : i32
      %add3A_34 = arith.constant 0 : i32
      %add3A_35 = arith.addi %mul3A_33, %add3A_34 : i32
      %dma_start3A = arith.constant 0 : i32
      %dma_start3A_36 = tpu.memref_slice %arg6[%add3A_35, %dma_start3A] : memref<80x128xi32, #tpu.memory_space<vmem>> -> memref<1x128xi32, #tpu.memory_space<vmem>>
      %dma_start3A_37 = tpu.memref_squeeze %dma_start3A_36 : memref<1x128xi32, #tpu.memory_space<vmem>> -> memref<128xi32, #tpu.memory_space<vmem>>
      %dma_start3A_38 = arith.constant 0 : i32
      %dma_start3A_39 = tpu.memref_slice %arg9[%dma_start3A_38] : memref<10512xf32, #tpu.memory_space<vmem_shared>> -> memref<10512xf32, #tpu.memory_space<vmem_shared>>
      tpu.enqueue_indirect_dma source(%arg7 : memref<128xf32, #tpu.memory_space<vmem>>) target(%dma_start3A_39 : memref<10512xf32, #tpu.memory_space<vmem_shared>>) offsets(%dma_start3A_37 : memref<128xi32, #tpu.memory_space<vmem>>) semaphore(%arg10 : memref<!tpu.dma_semaphore, #tpu.memory_space<semaphore_mem>>) {add = true}
      %mul3A_40 = arith.constant 8 : i32
      %mul3A_41 = arith.muli %while3A_31, %mul3A_40 : i32
      %add3A_42 = arith.constant 1 : i32
      %add3A_43 = arith.addi %mul3A_41, %add3A_42 : i32
      %dma_start3A_44 = arith.constant 0 : i32
      %dma_start3A_45 = tpu.memref_slice %arg6[%add3A_43, %dma_start3A_44] : memref<80x128xi32, #tpu.memory_space<vmem>> -> memref<1x128xi32, #tpu.memory_space<vmem>>
      %dma_start3A_46 = tpu.memref_squeeze %dma_start3A_45 : memref<1x128xi32, #tpu.memory_space<vmem>> -> memref<128xi32, #tpu.memory_space<vmem>>
      %dma_start3A_47 = arith.constant 0 : i32
      %dma_start3A_48 = tpu.memref_slice %arg9[%dma_start3A_47] : memref<10512xf32, #tpu.memory_space<vmem_shared>> -> memref<10512xf32, #tpu.memory_space<vmem_shared>>
      tpu.enqueue_indirect_dma source(%arg7 : memref<128xf32, #tpu.memory_space<vmem>>) target(%dma_start3A_48 : memref<10512xf32, #tpu.memory_space<vmem_shared>>) offsets(%dma_start3A_46 : memref<128xi32, #tpu.memory_space<vmem>>) semaphore(%arg10 : memref<!tpu.dma_semaphore, #tpu.memory_space<semaphore_mem>>) {add = true}
      %mul3A_49 = arith.constant 8 : i32
      %mul3A_50 = arith.muli %while3A_31, %mul3A_49 : i32
      %add3A_51 = arith.constant 2 : i32
      %add3A_52 = arith.addi %mul3A_50, %add3A_51 : i32
      %dma_start3A_53 = arith.constant 0 : i32
      %dma_start3A_54 = tpu.memref_slice %arg6[%add3A_52, %dma_start3A_53] : memref<80x128xi32, #tpu.memory_space<vmem>> -> memref<1x128xi32, #tpu.memory_space<vmem>>
      %dma_start3A_55 = tpu.memref_squeeze %dma_start3A_54 : memref<1x128xi32, #tpu.memory_space<vmem>> -> memref<128xi32, #tpu.memory_space<vmem>>
      %dma_start3A_56 = arith.constant 0 : i32
      %dma_start3A_57 = tpu.memref_slice %arg9[%dma_start3A_56] : memref<10512xf32, #tpu.memory_space<vmem_shared>> -> memref<10512xf32, #tpu.memory_space<vmem_shared>>
      tpu.enqueue_indirect_dma source(%arg7 : memref<128xf32, #tpu.memory_space<vmem>>) target(%dma_start3A_57 : memref<10512xf32, #tpu.memory_space<vmem_shared>>) offsets(%dma_start3A_55 : memref<128xi32, #tpu.memory_space<vmem>>) semaphore(%arg10 : memref<!tpu.dma_semaphore, #tpu.memory_space<semaphore_mem>>) {add = true}
      %mul3A_58 = arith.constant 8 : i32
      %mul3A_59 = arith.muli %while3A_31, %mul3A_58 : i32
      %add3A_60 = arith.constant 3 : i32
      %add3A_61 = arith.addi %mul3A_59, %add3A_60 : i32
      %dma_start3A_62 = arith.constant 0 : i32
      %dma_start3A_63 = tpu.memref_slice %arg6[%add3A_61, %dma_start3A_62] : memref<80x128xi32, #tpu.memory_space<vmem>> -> memref<1x128xi32, #tpu.memory_space<vmem>>
      %dma_start3A_64 = tpu.memref_squeeze %dma_start3A_63 : memref<1x128xi32, #tpu.memory_space<vmem>> -> memref<128xi32, #tpu.memory_space<vmem>>
      %dma_start3A_65 = arith.constant 0 : i32
      %dma_start3A_66 = tpu.memref_slice %arg9[%dma_start3A_65] : memref<10512xf32, #tpu.memory_space<vmem_shared>> -> memref<10512xf32, #tpu.memory_space<vmem_shared>>
      tpu.enqueue_indirect_dma source(%arg7 : memref<128xf32, #tpu.memory_space<vmem>>) target(%dma_start3A_66 : memref<10512xf32, #tpu.memory_space<vmem_shared>>) offsets(%dma_start3A_64 : memref<128xi32, #tpu.memory_space<vmem>>) semaphore(%arg10 : memref<!tpu.dma_semaphore, #tpu.memory_space<semaphore_mem>>) {add = true}
      %mul3A_67 = arith.constant 8 : i32
      %mul3A_68 = arith.muli %while3A_31, %mul3A_67 : i32
      %add3A_69 = arith.constant 4 : i32
      %add3A_70 = arith.addi %mul3A_68, %add3A_69 : i32
      %dma_start3A_71 = arith.constant 0 : i32
      %dma_start3A_72 = tpu.memref_slice %arg6[%add3A_70, %dma_start3A_71] : memref<80x128xi32, #tpu.memory_space<vmem>> -> memref<1x128xi32, #tpu.memory_space<vmem>>
      %dma_start3A_73 = tpu.memref_squeeze %dma_start3A_72 : memref<1x128xi32, #tpu.memory_space<vmem>> -> memref<128xi32, #tpu.memory_space<vmem>>
      %dma_start3A_74 = arith.constant 0 : i32
      %dma_start3A_75 = tpu.memref_slice %arg9[%dma_start3A_74] : memref<10512xf32, #tpu.memory_space<vmem_shared>> -> memref<10512xf32, #tpu.memory_space<vmem_shared>>
      tpu.enqueue_indirect_dma source(%arg7 : memref<128xf32, #tpu.memory_space<vmem>>) target(%dma_start3A_75 : memref<10512xf32, #tpu.memory_space<vmem_shared>>) offsets(%dma_start3A_73 : memref<128xi32, #tpu.memory_space<vmem>>) semaphore(%arg10 : memref<!tpu.dma_semaphore, #tpu.memory_space<semaphore_mem>>) {add = true}
      %mul3A_76 = arith.constant 8 : i32
      %mul3A_77 = arith.muli %while3A_31, %mul3A_76 : i32
      %add3A_78 = arith.constant 5 : i32
      %add3A_79 = arith.addi %mul3A_77, %add3A_78 : i32
      %dma_start3A_80 = arith.constant 0 : i32
      %dma_start3A_81 = tpu.memref_slice %arg6[%add3A_79, %dma_start3A_80] : memref<80x128xi32, #tpu.memory_space<vmem>> -> memref<1x128xi32, #tpu.memory_space<vmem>>
      %dma_start3A_82 = tpu.memref_squeeze %dma_start3A_81 : memref<1x128xi32, #tpu.memory_space<vmem>> -> memref<128xi32, #tpu.memory_space<vmem>>
      %dma_start3A_83 = arith.constant 0 : i32
      %dma_start3A_84 = tpu.memref_slice %arg9[%dma_start3A_83] : memref<10512xf32, #tpu.memory_space<vmem_shared>> -> memref<10512xf32, #tpu.memory_space<vmem_shared>>
      tpu.enqueue_indirect_dma source(%arg7 : memref<128xf32, #tpu.memory_space<vmem>>) target(%dma_start3A_84 : memref<10512xf32, #tpu.memory_space<vmem_shared>>) offsets(%dma_start3A_82 : memref<128xi32, #tpu.memory_space<vmem>>) semaphore(%arg10 : memref<!tpu.dma_semaphore, #tpu.memory_space<semaphore_mem>>) {add = true}
      %mul3A_85 = arith.constant 8 : i32
      %mul3A_86 = arith.muli %while3A_31, %mul3A_85 : i32
      %add3A_87 = arith.constant 6 : i32
      %add3A_88 = arith.addi %mul3A_86, %add3A_87 : i32
      %dma_start3A_89 = arith.constant 0 : i32
      %dma_start3A_90 = tpu.memref_slice %arg6[%add3A_88, %dma_start3A_89] : memref<80x128xi32, #tpu.memory_space<vmem>> -> memref<1x128xi32, #tpu.memory_space<vmem>>
      %dma_start3A_91 = tpu.memref_squeeze %dma_start3A_90 : memref<1x128xi32, #tpu.memory_space<vmem>> -> memref<128xi32, #tpu.memory_space<vmem>>
      %dma_start3A_92 = arith.constant 0 : i32
      %dma_start3A_93 = tpu.memref_slice %arg9[%dma_start3A_92] : memref<10512xf32, #tpu.memory_space<vmem_shared>> -> memref<10512xf32, #tpu.memory_space<vmem_shared>>
      tpu.enqueue_indirect_dma source(%arg7 : memref<128xf32, #tpu.memory_space<vmem>>) target(%dma_start3A_93 : memref<10512xf32, #tpu.memory_space<vmem_shared>>) offsets(%dma_start3A_91 : memref<128xi32, #tpu.memory_space<vmem>>) semaphore(%arg10 : memref<!tpu.dma_semaphore, #tpu.memory_space<semaphore_mem>>) {add = true}
      %mul3A_94 = arith.constant 8 : i32
      %mul3A_95 = arith.muli %while3A_31, %mul3A_94 : i32
      %add3A_96 = arith.constant 7 : i32
      %add3A_97 = arith.addi %mul3A_95, %add3A_96 : i32
      %dma_start3A_98 = arith.constant 0 : i32
      %dma_start3A_99 = tpu.memref_slice %arg6[%add3A_97, %dma_start3A_98] : memref<80x128xi32, #tpu.memory_space<vmem>> -> memref<1x128xi32, #tpu.memory_space<vmem>>
      %dma_start3A_100 = tpu.memref_squeeze %dma_start3A_99 : memref<1x128xi32, #tpu.memory_space<vmem>> -> memref<128xi32, #tpu.memory_space<vmem>>
      %dma_start3A_101 = arith.constant 0 : i32
      %dma_start3A_102 = tpu.memref_slice %arg9[%dma_start3A_101] : memref<10512xf32, #tpu.memory_space<vmem_shared>> -> memref<10512xf32, #tpu.memory_space<vmem_shared>>
      tpu.enqueue_indirect_dma source(%arg7 : memref<128xf32, #tpu.memory_space<vmem>>) target(%dma_start3A_102 : memref<10512xf32, #tpu.memory_space<vmem_shared>>) offsets(%dma_start3A_100 : memref<128xi32, #tpu.memory_space<vmem>>) semaphore(%arg10 : memref<!tpu.dma_semaphore, #tpu.memory_space<semaphore_mem>>) {add = true}
      %dma_wait3A = arith.constant 0 : i32
      %dma_wait3A_103 = tpu.memref_slice %arg6[%add3A_35, %dma_wait3A] : memref<80x128xi32, #tpu.memory_space<vmem>> -> memref<1x128xi32, #tpu.memory_space<vmem>>
      %dma_wait3A_104 = tpu.memref_squeeze %dma_wait3A_103 : memref<1x128xi32, #tpu.memory_space<vmem>> -> memref<128xi32, #tpu.memory_space<vmem>>
      %dma_wait3A_105 = arith.constant 0 : i32
      %dma_wait3A_106 = tpu.memref_slice %arg9[%dma_wait3A_105] : memref<10512xf32, #tpu.memory_space<vmem_shared>> -> memref<10512xf32, #tpu.memory_space<vmem_shared>>
      tpu.wait_indirect_dma semaphore(%arg10 : memref<!tpu.dma_semaphore, #tpu.memory_space<semaphore_mem>>) src(%arg7 : memref<128xf32, #tpu.memory_space<vmem>>) dst(%dma_wait3A_106 : memref<10512xf32, #tpu.memory_space<vmem_shared>>)
      %dma_wait3A_107 = arith.constant 0 : i32
      %dma_wait3A_108 = tpu.memref_slice %arg6[%add3A_43, %dma_wait3A_107] : memref<80x128xi32, #tpu.memory_space<vmem>> -> memref<1x128xi32, #tpu.memory_space<vmem>>
      %dma_wait3A_109 = tpu.memref_squeeze %dma_wait3A_108 : memref<1x128xi32, #tpu.memory_space<vmem>> -> memref<128xi32, #tpu.memory_space<vmem>>
      %dma_wait3A_110 = arith.constant 0 : i32
      %dma_wait3A_111 = tpu.memref_slice %arg9[%dma_wait3A_110] : memref<10512xf32, #tpu.memory_space<vmem_shared>> -> memref<10512xf32, #tpu.memory_space<vmem_shared>>
      tpu.wait_indirect_dma semaphore(%arg10 : memref<!tpu.dma_semaphore, #tpu.memory_space<semaphore_mem>>) src(%arg7 : memref<128xf32, #tpu.memory_space<vmem>>) dst(%dma_wait3A_111 : memref<10512xf32, #tpu.memory_space<vmem_shared>>)
      %dma_wait3A_112 = arith.constant 0 : i32
      %dma_wait3A_113 = tpu.memref_slice %arg6[%add3A_52, %dma_wait3A_112] : memref<80x128xi32, #tpu.memory_space<vmem>> -> memref<1x128xi32, #tpu.memory_space<vmem>>
      %dma_wait3A_114 = tpu.memref_squeeze %dma_wait3A_113 : memref<1x128xi32, #tpu.memory_space<vmem>> -> memref<128xi32, #tpu.memory_space<vmem>>
      %dma_wait3A_115 = arith.constant 0 : i32
      %dma_wait3A_116 = tpu.memref_slice %arg9[%dma_wait3A_115] : memref<10512xf32, #tpu.memory_space<vmem_shared>> -> memref<10512xf32, #tpu.memory_space<vmem_shared>>
      tpu.wait_indirect_dma semaphore(%arg10 : memref<!tpu.dma_semaphore, #tpu.memory_space<semaphore_mem>>) src(%arg7 : memref<128xf32, #tpu.memory_space<vmem>>) dst(%dma_wait3A_116 : memref<10512xf32, #tpu.memory_space<vmem_shared>>)
      %dma_wait3A_117 = arith.constant 0 : i32
      %dma_wait3A_118 = tpu.memref_slice %arg6[%add3A_61, %dma_wait3A_117] : memref<80x128xi32, #tpu.memory_space<vmem>> -> memref<1x128xi32, #tpu.memory_space<vmem>>
      %dma_wait3A_119 = tpu.memref_squeeze %dma_wait3A_118 : memref<1x128xi32, #tpu.memory_space<vmem>> -> memref<128xi32, #tpu.memory_space<vmem>>
      %dma_wait3A_120 = arith.constant 0 : i32
      %dma_wait3A_121 = tpu.memref_slice %arg9[%dma_wait3A_120] : memref<10512xf32, #tpu.memory_space<vmem_shared>> -> memref<10512xf32, #tpu.memory_space<vmem_shared>>
      tpu.wait_indirect_dma semaphore(%arg10 : memref<!tpu.dma_semaphore, #tpu.memory_space<semaphore_mem>>) src(%arg7 : memref<128xf32, #tpu.memory_space<vmem>>) dst(%dma_wait3A_121 : memref<10512xf32, #tpu.memory_space<vmem_shared>>)
      %dma_wait3A_122 = arith.constant 0 : i32
      %dma_wait3A_123 = tpu.memref_slice %arg6[%add3A_70, %dma_wait3A_122] : memref<80x128xi32, #tpu.memory_space<vmem>> -> memref<1x128xi32, #tpu.memory_space<vmem>>
      %dma_wait3A_124 = tpu.memref_squeeze %dma_wait3A_123 : memref<1x128xi32, #tpu.memory_space<vmem>> -> memref<128xi32, #tpu.memory_space<vmem>>
      %dma_wait3A_125 = arith.constant 0 : i32
      %dma_wait3A_126 = tpu.memref_slice %arg9[%dma_wait3A_125] : memref<10512xf32, #tpu.memory_space<vmem_shared>> -> memref<10512xf32, #tpu.memory_space<vmem_shared>>
      tpu.wait_indirect_dma semaphore(%arg10 : memref<!tpu.dma_semaphore, #tpu.memory_space<semaphore_mem>>) src(%arg7 : memref<128xf32, #tpu.memory_space<vmem>>) dst(%dma_wait3A_126 : memref<10512xf32, #tpu.memory_space<vmem_shared>>)
      %dma_wait3A_127 = arith.constant 0 : i32
      %dma_wait3A_128 = tpu.memref_slice %arg6[%add3A_79, %dma_wait3A_127] : memref<80x128xi32, #tpu.memory_space<vmem>> -> memref<1x128xi32, #tpu.memory_space<vmem>>
      %dma_wait3A_129 = tpu.memref_squeeze %dma_wait3A_128 : memref<1x128xi32, #tpu.memory_space<vmem>> -> memref<128xi32, #tpu.memory_space<vmem>>
      %dma_wait3A_130 = arith.constant 0 : i32
      %dma_wait3A_131 = tpu.memref_slice %arg9[%dma_wait3A_130] : memref<10512xf32, #tpu.memory_space<vmem_shared>> -> memref<10512xf32, #tpu.memory_space<vmem_shared>>
      tpu.wait_indirect_dma semaphore(%arg10 : memref<!tpu.dma_semaphore, #tpu.memory_space<semaphore_mem>>) src(%arg7 : memref<128xf32, #tpu.memory_space<vmem>>) dst(%dma_wait3A_131 : memref<10512xf32, #tpu.memory_space<vmem_shared>>)
      %dma_wait3A_132 = arith.constant 0 : i32
      %dma_wait3A_133 = tpu.memref_slice %arg6[%add3A_88, %dma_wait3A_132] : memref<80x128xi32, #tpu.memory_space<vmem>> -> memref<1x128xi32, #tpu.memory_space<vmem>>
      %dma_wait3A_134 = tpu.memref_squeeze %dma_wait3A_133 : memref<1x128xi32, #tpu.memory_space<vmem>> -> memref<128xi32, #tpu.memory_space<vmem>>
      %dma_wait3A_135 = arith.constant 0 : i32
      %dma_wait3A_136 = tpu.memref_slice %arg9[%dma_wait3A_135] : memref<10512xf32, #tpu.memory_space<vmem_shared>> -> memref<10512xf32, #tpu.memory_space<vmem_shared>>
      tpu.wait_indirect_dma semaphore(%arg10 : memref<!tpu.dma_semaphore, #tpu.memory_space<semaphore_mem>>) src(%arg7 : memref<128xf32, #tpu.memory_space<vmem>>) dst(%dma_wait3A_136 : memref<10512xf32, #tpu.memory_space<vmem_shared>>)
      %dma_wait3A_137 = arith.constant 0 : i32
      %dma_wait3A_138 = tpu.memref_slice %arg6[%add3A_97, %dma_wait3A_137] : memref<80x128xi32, #tpu.memory_space<vmem>> -> memref<1x128xi32, #tpu.memory_space<vmem>>
      %dma_wait3A_139 = tpu.memref_squeeze %dma_wait3A_138 : memref<1x128xi32, #tpu.memory_space<vmem>> -> memref<128xi32, #tpu.memory_space<vmem>>
      %dma_wait3A_140 = arith.constant 0 : i32
      %dma_wait3A_141 = tpu.memref_slice %arg9[%dma_wait3A_140] : memref<10512xf32, #tpu.memory_space<vmem_shared>> -> memref<10512xf32, #tpu.memory_space<vmem_shared>>
      tpu.wait_indirect_dma semaphore(%arg10 : memref<!tpu.dma_semaphore, #tpu.memory_space<semaphore_mem>>) src(%arg7 : memref<128xf32, #tpu.memory_space<vmem>>) dst(%dma_wait3A_141 : memref<10512xf32, #tpu.memory_space<vmem_shared>>)
    }
    %barrier3A_18 = arith.constant 0 : index
    tpu.barrier barrier_id(%barrier3A_18)
    %mul3A_19 = arith.constant 624 : i32
    %mul3A_20 = arith.muli %arg1, %mul3A_19 : i32
    "tpu.region"() ({
      %run_scoped3A = tpu.sem_alloc : memref<!tpu.dma_semaphore, #tpu.memory_space<semaphore_mem>>
      %dma_start3A = arith.constant 0 : i32
      %dma_start3A_31 = tpu.memref_slice %arg8[%dma_start3A] : memref<640xf32, #tpu.memory_space<vmem>> -> memref<624xf32, #tpu.memory_space<vmem>>
      %dma_start3A_32 = tpu.memref_slice %arg9[%mul3A_20] : memref<10512xf32, #tpu.memory_space<vmem_shared>> -> memref<624xf32, #tpu.memory_space<vmem_shared>>
      %dma_start3A_33 = arith.constant 0 : i32
      %dma_start3A_34 = tpu.memref_slice %arg8[%dma_start3A_33] : memref<640xf32, #tpu.memory_space<vmem>> -> memref<624xf32, #tpu.memory_space<vmem>>
      %dma_start3A_35 = tpu.memref_slice %arg9[%mul3A_20] : memref<10512xf32, #tpu.memory_space<vmem_shared>> -> memref<624xf32, #tpu.memory_space<vmem_shared>>
      tpu.enqueue_dma source(%dma_start3A_35 : memref<624xf32, #tpu.memory_space<vmem_shared>>) target(%dma_start3A_34 : memref<624xf32, #tpu.memory_space<vmem>>) target_semaphore(%run_scoped3A : memref<!tpu.dma_semaphore, #tpu.memory_space<semaphore_mem>>)
      %dma_wait3A = arith.constant 0 : i32
      %dma_wait3A_36 = tpu.memref_slice %arg8[%dma_wait3A] : memref<640xf32, #tpu.memory_space<vmem>> -> memref<624xf32, #tpu.memory_space<vmem>>
      %dma_wait3A_37 = tpu.memref_slice %arg9[%mul3A_20] : memref<10512xf32, #tpu.memory_space<vmem_shared>> -> memref<624xf32, #tpu.memory_space<vmem_shared>>
      %dma_wait3A_38 = arith.constant 0 : i32
      %dma_wait3A_39 = tpu.memref_slice %arg8[%dma_wait3A_38] : memref<640xf32, #tpu.memory_space<vmem>> -> memref<624xf32, #tpu.memory_space<vmem>>
      %dma_wait3A_40 = tpu.memref_slice %arg9[%mul3A_20] : memref<10512xf32, #tpu.memory_space<vmem_shared>> -> memref<624xf32, #tpu.memory_space<vmem_shared>>
      tpu.wait_dma2 semaphore(%run_scoped3A : memref<!tpu.dma_semaphore, #tpu.memory_space<semaphore_mem>>) src(%dma_wait3A_40 : memref<624xf32, #tpu.memory_space<vmem_shared>>) dst(%dma_wait3A_39 : memref<624xf32, #tpu.memory_space<vmem>>)
      tpu.yield
    }) : () -> ()
    %mul3A_21 = arith.constant 10000 : i32
    %mul3A_22 = arith.muli %arg0, %mul3A_21 : i32
    %mul3A_23 = arith.constant 624 : i32
    %mul3A_24 = arith.muli %arg1, %mul3A_23 : i32
    %add3A_25 = arith.addi %mul3A_22, %mul3A_24 : i32
    "tpu.region"() ({
      %run_scoped3A = tpu.sem_alloc : memref<!tpu.dma_semaphore, #tpu.memory_space<semaphore_mem>>
      %dma_start3A = arith.constant 0 : i32
      %dma_start3A_31 = tpu.memref_slice %arg8[%dma_start3A] : memref<640xf32, #tpu.memory_space<vmem>> -> memref<624xf32, #tpu.memory_space<vmem>>
      %dma_start3A_32 = tpu.memref_slice %arg5[%add3A_25] : memref<20000xf32, #tpu.memory_space<hbm>> -> memref<624xf32, #tpu.memory_space<hbm>>
      %dma_start3A_33 = tpu.memref_slice %arg5[%add3A_25] : memref<20000xf32, #tpu.memory_space<hbm>> -> memref<624xf32, #tpu.memory_space<hbm>>
      %dma_start3A_34 = arith.constant 0 : i32
      %dma_start3A_35 = tpu.memref_slice %arg8[%dma_start3A_34] : memref<640xf32, #tpu.memory_space<vmem>> -> memref<624xf32, #tpu.memory_space<vmem>>
      tpu.enqueue_dma source(%dma_start3A_35 : memref<624xf32, #tpu.memory_space<vmem>>) target(%dma_start3A_33 : memref<624xf32, #tpu.memory_space<hbm>>) target_semaphore(%run_scoped3A : memref<!tpu.dma_semaphore, #tpu.memory_space<semaphore_mem>>)
      %dma_wait3A = arith.constant 0 : i32
      %dma_wait3A_36 = tpu.memref_slice %arg8[%dma_wait3A] : memref<640xf32, #tpu.memory_space<vmem>> -> memref<624xf32, #tpu.memory_space<vmem>>
      %dma_wait3A_37 = tpu.memref_slice %arg5[%add3A_25] : memref<20000xf32, #tpu.memory_space<hbm>> -> memref<624xf32, #tpu.memory_space<hbm>>
      %dma_wait3A_38 = tpu.memref_slice %arg5[%add3A_25] : memref<20000xf32, #tpu.memory_space<hbm>> -> memref<624xf32, #tpu.memory_space<hbm>>
      %dma_wait3A_39 = arith.constant 0 : i32
      %dma_wait3A_40 = tpu.memref_slice %arg8[%dma_wait3A_39] : memref<640xf32, #tpu.memory_space<vmem>> -> memref<624xf32, #tpu.memory_space<vmem>>
      tpu.wait_dma2 semaphore(%run_scoped3A : memref<!tpu.dma_semaphore, #tpu.memory_space<semaphore_mem>>) src(%dma_wait3A_40 : memref<624xf32, #tpu.memory_space<vmem>>) dst(%dma_wait3A_38 : memref<624xf32, #tpu.memory_space<hbm>>)
      tpu.yield
    }) : () -> ()
    %eq3A_26 = arith.constant 15 : i32
    %eq3A_27 = arith.cmpi eq, %arg1, %eq3A_26 : i32
    %convert_element_type3A_28 = arith.extui %eq3A_27 : i1 to i32
    %cond3A_29 = arith.constant 0 : i32
    %cond3A_30 = arith.cmpi ne, %convert_element_type3A_28, %cond3A_29 : i32
    scf.if %cond3A_30 {
      "tpu.region"() ({
        %run_scoped3A = tpu.sem_alloc : memref<!tpu.dma_semaphore, #tpu.memory_space<semaphore_mem>>
        %dma_start3A = arith.constant 624 : i32
        %dma_start3A_35 = tpu.memref_slice %arg8[%dma_start3A] : memref<640xf32, #tpu.memory_space<vmem>> -> memref<16xf32, #tpu.memory_space<vmem>>
        %dma_start3A_36 = arith.constant 9984 : i32
        %dma_start3A_37 = tpu.memref_slice %arg9[%dma_start3A_36] : memref<10512xf32, #tpu.memory_space<vmem_shared>> -> memref<16xf32, #tpu.memory_space<vmem_shared>>
        %dma_start3A_38 = arith.constant 624 : i32
        %dma_start3A_39 = tpu.memref_slice %arg8[%dma_start3A_38] : memref<640xf32, #tpu.memory_space<vmem>> -> memref<16xf32, #tpu.memory_space<vmem>>
        %dma_start3A_40 = arith.constant 9984 : i32
        %dma_start3A_41 = tpu.memref_slice %arg9[%dma_start3A_40] : memref<10512xf32, #tpu.memory_space<vmem_shared>> -> memref<16xf32, #tpu.memory_space<vmem_shared>>
        tpu.enqueue_dma source(%dma_start3A_41 : memref<16xf32, #tpu.memory_space<vmem_shared>>) target(%dma_start3A_39 : memref<16xf32, #tpu.memory_space<vmem>>) target_semaphore(%run_scoped3A : memref<!tpu.dma_semaphore, #tpu.memory_space<semaphore_mem>>)
        %dma_wait3A = arith.constant 624 : i32
        %dma_wait3A_42 = tpu.memref_slice %arg8[%dma_wait3A] : memref<640xf32, #tpu.memory_space<vmem>> -> memref<16xf32, #tpu.memory_space<vmem>>
        %dma_wait3A_43 = arith.constant 9984 : i32
        %dma_wait3A_44 = tpu.memref_slice %arg9[%dma_wait3A_43] : memref<10512xf32, #tpu.memory_space<vmem_shared>> -> memref<16xf32, #tpu.memory_space<vmem_shared>>
        %dma_wait3A_45 = arith.constant 624 : i32
        %dma_wait3A_46 = tpu.memref_slice %arg8[%dma_wait3A_45] : memref<640xf32, #tpu.memory_space<vmem>> -> memref<16xf32, #tpu.memory_space<vmem>>
        %dma_wait3A_47 = arith.constant 9984 : i32
        %dma_wait3A_48 = tpu.memref_slice %arg9[%dma_wait3A_47] : memref<10512xf32, #tpu.memory_space<vmem_shared>> -> memref<16xf32, #tpu.memory_space<vmem_shared>>
        tpu.wait_dma2 semaphore(%run_scoped3A : memref<!tpu.dma_semaphore, #tpu.memory_space<semaphore_mem>>) src(%dma_wait3A_48 : memref<16xf32, #tpu.memory_space<vmem_shared>>) dst(%dma_wait3A_46 : memref<16xf32, #tpu.memory_space<vmem>>)
        tpu.yield
      }) : () -> ()
      %mul3A_31 = arith.constant 10000 : i32
      %mul3A_32 = arith.muli %arg0, %mul3A_31 : i32
      %add3A_33 = arith.constant 9984 : i32
      %add3A_34 = arith.addi %mul3A_32, %add3A_33 : i32
      "tpu.region"() ({
        %run_scoped3A = tpu.sem_alloc : memref<!tpu.dma_semaphore, #tpu.memory_space<semaphore_mem>>
        %dma_start3A = arith.constant 624 : i32
        %dma_start3A_35 = tpu.memref_slice %arg8[%dma_start3A] : memref<640xf32, #tpu.memory_space<vmem>> -> memref<16xf32, #tpu.memory_space<vmem>>
        %dma_start3A_36 = tpu.memref_slice %arg5[%add3A_34] : memref<20000xf32, #tpu.memory_space<hbm>> -> memref<16xf32, #tpu.memory_space<hbm>>
        %dma_start3A_37 = tpu.memref_slice %arg5[%add3A_34] : memref<20000xf32, #tpu.memory_space<hbm>> -> memref<16xf32, #tpu.memory_space<hbm>>
        %dma_start3A_38 = arith.constant 624 : i32
        %dma_start3A_39 = tpu.memref_slice %arg8[%dma_start3A_38] : memref<640xf32, #tpu.memory_space<vmem>> -> memref<16xf32, #tpu.memory_space<vmem>>
        tpu.enqueue_dma source(%dma_start3A_39 : memref<16xf32, #tpu.memory_space<vmem>>) target(%dma_start3A_37 : memref<16xf32, #tpu.memory_space<hbm>>) target_semaphore(%run_scoped3A : memref<!tpu.dma_semaphore, #tpu.memory_space<semaphore_mem>>)
        %dma_wait3A = arith.constant 624 : i32
        %dma_wait3A_40 = tpu.memref_slice %arg8[%dma_wait3A] : memref<640xf32, #tpu.memory_space<vmem>> -> memref<16xf32, #tpu.memory_space<vmem>>
        %dma_wait3A_41 = tpu.memref_slice %arg5[%add3A_34] : memref<20000xf32, #tpu.memory_space<hbm>> -> memref<16xf32, #tpu.memory_space<hbm>>
        %dma_wait3A_42 = tpu.memref_slice %arg5[%add3A_34] : memref<20000xf32, #tpu.memory_space<hbm>> -> memref<16xf32, #tpu.memory_space<hbm>>
        %dma_wait3A_43 = arith.constant 624 : i32
        %dma_wait3A_44 = tpu.memref_slice %arg8[%dma_wait3A_43] : memref<640xf32, #tpu.memory_space<vmem>> -> memref<16xf32, #tpu.memory_space<vmem>>
        tpu.wait_dma2 semaphore(%run_scoped3A : memref<!tpu.dma_semaphore, #tpu.memory_space<semaphore_mem>>) src(%dma_wait3A_44 : memref<16xf32, #tpu.memory_space<vmem>>) dst(%dma_wait3A_42 : memref<16xf32, #tpu.memory_space<hbm>>)
        tpu.yield
      }) : () -> ()
    } else {
    }
    return
  }
}

#map = affine_map<(d0, d1) -> (0, 0)>
#map1 = affine_map<(d0, d1) -> (0, 0, 0)>
module attributes {stable_mosaic.version = 14 : i64} {
  func.func @_agg_body(%arg0: i32, %arg1: i32, %arg2: memref<20000x64xf32, #tpu.memory_space<hbm>>, %arg3: memref<2x2568x128xi32, #tpu.memory_space<hbm>>, %arg4: memref<2568x128xi32, #tpu.memory_space<hbm>>, %arg5: memref<104x64xf32, #tpu.memory_space<hbm>>, %arg6: memref<2x10000x64xf32, #tpu.memory_space<hbm>>, %arg7: memref<4x128xi32, #tpu.memory_space<vmem>>, %arg8: memref<4x128xi32, #tpu.memory_space<vmem>>, %arg9: memref<4x128xi32, #tpu.memory_space<vmem>>, %arg10: memref<4x128xi32, #tpu.memory_space<vmem>>, %arg11: memref<512x64xf32, #tpu.memory_space<vmem>>, %arg12: memref<512x64xf32, #tpu.memory_space<vmem>>, %arg13: memref<104x64xf32, #tpu.memory_space<vmem>>, %arg14: memref<10512x64xf32, #tpu.memory_space<vmem_shared>>, %arg15: memref<!tpu.dma_semaphore, #tpu.memory_space<semaphore_mem>>, %arg16: memref<!tpu.dma_semaphore, #tpu.memory_space<semaphore_mem>>, %arg17: memref<!tpu.dma_semaphore, #tpu.memory_space<semaphore_mem>>) attributes {dimension_semantics = [#tpu.dimension_semantics<core_parallel>, #tpu.dimension_semantics<subcore_parallel>], iteration_bounds = array<i64: 2, 16>, scalar_prefetch = 0 : i64, scratch_operands = 11 : i64, tpu.core_type = #tpu.core_type<sc_vector_subcore>, window_params = [{transform_indices = #map}, {transform_indices = #map1}, {transform_indices = #map}, {transform_indices = #map}, {transform_indices = #map1}]} {
    "tpu.region"() ({
      %run_scoped3A = tpu.sem_alloc : memref<!tpu.dma_semaphore, #tpu.memory_space<semaphore_mem>>
      tpu.enqueue_dma source(%arg5 : memref<104x64xf32, #tpu.memory_space<hbm>>) target(%arg13 : memref<104x64xf32, #tpu.memory_space<vmem>>) target_semaphore(%run_scoped3A : memref<!tpu.dma_semaphore, #tpu.memory_space<semaphore_mem>>)
      tpu.wait_dma2 semaphore(%run_scoped3A : memref<!tpu.dma_semaphore, #tpu.memory_space<semaphore_mem>>) src(%arg5 : memref<104x64xf32, #tpu.memory_space<hbm>>) dst(%arg13 : memref<104x64xf32, #tpu.memory_space<vmem>>)
      tpu.yield
    }) : () -> ()
    %mul3A = arith.constant 624 : i32
    %mul3A_0 = arith.muli %arg1, %mul3A : i32
    %add3A = arith.constant 0 : i32
    %add3A_1 = arith.addi %mul3A_0, %add3A : i32
    "tpu.region"() ({
      %run_scoped3A = tpu.sem_alloc : memref<!tpu.dma_semaphore, #tpu.memory_space<semaphore_mem>>
      %dma_start3A_195 = arith.constant 0 : i32
      %dma_start3A_196 = tpu.memref_slice %arg14[%add3A_1, %dma_start3A_195] : memref<10512x64xf32, #tpu.memory_space<vmem_shared>> -> memref<104x64xf32, #tpu.memory_space<vmem_shared>>
      %dma_start3A_197 = arith.constant 0 : i32
      %dma_start3A_198 = tpu.memref_slice %arg14[%add3A_1, %dma_start3A_197] : memref<10512x64xf32, #tpu.memory_space<vmem_shared>> -> memref<104x64xf32, #tpu.memory_space<vmem_shared>>
      tpu.enqueue_dma source(%arg13 : memref<104x64xf32, #tpu.memory_space<vmem>>) target(%dma_start3A_198 : memref<104x64xf32, #tpu.memory_space<vmem_shared>>) target_semaphore(%run_scoped3A : memref<!tpu.dma_semaphore, #tpu.memory_space<semaphore_mem>>)
      %dma_wait3A_199 = arith.constant 0 : i32
      %dma_wait3A_200 = tpu.memref_slice %arg14[%add3A_1, %dma_wait3A_199] : memref<10512x64xf32, #tpu.memory_space<vmem_shared>> -> memref<104x64xf32, #tpu.memory_space<vmem_shared>>
      %dma_wait3A_201 = arith.constant 0 : i32
      %dma_wait3A_202 = tpu.memref_slice %arg14[%add3A_1, %dma_wait3A_201] : memref<10512x64xf32, #tpu.memory_space<vmem_shared>> -> memref<104x64xf32, #tpu.memory_space<vmem_shared>>
      tpu.wait_dma2 semaphore(%run_scoped3A : memref<!tpu.dma_semaphore, #tpu.memory_space<semaphore_mem>>) src(%arg13 : memref<104x64xf32, #tpu.memory_space<vmem>>) dst(%dma_wait3A_202 : memref<104x64xf32, #tpu.memory_space<vmem_shared>>)
      tpu.yield
    }) : () -> ()
    %mul3A_2 = arith.constant 624 : i32
    %mul3A_3 = arith.muli %arg1, %mul3A_2 : i32
    %add3A_4 = arith.constant 104 : i32
    %add3A_5 = arith.addi %mul3A_3, %add3A_4 : i32
    "tpu.region"() ({
      %run_scoped3A = tpu.sem_alloc : memref<!tpu.dma_semaphore, #tpu.memory_space<semaphore_mem>>
      %dma_start3A_195 = arith.constant 0 : i32
      %dma_start3A_196 = tpu.memref_slice %arg14[%add3A_5, %dma_start3A_195] : memref<10512x64xf32, #tpu.memory_space<vmem_shared>> -> memref<104x64xf32, #tpu.memory_space<vmem_shared>>
      %dma_start3A_197 = arith.constant 0 : i32
      %dma_start3A_198 = tpu.memref_slice %arg14[%add3A_5, %dma_start3A_197] : memref<10512x64xf32, #tpu.memory_space<vmem_shared>> -> memref<104x64xf32, #tpu.memory_space<vmem_shared>>
      tpu.enqueue_dma source(%arg13 : memref<104x64xf32, #tpu.memory_space<vmem>>) target(%dma_start3A_198 : memref<104x64xf32, #tpu.memory_space<vmem_shared>>) target_semaphore(%run_scoped3A : memref<!tpu.dma_semaphore, #tpu.memory_space<semaphore_mem>>)
      %dma_wait3A_199 = arith.constant 0 : i32
      %dma_wait3A_200 = tpu.memref_slice %arg14[%add3A_5, %dma_wait3A_199] : memref<10512x64xf32, #tpu.memory_space<vmem_shared>> -> memref<104x64xf32, #tpu.memory_space<vmem_shared>>
      %dma_wait3A_201 = arith.constant 0 : i32
      %dma_wait3A_202 = tpu.memref_slice %arg14[%add3A_5, %dma_wait3A_201] : memref<10512x64xf32, #tpu.memory_space<vmem_shared>> -> memref<104x64xf32, #tpu.memory_space<vmem_shared>>
      tpu.wait_dma2 semaphore(%run_scoped3A : memref<!tpu.dma_semaphore, #tpu.memory_space<semaphore_mem>>) src(%arg13 : memref<104x64xf32, #tpu.memory_space<vmem>>) dst(%dma_wait3A_202 : memref<104x64xf32, #tpu.memory_space<vmem_shared>>)
      tpu.yield
    }) : () -> ()
    %mul3A_6 = arith.constant 624 : i32
    %mul3A_7 = arith.muli %arg1, %mul3A_6 : i32
    %add3A_8 = arith.constant 208 : i32
    %add3A_9 = arith.addi %mul3A_7, %add3A_8 : i32
    "tpu.region"() ({
      %run_scoped3A = tpu.sem_alloc : memref<!tpu.dma_semaphore, #tpu.memory_space<semaphore_mem>>
      %dma_start3A_195 = arith.constant 0 : i32
      %dma_start3A_196 = tpu.memref_slice %arg14[%add3A_9, %dma_start3A_195] : memref<10512x64xf32, #tpu.memory_space<vmem_shared>> -> memref<104x64xf32, #tpu.memory_space<vmem_shared>>
      %dma_start3A_197 = arith.constant 0 : i32
      %dma_start3A_198 = tpu.memref_slice %arg14[%add3A_9, %dma_start3A_197] : memref<10512x64xf32, #tpu.memory_space<vmem_shared>> -> memref<104x64xf32, #tpu.memory_space<vmem_shared>>
      tpu.enqueue_dma source(%arg13 : memref<104x64xf32, #tpu.memory_space<vmem>>) target(%dma_start3A_198 : memref<104x64xf32, #tpu.memory_space<vmem_shared>>) target_semaphore(%run_scoped3A : memref<!tpu.dma_semaphore, #tpu.memory_space<semaphore_mem>>)
      %dma_wait3A_199 = arith.constant 0 : i32
      %dma_wait3A_200 = tpu.memref_slice %arg14[%add3A_9, %dma_wait3A_199] : memref<10512x64xf32, #tpu.memory_space<vmem_shared>> -> memref<104x64xf32, #tpu.memory_space<vmem_shared>>
      %dma_wait3A_201 = arith.constant 0 : i32
      %dma_wait3A_202 = tpu.memref_slice %arg14[%add3A_9, %dma_wait3A_201] : memref<10512x64xf32, #tpu.memory_space<vmem_shared>> -> memref<104x64xf32, #tpu.memory_space<vmem_shared>>
      tpu.wait_dma2 semaphore(%run_scoped3A : memref<!tpu.dma_semaphore, #tpu.memory_space<semaphore_mem>>) src(%arg13 : memref<104x64xf32, #tpu.memory_space<vmem>>) dst(%dma_wait3A_202 : memref<104x64xf32, #tpu.memory_space<vmem_shared>>)
      tpu.yield
    }) : () -> ()
    %mul3A_10 = arith.constant 624 : i32
    %mul3A_11 = arith.muli %arg1, %mul3A_10 : i32
    %add3A_12 = arith.constant 312 : i32
    %add3A_13 = arith.addi %mul3A_11, %add3A_12 : i32
    "tpu.region"() ({
      %run_scoped3A = tpu.sem_alloc : memref<!tpu.dma_semaphore, #tpu.memory_space<semaphore_mem>>
      %dma_start3A_195 = arith.constant 0 : i32
      %dma_start3A_196 = tpu.memref_slice %arg14[%add3A_13, %dma_start3A_195] : memref<10512x64xf32, #tpu.memory_space<vmem_shared>> -> memref<104x64xf32, #tpu.memory_space<vmem_shared>>
      %dma_start3A_197 = arith.constant 0 : i32
      %dma_start3A_198 = tpu.memref_slice %arg14[%add3A_13, %dma_start3A_197] : memref<10512x64xf32, #tpu.memory_space<vmem_shared>> -> memref<104x64xf32, #tpu.memory_space<vmem_shared>>
      tpu.enqueue_dma source(%arg13 : memref<104x64xf32, #tpu.memory_space<vmem>>) target(%dma_start3A_198 : memref<104x64xf32, #tpu.memory_space<vmem_shared>>) target_semaphore(%run_scoped3A : memref<!tpu.dma_semaphore, #tpu.memory_space<semaphore_mem>>)
      %dma_wait3A_199 = arith.constant 0 : i32
      %dma_wait3A_200 = tpu.memref_slice %arg14[%add3A_13, %dma_wait3A_199] : memref<10512x64xf32, #tpu.memory_space<vmem_shared>> -> memref<104x64xf32, #tpu.memory_space<vmem_shared>>
      %dma_wait3A_201 = arith.constant 0 : i32
      %dma_wait3A_202 = tpu.memref_slice %arg14[%add3A_13, %dma_wait3A_201] : memref<10512x64xf32, #tpu.memory_space<vmem_shared>> -> memref<104x64xf32, #tpu.memory_space<vmem_shared>>
      tpu.wait_dma2 semaphore(%run_scoped3A : memref<!tpu.dma_semaphore, #tpu.memory_space<semaphore_mem>>) src(%arg13 : memref<104x64xf32, #tpu.memory_space<vmem>>) dst(%dma_wait3A_202 : memref<104x64xf32, #tpu.memory_space<vmem_shared>>)
      tpu.yield
    }) : () -> ()
    %mul3A_14 = arith.constant 624 : i32
    %mul3A_15 = arith.muli %arg1, %mul3A_14 : i32
    %add3A_16 = arith.constant 416 : i32
    %add3A_17 = arith.addi %mul3A_15, %add3A_16 : i32
    "tpu.region"() ({
      %run_scoped3A = tpu.sem_alloc : memref<!tpu.dma_semaphore, #tpu.memory_space<semaphore_mem>>
      %dma_start3A_195 = arith.constant 0 : i32
      %dma_start3A_196 = tpu.memref_slice %arg14[%add3A_17, %dma_start3A_195] : memref<10512x64xf32, #tpu.memory_space<vmem_shared>> -> memref<104x64xf32, #tpu.memory_space<vmem_shared>>
      %dma_start3A_197 = arith.constant 0 : i32
      %dma_start3A_198 = tpu.memref_slice %arg14[%add3A_17, %dma_start3A_197] : memref<10512x64xf32, #tpu.memory_space<vmem_shared>> -> memref<104x64xf32, #tpu.memory_space<vmem_shared>>
      tpu.enqueue_dma source(%arg13 : memref<104x64xf32, #tpu.memory_space<vmem>>) target(%dma_start3A_198 : memref<104x64xf32, #tpu.memory_space<vmem_shared>>) target_semaphore(%run_scoped3A : memref<!tpu.dma_semaphore, #tpu.memory_space<semaphore_mem>>)
      %dma_wait3A_199 = arith.constant 0 : i32
      %dma_wait3A_200 = tpu.memref_slice %arg14[%add3A_17, %dma_wait3A_199] : memref<10512x64xf32, #tpu.memory_space<vmem_shared>> -> memref<104x64xf32, #tpu.memory_space<vmem_shared>>
      %dma_wait3A_201 = arith.constant 0 : i32
      %dma_wait3A_202 = tpu.memref_slice %arg14[%add3A_17, %dma_wait3A_201] : memref<10512x64xf32, #tpu.memory_space<vmem_shared>> -> memref<104x64xf32, #tpu.memory_space<vmem_shared>>
      tpu.wait_dma2 semaphore(%run_scoped3A : memref<!tpu.dma_semaphore, #tpu.memory_space<semaphore_mem>>) src(%arg13 : memref<104x64xf32, #tpu.memory_space<vmem>>) dst(%dma_wait3A_202 : memref<104x64xf32, #tpu.memory_space<vmem_shared>>)
      tpu.yield
    }) : () -> ()
    %mul3A_18 = arith.constant 624 : i32
    %mul3A_19 = arith.muli %arg1, %mul3A_18 : i32
    %add3A_20 = arith.constant 520 : i32
    %add3A_21 = arith.addi %mul3A_19, %add3A_20 : i32
    "tpu.region"() ({
      %run_scoped3A = tpu.sem_alloc : memref<!tpu.dma_semaphore, #tpu.memory_space<semaphore_mem>>
      %dma_start3A_195 = arith.constant 0 : i32
      %dma_start3A_196 = tpu.memref_slice %arg14[%add3A_21, %dma_start3A_195] : memref<10512x64xf32, #tpu.memory_space<vmem_shared>> -> memref<104x64xf32, #tpu.memory_space<vmem_shared>>
      %dma_start3A_197 = arith.constant 0 : i32
      %dma_start3A_198 = tpu.memref_slice %arg14[%add3A_21, %dma_start3A_197] : memref<10512x64xf32, #tpu.memory_space<vmem_shared>> -> memref<104x64xf32, #tpu.memory_space<vmem_shared>>
      tpu.enqueue_dma source(%arg13 : memref<104x64xf32, #tpu.memory_space<vmem>>) target(%dma_start3A_198 : memref<104x64xf32, #tpu.memory_space<vmem_shared>>) target_semaphore(%run_scoped3A : memref<!tpu.dma_semaphore, #tpu.memory_space<semaphore_mem>>)
      %dma_wait3A_199 = arith.constant 0 : i32
      %dma_wait3A_200 = tpu.memref_slice %arg14[%add3A_21, %dma_wait3A_199] : memref<10512x64xf32, #tpu.memory_space<vmem_shared>> -> memref<104x64xf32, #tpu.memory_space<vmem_shared>>
      %dma_wait3A_201 = arith.constant 0 : i32
      %dma_wait3A_202 = tpu.memref_slice %arg14[%add3A_21, %dma_wait3A_201] : memref<10512x64xf32, #tpu.memory_space<vmem_shared>> -> memref<104x64xf32, #tpu.memory_space<vmem_shared>>
      tpu.wait_dma2 semaphore(%run_scoped3A : memref<!tpu.dma_semaphore, #tpu.memory_space<semaphore_mem>>) src(%arg13 : memref<104x64xf32, #tpu.memory_space<vmem>>) dst(%dma_wait3A_202 : memref<104x64xf32, #tpu.memory_space<vmem_shared>>)
      tpu.yield
    }) : () -> ()
    %eq3A = arith.constant 15 : i32
    %eq3A_22 = arith.cmpi eq, %arg1, %eq3A : i32
    %convert_element_type3A = arith.extui %eq3A_22 : i1 to i32
    %cond3A = arith.constant 0 : i32
    %cond3A_23 = arith.cmpi ne, %convert_element_type3A, %cond3A : i32
    scf.if %cond3A_23 {
      "tpu.region"() ({
        %run_scoped3A = tpu.sem_alloc : memref<!tpu.dma_semaphore, #tpu.memory_space<semaphore_mem>>
        %dma_start3A_195 = arith.constant 0 : i32
        %dma_start3A_196 = arith.constant 0 : i32
        %dma_start3A_197 = tpu.memref_slice %arg13[%dma_start3A_195, %dma_start3A_196] : memref<104x64xf32, #tpu.memory_space<vmem>> -> memref<16x64xf32, #tpu.memory_space<vmem>>
        %dma_start3A_198 = arith.constant 9984 : i32
        %dma_start3A_199 = arith.constant 0 : i32
        %dma_start3A_200 = tpu.memref_slice %arg14[%dma_start3A_198, %dma_start3A_199] : memref<10512x64xf32, #tpu.memory_space<vmem_shared>> -> memref<16x64xf32, #tpu.memory_space<vmem_shared>>
        %dma_start3A_201 = arith.constant 9984 : i32
        %dma_start3A_202 = arith.constant 0 : i32
        %dma_start3A_203 = tpu.memref_slice %arg14[%dma_start3A_201, %dma_start3A_202] : memref<10512x64xf32, #tpu.memory_space<vmem_shared>> -> memref<16x64xf32, #tpu.memory_space<vmem_shared>>
        %dma_start3A_204 = arith.constant 0 : i32
        %dma_start3A_205 = arith.constant 0 : i32
        %dma_start3A_206 = tpu.memref_slice %arg13[%dma_start3A_204, %dma_start3A_205] : memref<104x64xf32, #tpu.memory_space<vmem>> -> memref<16x64xf32, #tpu.memory_space<vmem>>
        tpu.enqueue_dma source(%dma_start3A_206 : memref<16x64xf32, #tpu.memory_space<vmem>>) target(%dma_start3A_203 : memref<16x64xf32, #tpu.memory_space<vmem_shared>>) target_semaphore(%run_scoped3A : memref<!tpu.dma_semaphore, #tpu.memory_space<semaphore_mem>>)
        %dma_wait3A_207 = arith.constant 0 : i32
        %dma_wait3A_208 = arith.constant 0 : i32
        %dma_wait3A_209 = tpu.memref_slice %arg13[%dma_wait3A_207, %dma_wait3A_208] : memref<104x64xf32, #tpu.memory_space<vmem>> -> memref<16x64xf32, #tpu.memory_space<vmem>>
        %dma_wait3A_210 = arith.constant 9984 : i32
        %dma_wait3A_211 = arith.constant 0 : i32
        %dma_wait3A_212 = tpu.memref_slice %arg14[%dma_wait3A_210, %dma_wait3A_211] : memref<10512x64xf32, #tpu.memory_space<vmem_shared>> -> memref<16x64xf32, #tpu.memory_space<vmem_shared>>
        %dma_wait3A_213 = arith.constant 9984 : i32
        %dma_wait3A_214 = arith.constant 0 : i32
        %dma_wait3A_215 = tpu.memref_slice %arg14[%dma_wait3A_213, %dma_wait3A_214] : memref<10512x64xf32, #tpu.memory_space<vmem_shared>> -> memref<16x64xf32, #tpu.memory_space<vmem_shared>>
        %dma_wait3A_216 = arith.constant 0 : i32
        %dma_wait3A_217 = arith.constant 0 : i32
        %dma_wait3A_218 = tpu.memref_slice %arg13[%dma_wait3A_216, %dma_wait3A_217] : memref<104x64xf32, #tpu.memory_space<vmem>> -> memref<16x64xf32, #tpu.memory_space<vmem>>
        tpu.wait_dma2 semaphore(%run_scoped3A : memref<!tpu.dma_semaphore, #tpu.memory_space<semaphore_mem>>) src(%dma_wait3A_218 : memref<16x64xf32, #tpu.memory_space<vmem>>) dst(%dma_wait3A_215 : memref<16x64xf32, #tpu.memory_space<vmem_shared>>)
        tpu.yield
      }) : () -> ()
    } else {
    }
    %mul3A_24 = arith.constant 160 : i32
    %mul3A_25 = arith.muli %arg1, %mul3A_24 : i32
    %barrier3A = arith.constant 0 : index
    tpu.barrier barrier_id(%barrier3A)
    %add3A_26 = arith.constant 0 : i32
    %add3A_27 = arith.addi %mul3A_25, %add3A_26 : i32
    "tpu.region"() ({
      %run_scoped3A = tpu.sem_alloc : memref<!tpu.dma_semaphore, #tpu.memory_space<semaphore_mem>>
      %dma_start3A_195 = arith.constant 0 : i32
      %dma_start3A_196 = tpu.memref_slice %arg3[%arg0, %add3A_27, %dma_start3A_195] : memref<2x2568x128xi32, #tpu.memory_space<hbm>> -> memref<1x4x128xi32, #tpu.memory_space<hbm>>
      %dma_start3A_197 = tpu.memref_squeeze %dma_start3A_196 : memref<1x4x128xi32, #tpu.memory_space<hbm>> -> memref<4x128xi32, #tpu.memory_space<hbm>>
      %dma_start3A_198 = arith.constant 0 : i32
      %dma_start3A_199 = tpu.memref_slice %arg3[%arg0, %add3A_27, %dma_start3A_198] : memref<2x2568x128xi32, #tpu.memory_space<hbm>> -> memref<1x4x128xi32, #tpu.memory_space<hbm>>
      %dma_start3A_200 = tpu.memref_squeeze %dma_start3A_199 : memref<1x4x128xi32, #tpu.memory_space<hbm>> -> memref<4x128xi32, #tpu.memory_space<hbm>>
      tpu.enqueue_dma source(%dma_start3A_200 : memref<4x128xi32, #tpu.memory_space<hbm>>) target(%arg7 : memref<4x128xi32, #tpu.memory_space<vmem>>) target_semaphore(%run_scoped3A : memref<!tpu.dma_semaphore, #tpu.memory_space<semaphore_mem>>)
      %dma_wait3A_201 = arith.constant 0 : i32
      %dma_wait3A_202 = tpu.memref_slice %arg3[%arg0, %add3A_27, %dma_wait3A_201] : memref<2x2568x128xi32, #tpu.memory_space<hbm>> -> memref<1x4x128xi32, #tpu.memory_space<hbm>>
      %dma_wait3A_203 = tpu.memref_squeeze %dma_wait3A_202 : memref<1x4x128xi32, #tpu.memory_space<hbm>> -> memref<4x128xi32, #tpu.memory_space<hbm>>
      %dma_wait3A_204 = arith.constant 0 : i32
      %dma_wait3A_205 = tpu.memref_slice %arg3[%arg0, %add3A_27, %dma_wait3A_204] : memref<2x2568x128xi32, #tpu.memory_space<hbm>> -> memref<1x4x128xi32, #tpu.memory_space<hbm>>
      %dma_wait3A_206 = tpu.memref_squeeze %dma_wait3A_205 : memref<1x4x128xi32, #tpu.memory_space<hbm>> -> memref<4x128xi32, #tpu.memory_space<hbm>>
      tpu.wait_dma2 semaphore(%run_scoped3A : memref<!tpu.dma_semaphore, #tpu.memory_space<semaphore_mem>>) src(%dma_wait3A_206 : memref<4x128xi32, #tpu.memory_space<hbm>>) dst(%arg7 : memref<4x128xi32, #tpu.memory_space<vmem>>)
      tpu.yield
    }) : () -> ()
    "tpu.region"() ({
      %run_scoped3A = tpu.sem_alloc : memref<!tpu.dma_semaphore, #tpu.memory_space<semaphore_mem>>
      %dma_start3A_195 = arith.constant 0 : i32
      %dma_start3A_196 = tpu.memref_slice %arg4[%add3A_27, %dma_start3A_195] : memref<2568x128xi32, #tpu.memory_space<hbm>> -> memref<4x128xi32, #tpu.memory_space<hbm>>
      %dma_start3A_197 = arith.constant 0 : i32
      %dma_start3A_198 = tpu.memref_slice %arg4[%add3A_27, %dma_start3A_197] : memref<2568x128xi32, #tpu.memory_space<hbm>> -> memref<4x128xi32, #tpu.memory_space<hbm>>
      tpu.enqueue_dma source(%dma_start3A_198 : memref<4x128xi32, #tpu.memory_space<hbm>>) target(%arg8 : memref<4x128xi32, #tpu.memory_space<vmem>>) target_semaphore(%run_scoped3A : memref<!tpu.dma_semaphore, #tpu.memory_space<semaphore_mem>>)
      %dma_wait3A_199 = arith.constant 0 : i32
      %dma_wait3A_200 = tpu.memref_slice %arg4[%add3A_27, %dma_wait3A_199] : memref<2568x128xi32, #tpu.memory_space<hbm>> -> memref<4x128xi32, #tpu.memory_space<hbm>>
      %dma_wait3A_201 = arith.constant 0 : i32
      %dma_wait3A_202 = tpu.memref_slice %arg4[%add3A_27, %dma_wait3A_201] : memref<2568x128xi32, #tpu.memory_space<hbm>> -> memref<4x128xi32, #tpu.memory_space<hbm>>
      tpu.wait_dma2 semaphore(%run_scoped3A : memref<!tpu.dma_semaphore, #tpu.memory_space<semaphore_mem>>) src(%dma_wait3A_202 : memref<4x128xi32, #tpu.memory_space<hbm>>) dst(%arg8 : memref<4x128xi32, #tpu.memory_space<vmem>>)
      tpu.yield
    }) : () -> ()
    %dma_start3A = arith.constant 0 : i32
    %dma_start3A_28 = arith.constant 0 : i32
    %dma_start3A_29 = arith.constant 0 : i32
    %dma_start3A_30 = tpu.memref_slice %arg11[%dma_start3A_28, %dma_start3A_29] : memref<512x64xf32, #tpu.memory_space<vmem>> -> memref<128x64xf32, #tpu.memory_space<vmem>>
    %dma_start3A_31 = arith.constant 0 : i32
    %dma_start3A_32 = tpu.memref_slice %arg7[%dma_start3A, %dma_start3A_31] : memref<4x128xi32, #tpu.memory_space<vmem>> -> memref<1x128xi32, #tpu.memory_space<vmem>>
    %dma_start3A_33 = tpu.memref_squeeze %dma_start3A_32 : memref<1x128xi32, #tpu.memory_space<vmem>> -> memref<128xi32, #tpu.memory_space<vmem>>
    %dma_start3A_34 = arith.constant 0 : i32
    %dma_start3A_35 = arith.constant 0 : i32
    %dma_start3A_36 = tpu.memref_slice %arg2[%dma_start3A_34, %dma_start3A_35] : memref<20000x64xf32, #tpu.memory_space<hbm>> -> memref<20000x64xf32, #tpu.memory_space<hbm>>
    tpu.enqueue_indirect_dma source(%dma_start3A_36 : memref<20000x64xf32, #tpu.memory_space<hbm>>) target(%dma_start3A_30 : memref<128x64xf32, #tpu.memory_space<vmem>>) offsets(%dma_start3A_33 : memref<128xi32, #tpu.memory_space<vmem>>) semaphore(%arg15 : memref<!tpu.dma_semaphore, #tpu.memory_space<semaphore_mem>>)
    %dma_start3A_37 = arith.constant 1 : i32
    %dma_start3A_38 = arith.constant 128 : i32
    %dma_start3A_39 = arith.constant 0 : i32
    %dma_start3A_40 = tpu.memref_slice %arg11[%dma_start3A_38, %dma_start3A_39] : memref<512x64xf32, #tpu.memory_space<vmem>> -> memref<128x64xf32, #tpu.memory_space<vmem>>
    %dma_start3A_41 = arith.constant 0 : i32
    %dma_start3A_42 = tpu.memref_slice %arg7[%dma_start3A_37, %dma_start3A_41] : memref<4x128xi32, #tpu.memory_space<vmem>> -> memref<1x128xi32, #tpu.memory_space<vmem>>
    %dma_start3A_43 = tpu.memref_squeeze %dma_start3A_42 : memref<1x128xi32, #tpu.memory_space<vmem>> -> memref<128xi32, #tpu.memory_space<vmem>>
    %dma_start3A_44 = arith.constant 0 : i32
    %dma_start3A_45 = arith.constant 0 : i32
    %dma_start3A_46 = tpu.memref_slice %arg2[%dma_start3A_44, %dma_start3A_45] : memref<20000x64xf32, #tpu.memory_space<hbm>> -> memref<20000x64xf32, #tpu.memory_space<hbm>>
    tpu.enqueue_indirect_dma source(%dma_start3A_46 : memref<20000x64xf32, #tpu.memory_space<hbm>>) target(%dma_start3A_40 : memref<128x64xf32, #tpu.memory_space<vmem>>) offsets(%dma_start3A_43 : memref<128xi32, #tpu.memory_space<vmem>>) semaphore(%arg15 : memref<!tpu.dma_semaphore, #tpu.memory_space<semaphore_mem>>)
    %dma_start3A_47 = arith.constant 2 : i32
    %dma_start3A_48 = arith.constant 256 : i32
    %dma_start3A_49 = arith.constant 0 : i32
    %dma_start3A_50 = tpu.memref_slice %arg11[%dma_start3A_48, %dma_start3A_49] : memref<512x64xf32, #tpu.memory_space<vmem>> -> memref<128x64xf32, #tpu.memory_space<vmem>>
    %dma_start3A_51 = arith.constant 0 : i32
    %dma_start3A_52 = tpu.memref_slice %arg7[%dma_start3A_47, %dma_start3A_51] : memref<4x128xi32, #tpu.memory_space<vmem>> -> memref<1x128xi32, #tpu.memory_space<vmem>>
    %dma_start3A_53 = tpu.memref_squeeze %dma_start3A_52 : memref<1x128xi32, #tpu.memory_space<vmem>> -> memref<128xi32, #tpu.memory_space<vmem>>
    %dma_start3A_54 = arith.constant 0 : i32
    %dma_start3A_55 = arith.constant 0 : i32
    %dma_start3A_56 = tpu.memref_slice %arg2[%dma_start3A_54, %dma_start3A_55] : memref<20000x64xf32, #tpu.memory_space<hbm>> -> memref<20000x64xf32, #tpu.memory_space<hbm>>
    tpu.enqueue_indirect_dma source(%dma_start3A_56 : memref<20000x64xf32, #tpu.memory_space<hbm>>) target(%dma_start3A_50 : memref<128x64xf32, #tpu.memory_space<vmem>>) offsets(%dma_start3A_53 : memref<128xi32, #tpu.memory_space<vmem>>) semaphore(%arg15 : memref<!tpu.dma_semaphore, #tpu.memory_space<semaphore_mem>>)
    %dma_start3A_57 = arith.constant 3 : i32
    %dma_start3A_58 = arith.constant 384 : i32
    %dma_start3A_59 = arith.constant 0 : i32
    %dma_start3A_60 = tpu.memref_slice %arg11[%dma_start3A_58, %dma_start3A_59] : memref<512x64xf32, #tpu.memory_space<vmem>> -> memref<128x64xf32, #tpu.memory_space<vmem>>
    %dma_start3A_61 = arith.constant 0 : i32
    %dma_start3A_62 = tpu.memref_slice %arg7[%dma_start3A_57, %dma_start3A_61] : memref<4x128xi32, #tpu.memory_space<vmem>> -> memref<1x128xi32, #tpu.memory_space<vmem>>
    %dma_start3A_63 = tpu.memref_squeeze %dma_start3A_62 : memref<1x128xi32, #tpu.memory_space<vmem>> -> memref<128xi32, #tpu.memory_space<vmem>>
    %dma_start3A_64 = arith.constant 0 : i32
    %dma_start3A_65 = arith.constant 0 : i32
    %dma_start3A_66 = tpu.memref_slice %arg2[%dma_start3A_64, %dma_start3A_65] : memref<20000x64xf32, #tpu.memory_space<hbm>> -> memref<20000x64xf32, #tpu.memory_space<hbm>>
    tpu.enqueue_indirect_dma source(%dma_start3A_66 : memref<20000x64xf32, #tpu.memory_space<hbm>>) target(%dma_start3A_60 : memref<128x64xf32, #tpu.memory_space<vmem>>) offsets(%dma_start3A_63 : memref<128xi32, #tpu.memory_space<vmem>>) semaphore(%arg15 : memref<!tpu.dma_semaphore, #tpu.memory_space<semaphore_mem>>)
    %add3A_67 = arith.constant 4 : i32
    %add3A_68 = arith.addi %mul3A_25, %add3A_67 : i32
    %dma_start3A_69 = arith.constant 0 : i32
    %dma_start3A_70 = tpu.memref_slice %arg3[%arg0, %add3A_68, %dma_start3A_69] : memref<2x2568x128xi32, #tpu.memory_space<hbm>> -> memref<1x4x128xi32, #tpu.memory_space<hbm>>
    %dma_start3A_71 = tpu.memref_squeeze %dma_start3A_70 : memref<1x4x128xi32, #tpu.memory_space<hbm>> -> memref<4x128xi32, #tpu.memory_space<hbm>>
    %dma_start3A_72 = arith.constant 0 : i32
    %dma_start3A_73 = tpu.memref_slice %arg3[%arg0, %add3A_68, %dma_start3A_72] : memref<2x2568x128xi32, #tpu.memory_space<hbm>> -> memref<1x4x128xi32, #tpu.memory_space<hbm>>
    %dma_start3A_74 = tpu.memref_squeeze %dma_start3A_73 : memref<1x4x128xi32, #tpu.memory_space<hbm>> -> memref<4x128xi32, #tpu.memory_space<hbm>>
    tpu.enqueue_dma source(%dma_start3A_74 : memref<4x128xi32, #tpu.memory_space<hbm>>) target(%arg9 : memref<4x128xi32, #tpu.memory_space<vmem>>) target_semaphore(%arg17 : memref<!tpu.dma_semaphore, #tpu.memory_space<semaphore_mem>>)
    %dma_start3A_75 = arith.constant 0 : i32
    %dma_start3A_76 = tpu.memref_slice %arg4[%add3A_68, %dma_start3A_75] : memref<2568x128xi32, #tpu.memory_space<hbm>> -> memref<4x128xi32, #tpu.memory_space<hbm>>
    %dma_start3A_77 = arith.constant 0 : i32
    %dma_start3A_78 = tpu.memref_slice %arg4[%add3A_68, %dma_start3A_77] : memref<2568x128xi32, #tpu.memory_space<hbm>> -> memref<4x128xi32, #tpu.memory_space<hbm>>
    tpu.enqueue_dma source(%dma_start3A_78 : memref<4x128xi32, #tpu.memory_space<hbm>>) target(%arg10 : memref<4x128xi32, #tpu.memory_space<vmem>>) target_semaphore(%arg17 : memref<!tpu.dma_semaphore, #tpu.memory_space<semaphore_mem>>)
    %ge3A = arith.constant 0 : i32
    %ge3A_79 = arith.cmpi sge, %arg1, %ge3A : i32
    %jit3A = arith.constant 20 : i32
    %jit3A_80 = arith.constant 0 : i32
    %select_n3A = arith.select %ge3A_79, %jit3A, %jit3A_80 : i32
    %while3A = arith.constant 0 : i32
    %while3A_81 = arith.constant 0 : i32
    %while3A_82 = arith.subi %select_n3A, %while3A_81 : i32
    %while3A_83 = arith.addi %while3A_81, %while3A_82 : i32
    %while3A_84 = arith.constant 1 : i32
    %while3A_85 = arith.divsi %while3A_82, %while3A_84 : i32
    %while3A_86 = arith.muli %while3A_85, %while3A_84 : i32
    %while3A_87 = arith.addi %while3A_81, %while3A_86 : i32
    %while3A_88 = arith.constant 1 : i32
    scf.for %while3A_195 = %while3A_81 to %while3A_87 step %while3A_88  : i32 {
      %mul3A_196 = arith.constant 2 : i32
      %mul3A_197 = arith.muli %mul3A_196, %while3A_195 : i32
      %add3A_198 = arith.constant 1 : i32
      %add3A_199 = arith.addi %mul3A_197, %add3A_198 : i32
      %mul3A_200 = arith.constant 4 : i32
      %mul3A_201 = arith.muli %add3A_199, %mul3A_200 : i32
      %add3A_202 = arith.addi %mul3A_25, %mul3A_201 : i32
      %dma_wait3A_203 = arith.constant 0 : i32
      %dma_wait3A_204 = tpu.memref_slice %arg3[%arg0, %add3A_202, %dma_wait3A_203] : memref<2x2568x128xi32, #tpu.memory_space<hbm>> -> memref<1x4x128xi32, #tpu.memory_space<hbm>>
      %dma_wait3A_205 = tpu.memref_squeeze %dma_wait3A_204 : memref<1x4x128xi32, #tpu.memory_space<hbm>> -> memref<4x128xi32, #tpu.memory_space<hbm>>
      %dma_wait3A_206 = arith.constant 0 : i32
      %dma_wait3A_207 = tpu.memref_slice %arg3[%arg0, %add3A_202, %dma_wait3A_206] : memref<2x2568x128xi32, #tpu.memory_space<hbm>> -> memref<1x4x128xi32, #tpu.memory_space<hbm>>
      %dma_wait3A_208 = tpu.memref_squeeze %dma_wait3A_207 : memref<1x4x128xi32, #tpu.memory_space<hbm>> -> memref<4x128xi32, #tpu.memory_space<hbm>>
      tpu.wait_dma2 semaphore(%arg17 : memref<!tpu.dma_semaphore, #tpu.memory_space<semaphore_mem>>) src(%dma_wait3A_208 : memref<4x128xi32, #tpu.memory_space<hbm>>) dst(%arg9 : memref<4x128xi32, #tpu.memory_space<vmem>>)
      %dma_wait3A_209 = arith.constant 0 : i32
      %dma_wait3A_210 = tpu.memref_slice %arg4[%add3A_202, %dma_wait3A_209] : memref<2568x128xi32, #tpu.memory_space<hbm>> -> memref<4x128xi32, #tpu.memory_space<hbm>>
      %dma_wait3A_211 = arith.constant 0 : i32
      %dma_wait3A_212 = tpu.memref_slice %arg4[%add3A_202, %dma_wait3A_211] : memref<2568x128xi32, #tpu.memory_space<hbm>> -> memref<4x128xi32, #tpu.memory_space<hbm>>
      tpu.wait_dma2 semaphore(%arg17 : memref<!tpu.dma_semaphore, #tpu.memory_space<semaphore_mem>>) src(%dma_wait3A_212 : memref<4x128xi32, #tpu.memory_space<hbm>>) dst(%arg10 : memref<4x128xi32, #tpu.memory_space<vmem>>)
      %dma_wait3A_213 = arith.constant 0 : i32
      %dma_wait3A_214 = arith.constant 0 : i32
      %dma_wait3A_215 = arith.constant 0 : i32
      %dma_wait3A_216 = tpu.memref_slice %arg11[%dma_wait3A_214, %dma_wait3A_215] : memref<512x64xf32, #tpu.memory_space<vmem>> -> memref<128x64xf32, #tpu.memory_space<vmem>>
      %dma_wait3A_217 = arith.constant 0 : i32
      %dma_wait3A_218 = tpu.memref_slice %arg7[%dma_wait3A_213, %dma_wait3A_217] : memref<4x128xi32, #tpu.memory_space<vmem>> -> memref<1x128xi32, #tpu.memory_space<vmem>>
      %dma_wait3A_219 = tpu.memref_squeeze %dma_wait3A_218 : memref<1x128xi32, #tpu.memory_space<vmem>> -> memref<128xi32, #tpu.memory_space<vmem>>
      %dma_wait3A_220 = arith.constant 0 : i32
      %dma_wait3A_221 = arith.constant 0 : i32
      %dma_wait3A_222 = tpu.memref_slice %arg2[%dma_wait3A_220, %dma_wait3A_221] : memref<20000x64xf32, #tpu.memory_space<hbm>> -> memref<20000x64xf32, #tpu.memory_space<hbm>>
      tpu.wait_indirect_dma semaphore(%arg15 : memref<!tpu.dma_semaphore, #tpu.memory_space<semaphore_mem>>) src(%dma_wait3A_222 : memref<20000x64xf32, #tpu.memory_space<hbm>>) dst(%dma_wait3A_216 : memref<128x64xf32, #tpu.memory_space<vmem>>)
      %dma_wait3A_223 = arith.constant 1 : i32
      %dma_wait3A_224 = arith.constant 128 : i32
      %dma_wait3A_225 = arith.constant 0 : i32
      %dma_wait3A_226 = tpu.memref_slice %arg11[%dma_wait3A_224, %dma_wait3A_225] : memref<512x64xf32, #tpu.memory_space<vmem>> -> memref<128x64xf32, #tpu.memory_space<vmem>>
      %dma_wait3A_227 = arith.constant 0 : i32
      %dma_wait3A_228 = tpu.memref_slice %arg7[%dma_wait3A_223, %dma_wait3A_227] : memref<4x128xi32, #tpu.memory_space<vmem>> -> memref<1x128xi32, #tpu.memory_space<vmem>>
      %dma_wait3A_229 = tpu.memref_squeeze %dma_wait3A_228 : memref<1x128xi32, #tpu.memory_space<vmem>> -> memref<128xi32, #tpu.memory_space<vmem>>
      %dma_wait3A_230 = arith.constant 0 : i32
      %dma_wait3A_231 = arith.constant 0 : i32
      %dma_wait3A_232 = tpu.memref_slice %arg2[%dma_wait3A_230, %dma_wait3A_231] : memref<20000x64xf32, #tpu.memory_space<hbm>> -> memref<20000x64xf32, #tpu.memory_space<hbm>>
      tpu.wait_indirect_dma semaphore(%arg15 : memref<!tpu.dma_semaphore, #tpu.memory_space<semaphore_mem>>) src(%dma_wait3A_232 : memref<20000x64xf32, #tpu.memory_space<hbm>>) dst(%dma_wait3A_226 : memref<128x64xf32, #tpu.memory_space<vmem>>)
      %dma_wait3A_233 = arith.constant 2 : i32
      %dma_wait3A_234 = arith.constant 256 : i32
      %dma_wait3A_235 = arith.constant 0 : i32
      %dma_wait3A_236 = tpu.memref_slice %arg11[%dma_wait3A_234, %dma_wait3A_235] : memref<512x64xf32, #tpu.memory_space<vmem>> -> memref<128x64xf32, #tpu.memory_space<vmem>>
      %dma_wait3A_237 = arith.constant 0 : i32
      %dma_wait3A_238 = tpu.memref_slice %arg7[%dma_wait3A_233, %dma_wait3A_237] : memref<4x128xi32, #tpu.memory_space<vmem>> -> memref<1x128xi32, #tpu.memory_space<vmem>>
      %dma_wait3A_239 = tpu.memref_squeeze %dma_wait3A_238 : memref<1x128xi32, #tpu.memory_space<vmem>> -> memref<128xi32, #tpu.memory_space<vmem>>
      %dma_wait3A_240 = arith.constant 0 : i32
      %dma_wait3A_241 = arith.constant 0 : i32
      %dma_wait3A_242 = tpu.memref_slice %arg2[%dma_wait3A_240, %dma_wait3A_241] : memref<20000x64xf32, #tpu.memory_space<hbm>> -> memref<20000x64xf32, #tpu.memory_space<hbm>>
      tpu.wait_indirect_dma semaphore(%arg15 : memref<!tpu.dma_semaphore, #tpu.memory_space<semaphore_mem>>) src(%dma_wait3A_242 : memref<20000x64xf32, #tpu.memory_space<hbm>>) dst(%dma_wait3A_236 : memref<128x64xf32, #tpu.memory_space<vmem>>)
      %dma_wait3A_243 = arith.constant 3 : i32
      %dma_wait3A_244 = arith.constant 384 : i32
      %dma_wait3A_245 = arith.constant 0 : i32
      %dma_wait3A_246 = tpu.memref_slice %arg11[%dma_wait3A_244, %dma_wait3A_245] : memref<512x64xf32, #tpu.memory_space<vmem>> -> memref<128x64xf32, #tpu.memory_space<vmem>>
      %dma_wait3A_247 = arith.constant 0 : i32
      %dma_wait3A_248 = tpu.memref_slice %arg7[%dma_wait3A_243, %dma_wait3A_247] : memref<4x128xi32, #tpu.memory_space<vmem>> -> memref<1x128xi32, #tpu.memory_space<vmem>>
      %dma_wait3A_249 = tpu.memref_squeeze %dma_wait3A_248 : memref<1x128xi32, #tpu.memory_space<vmem>> -> memref<128xi32, #tpu.memory_space<vmem>>
      %dma_wait3A_250 = arith.constant 0 : i32
      %dma_wait3A_251 = arith.constant 0 : i32
      %dma_wait3A_252 = tpu.memref_slice %arg2[%dma_wait3A_250, %dma_wait3A_251] : memref<20000x64xf32, #tpu.memory_space<hbm>> -> memref<20000x64xf32, #tpu.memory_space<hbm>>
      tpu.wait_indirect_dma semaphore(%arg15 : memref<!tpu.dma_semaphore, #tpu.memory_space<semaphore_mem>>) src(%dma_wait3A_252 : memref<20000x64xf32, #tpu.memory_space<hbm>>) dst(%dma_wait3A_246 : memref<128x64xf32, #tpu.memory_space<vmem>>)
      %dma_start3A_253 = arith.constant 0 : i32
      %dma_start3A_254 = arith.constant 0 : i32
      %dma_start3A_255 = arith.constant 0 : i32
      %dma_start3A_256 = tpu.memref_slice %arg12[%dma_start3A_254, %dma_start3A_255] : memref<512x64xf32, #tpu.memory_space<vmem>> -> memref<128x64xf32, #tpu.memory_space<vmem>>
      %dma_start3A_257 = arith.constant 0 : i32
      %dma_start3A_258 = tpu.memref_slice %arg9[%dma_start3A_253, %dma_start3A_257] : memref<4x128xi32, #tpu.memory_space<vmem>> -> memref<1x128xi32, #tpu.memory_space<vmem>>
      %dma_start3A_259 = tpu.memref_squeeze %dma_start3A_258 : memref<1x128xi32, #tpu.memory_space<vmem>> -> memref<128xi32, #tpu.memory_space<vmem>>
      %dma_start3A_260 = arith.constant 0 : i32
      %dma_start3A_261 = arith.constant 0 : i32
      %dma_start3A_262 = tpu.memref_slice %arg2[%dma_start3A_260, %dma_start3A_261] : memref<20000x64xf32, #tpu.memory_space<hbm>> -> memref<20000x64xf32, #tpu.memory_space<hbm>>
      tpu.enqueue_indirect_dma source(%dma_start3A_262 : memref<20000x64xf32, #tpu.memory_space<hbm>>) target(%dma_start3A_256 : memref<128x64xf32, #tpu.memory_space<vmem>>) offsets(%dma_start3A_259 : memref<128xi32, #tpu.memory_space<vmem>>) semaphore(%arg16 : memref<!tpu.dma_semaphore, #tpu.memory_space<semaphore_mem>>)
      %dma_start3A_263 = arith.constant 1 : i32
      %dma_start3A_264 = arith.constant 128 : i32
      %dma_start3A_265 = arith.constant 0 : i32
      %dma_start3A_266 = tpu.memref_slice %arg12[%dma_start3A_264, %dma_start3A_265] : memref<512x64xf32, #tpu.memory_space<vmem>> -> memref<128x64xf32, #tpu.memory_space<vmem>>
      %dma_start3A_267 = arith.constant 0 : i32
      %dma_start3A_268 = tpu.memref_slice %arg9[%dma_start3A_263, %dma_start3A_267] : memref<4x128xi32, #tpu.memory_space<vmem>> -> memref<1x128xi32, #tpu.memory_space<vmem>>
      %dma_start3A_269 = tpu.memref_squeeze %dma_start3A_268 : memref<1x128xi32, #tpu.memory_space<vmem>> -> memref<128xi32, #tpu.memory_space<vmem>>
      %dma_start3A_270 = arith.constant 0 : i32
      %dma_start3A_271 = arith.constant 0 : i32
      %dma_start3A_272 = tpu.memref_slice %arg2[%dma_start3A_270, %dma_start3A_271] : memref<20000x64xf32, #tpu.memory_space<hbm>> -> memref<20000x64xf32, #tpu.memory_space<hbm>>
      tpu.enqueue_indirect_dma source(%dma_start3A_272 : memref<20000x64xf32, #tpu.memory_space<hbm>>) target(%dma_start3A_266 : memref<128x64xf32, #tpu.memory_space<vmem>>) offsets(%dma_start3A_269 : memref<128xi32, #tpu.memory_space<vmem>>) semaphore(%arg16 : memref<!tpu.dma_semaphore, #tpu.memory_space<semaphore_mem>>)
      %dma_start3A_273 = arith.constant 2 : i32
      %dma_start3A_274 = arith.constant 256 : i32
      %dma_start3A_275 = arith.constant 0 : i32
      %dma_start3A_276 = tpu.memref_slice %arg12[%dma_start3A_274, %dma_start3A_275] : memref<512x64xf32, #tpu.memory_space<vmem>> -> memref<128x64xf32, #tpu.memory_space<vmem>>
      %dma_start3A_277 = arith.constant 0 : i32
      %dma_start3A_278 = tpu.memref_slice %arg9[%dma_start3A_273, %dma_start3A_277] : memref<4x128xi32, #tpu.memory_space<vmem>> -> memref<1x128xi32, #tpu.memory_space<vmem>>
      %dma_start3A_279 = tpu.memref_squeeze %dma_start3A_278 : memref<1x128xi32, #tpu.memory_space<vmem>> -> memref<128xi32, #tpu.memory_space<vmem>>
      %dma_start3A_280 = arith.constant 0 : i32
      %dma_start3A_281 = arith.constant 0 : i32
      %dma_start3A_282 = tpu.memref_slice %arg2[%dma_start3A_280, %dma_start3A_281] : memref<20000x64xf32, #tpu.memory_space<hbm>> -> memref<20000x64xf32, #tpu.memory_space<hbm>>
      tpu.enqueue_indirect_dma source(%dma_start3A_282 : memref<20000x64xf32, #tpu.memory_space<hbm>>) target(%dma_start3A_276 : memref<128x64xf32, #tpu.memory_space<vmem>>) offsets(%dma_start3A_279 : memref<128xi32, #tpu.memory_space<vmem>>) semaphore(%arg16 : memref<!tpu.dma_semaphore, #tpu.memory_space<semaphore_mem>>)
      %dma_start3A_283 = arith.constant 3 : i32
      %dma_start3A_284 = arith.constant 384 : i32
      %dma_start3A_285 = arith.constant 0 : i32
      %dma_start3A_286 = tpu.memref_slice %arg12[%dma_start3A_284, %dma_start3A_285] : memref<512x64xf32, #tpu.memory_space<vmem>> -> memref<128x64xf32, #tpu.memory_space<vmem>>
      %dma_start3A_287 = arith.constant 0 : i32
      %dma_start3A_288 = tpu.memref_slice %arg9[%dma_start3A_283, %dma_start3A_287] : memref<4x128xi32, #tpu.memory_space<vmem>> -> memref<1x128xi32, #tpu.memory_space<vmem>>
      %dma_start3A_289 = tpu.memref_squeeze %dma_start3A_288 : memref<1x128xi32, #tpu.memory_space<vmem>> -> memref<128xi32, #tpu.memory_space<vmem>>
      %dma_start3A_290 = arith.constant 0 : i32
      %dma_start3A_291 = arith.constant 0 : i32
      %dma_start3A_292 = tpu.memref_slice %arg2[%dma_start3A_290, %dma_start3A_291] : memref<20000x64xf32, #tpu.memory_space<hbm>> -> memref<20000x64xf32, #tpu.memory_space<hbm>>
      tpu.enqueue_indirect_dma source(%dma_start3A_292 : memref<20000x64xf32, #tpu.memory_space<hbm>>) target(%dma_start3A_286 : memref<128x64xf32, #tpu.memory_space<vmem>>) offsets(%dma_start3A_289 : memref<128xi32, #tpu.memory_space<vmem>>) semaphore(%arg16 : memref<!tpu.dma_semaphore, #tpu.memory_space<semaphore_mem>>)
      %run_scoped3A = arith.constant 0 : i32
      "tpu.region"() ({
        %run_scoped3A_400 = tpu.sem_alloc : memref<!tpu.dma_semaphore, #tpu.memory_space<semaphore_mem>>
        %dma_start3A_401 = arith.constant 0 : i32
        %dma_start3A_402 = arith.constant 0 : i32
        %dma_start3A_403 = tpu.memref_slice %arg11[%dma_start3A_401, %dma_start3A_402] : memref<512x64xf32, #tpu.memory_space<vmem>> -> memref<128x64xf32, #tpu.memory_space<vmem>>
        %dma_start3A_404 = arith.constant 0 : i32
        %dma_start3A_405 = tpu.memref_slice %arg8[%run_scoped3A, %dma_start3A_404] : memref<4x128xi32, #tpu.memory_space<vmem>> -> memref<1x128xi32, #tpu.memory_space<vmem>>
        %dma_start3A_406 = tpu.memref_squeeze %dma_start3A_405 : memref<1x128xi32, #tpu.memory_space<vmem>> -> memref<128xi32, #tpu.memory_space<vmem>>
        %dma_start3A_407 = arith.constant 0 : i32
        %dma_start3A_408 = arith.constant 0 : i32
        %dma_start3A_409 = tpu.memref_slice %arg14[%dma_start3A_407, %dma_start3A_408] : memref<10512x64xf32, #tpu.memory_space<vmem_shared>> -> memref<10512x64xf32, #tpu.memory_space<vmem_shared>>
        tpu.enqueue_indirect_dma source(%dma_start3A_403 : memref<128x64xf32, #tpu.memory_space<vmem>>) target(%dma_start3A_409 : memref<10512x64xf32, #tpu.memory_space<vmem_shared>>) offsets(%dma_start3A_406 : memref<128xi32, #tpu.memory_space<vmem>>) semaphore(%run_scoped3A_400 : memref<!tpu.dma_semaphore, #tpu.memory_space<semaphore_mem>>) {add = true}
        %dma_wait3A_410 = arith.constant 0 : i32
        %dma_wait3A_411 = arith.constant 0 : i32
        %dma_wait3A_412 = tpu.memref_slice %arg11[%dma_wait3A_410, %dma_wait3A_411] : memref<512x64xf32, #tpu.memory_space<vmem>> -> memref<128x64xf32, #tpu.memory_space<vmem>>
        %dma_wait3A_413 = arith.constant 0 : i32
        %dma_wait3A_414 = tpu.memref_slice %arg8[%run_scoped3A, %dma_wait3A_413] : memref<4x128xi32, #tpu.memory_space<vmem>> -> memref<1x128xi32, #tpu.memory_space<vmem>>
        %dma_wait3A_415 = tpu.memref_squeeze %dma_wait3A_414 : memref<1x128xi32, #tpu.memory_space<vmem>> -> memref<128xi32, #tpu.memory_space<vmem>>
        %dma_wait3A_416 = arith.constant 0 : i32
        %dma_wait3A_417 = arith.constant 0 : i32
        %dma_wait3A_418 = tpu.memref_slice %arg14[%dma_wait3A_416, %dma_wait3A_417] : memref<10512x64xf32, #tpu.memory_space<vmem_shared>> -> memref<10512x64xf32, #tpu.memory_space<vmem_shared>>
        tpu.wait_indirect_dma semaphore(%run_scoped3A_400 : memref<!tpu.dma_semaphore, #tpu.memory_space<semaphore_mem>>) src(%dma_wait3A_412 : memref<128x64xf32, #tpu.memory_space<vmem>>) dst(%dma_wait3A_418 : memref<10512x64xf32, #tpu.memory_space<vmem_shared>>)
        tpu.yield
      }) : () -> ()
      %run_scoped3A_293 = arith.constant 1 : i32
      "tpu.region"() ({
        %run_scoped3A_400 = tpu.sem_alloc : memref<!tpu.dma_semaphore, #tpu.memory_space<semaphore_mem>>
        %dma_start3A_401 = arith.constant 128 : i32
        %dma_start3A_402 = arith.constant 0 : i32
        %dma_start3A_403 = tpu.memref_slice %arg11[%dma_start3A_401, %dma_start3A_402] : memref<512x64xf32, #tpu.memory_space<vmem>> -> memref<128x64xf32, #tpu.memory_space<vmem>>
        %dma_start3A_404 = arith.constant 0 : i32
        %dma_start3A_405 = tpu.memref_slice %arg8[%run_scoped3A_293, %dma_start3A_404] : memref<4x128xi32, #tpu.memory_space<vmem>> -> memref<1x128xi32, #tpu.memory_space<vmem>>
        %dma_start3A_406 = tpu.memref_squeeze %dma_start3A_405 : memref<1x128xi32, #tpu.memory_space<vmem>> -> memref<128xi32, #tpu.memory_space<vmem>>
        %dma_start3A_407 = arith.constant 0 : i32
        %dma_start3A_408 = arith.constant 0 : i32
        %dma_start3A_409 = tpu.memref_slice %arg14[%dma_start3A_407, %dma_start3A_408] : memref<10512x64xf32, #tpu.memory_space<vmem_shared>> -> memref<10512x64xf32, #tpu.memory_space<vmem_shared>>
        tpu.enqueue_indirect_dma source(%dma_start3A_403 : memref<128x64xf32, #tpu.memory_space<vmem>>) target(%dma_start3A_409 : memref<10512x64xf32, #tpu.memory_space<vmem_shared>>) offsets(%dma_start3A_406 : memref<128xi32, #tpu.memory_space<vmem>>) semaphore(%run_scoped3A_400 : memref<!tpu.dma_semaphore, #tpu.memory_space<semaphore_mem>>) {add = true}
        %dma_wait3A_410 = arith.constant 128 : i32
        %dma_wait3A_411 = arith.constant 0 : i32
        %dma_wait3A_412 = tpu.memref_slice %arg11[%dma_wait3A_410, %dma_wait3A_411] : memref<512x64xf32, #tpu.memory_space<vmem>> -> memref<128x64xf32, #tpu.memory_space<vmem>>
        %dma_wait3A_413 = arith.constant 0 : i32
        %dma_wait3A_414 = tpu.memref_slice %arg8[%run_scoped3A_293, %dma_wait3A_413] : memref<4x128xi32, #tpu.memory_space<vmem>> -> memref<1x128xi32, #tpu.memory_space<vmem>>
        %dma_wait3A_415 = tpu.memref_squeeze %dma_wait3A_414 : memref<1x128xi32, #tpu.memory_space<vmem>> -> memref<128xi32, #tpu.memory_space<vmem>>
        %dma_wait3A_416 = arith.constant 0 : i32
        %dma_wait3A_417 = arith.constant 0 : i32
        %dma_wait3A_418 = tpu.memref_slice %arg14[%dma_wait3A_416, %dma_wait3A_417] : memref<10512x64xf32, #tpu.memory_space<vmem_shared>> -> memref<10512x64xf32, #tpu.memory_space<vmem_shared>>
        tpu.wait_indirect_dma semaphore(%run_scoped3A_400 : memref<!tpu.dma_semaphore, #tpu.memory_space<semaphore_mem>>) src(%dma_wait3A_412 : memref<128x64xf32, #tpu.memory_space<vmem>>) dst(%dma_wait3A_418 : memref<10512x64xf32, #tpu.memory_space<vmem_shared>>)
        tpu.yield
      }) : () -> ()
      %run_scoped3A_294 = arith.constant 2 : i32
      "tpu.region"() ({
        %run_scoped3A_400 = tpu.sem_alloc : memref<!tpu.dma_semaphore, #tpu.memory_space<semaphore_mem>>
        %dma_start3A_401 = arith.constant 256 : i32
        %dma_start3A_402 = arith.constant 0 : i32
        %dma_start3A_403 = tpu.memref_slice %arg11[%dma_start3A_401, %dma_start3A_402] : memref<512x64xf32, #tpu.memory_space<vmem>> -> memref<128x64xf32, #tpu.memory_space<vmem>>
        %dma_start3A_404 = arith.constant 0 : i32
        %dma_start3A_405 = tpu.memref_slice %arg8[%run_scoped3A_294, %dma_start3A_404] : memref<4x128xi32, #tpu.memory_space<vmem>> -> memref<1x128xi32, #tpu.memory_space<vmem>>
        %dma_start3A_406 = tpu.memref_squeeze %dma_start3A_405 : memref<1x128xi32, #tpu.memory_space<vmem>> -> memref<128xi32, #tpu.memory_space<vmem>>
        %dma_start3A_407 = arith.constant 0 : i32
        %dma_start3A_408 = arith.constant 0 : i32
        %dma_start3A_409 = tpu.memref_slice %arg14[%dma_start3A_407, %dma_start3A_408] : memref<10512x64xf32, #tpu.memory_space<vmem_shared>> -> memref<10512x64xf32, #tpu.memory_space<vmem_shared>>
        tpu.enqueue_indirect_dma source(%dma_start3A_403 : memref<128x64xf32, #tpu.memory_space<vmem>>) target(%dma_start3A_409 : memref<10512x64xf32, #tpu.memory_space<vmem_shared>>) offsets(%dma_start3A_406 : memref<128xi32, #tpu.memory_space<vmem>>) semaphore(%run_scoped3A_400 : memref<!tpu.dma_semaphore, #tpu.memory_space<semaphore_mem>>) {add = true}
        %dma_wait3A_410 = arith.constant 256 : i32
        %dma_wait3A_411 = arith.constant 0 : i32
        %dma_wait3A_412 = tpu.memref_slice %arg11[%dma_wait3A_410, %dma_wait3A_411] : memref<512x64xf32, #tpu.memory_space<vmem>> -> memref<128x64xf32, #tpu.memory_space<vmem>>
        %dma_wait3A_413 = arith.constant 0 : i32
        %dma_wait3A_414 = tpu.memref_slice %arg8[%run_scoped3A_294, %dma_wait3A_413] : memref<4x128xi32, #tpu.memory_space<vmem>> -> memref<1x128xi32, #tpu.memory_space<vmem>>
        %dma_wait3A_415 = tpu.memref_squeeze %dma_wait3A_414 : memref<1x128xi32, #tpu.memory_space<vmem>> -> memref<128xi32, #tpu.memory_space<vmem>>
        %dma_wait3A_416 = arith.constant 0 : i32
        %dma_wait3A_417 = arith.constant 0 : i32
        %dma_wait3A_418 = tpu.memref_slice %arg14[%dma_wait3A_416, %dma_wait3A_417] : memref<10512x64xf32, #tpu.memory_space<vmem_shared>> -> memref<10512x64xf32, #tpu.memory_space<vmem_shared>>
        tpu.wait_indirect_dma semaphore(%run_scoped3A_400 : memref<!tpu.dma_semaphore, #tpu.memory_space<semaphore_mem>>) src(%dma_wait3A_412 : memref<128x64xf32, #tpu.memory_space<vmem>>) dst(%dma_wait3A_418 : memref<10512x64xf32, #tpu.memory_space<vmem_shared>>)
        tpu.yield
      }) : () -> ()
      %run_scoped3A_295 = arith.constant 3 : i32
      "tpu.region"() ({
        %run_scoped3A_400 = tpu.sem_alloc : memref<!tpu.dma_semaphore, #tpu.memory_space<semaphore_mem>>
        %dma_start3A_401 = arith.constant 384 : i32
        %dma_start3A_402 = arith.constant 0 : i32
        %dma_start3A_403 = tpu.memref_slice %arg11[%dma_start3A_401, %dma_start3A_402] : memref<512x64xf32, #tpu.memory_space<vmem>> -> memref<128x64xf32, #tpu.memory_space<vmem>>
        %dma_start3A_404 = arith.constant 0 : i32
        %dma_start3A_405 = tpu.memref_slice %arg8[%run_scoped3A_295, %dma_start3A_404] : memref<4x128xi32, #tpu.memory_space<vmem>> -> memref<1x128xi32, #tpu.memory_space<vmem>>
        %dma_start3A_406 = tpu.memref_squeeze %dma_start3A_405 : memref<1x128xi32, #tpu.memory_space<vmem>> -> memref<128xi32, #tpu.memory_space<vmem>>
        %dma_start3A_407 = arith.constant 0 : i32
        %dma_start3A_408 = arith.constant 0 : i32
        %dma_start3A_409 = tpu.memref_slice %arg14[%dma_start3A_407, %dma_start3A_408] : memref<10512x64xf32, #tpu.memory_space<vmem_shared>> -> memref<10512x64xf32, #tpu.memory_space<vmem_shared>>
        tpu.enqueue_indirect_dma source(%dma_start3A_403 : memref<128x64xf32, #tpu.memory_space<vmem>>) target(%dma_start3A_409 : memref<10512x64xf32, #tpu.memory_space<vmem_shared>>) offsets(%dma_start3A_406 : memref<128xi32, #tpu.memory_space<vmem>>) semaphore(%run_scoped3A_400 : memref<!tpu.dma_semaphore, #tpu.memory_space<semaphore_mem>>) {add = true}
        %dma_wait3A_410 = arith.constant 384 : i32
        %dma_wait3A_411 = arith.constant 0 : i32
        %dma_wait3A_412 = tpu.memref_slice %arg11[%dma_wait3A_410, %dma_wait3A_411] : memref<512x64xf32, #tpu.memory_space<vmem>> -> memref<128x64xf32, #tpu.memory_space<vmem>>
        %dma_wait3A_413 = arith.constant 0 : i32
        %dma_wait3A_414 = tpu.memref_slice %arg8[%run_scoped3A_295, %dma_wait3A_413] : memref<4x128xi32, #tpu.memory_space<vmem>> -> memref<1x128xi32, #tpu.memory_space<vmem>>
        %dma_wait3A_415 = tpu.memref_squeeze %dma_wait3A_414 : memref<1x128xi32, #tpu.memory_space<vmem>> -> memref<128xi32, #tpu.memory_space<vmem>>
        %dma_wait3A_416 = arith.constant 0 : i32
        %dma_wait3A_417 = arith.constant 0 : i32
        %dma_wait3A_418 = tpu.memref_slice %arg14[%dma_wait3A_416, %dma_wait3A_417] : memref<10512x64xf32, #tpu.memory_space<vmem_shared>> -> memref<10512x64xf32, #tpu.memory_space<vmem_shared>>
        tpu.wait_indirect_dma semaphore(%run_scoped3A_400 : memref<!tpu.dma_semaphore, #tpu.memory_space<semaphore_mem>>) src(%dma_wait3A_412 : memref<128x64xf32, #tpu.memory_space<vmem>>) dst(%dma_wait3A_418 : memref<10512x64xf32, #tpu.memory_space<vmem_shared>>)
        tpu.yield
      }) : () -> ()
      %add3A_296 = arith.constant 2 : i32
      %add3A_297 = arith.addi %mul3A_197, %add3A_296 : i32
      %mul3A_298 = arith.constant 4 : i32
      %mul3A_299 = arith.muli %add3A_297, %mul3A_298 : i32
      %add3A_300 = arith.addi %mul3A_25, %mul3A_299 : i32
      "tpu.region"() ({
        %run_scoped3A_400 = tpu.sem_alloc : memref<!tpu.dma_semaphore, #tpu.memory_space<semaphore_mem>>
        %dma_start3A_401 = arith.constant 0 : i32
        %dma_start3A_402 = tpu.memref_slice %arg3[%arg0, %add3A_300, %dma_start3A_401] : memref<2x2568x128xi32, #tpu.memory_space<hbm>> -> memref<1x4x128xi32, #tpu.memory_space<hbm>>
        %dma_start3A_403 = tpu.memref_squeeze %dma_start3A_402 : memref<1x4x128xi32, #tpu.memory_space<hbm>> -> memref<4x128xi32, #tpu.memory_space<hbm>>
        %dma_start3A_404 = arith.constant 0 : i32
        %dma_start3A_405 = tpu.memref_slice %arg3[%arg0, %add3A_300, %dma_start3A_404] : memref<2x2568x128xi32, #tpu.memory_space<hbm>> -> memref<1x4x128xi32, #tpu.memory_space<hbm>>
        %dma_start3A_406 = tpu.memref_squeeze %dma_start3A_405 : memref<1x4x128xi32, #tpu.memory_space<hbm>> -> memref<4x128xi32, #tpu.memory_space<hbm>>
        tpu.enqueue_dma source(%dma_start3A_406 : memref<4x128xi32, #tpu.memory_space<hbm>>) target(%arg7 : memref<4x128xi32, #tpu.memory_space<vmem>>) target_semaphore(%run_scoped3A_400 : memref<!tpu.dma_semaphore, #tpu.memory_space<semaphore_mem>>)
        %dma_wait3A_407 = arith.constant 0 : i32
        %dma_wait3A_408 = tpu.memref_slice %arg3[%arg0, %add3A_300, %dma_wait3A_407] : memref<2x2568x128xi32, #tpu.memory_space<hbm>> -> memref<1x4x128xi32, #tpu.memory_space<hbm>>
        %dma_wait3A_409 = tpu.memref_squeeze %dma_wait3A_408 : memref<1x4x128xi32, #tpu.memory_space<hbm>> -> memref<4x128xi32, #tpu.memory_space<hbm>>
        %dma_wait3A_410 = arith.constant 0 : i32
        %dma_wait3A_411 = tpu.memref_slice %arg3[%arg0, %add3A_300, %dma_wait3A_410] : memref<2x2568x128xi32, #tpu.memory_space<hbm>> -> memref<1x4x128xi32, #tpu.memory_space<hbm>>
        %dma_wait3A_412 = tpu.memref_squeeze %dma_wait3A_411 : memref<1x4x128xi32, #tpu.memory_space<hbm>> -> memref<4x128xi32, #tpu.memory_space<hbm>>
        tpu.wait_dma2 semaphore(%run_scoped3A_400 : memref<!tpu.dma_semaphore, #tpu.memory_space<semaphore_mem>>) src(%dma_wait3A_412 : memref<4x128xi32, #tpu.memory_space<hbm>>) dst(%arg7 : memref<4x128xi32, #tpu.memory_space<vmem>>)
        tpu.yield
      }) : () -> ()
      "tpu.region"() ({
        %run_scoped3A_400 = tpu.sem_alloc : memref<!tpu.dma_semaphore, #tpu.memory_space<semaphore_mem>>
        %dma_start3A_401 = arith.constant 0 : i32
        %dma_start3A_402 = tpu.memref_slice %arg4[%add3A_300, %dma_start3A_401] : memref<2568x128xi32, #tpu.memory_space<hbm>> -> memref<4x128xi32, #tpu.memory_space<hbm>>
        %dma_start3A_403 = arith.constant 0 : i32
        %dma_start3A_404 = tpu.memref_slice %arg4[%add3A_300, %dma_start3A_403] : memref<2568x128xi32, #tpu.memory_space<hbm>> -> memref<4x128xi32, #tpu.memory_space<hbm>>
        tpu.enqueue_dma source(%dma_start3A_404 : memref<4x128xi32, #tpu.memory_space<hbm>>) target(%arg8 : memref<4x128xi32, #tpu.memory_space<vmem>>) target_semaphore(%run_scoped3A_400 : memref<!tpu.dma_semaphore, #tpu.memory_space<semaphore_mem>>)
        %dma_wait3A_405 = arith.constant 0 : i32
        %dma_wait3A_406 = tpu.memref_slice %arg4[%add3A_300, %dma_wait3A_405] : memref<2568x128xi32, #tpu.memory_space<hbm>> -> memref<4x128xi32, #tpu.memory_space<hbm>>
        %dma_wait3A_407 = arith.constant 0 : i32
        %dma_wait3A_408 = tpu.memref_slice %arg4[%add3A_300, %dma_wait3A_407] : memref<2568x128xi32, #tpu.memory_space<hbm>> -> memref<4x128xi32, #tpu.memory_space<hbm>>
        tpu.wait_dma2 semaphore(%run_scoped3A_400 : memref<!tpu.dma_semaphore, #tpu.memory_space<semaphore_mem>>) src(%dma_wait3A_408 : memref<4x128xi32, #tpu.memory_space<hbm>>) dst(%arg8 : memref<4x128xi32, #tpu.memory_space<vmem>>)
        tpu.yield
      }) : () -> ()
      %dma_wait3A_301 = arith.constant 0 : i32
      %dma_wait3A_302 = arith.constant 0 : i32
      %dma_wait3A_303 = arith.constant 0 : i32
      %dma_wait3A_304 = tpu.memref_slice %arg12[%dma_wait3A_302, %dma_wait3A_303] : memref<512x64xf32, #tpu.memory_space<vmem>> -> memref<128x64xf32, #tpu.memory_space<vmem>>
      %dma_wait3A_305 = arith.constant 0 : i32
      %dma_wait3A_306 = tpu.memref_slice %arg9[%dma_wait3A_301, %dma_wait3A_305] : memref<4x128xi32, #tpu.memory_space<vmem>> -> memref<1x128xi32, #tpu.memory_space<vmem>>
      %dma_wait3A_307 = tpu.memref_squeeze %dma_wait3A_306 : memref<1x128xi32, #tpu.memory_space<vmem>> -> memref<128xi32, #tpu.memory_space<vmem>>
      %dma_wait3A_308 = arith.constant 0 : i32
      %dma_wait3A_309 = arith.constant 0 : i32
      %dma_wait3A_310 = tpu.memref_slice %arg2[%dma_wait3A_308, %dma_wait3A_309] : memref<20000x64xf32, #tpu.memory_space<hbm>> -> memref<20000x64xf32, #tpu.memory_space<hbm>>
      tpu.wait_indirect_dma semaphore(%arg16 : memref<!tpu.dma_semaphore, #tpu.memory_space<semaphore_mem>>) src(%dma_wait3A_310 : memref<20000x64xf32, #tpu.memory_space<hbm>>) dst(%dma_wait3A_304 : memref<128x64xf32, #tpu.memory_space<vmem>>)
      %dma_wait3A_311 = arith.constant 1 : i32
      %dma_wait3A_312 = arith.constant 128 : i32
      %dma_wait3A_313 = arith.constant 0 : i32
      %dma_wait3A_314 = tpu.memref_slice %arg12[%dma_wait3A_312, %dma_wait3A_313] : memref<512x64xf32, #tpu.memory_space<vmem>> -> memref<128x64xf32, #tpu.memory_space<vmem>>
      %dma_wait3A_315 = arith.constant 0 : i32
      %dma_wait3A_316 = tpu.memref_slice %arg9[%dma_wait3A_311, %dma_wait3A_315] : memref<4x128xi32, #tpu.memory_space<vmem>> -> memref<1x128xi32, #tpu.memory_space<vmem>>
      %dma_wait3A_317 = tpu.memref_squeeze %dma_wait3A_316 : memref<1x128xi32, #tpu.memory_space<vmem>> -> memref<128xi32, #tpu.memory_space<vmem>>
      %dma_wait3A_318 = arith.constant 0 : i32
      %dma_wait3A_319 = arith.constant 0 : i32
      %dma_wait3A_320 = tpu.memref_slice %arg2[%dma_wait3A_318, %dma_wait3A_319] : memref<20000x64xf32, #tpu.memory_space<hbm>> -> memref<20000x64xf32, #tpu.memory_space<hbm>>
      tpu.wait_indirect_dma semaphore(%arg16 : memref<!tpu.dma_semaphore, #tpu.memory_space<semaphore_mem>>) src(%dma_wait3A_320 : memref<20000x64xf32, #tpu.memory_space<hbm>>) dst(%dma_wait3A_314 : memref<128x64xf32, #tpu.memory_space<vmem>>)
      %dma_wait3A_321 = arith.constant 2 : i32
      %dma_wait3A_322 = arith.constant 256 : i32
      %dma_wait3A_323 = arith.constant 0 : i32
      %dma_wait3A_324 = tpu.memref_slice %arg12[%dma_wait3A_322, %dma_wait3A_323] : memref<512x64xf32, #tpu.memory_space<vmem>> -> memref<128x64xf32, #tpu.memory_space<vmem>>
      %dma_wait3A_325 = arith.constant 0 : i32
      %dma_wait3A_326 = tpu.memref_slice %arg9[%dma_wait3A_321, %dma_wait3A_325] : memref<4x128xi32, #tpu.memory_space<vmem>> -> memref<1x128xi32, #tpu.memory_space<vmem>>
      %dma_wait3A_327 = tpu.memref_squeeze %dma_wait3A_326 : memref<1x128xi32, #tpu.memory_space<vmem>> -> memref<128xi32, #tpu.memory_space<vmem>>
      %dma_wait3A_328 = arith.constant 0 : i32
      %dma_wait3A_329 = arith.constant 0 : i32
      %dma_wait3A_330 = tpu.memref_slice %arg2[%dma_wait3A_328, %dma_wait3A_329] : memref<20000x64xf32, #tpu.memory_space<hbm>> -> memref<20000x64xf32, #tpu.memory_space<hbm>>
      tpu.wait_indirect_dma semaphore(%arg16 : memref<!tpu.dma_semaphore, #tpu.memory_space<semaphore_mem>>) src(%dma_wait3A_330 : memref<20000x64xf32, #tpu.memory_space<hbm>>) dst(%dma_wait3A_324 : memref<128x64xf32, #tpu.memory_space<vmem>>)
      %dma_wait3A_331 = arith.constant 3 : i32
      %dma_wait3A_332 = arith.constant 384 : i32
      %dma_wait3A_333 = arith.constant 0 : i32
      %dma_wait3A_334 = tpu.memref_slice %arg12[%dma_wait3A_332, %dma_wait3A_333] : memref<512x64xf32, #tpu.memory_space<vmem>> -> memref<128x64xf32, #tpu.memory_space<vmem>>
      %dma_wait3A_335 = arith.constant 0 : i32
      %dma_wait3A_336 = tpu.memref_slice %arg9[%dma_wait3A_331, %dma_wait3A_335] : memref<4x128xi32, #tpu.memory_space<vmem>> -> memref<1x128xi32, #tpu.memory_space<vmem>>
      %dma_wait3A_337 = tpu.memref_squeeze %dma_wait3A_336 : memref<1x128xi32, #tpu.memory_space<vmem>> -> memref<128xi32, #tpu.memory_space<vmem>>
      %dma_wait3A_338 = arith.constant 0 : i32
      %dma_wait3A_339 = arith.constant 0 : i32
      %dma_wait3A_340 = tpu.memref_slice %arg2[%dma_wait3A_338, %dma_wait3A_339] : memref<20000x64xf32, #tpu.memory_space<hbm>> -> memref<20000x64xf32, #tpu.memory_space<hbm>>
      tpu.wait_indirect_dma semaphore(%arg16 : memref<!tpu.dma_semaphore, #tpu.memory_space<semaphore_mem>>) src(%dma_wait3A_340 : memref<20000x64xf32, #tpu.memory_space<hbm>>) dst(%dma_wait3A_334 : memref<128x64xf32, #tpu.memory_space<vmem>>)
      %dma_start3A_341 = arith.constant 0 : i32
      %dma_start3A_342 = arith.constant 0 : i32
      %dma_start3A_343 = arith.constant 0 : i32
      %dma_start3A_344 = tpu.memref_slice %arg11[%dma_start3A_342, %dma_start3A_343] : memref<512x64xf32, #tpu.memory_space<vmem>> -> memref<128x64xf32, #tpu.memory_space<vmem>>
      %dma_start3A_345 = arith.constant 0 : i32
      %dma_start3A_346 = tpu.memref_slice %arg7[%dma_start3A_341, %dma_start3A_345] : memref<4x128xi32, #tpu.memory_space<vmem>> -> memref<1x128xi32, #tpu.memory_space<vmem>>
      %dma_start3A_347 = tpu.memref_squeeze %dma_start3A_346 : memref<1x128xi32, #tpu.memory_space<vmem>> -> memref<128xi32, #tpu.memory_space<vmem>>
      %dma_start3A_348 = arith.constant 0 : i32
      %dma_start3A_349 = arith.constant 0 : i32
      %dma_start3A_350 = tpu.memref_slice %arg2[%dma_start3A_348, %dma_start3A_349] : memref<20000x64xf32, #tpu.memory_space<hbm>> -> memref<20000x64xf32, #tpu.memory_space<hbm>>
      tpu.enqueue_indirect_dma source(%dma_start3A_350 : memref<20000x64xf32, #tpu.memory_space<hbm>>) target(%dma_start3A_344 : memref<128x64xf32, #tpu.memory_space<vmem>>) offsets(%dma_start3A_347 : memref<128xi32, #tpu.memory_space<vmem>>) semaphore(%arg15 : memref<!tpu.dma_semaphore, #tpu.memory_space<semaphore_mem>>)
      %dma_start3A_351 = arith.constant 1 : i32
      %dma_start3A_352 = arith.constant 128 : i32
      %dma_start3A_353 = arith.constant 0 : i32
      %dma_start3A_354 = tpu.memref_slice %arg11[%dma_start3A_352, %dma_start3A_353] : memref<512x64xf32, #tpu.memory_space<vmem>> -> memref<128x64xf32, #tpu.memory_space<vmem>>
      %dma_start3A_355 = arith.constant 0 : i32
      %dma_start3A_356 = tpu.memref_slice %arg7[%dma_start3A_351, %dma_start3A_355] : memref<4x128xi32, #tpu.memory_space<vmem>> -> memref<1x128xi32, #tpu.memory_space<vmem>>
      %dma_start3A_357 = tpu.memref_squeeze %dma_start3A_356 : memref<1x128xi32, #tpu.memory_space<vmem>> -> memref<128xi32, #tpu.memory_space<vmem>>
      %dma_start3A_358 = arith.constant 0 : i32
      %dma_start3A_359 = arith.constant 0 : i32
      %dma_start3A_360 = tpu.memref_slice %arg2[%dma_start3A_358, %dma_start3A_359] : memref<20000x64xf32, #tpu.memory_space<hbm>> -> memref<20000x64xf32, #tpu.memory_space<hbm>>
      tpu.enqueue_indirect_dma source(%dma_start3A_360 : memref<20000x64xf32, #tpu.memory_space<hbm>>) target(%dma_start3A_354 : memref<128x64xf32, #tpu.memory_space<vmem>>) offsets(%dma_start3A_357 : memref<128xi32, #tpu.memory_space<vmem>>) semaphore(%arg15 : memref<!tpu.dma_semaphore, #tpu.memory_space<semaphore_mem>>)
      %dma_start3A_361 = arith.constant 2 : i32
      %dma_start3A_362 = arith.constant 256 : i32
      %dma_start3A_363 = arith.constant 0 : i32
      %dma_start3A_364 = tpu.memref_slice %arg11[%dma_start3A_362, %dma_start3A_363] : memref<512x64xf32, #tpu.memory_space<vmem>> -> memref<128x64xf32, #tpu.memory_space<vmem>>
      %dma_start3A_365 = arith.constant 0 : i32
      %dma_start3A_366 = tpu.memref_slice %arg7[%dma_start3A_361, %dma_start3A_365] : memref<4x128xi32, #tpu.memory_space<vmem>> -> memref<1x128xi32, #tpu.memory_space<vmem>>
      %dma_start3A_367 = tpu.memref_squeeze %dma_start3A_366 : memref<1x128xi32, #tpu.memory_space<vmem>> -> memref<128xi32, #tpu.memory_space<vmem>>
      %dma_start3A_368 = arith.constant 0 : i32
      %dma_start3A_369 = arith.constant 0 : i32
      %dma_start3A_370 = tpu.memref_slice %arg2[%dma_start3A_368, %dma_start3A_369] : memref<20000x64xf32, #tpu.memory_space<hbm>> -> memref<20000x64xf32, #tpu.memory_space<hbm>>
      tpu.enqueue_indirect_dma source(%dma_start3A_370 : memref<20000x64xf32, #tpu.memory_space<hbm>>) target(%dma_start3A_364 : memref<128x64xf32, #tpu.memory_space<vmem>>) offsets(%dma_start3A_367 : memref<128xi32, #tpu.memory_space<vmem>>) semaphore(%arg15 : memref<!tpu.dma_semaphore, #tpu.memory_space<semaphore_mem>>)
      %dma_start3A_371 = arith.constant 3 : i32
      %dma_start3A_372 = arith.constant 384 : i32
      %dma_start3A_373 = arith.constant 0 : i32
      %dma_start3A_374 = tpu.memref_slice %arg11[%dma_start3A_372, %dma_start3A_373] : memref<512x64xf32, #tpu.memory_space<vmem>> -> memref<128x64xf32, #tpu.memory_space<vmem>>
      %dma_start3A_375 = arith.constant 0 : i32
      %dma_start3A_376 = tpu.memref_slice %arg7[%dma_start3A_371, %dma_start3A_375] : memref<4x128xi32, #tpu.memory_space<vmem>> -> memref<1x128xi32, #tpu.memory_space<vmem>>
      %dma_start3A_377 = tpu.memref_squeeze %dma_start3A_376 : memref<1x128xi32, #tpu.memory_space<vmem>> -> memref<128xi32, #tpu.memory_space<vmem>>
      %dma_start3A_378 = arith.constant 0 : i32
      %dma_start3A_379 = arith.constant 0 : i32
      %dma_start3A_380 = tpu.memref_slice %arg2[%dma_start3A_378, %dma_start3A_379] : memref<20000x64xf32, #tpu.memory_space<hbm>> -> memref<20000x64xf32, #tpu.memory_space<hbm>>
      tpu.enqueue_indirect_dma source(%dma_start3A_380 : memref<20000x64xf32, #tpu.memory_space<hbm>>) target(%dma_start3A_374 : memref<128x64xf32, #tpu.memory_space<vmem>>) offsets(%dma_start3A_377 : memref<128xi32, #tpu.memory_space<vmem>>) semaphore(%arg15 : memref<!tpu.dma_semaphore, #tpu.memory_space<semaphore_mem>>)
      %run_scoped3A_381 = arith.constant 0 : i32
      "tpu.region"() ({
        %run_scoped3A_400 = tpu.sem_alloc : memref<!tpu.dma_semaphore, #tpu.memory_space<semaphore_mem>>
        %dma_start3A_401 = arith.constant 0 : i32
        %dma_start3A_402 = arith.constant 0 : i32
        %dma_start3A_403 = tpu.memref_slice %arg12[%dma_start3A_401, %dma_start3A_402] : memref<512x64xf32, #tpu.memory_space<vmem>> -> memref<128x64xf32, #tpu.memory_space<vmem>>
        %dma_start3A_404 = arith.constant 0 : i32
        %dma_start3A_405 = tpu.memref_slice %arg10[%run_scoped3A_381, %dma_start3A_404] : memref<4x128xi32, #tpu.memory_space<vmem>> -> memref<1x128xi32, #tpu.memory_space<vmem>>
        %dma_start3A_406 = tpu.memref_squeeze %dma_start3A_405 : memref<1x128xi32, #tpu.memory_space<vmem>> -> memref<128xi32, #tpu.memory_space<vmem>>
        %dma_start3A_407 = arith.constant 0 : i32
        %dma_start3A_408 = arith.constant 0 : i32
        %dma_start3A_409 = tpu.memref_slice %arg14[%dma_start3A_407, %dma_start3A_408] : memref<10512x64xf32, #tpu.memory_space<vmem_shared>> -> memref<10512x64xf32, #tpu.memory_space<vmem_shared>>
        tpu.enqueue_indirect_dma source(%dma_start3A_403 : memref<128x64xf32, #tpu.memory_space<vmem>>) target(%dma_start3A_409 : memref<10512x64xf32, #tpu.memory_space<vmem_shared>>) offsets(%dma_start3A_406 : memref<128xi32, #tpu.memory_space<vmem>>) semaphore(%run_scoped3A_400 : memref<!tpu.dma_semaphore, #tpu.memory_space<semaphore_mem>>) {add = true}
        %dma_wait3A_410 = arith.constant 0 : i32
        %dma_wait3A_411 = arith.constant 0 : i32
        %dma_wait3A_412 = tpu.memref_slice %arg12[%dma_wait3A_410, %dma_wait3A_411] : memref<512x64xf32, #tpu.memory_space<vmem>> -> memref<128x64xf32, #tpu.memory_space<vmem>>
        %dma_wait3A_413 = arith.constant 0 : i32
        %dma_wait3A_414 = tpu.memref_slice %arg10[%run_scoped3A_381, %dma_wait3A_413] : memref<4x128xi32, #tpu.memory_space<vmem>> -> memref<1x128xi32, #tpu.memory_space<vmem>>
        %dma_wait3A_415 = tpu.memref_squeeze %dma_wait3A_414 : memref<1x128xi32, #tpu.memory_space<vmem>> -> memref<128xi32, #tpu.memory_space<vmem>>
        %dma_wait3A_416 = arith.constant 0 : i32
        %dma_wait3A_417 = arith.constant 0 : i32
        %dma_wait3A_418 = tpu.memref_slice %arg14[%dma_wait3A_416, %dma_wait3A_417] : memref<10512x64xf32, #tpu.memory_space<vmem_shared>> -> memref<10512x64xf32, #tpu.memory_space<vmem_shared>>
        tpu.wait_indirect_dma semaphore(%run_scoped3A_400 : memref<!tpu.dma_semaphore, #tpu.memory_space<semaphore_mem>>) src(%dma_wait3A_412 : memref<128x64xf32, #tpu.memory_space<vmem>>) dst(%dma_wait3A_418 : memref<10512x64xf32, #tpu.memory_space<vmem_shared>>)
        tpu.yield
      }) : () -> ()
      %run_scoped3A_382 = arith.constant 1 : i32
      "tpu.region"() ({
        %run_scoped3A_400 = tpu.sem_alloc : memref<!tpu.dma_semaphore, #tpu.memory_space<semaphore_mem>>
        %dma_start3A_401 = arith.constant 128 : i32
        %dma_start3A_402 = arith.constant 0 : i32
        %dma_start3A_403 = tpu.memref_slice %arg12[%dma_start3A_401, %dma_start3A_402] : memref<512x64xf32, #tpu.memory_space<vmem>> -> memref<128x64xf32, #tpu.memory_space<vmem>>
        %dma_start3A_404 = arith.constant 0 : i32
        %dma_start3A_405 = tpu.memref_slice %arg10[%run_scoped3A_382, %dma_start3A_404] : memref<4x128xi32, #tpu.memory_space<vmem>> -> memref<1x128xi32, #tpu.memory_space<vmem>>
        %dma_start3A_406 = tpu.memref_squeeze %dma_start3A_405 : memref<1x128xi32, #tpu.memory_space<vmem>> -> memref<128xi32, #tpu.memory_space<vmem>>
        %dma_start3A_407 = arith.constant 0 : i32
        %dma_start3A_408 = arith.constant 0 : i32
        %dma_start3A_409 = tpu.memref_slice %arg14[%dma_start3A_407, %dma_start3A_408] : memref<10512x64xf32, #tpu.memory_space<vmem_shared>> -> memref<10512x64xf32, #tpu.memory_space<vmem_shared>>
        tpu.enqueue_indirect_dma source(%dma_start3A_403 : memref<128x64xf32, #tpu.memory_space<vmem>>) target(%dma_start3A_409 : memref<10512x64xf32, #tpu.memory_space<vmem_shared>>) offsets(%dma_start3A_406 : memref<128xi32, #tpu.memory_space<vmem>>) semaphore(%run_scoped3A_400 : memref<!tpu.dma_semaphore, #tpu.memory_space<semaphore_mem>>) {add = true}
        %dma_wait3A_410 = arith.constant 128 : i32
        %dma_wait3A_411 = arith.constant 0 : i32
        %dma_wait3A_412 = tpu.memref_slice %arg12[%dma_wait3A_410, %dma_wait3A_411] : memref<512x64xf32, #tpu.memory_space<vmem>> -> memref<128x64xf32, #tpu.memory_space<vmem>>
        %dma_wait3A_413 = arith.constant 0 : i32
        %dma_wait3A_414 = tpu.memref_slice %arg10[%run_scoped3A_382, %dma_wait3A_413] : memref<4x128xi32, #tpu.memory_space<vmem>> -> memref<1x128xi32, #tpu.memory_space<vmem>>
        %dma_wait3A_415 = tpu.memref_squeeze %dma_wait3A_414 : memref<1x128xi32, #tpu.memory_space<vmem>> -> memref<128xi32, #tpu.memory_space<vmem>>
        %dma_wait3A_416 = arith.constant 0 : i32
        %dma_wait3A_417 = arith.constant 0 : i32
        %dma_wait3A_418 = tpu.memref_slice %arg14[%dma_wait3A_416, %dma_wait3A_417] : memref<10512x64xf32, #tpu.memory_space<vmem_shared>> -> memref<10512x64xf32, #tpu.memory_space<vmem_shared>>
        tpu.wait_indirect_dma semaphore(%run_scoped3A_400 : memref<!tpu.dma_semaphore, #tpu.memory_space<semaphore_mem>>) src(%dma_wait3A_412 : memref<128x64xf32, #tpu.memory_space<vmem>>) dst(%dma_wait3A_418 : memref<10512x64xf32, #tpu.memory_space<vmem_shared>>)
        tpu.yield
      }) : () -> ()
      %run_scoped3A_383 = arith.constant 2 : i32
      "tpu.region"() ({
        %run_scoped3A_400 = tpu.sem_alloc : memref<!tpu.dma_semaphore, #tpu.memory_space<semaphore_mem>>
        %dma_start3A_401 = arith.constant 256 : i32
        %dma_start3A_402 = arith.constant 0 : i32
        %dma_start3A_403 = tpu.memref_slice %arg12[%dma_start3A_401, %dma_start3A_402] : memref<512x64xf32, #tpu.memory_space<vmem>> -> memref<128x64xf32, #tpu.memory_space<vmem>>
        %dma_start3A_404 = arith.constant 0 : i32
        %dma_start3A_405 = tpu.memref_slice %arg10[%run_scoped3A_383, %dma_start3A_404] : memref<4x128xi32, #tpu.memory_space<vmem>> -> memref<1x128xi32, #tpu.memory_space<vmem>>
        %dma_start3A_406 = tpu.memref_squeeze %dma_start3A_405 : memref<1x128xi32, #tpu.memory_space<vmem>> -> memref<128xi32, #tpu.memory_space<vmem>>
        %dma_start3A_407 = arith.constant 0 : i32
        %dma_start3A_408 = arith.constant 0 : i32
        %dma_start3A_409 = tpu.memref_slice %arg14[%dma_start3A_407, %dma_start3A_408] : memref<10512x64xf32, #tpu.memory_space<vmem_shared>> -> memref<10512x64xf32, #tpu.memory_space<vmem_shared>>
        tpu.enqueue_indirect_dma source(%dma_start3A_403 : memref<128x64xf32, #tpu.memory_space<vmem>>) target(%dma_start3A_409 : memref<10512x64xf32, #tpu.memory_space<vmem_shared>>) offsets(%dma_start3A_406 : memref<128xi32, #tpu.memory_space<vmem>>) semaphore(%run_scoped3A_400 : memref<!tpu.dma_semaphore, #tpu.memory_space<semaphore_mem>>) {add = true}
        %dma_wait3A_410 = arith.constant 256 : i32
        %dma_wait3A_411 = arith.constant 0 : i32
        %dma_wait3A_412 = tpu.memref_slice %arg12[%dma_wait3A_410, %dma_wait3A_411] : memref<512x64xf32, #tpu.memory_space<vmem>> -> memref<128x64xf32, #tpu.memory_space<vmem>>
        %dma_wait3A_413 = arith.constant 0 : i32
        %dma_wait3A_414 = tpu.memref_slice %arg10[%run_scoped3A_383, %dma_wait3A_413] : memref<4x128xi32, #tpu.memory_space<vmem>> -> memref<1x128xi32, #tpu.memory_space<vmem>>
        %dma_wait3A_415 = tpu.memref_squeeze %dma_wait3A_414 : memref<1x128xi32, #tpu.memory_space<vmem>> -> memref<128xi32, #tpu.memory_space<vmem>>
        %dma_wait3A_416 = arith.constant 0 : i32
        %dma_wait3A_417 = arith.constant 0 : i32
        %dma_wait3A_418 = tpu.memref_slice %arg14[%dma_wait3A_416, %dma_wait3A_417] : memref<10512x64xf32, #tpu.memory_space<vmem_shared>> -> memref<10512x64xf32, #tpu.memory_space<vmem_shared>>
        tpu.wait_indirect_dma semaphore(%run_scoped3A_400 : memref<!tpu.dma_semaphore, #tpu.memory_space<semaphore_mem>>) src(%dma_wait3A_412 : memref<128x64xf32, #tpu.memory_space<vmem>>) dst(%dma_wait3A_418 : memref<10512x64xf32, #tpu.memory_space<vmem_shared>>)
        tpu.yield
      }) : () -> ()
      %run_scoped3A_384 = arith.constant 3 : i32
      "tpu.region"() ({
        %run_scoped3A_400 = tpu.sem_alloc : memref<!tpu.dma_semaphore, #tpu.memory_space<semaphore_mem>>
        %dma_start3A_401 = arith.constant 384 : i32
        %dma_start3A_402 = arith.constant 0 : i32
        %dma_start3A_403 = tpu.memref_slice %arg12[%dma_start3A_401, %dma_start3A_402] : memref<512x64xf32, #tpu.memory_space<vmem>> -> memref<128x64xf32, #tpu.memory_space<vmem>>
        %dma_start3A_404 = arith.constant 0 : i32
        %dma_start3A_405 = tpu.memref_slice %arg10[%run_scoped3A_384, %dma_start3A_404] : memref<4x128xi32, #tpu.memory_space<vmem>> -> memref<1x128xi32, #tpu.memory_space<vmem>>
        %dma_start3A_406 = tpu.memref_squeeze %dma_start3A_405 : memref<1x128xi32, #tpu.memory_space<vmem>> -> memref<128xi32, #tpu.memory_space<vmem>>
        %dma_start3A_407 = arith.constant 0 : i32
        %dma_start3A_408 = arith.constant 0 : i32
        %dma_start3A_409 = tpu.memref_slice %arg14[%dma_start3A_407, %dma_start3A_408] : memref<10512x64xf32, #tpu.memory_space<vmem_shared>> -> memref<10512x64xf32, #tpu.memory_space<vmem_shared>>
        tpu.enqueue_indirect_dma source(%dma_start3A_403 : memref<128x64xf32, #tpu.memory_space<vmem>>) target(%dma_start3A_409 : memref<10512x64xf32, #tpu.memory_space<vmem_shared>>) offsets(%dma_start3A_406 : memref<128xi32, #tpu.memory_space<vmem>>) semaphore(%run_scoped3A_400 : memref<!tpu.dma_semaphore, #tpu.memory_space<semaphore_mem>>) {add = true}
        %dma_wait3A_410 = arith.constant 384 : i32
        %dma_wait3A_411 = arith.constant 0 : i32
        %dma_wait3A_412 = tpu.memref_slice %arg12[%dma_wait3A_410, %dma_wait3A_411] : memref<512x64xf32, #tpu.memory_space<vmem>> -> memref<128x64xf32, #tpu.memory_space<vmem>>
        %dma_wait3A_413 = arith.constant 0 : i32
        %dma_wait3A_414 = tpu.memref_slice %arg10[%run_scoped3A_384, %dma_wait3A_413] : memref<4x128xi32, #tpu.memory_space<vmem>> -> memref<1x128xi32, #tpu.memory_space<vmem>>
        %dma_wait3A_415 = tpu.memref_squeeze %dma_wait3A_414 : memref<1x128xi32, #tpu.memory_space<vmem>> -> memref<128xi32, #tpu.memory_space<vmem>>
        %dma_wait3A_416 = arith.constant 0 : i32
        %dma_wait3A_417 = arith.constant 0 : i32
        %dma_wait3A_418 = tpu.memref_slice %arg14[%dma_wait3A_416, %dma_wait3A_417] : memref<10512x64xf32, #tpu.memory_space<vmem_shared>> -> memref<10512x64xf32, #tpu.memory_space<vmem_shared>>
        tpu.wait_indirect_dma semaphore(%run_scoped3A_400 : memref<!tpu.dma_semaphore, #tpu.memory_space<semaphore_mem>>) src(%dma_wait3A_412 : memref<128x64xf32, #tpu.memory_space<vmem>>) dst(%dma_wait3A_418 : memref<10512x64xf32, #tpu.memory_space<vmem_shared>>)
        tpu.yield
      }) : () -> ()
      %add3A_385 = arith.constant 3 : i32
      %add3A_386 = arith.addi %mul3A_197, %add3A_385 : i32
      %mul3A_387 = arith.constant 4 : i32
      %mul3A_388 = arith.muli %add3A_386, %mul3A_387 : i32
      %add3A_389 = arith.addi %mul3A_25, %mul3A_388 : i32
      %dma_start3A_390 = arith.constant 0 : i32
      %dma_start3A_391 = tpu.memref_slice %arg3[%arg0, %add3A_389, %dma_start3A_390] : memref<2x2568x128xi32, #tpu.memory_space<hbm>> -> memref<1x4x128xi32, #tpu.memory_space<hbm>>
      %dma_start3A_392 = tpu.memref_squeeze %dma_start3A_391 : memref<1x4x128xi32, #tpu.memory_space<hbm>> -> memref<4x128xi32, #tpu.memory_space<hbm>>
      %dma_start3A_393 = arith.constant 0 : i32
      %dma_start3A_394 = tpu.memref_slice %arg3[%arg0, %add3A_389, %dma_start3A_393] : memref<2x2568x128xi32, #tpu.memory_space<hbm>> -> memref<1x4x128xi32, #tpu.memory_space<hbm>>
      %dma_start3A_395 = tpu.memref_squeeze %dma_start3A_394 : memref<1x4x128xi32, #tpu.memory_space<hbm>> -> memref<4x128xi32, #tpu.memory_space<hbm>>
      tpu.enqueue_dma source(%dma_start3A_395 : memref<4x128xi32, #tpu.memory_space<hbm>>) target(%arg9 : memref<4x128xi32, #tpu.memory_space<vmem>>) target_semaphore(%arg17 : memref<!tpu.dma_semaphore, #tpu.memory_space<semaphore_mem>>)
      %dma_start3A_396 = arith.constant 0 : i32
      %dma_start3A_397 = tpu.memref_slice %arg4[%add3A_389, %dma_start3A_396] : memref<2568x128xi32, #tpu.memory_space<hbm>> -> memref<4x128xi32, #tpu.memory_space<hbm>>
      %dma_start3A_398 = arith.constant 0 : i32
      %dma_start3A_399 = tpu.memref_slice %arg4[%add3A_389, %dma_start3A_398] : memref<2568x128xi32, #tpu.memory_space<hbm>> -> memref<4x128xi32, #tpu.memory_space<hbm>>
      tpu.enqueue_dma source(%dma_start3A_399 : memref<4x128xi32, #tpu.memory_space<hbm>>) target(%arg10 : memref<4x128xi32, #tpu.memory_space<vmem>>) target_semaphore(%arg17 : memref<!tpu.dma_semaphore, #tpu.memory_space<semaphore_mem>>)
    }
    %while3A_89 = arith.constant 1 : i32
    scf.for %while3A_195 = %while3A_87 to %while3A_83 step %while3A_89  : i32 {
      %mul3A_196 = arith.constant 2 : i32
      %mul3A_197 = arith.muli %mul3A_196, %while3A_195 : i32
      %add3A_198 = arith.constant 1 : i32
      %add3A_199 = arith.addi %mul3A_197, %add3A_198 : i32
      %mul3A_200 = arith.constant 4 : i32
      %mul3A_201 = arith.muli %add3A_199, %mul3A_200 : i32
      %add3A_202 = arith.addi %mul3A_25, %mul3A_201 : i32
      %dma_wait3A_203 = arith.constant 0 : i32
      %dma_wait3A_204 = tpu.memref_slice %arg3[%arg0, %add3A_202, %dma_wait3A_203] : memref<2x2568x128xi32, #tpu.memory_space<hbm>> -> memref<1x4x128xi32, #tpu.memory_space<hbm>>
      %dma_wait3A_205 = tpu.memref_squeeze %dma_wait3A_204 : memref<1x4x128xi32, #tpu.memory_space<hbm>> -> memref<4x128xi32, #tpu.memory_space<hbm>>
      %dma_wait3A_206 = arith.constant 0 : i32
      %dma_wait3A_207 = tpu.memref_slice %arg3[%arg0, %add3A_202, %dma_wait3A_206] : memref<2x2568x128xi32, #tpu.memory_space<hbm>> -> memref<1x4x128xi32, #tpu.memory_space<hbm>>
      %dma_wait3A_208 = tpu.memref_squeeze %dma_wait3A_207 : memref<1x4x128xi32, #tpu.memory_space<hbm>> -> memref<4x128xi32, #tpu.memory_space<hbm>>
      tpu.wait_dma2 semaphore(%arg17 : memref<!tpu.dma_semaphore, #tpu.memory_space<semaphore_mem>>) src(%dma_wait3A_208 : memref<4x128xi32, #tpu.memory_space<hbm>>) dst(%arg9 : memref<4x128xi32, #tpu.memory_space<vmem>>)
      %dma_wait3A_209 = arith.constant 0 : i32
      %dma_wait3A_210 = tpu.memref_slice %arg4[%add3A_202, %dma_wait3A_209] : memref<2568x128xi32, #tpu.memory_space<hbm>> -> memref<4x128xi32, #tpu.memory_space<hbm>>
      %dma_wait3A_211 = arith.constant 0 : i32
      %dma_wait3A_212 = tpu.memref_slice %arg4[%add3A_202, %dma_wait3A_211] : memref<2568x128xi32, #tpu.memory_space<hbm>> -> memref<4x128xi32, #tpu.memory_space<hbm>>
      tpu.wait_dma2 semaphore(%arg17 : memref<!tpu.dma_semaphore, #tpu.memory_space<semaphore_mem>>) src(%dma_wait3A_212 : memref<4x128xi32, #tpu.memory_space<hbm>>) dst(%arg10 : memref<4x128xi32, #tpu.memory_space<vmem>>)
      %dma_wait3A_213 = arith.constant 0 : i32
      %dma_wait3A_214 = arith.constant 0 : i32
      %dma_wait3A_215 = arith.constant 0 : i32
      %dma_wait3A_216 = tpu.memref_slice %arg11[%dma_wait3A_214, %dma_wait3A_215] : memref<512x64xf32, #tpu.memory_space<vmem>> -> memref<128x64xf32, #tpu.memory_space<vmem>>
      %dma_wait3A_217 = arith.constant 0 : i32
      %dma_wait3A_218 = tpu.memref_slice %arg7[%dma_wait3A_213, %dma_wait3A_217] : memref<4x128xi32, #tpu.memory_space<vmem>> -> memref<1x128xi32, #tpu.memory_space<vmem>>
      %dma_wait3A_219 = tpu.memref_squeeze %dma_wait3A_218 : memref<1x128xi32, #tpu.memory_space<vmem>> -> memref<128xi32, #tpu.memory_space<vmem>>
      %dma_wait3A_220 = arith.constant 0 : i32
      %dma_wait3A_221 = arith.constant 0 : i32
      %dma_wait3A_222 = tpu.memref_slice %arg2[%dma_wait3A_220, %dma_wait3A_221] : memref<20000x64xf32, #tpu.memory_space<hbm>> -> memref<20000x64xf32, #tpu.memory_space<hbm>>
      tpu.wait_indirect_dma semaphore(%arg15 : memref<!tpu.dma_semaphore, #tpu.memory_space<semaphore_mem>>) src(%dma_wait3A_222 : memref<20000x64xf32, #tpu.memory_space<hbm>>) dst(%dma_wait3A_216 : memref<128x64xf32, #tpu.memory_space<vmem>>)
      %dma_wait3A_223 = arith.constant 1 : i32
      %dma_wait3A_224 = arith.constant 128 : i32
      %dma_wait3A_225 = arith.constant 0 : i32
      %dma_wait3A_226 = tpu.memref_slice %arg11[%dma_wait3A_224, %dma_wait3A_225] : memref<512x64xf32, #tpu.memory_space<vmem>> -> memref<128x64xf32, #tpu.memory_space<vmem>>
      %dma_wait3A_227 = arith.constant 0 : i32
      %dma_wait3A_228 = tpu.memref_slice %arg7[%dma_wait3A_223, %dma_wait3A_227] : memref<4x128xi32, #tpu.memory_space<vmem>> -> memref<1x128xi32, #tpu.memory_space<vmem>>
      %dma_wait3A_229 = tpu.memref_squeeze %dma_wait3A_228 : memref<1x128xi32, #tpu.memory_space<vmem>> -> memref<128xi32, #tpu.memory_space<vmem>>
      %dma_wait3A_230 = arith.constant 0 : i32
      %dma_wait3A_231 = arith.constant 0 : i32
      %dma_wait3A_232 = tpu.memref_slice %arg2[%dma_wait3A_230, %dma_wait3A_231] : memref<20000x64xf32, #tpu.memory_space<hbm>> -> memref<20000x64xf32, #tpu.memory_space<hbm>>
      tpu.wait_indirect_dma semaphore(%arg15 : memref<!tpu.dma_semaphore, #tpu.memory_space<semaphore_mem>>) src(%dma_wait3A_232 : memref<20000x64xf32, #tpu.memory_space<hbm>>) dst(%dma_wait3A_226 : memref<128x64xf32, #tpu.memory_space<vmem>>)
      %dma_wait3A_233 = arith.constant 2 : i32
      %dma_wait3A_234 = arith.constant 256 : i32
      %dma_wait3A_235 = arith.constant 0 : i32
      %dma_wait3A_236 = tpu.memref_slice %arg11[%dma_wait3A_234, %dma_wait3A_235] : memref<512x64xf32, #tpu.memory_space<vmem>> -> memref<128x64xf32, #tpu.memory_space<vmem>>
      %dma_wait3A_237 = arith.constant 0 : i32
      %dma_wait3A_238 = tpu.memref_slice %arg7[%dma_wait3A_233, %dma_wait3A_237] : memref<4x128xi32, #tpu.memory_space<vmem>> -> memref<1x128xi32, #tpu.memory_space<vmem>>
      %dma_wait3A_239 = tpu.memref_squeeze %dma_wait3A_238 : memref<1x128xi32, #tpu.memory_space<vmem>> -> memref<128xi32, #tpu.memory_space<vmem>>
      %dma_wait3A_240 = arith.constant 0 : i32
      %dma_wait3A_241 = arith.constant 0 : i32
      %dma_wait3A_242 = tpu.memref_slice %arg2[%dma_wait3A_240, %dma_wait3A_241] : memref<20000x64xf32, #tpu.memory_space<hbm>> -> memref<20000x64xf32, #tpu.memory_space<hbm>>
      tpu.wait_indirect_dma semaphore(%arg15 : memref<!tpu.dma_semaphore, #tpu.memory_space<semaphore_mem>>) src(%dma_wait3A_242 : memref<20000x64xf32, #tpu.memory_space<hbm>>) dst(%dma_wait3A_236 : memref<128x64xf32, #tpu.memory_space<vmem>>)
      %dma_wait3A_243 = arith.constant 3 : i32
      %dma_wait3A_244 = arith.constant 384 : i32
      %dma_wait3A_245 = arith.constant 0 : i32
      %dma_wait3A_246 = tpu.memref_slice %arg11[%dma_wait3A_244, %dma_wait3A_245] : memref<512x64xf32, #tpu.memory_space<vmem>> -> memref<128x64xf32, #tpu.memory_space<vmem>>
      %dma_wait3A_247 = arith.constant 0 : i32
      %dma_wait3A_248 = tpu.memref_slice %arg7[%dma_wait3A_243, %dma_wait3A_247] : memref<4x128xi32, #tpu.memory_space<vmem>> -> memref<1x128xi32, #tpu.memory_space<vmem>>
      %dma_wait3A_249 = tpu.memref_squeeze %dma_wait3A_248 : memref<1x128xi32, #tpu.memory_space<vmem>> -> memref<128xi32, #tpu.memory_space<vmem>>
      %dma_wait3A_250 = arith.constant 0 : i32
      %dma_wait3A_251 = arith.constant 0 : i32
      %dma_wait3A_252 = tpu.memref_slice %arg2[%dma_wait3A_250, %dma_wait3A_251] : memref<20000x64xf32, #tpu.memory_space<hbm>> -> memref<20000x64xf32, #tpu.memory_space<hbm>>
      tpu.wait_indirect_dma semaphore(%arg15 : memref<!tpu.dma_semaphore, #tpu.memory_space<semaphore_mem>>) src(%dma_wait3A_252 : memref<20000x64xf32, #tpu.memory_space<hbm>>) dst(%dma_wait3A_246 : memref<128x64xf32, #tpu.memory_space<vmem>>)
      %dma_start3A_253 = arith.constant 0 : i32
      %dma_start3A_254 = arith.constant 0 : i32
      %dma_start3A_255 = arith.constant 0 : i32
      %dma_start3A_256 = tpu.memref_slice %arg12[%dma_start3A_254, %dma_start3A_255] : memref<512x64xf32, #tpu.memory_space<vmem>> -> memref<128x64xf32, #tpu.memory_space<vmem>>
      %dma_start3A_257 = arith.constant 0 : i32
      %dma_start3A_258 = tpu.memref_slice %arg9[%dma_start3A_253, %dma_start3A_257] : memref<4x128xi32, #tpu.memory_space<vmem>> -> memref<1x128xi32, #tpu.memory_space<vmem>>
      %dma_start3A_259 = tpu.memref_squeeze %dma_start3A_258 : memref<1x128xi32, #tpu.memory_space<vmem>> -> memref<128xi32, #tpu.memory_space<vmem>>
      %dma_start3A_260 = arith.constant 0 : i32
      %dma_start3A_261 = arith.constant 0 : i32
      %dma_start3A_262 = tpu.memref_slice %arg2[%dma_start3A_260, %dma_start3A_261] : memref<20000x64xf32, #tpu.memory_space<hbm>> -> memref<20000x64xf32, #tpu.memory_space<hbm>>
      tpu.enqueue_indirect_dma source(%dma_start3A_262 : memref<20000x64xf32, #tpu.memory_space<hbm>>) target(%dma_start3A_256 : memref<128x64xf32, #tpu.memory_space<vmem>>) offsets(%dma_start3A_259 : memref<128xi32, #tpu.memory_space<vmem>>) semaphore(%arg16 : memref<!tpu.dma_semaphore, #tpu.memory_space<semaphore_mem>>)
      %dma_start3A_263 = arith.constant 1 : i32
      %dma_start3A_264 = arith.constant 128 : i32
      %dma_start3A_265 = arith.constant 0 : i32
      %dma_start3A_266 = tpu.memref_slice %arg12[%dma_start3A_264, %dma_start3A_265] : memref<512x64xf32, #tpu.memory_space<vmem>> -> memref<128x64xf32, #tpu.memory_space<vmem>>
      %dma_start3A_267 = arith.constant 0 : i32
      %dma_start3A_268 = tpu.memref_slice %arg9[%dma_start3A_263, %dma_start3A_267] : memref<4x128xi32, #tpu.memory_space<vmem>> -> memref<1x128xi32, #tpu.memory_space<vmem>>
      %dma_start3A_269 = tpu.memref_squeeze %dma_start3A_268 : memref<1x128xi32, #tpu.memory_space<vmem>> -> memref<128xi32, #tpu.memory_space<vmem>>
      %dma_start3A_270 = arith.constant 0 : i32
      %dma_start3A_271 = arith.constant 0 : i32
      %dma_start3A_272 = tpu.memref_slice %arg2[%dma_start3A_270, %dma_start3A_271] : memref<20000x64xf32, #tpu.memory_space<hbm>> -> memref<20000x64xf32, #tpu.memory_space<hbm>>
      tpu.enqueue_indirect_dma source(%dma_start3A_272 : memref<20000x64xf32, #tpu.memory_space<hbm>>) target(%dma_start3A_266 : memref<128x64xf32, #tpu.memory_space<vmem>>) offsets(%dma_start3A_269 : memref<128xi32, #tpu.memory_space<vmem>>) semaphore(%arg16 : memref<!tpu.dma_semaphore, #tpu.memory_space<semaphore_mem>>)
      %dma_start3A_273 = arith.constant 2 : i32
      %dma_start3A_274 = arith.constant 256 : i32
      %dma_start3A_275 = arith.constant 0 : i32
      %dma_start3A_276 = tpu.memref_slice %arg12[%dma_start3A_274, %dma_start3A_275] : memref<512x64xf32, #tpu.memory_space<vmem>> -> memref<128x64xf32, #tpu.memory_space<vmem>>
      %dma_start3A_277 = arith.constant 0 : i32
      %dma_start3A_278 = tpu.memref_slice %arg9[%dma_start3A_273, %dma_start3A_277] : memref<4x128xi32, #tpu.memory_space<vmem>> -> memref<1x128xi32, #tpu.memory_space<vmem>>
      %dma_start3A_279 = tpu.memref_squeeze %dma_start3A_278 : memref<1x128xi32, #tpu.memory_space<vmem>> -> memref<128xi32, #tpu.memory_space<vmem>>
      %dma_start3A_280 = arith.constant 0 : i32
      %dma_start3A_281 = arith.constant 0 : i32
      %dma_start3A_282 = tpu.memref_slice %arg2[%dma_start3A_280, %dma_start3A_281] : memref<20000x64xf32, #tpu.memory_space<hbm>> -> memref<20000x64xf32, #tpu.memory_space<hbm>>
      tpu.enqueue_indirect_dma source(%dma_start3A_282 : memref<20000x64xf32, #tpu.memory_space<hbm>>) target(%dma_start3A_276 : memref<128x64xf32, #tpu.memory_space<vmem>>) offsets(%dma_start3A_279 : memref<128xi32, #tpu.memory_space<vmem>>) semaphore(%arg16 : memref<!tpu.dma_semaphore, #tpu.memory_space<semaphore_mem>>)
      %dma_start3A_283 = arith.constant 3 : i32
      %dma_start3A_284 = arith.constant 384 : i32
      %dma_start3A_285 = arith.constant 0 : i32
      %dma_start3A_286 = tpu.memref_slice %arg12[%dma_start3A_284, %dma_start3A_285] : memref<512x64xf32, #tpu.memory_space<vmem>> -> memref<128x64xf32, #tpu.memory_space<vmem>>
      %dma_start3A_287 = arith.constant 0 : i32
      %dma_start3A_288 = tpu.memref_slice %arg9[%dma_start3A_283, %dma_start3A_287] : memref<4x128xi32, #tpu.memory_space<vmem>> -> memref<1x128xi32, #tpu.memory_space<vmem>>
      %dma_start3A_289 = tpu.memref_squeeze %dma_start3A_288 : memref<1x128xi32, #tpu.memory_space<vmem>> -> memref<128xi32, #tpu.memory_space<vmem>>
      %dma_start3A_290 = arith.constant 0 : i32
      %dma_start3A_291 = arith.constant 0 : i32
      %dma_start3A_292 = tpu.memref_slice %arg2[%dma_start3A_290, %dma_start3A_291] : memref<20000x64xf32, #tpu.memory_space<hbm>> -> memref<20000x64xf32, #tpu.memory_space<hbm>>
      tpu.enqueue_indirect_dma source(%dma_start3A_292 : memref<20000x64xf32, #tpu.memory_space<hbm>>) target(%dma_start3A_286 : memref<128x64xf32, #tpu.memory_space<vmem>>) offsets(%dma_start3A_289 : memref<128xi32, #tpu.memory_space<vmem>>) semaphore(%arg16 : memref<!tpu.dma_semaphore, #tpu.memory_space<semaphore_mem>>)
      %run_scoped3A = arith.constant 0 : i32
      "tpu.region"() ({
        %run_scoped3A_400 = tpu.sem_alloc : memref<!tpu.dma_semaphore, #tpu.memory_space<semaphore_mem>>
        %dma_start3A_401 = arith.constant 0 : i32
        %dma_start3A_402 = arith.constant 0 : i32
        %dma_start3A_403 = tpu.memref_slice %arg11[%dma_start3A_401, %dma_start3A_402] : memref<512x64xf32, #tpu.memory_space<vmem>> -> memref<128x64xf32, #tpu.memory_space<vmem>>
        %dma_start3A_404 = arith.constant 0 : i32
        %dma_start3A_405 = tpu.memref_slice %arg8[%run_scoped3A, %dma_start3A_404] : memref<4x128xi32, #tpu.memory_space<vmem>> -> memref<1x128xi32, #tpu.memory_space<vmem>>
        %dma_start3A_406 = tpu.memref_squeeze %dma_start3A_405 : memref<1x128xi32, #tpu.memory_space<vmem>> -> memref<128xi32, #tpu.memory_space<vmem>>
        %dma_start3A_407 = arith.constant 0 : i32
        %dma_start3A_408 = arith.constant 0 : i32
        %dma_start3A_409 = tpu.memref_slice %arg14[%dma_start3A_407, %dma_start3A_408] : memref<10512x64xf32, #tpu.memory_space<vmem_shared>> -> memref<10512x64xf32, #tpu.memory_space<vmem_shared>>
        tpu.enqueue_indirect_dma source(%dma_start3A_403 : memref<128x64xf32, #tpu.memory_space<vmem>>) target(%dma_start3A_409 : memref<10512x64xf32, #tpu.memory_space<vmem_shared>>) offsets(%dma_start3A_406 : memref<128xi32, #tpu.memory_space<vmem>>) semaphore(%run_scoped3A_400 : memref<!tpu.dma_semaphore, #tpu.memory_space<semaphore_mem>>) {add = true}
        %dma_wait3A_410 = arith.constant 0 : i32
        %dma_wait3A_411 = arith.constant 0 : i32
        %dma_wait3A_412 = tpu.memref_slice %arg11[%dma_wait3A_410, %dma_wait3A_411] : memref<512x64xf32, #tpu.memory_space<vmem>> -> memref<128x64xf32, #tpu.memory_space<vmem>>
        %dma_wait3A_413 = arith.constant 0 : i32
        %dma_wait3A_414 = tpu.memref_slice %arg8[%run_scoped3A, %dma_wait3A_413] : memref<4x128xi32, #tpu.memory_space<vmem>> -> memref<1x128xi32, #tpu.memory_space<vmem>>
        %dma_wait3A_415 = tpu.memref_squeeze %dma_wait3A_414 : memref<1x128xi32, #tpu.memory_space<vmem>> -> memref<128xi32, #tpu.memory_space<vmem>>
        %dma_wait3A_416 = arith.constant 0 : i32
        %dma_wait3A_417 = arith.constant 0 : i32
        %dma_wait3A_418 = tpu.memref_slice %arg14[%dma_wait3A_416, %dma_wait3A_417] : memref<10512x64xf32, #tpu.memory_space<vmem_shared>> -> memref<10512x64xf32, #tpu.memory_space<vmem_shared>>
        tpu.wait_indirect_dma semaphore(%run_scoped3A_400 : memref<!tpu.dma_semaphore, #tpu.memory_space<semaphore_mem>>) src(%dma_wait3A_412 : memref<128x64xf32, #tpu.memory_space<vmem>>) dst(%dma_wait3A_418 : memref<10512x64xf32, #tpu.memory_space<vmem_shared>>)
        tpu.yield
      }) : () -> ()
      %run_scoped3A_293 = arith.constant 1 : i32
      "tpu.region"() ({
        %run_scoped3A_400 = tpu.sem_alloc : memref<!tpu.dma_semaphore, #tpu.memory_space<semaphore_mem>>
        %dma_start3A_401 = arith.constant 128 : i32
        %dma_start3A_402 = arith.constant 0 : i32
        %dma_start3A_403 = tpu.memref_slice %arg11[%dma_start3A_401, %dma_start3A_402] : memref<512x64xf32, #tpu.memory_space<vmem>> -> memref<128x64xf32, #tpu.memory_space<vmem>>
        %dma_start3A_404 = arith.constant 0 : i32
        %dma_start3A_405 = tpu.memref_slice %arg8[%run_scoped3A_293, %dma_start3A_404] : memref<4x128xi32, #tpu.memory_space<vmem>> -> memref<1x128xi32, #tpu.memory_space<vmem>>
        %dma_start3A_406 = tpu.memref_squeeze %dma_start3A_405 : memref<1x128xi32, #tpu.memory_space<vmem>> -> memref<128xi32, #tpu.memory_space<vmem>>
        %dma_start3A_407 = arith.constant 0 : i32
        %dma_start3A_408 = arith.constant 0 : i32
        %dma_start3A_409 = tpu.memref_slice %arg14[%dma_start3A_407, %dma_start3A_408] : memref<10512x64xf32, #tpu.memory_space<vmem_shared>> -> memref<10512x64xf32, #tpu.memory_space<vmem_shared>>
        tpu.enqueue_indirect_dma source(%dma_start3A_403 : memref<128x64xf32, #tpu.memory_space<vmem>>) target(%dma_start3A_409 : memref<10512x64xf32, #tpu.memory_space<vmem_shared>>) offsets(%dma_start3A_406 : memref<128xi32, #tpu.memory_space<vmem>>) semaphore(%run_scoped3A_400 : memref<!tpu.dma_semaphore, #tpu.memory_space<semaphore_mem>>) {add = true}
        %dma_wait3A_410 = arith.constant 128 : i32
        %dma_wait3A_411 = arith.constant 0 : i32
        %dma_wait3A_412 = tpu.memref_slice %arg11[%dma_wait3A_410, %dma_wait3A_411] : memref<512x64xf32, #tpu.memory_space<vmem>> -> memref<128x64xf32, #tpu.memory_space<vmem>>
        %dma_wait3A_413 = arith.constant 0 : i32
        %dma_wait3A_414 = tpu.memref_slice %arg8[%run_scoped3A_293, %dma_wait3A_413] : memref<4x128xi32, #tpu.memory_space<vmem>> -> memref<1x128xi32, #tpu.memory_space<vmem>>
        %dma_wait3A_415 = tpu.memref_squeeze %dma_wait3A_414 : memref<1x128xi32, #tpu.memory_space<vmem>> -> memref<128xi32, #tpu.memory_space<vmem>>
        %dma_wait3A_416 = arith.constant 0 : i32
        %dma_wait3A_417 = arith.constant 0 : i32
        %dma_wait3A_418 = tpu.memref_slice %arg14[%dma_wait3A_416, %dma_wait3A_417] : memref<10512x64xf32, #tpu.memory_space<vmem_shared>> -> memref<10512x64xf32, #tpu.memory_space<vmem_shared>>
        tpu.wait_indirect_dma semaphore(%run_scoped3A_400 : memref<!tpu.dma_semaphore, #tpu.memory_space<semaphore_mem>>) src(%dma_wait3A_412 : memref<128x64xf32, #tpu.memory_space<vmem>>) dst(%dma_wait3A_418 : memref<10512x64xf32, #tpu.memory_space<vmem_shared>>)
        tpu.yield
      }) : () -> ()
      %run_scoped3A_294 = arith.constant 2 : i32
      "tpu.region"() ({
        %run_scoped3A_400 = tpu.sem_alloc : memref<!tpu.dma_semaphore, #tpu.memory_space<semaphore_mem>>
        %dma_start3A_401 = arith.constant 256 : i32
        %dma_start3A_402 = arith.constant 0 : i32
        %dma_start3A_403 = tpu.memref_slice %arg11[%dma_start3A_401, %dma_start3A_402] : memref<512x64xf32, #tpu.memory_space<vmem>> -> memref<128x64xf32, #tpu.memory_space<vmem>>
        %dma_start3A_404 = arith.constant 0 : i32
        %dma_start3A_405 = tpu.memref_slice %arg8[%run_scoped3A_294, %dma_start3A_404] : memref<4x128xi32, #tpu.memory_space<vmem>> -> memref<1x128xi32, #tpu.memory_space<vmem>>
        %dma_start3A_406 = tpu.memref_squeeze %dma_start3A_405 : memref<1x128xi32, #tpu.memory_space<vmem>> -> memref<128xi32, #tpu.memory_space<vmem>>
        %dma_start3A_407 = arith.constant 0 : i32
        %dma_start3A_408 = arith.constant 0 : i32
        %dma_start3A_409 = tpu.memref_slice %arg14[%dma_start3A_407, %dma_start3A_408] : memref<10512x64xf32, #tpu.memory_space<vmem_shared>> -> memref<10512x64xf32, #tpu.memory_space<vmem_shared>>
        tpu.enqueue_indirect_dma source(%dma_start3A_403 : memref<128x64xf32, #tpu.memory_space<vmem>>) target(%dma_start3A_409 : memref<10512x64xf32, #tpu.memory_space<vmem_shared>>) offsets(%dma_start3A_406 : memref<128xi32, #tpu.memory_space<vmem>>) semaphore(%run_scoped3A_400 : memref<!tpu.dma_semaphore, #tpu.memory_space<semaphore_mem>>) {add = true}
        %dma_wait3A_410 = arith.constant 256 : i32
        %dma_wait3A_411 = arith.constant 0 : i32
        %dma_wait3A_412 = tpu.memref_slice %arg11[%dma_wait3A_410, %dma_wait3A_411] : memref<512x64xf32, #tpu.memory_space<vmem>> -> memref<128x64xf32, #tpu.memory_space<vmem>>
        %dma_wait3A_413 = arith.constant 0 : i32
        %dma_wait3A_414 = tpu.memref_slice %arg8[%run_scoped3A_294, %dma_wait3A_413] : memref<4x128xi32, #tpu.memory_space<vmem>> -> memref<1x128xi32, #tpu.memory_space<vmem>>
        %dma_wait3A_415 = tpu.memref_squeeze %dma_wait3A_414 : memref<1x128xi32, #tpu.memory_space<vmem>> -> memref<128xi32, #tpu.memory_space<vmem>>
        %dma_wait3A_416 = arith.constant 0 : i32
        %dma_wait3A_417 = arith.constant 0 : i32
        %dma_wait3A_418 = tpu.memref_slice %arg14[%dma_wait3A_416, %dma_wait3A_417] : memref<10512x64xf32, #tpu.memory_space<vmem_shared>> -> memref<10512x64xf32, #tpu.memory_space<vmem_shared>>
        tpu.wait_indirect_dma semaphore(%run_scoped3A_400 : memref<!tpu.dma_semaphore, #tpu.memory_space<semaphore_mem>>) src(%dma_wait3A_412 : memref<128x64xf32, #tpu.memory_space<vmem>>) dst(%dma_wait3A_418 : memref<10512x64xf32, #tpu.memory_space<vmem_shared>>)
        tpu.yield
      }) : () -> ()
      %run_scoped3A_295 = arith.constant 3 : i32
      "tpu.region"() ({
        %run_scoped3A_400 = tpu.sem_alloc : memref<!tpu.dma_semaphore, #tpu.memory_space<semaphore_mem>>
        %dma_start3A_401 = arith.constant 384 : i32
        %dma_start3A_402 = arith.constant 0 : i32
        %dma_start3A_403 = tpu.memref_slice %arg11[%dma_start3A_401, %dma_start3A_402] : memref<512x64xf32, #tpu.memory_space<vmem>> -> memref<128x64xf32, #tpu.memory_space<vmem>>
        %dma_start3A_404 = arith.constant 0 : i32
        %dma_start3A_405 = tpu.memref_slice %arg8[%run_scoped3A_295, %dma_start3A_404] : memref<4x128xi32, #tpu.memory_space<vmem>> -> memref<1x128xi32, #tpu.memory_space<vmem>>
        %dma_start3A_406 = tpu.memref_squeeze %dma_start3A_405 : memref<1x128xi32, #tpu.memory_space<vmem>> -> memref<128xi32, #tpu.memory_space<vmem>>
        %dma_start3A_407 = arith.constant 0 : i32
        %dma_start3A_408 = arith.constant 0 : i32
        %dma_start3A_409 = tpu.memref_slice %arg14[%dma_start3A_407, %dma_start3A_408] : memref<10512x64xf32, #tpu.memory_space<vmem_shared>> -> memref<10512x64xf32, #tpu.memory_space<vmem_shared>>
        tpu.enqueue_indirect_dma source(%dma_start3A_403 : memref<128x64xf32, #tpu.memory_space<vmem>>) target(%dma_start3A_409 : memref<10512x64xf32, #tpu.memory_space<vmem_shared>>) offsets(%dma_start3A_406 : memref<128xi32, #tpu.memory_space<vmem>>) semaphore(%run_scoped3A_400 : memref<!tpu.dma_semaphore, #tpu.memory_space<semaphore_mem>>) {add = true}
        %dma_wait3A_410 = arith.constant 384 : i32
        %dma_wait3A_411 = arith.constant 0 : i32
        %dma_wait3A_412 = tpu.memref_slice %arg11[%dma_wait3A_410, %dma_wait3A_411] : memref<512x64xf32, #tpu.memory_space<vmem>> -> memref<128x64xf32, #tpu.memory_space<vmem>>
        %dma_wait3A_413 = arith.constant 0 : i32
        %dma_wait3A_414 = tpu.memref_slice %arg8[%run_scoped3A_295, %dma_wait3A_413] : memref<4x128xi32, #tpu.memory_space<vmem>> -> memref<1x128xi32, #tpu.memory_space<vmem>>
        %dma_wait3A_415 = tpu.memref_squeeze %dma_wait3A_414 : memref<1x128xi32, #tpu.memory_space<vmem>> -> memref<128xi32, #tpu.memory_space<vmem>>
        %dma_wait3A_416 = arith.constant 0 : i32
        %dma_wait3A_417 = arith.constant 0 : i32
        %dma_wait3A_418 = tpu.memref_slice %arg14[%dma_wait3A_416, %dma_wait3A_417] : memref<10512x64xf32, #tpu.memory_space<vmem_shared>> -> memref<10512x64xf32, #tpu.memory_space<vmem_shared>>
        tpu.wait_indirect_dma semaphore(%run_scoped3A_400 : memref<!tpu.dma_semaphore, #tpu.memory_space<semaphore_mem>>) src(%dma_wait3A_412 : memref<128x64xf32, #tpu.memory_space<vmem>>) dst(%dma_wait3A_418 : memref<10512x64xf32, #tpu.memory_space<vmem_shared>>)
        tpu.yield
      }) : () -> ()
      %add3A_296 = arith.constant 2 : i32
      %add3A_297 = arith.addi %mul3A_197, %add3A_296 : i32
      %mul3A_298 = arith.constant 4 : i32
      %mul3A_299 = arith.muli %add3A_297, %mul3A_298 : i32
      %add3A_300 = arith.addi %mul3A_25, %mul3A_299 : i32
      "tpu.region"() ({
        %run_scoped3A_400 = tpu.sem_alloc : memref<!tpu.dma_semaphore, #tpu.memory_space<semaphore_mem>>
        %dma_start3A_401 = arith.constant 0 : i32
        %dma_start3A_402 = tpu.memref_slice %arg3[%arg0, %add3A_300, %dma_start3A_401] : memref<2x2568x128xi32, #tpu.memory_space<hbm>> -> memref<1x4x128xi32, #tpu.memory_space<hbm>>
        %dma_start3A_403 = tpu.memref_squeeze %dma_start3A_402 : memref<1x4x128xi32, #tpu.memory_space<hbm>> -> memref<4x128xi32, #tpu.memory_space<hbm>>
        %dma_start3A_404 = arith.constant 0 : i32
        %dma_start3A_405 = tpu.memref_slice %arg3[%arg0, %add3A_300, %dma_start3A_404] : memref<2x2568x128xi32, #tpu.memory_space<hbm>> -> memref<1x4x128xi32, #tpu.memory_space<hbm>>
        %dma_start3A_406 = tpu.memref_squeeze %dma_start3A_405 : memref<1x4x128xi32, #tpu.memory_space<hbm>> -> memref<4x128xi32, #tpu.memory_space<hbm>>
        tpu.enqueue_dma source(%dma_start3A_406 : memref<4x128xi32, #tpu.memory_space<hbm>>) target(%arg7 : memref<4x128xi32, #tpu.memory_space<vmem>>) target_semaphore(%run_scoped3A_400 : memref<!tpu.dma_semaphore, #tpu.memory_space<semaphore_mem>>)
        %dma_wait3A_407 = arith.constant 0 : i32
        %dma_wait3A_408 = tpu.memref_slice %arg3[%arg0, %add3A_300, %dma_wait3A_407] : memref<2x2568x128xi32, #tpu.memory_space<hbm>> -> memref<1x4x128xi32, #tpu.memory_space<hbm>>
        %dma_wait3A_409 = tpu.memref_squeeze %dma_wait3A_408 : memref<1x4x128xi32, #tpu.memory_space<hbm>> -> memref<4x128xi32, #tpu.memory_space<hbm>>
        %dma_wait3A_410 = arith.constant 0 : i32
        %dma_wait3A_411 = tpu.memref_slice %arg3[%arg0, %add3A_300, %dma_wait3A_410] : memref<2x2568x128xi32, #tpu.memory_space<hbm>> -> memref<1x4x128xi32, #tpu.memory_space<hbm>>
        %dma_wait3A_412 = tpu.memref_squeeze %dma_wait3A_411 : memref<1x4x128xi32, #tpu.memory_space<hbm>> -> memref<4x128xi32, #tpu.memory_space<hbm>>
        tpu.wait_dma2 semaphore(%run_scoped3A_400 : memref<!tpu.dma_semaphore, #tpu.memory_space<semaphore_mem>>) src(%dma_wait3A_412 : memref<4x128xi32, #tpu.memory_space<hbm>>) dst(%arg7 : memref<4x128xi32, #tpu.memory_space<vmem>>)
        tpu.yield
      }) : () -> ()
      "tpu.region"() ({
        %run_scoped3A_400 = tpu.sem_alloc : memref<!tpu.dma_semaphore, #tpu.memory_space<semaphore_mem>>
        %dma_start3A_401 = arith.constant 0 : i32
        %dma_start3A_402 = tpu.memref_slice %arg4[%add3A_300, %dma_start3A_401] : memref<2568x128xi32, #tpu.memory_space<hbm>> -> memref<4x128xi32, #tpu.memory_space<hbm>>
        %dma_start3A_403 = arith.constant 0 : i32
        %dma_start3A_404 = tpu.memref_slice %arg4[%add3A_300, %dma_start3A_403] : memref<2568x128xi32, #tpu.memory_space<hbm>> -> memref<4x128xi32, #tpu.memory_space<hbm>>
        tpu.enqueue_dma source(%dma_start3A_404 : memref<4x128xi32, #tpu.memory_space<hbm>>) target(%arg8 : memref<4x128xi32, #tpu.memory_space<vmem>>) target_semaphore(%run_scoped3A_400 : memref<!tpu.dma_semaphore, #tpu.memory_space<semaphore_mem>>)
        %dma_wait3A_405 = arith.constant 0 : i32
        %dma_wait3A_406 = tpu.memref_slice %arg4[%add3A_300, %dma_wait3A_405] : memref<2568x128xi32, #tpu.memory_space<hbm>> -> memref<4x128xi32, #tpu.memory_space<hbm>>
        %dma_wait3A_407 = arith.constant 0 : i32
        %dma_wait3A_408 = tpu.memref_slice %arg4[%add3A_300, %dma_wait3A_407] : memref<2568x128xi32, #tpu.memory_space<hbm>> -> memref<4x128xi32, #tpu.memory_space<hbm>>
        tpu.wait_dma2 semaphore(%run_scoped3A_400 : memref<!tpu.dma_semaphore, #tpu.memory_space<semaphore_mem>>) src(%dma_wait3A_408 : memref<4x128xi32, #tpu.memory_space<hbm>>) dst(%arg8 : memref<4x128xi32, #tpu.memory_space<vmem>>)
        tpu.yield
      }) : () -> ()
      %dma_wait3A_301 = arith.constant 0 : i32
      %dma_wait3A_302 = arith.constant 0 : i32
      %dma_wait3A_303 = arith.constant 0 : i32
      %dma_wait3A_304 = tpu.memref_slice %arg12[%dma_wait3A_302, %dma_wait3A_303] : memref<512x64xf32, #tpu.memory_space<vmem>> -> memref<128x64xf32, #tpu.memory_space<vmem>>
      %dma_wait3A_305 = arith.constant 0 : i32
      %dma_wait3A_306 = tpu.memref_slice %arg9[%dma_wait3A_301, %dma_wait3A_305] : memref<4x128xi32, #tpu.memory_space<vmem>> -> memref<1x128xi32, #tpu.memory_space<vmem>>
      %dma_wait3A_307 = tpu.memref_squeeze %dma_wait3A_306 : memref<1x128xi32, #tpu.memory_space<vmem>> -> memref<128xi32, #tpu.memory_space<vmem>>
      %dma_wait3A_308 = arith.constant 0 : i32
      %dma_wait3A_309 = arith.constant 0 : i32
      %dma_wait3A_310 = tpu.memref_slice %arg2[%dma_wait3A_308, %dma_wait3A_309] : memref<20000x64xf32, #tpu.memory_space<hbm>> -> memref<20000x64xf32, #tpu.memory_space<hbm>>
      tpu.wait_indirect_dma semaphore(%arg16 : memref<!tpu.dma_semaphore, #tpu.memory_space<semaphore_mem>>) src(%dma_wait3A_310 : memref<20000x64xf32, #tpu.memory_space<hbm>>) dst(%dma_wait3A_304 : memref<128x64xf32, #tpu.memory_space<vmem>>)
      %dma_wait3A_311 = arith.constant 1 : i32
      %dma_wait3A_312 = arith.constant 128 : i32
      %dma_wait3A_313 = arith.constant 0 : i32
      %dma_wait3A_314 = tpu.memref_slice %arg12[%dma_wait3A_312, %dma_wait3A_313] : memref<512x64xf32, #tpu.memory_space<vmem>> -> memref<128x64xf32, #tpu.memory_space<vmem>>
      %dma_wait3A_315 = arith.constant 0 : i32
      %dma_wait3A_316 = tpu.memref_slice %arg9[%dma_wait3A_311, %dma_wait3A_315] : memref<4x128xi32, #tpu.memory_space<vmem>> -> memref<1x128xi32, #tpu.memory_space<vmem>>
      %dma_wait3A_317 = tpu.memref_squeeze %dma_wait3A_316 : memref<1x128xi32, #tpu.memory_space<vmem>> -> memref<128xi32, #tpu.memory_space<vmem>>
      %dma_wait3A_318 = arith.constant 0 : i32
      %dma_wait3A_319 = arith.constant 0 : i32
      %dma_wait3A_320 = tpu.memref_slice %arg2[%dma_wait3A_318, %dma_wait3A_319] : memref<20000x64xf32, #tpu.memory_space<hbm>> -> memref<20000x64xf32, #tpu.memory_space<hbm>>
      tpu.wait_indirect_dma semaphore(%arg16 : memref<!tpu.dma_semaphore, #tpu.memory_space<semaphore_mem>>) src(%dma_wait3A_320 : memref<20000x64xf32, #tpu.memory_space<hbm>>) dst(%dma_wait3A_314 : memref<128x64xf32, #tpu.memory_space<vmem>>)
      %dma_wait3A_321 = arith.constant 2 : i32
      %dma_wait3A_322 = arith.constant 256 : i32
      %dma_wait3A_323 = arith.constant 0 : i32
      %dma_wait3A_324 = tpu.memref_slice %arg12[%dma_wait3A_322, %dma_wait3A_323] : memref<512x64xf32, #tpu.memory_space<vmem>> -> memref<128x64xf32, #tpu.memory_space<vmem>>
      %dma_wait3A_325 = arith.constant 0 : i32
      %dma_wait3A_326 = tpu.memref_slice %arg9[%dma_wait3A_321, %dma_wait3A_325] : memref<4x128xi32, #tpu.memory_space<vmem>> -> memref<1x128xi32, #tpu.memory_space<vmem>>
      %dma_wait3A_327 = tpu.memref_squeeze %dma_wait3A_326 : memref<1x128xi32, #tpu.memory_space<vmem>> -> memref<128xi32, #tpu.memory_space<vmem>>
      %dma_wait3A_328 = arith.constant 0 : i32
      %dma_wait3A_329 = arith.constant 0 : i32
      %dma_wait3A_330 = tpu.memref_slice %arg2[%dma_wait3A_328, %dma_wait3A_329] : memref<20000x64xf32, #tpu.memory_space<hbm>> -> memref<20000x64xf32, #tpu.memory_space<hbm>>
      tpu.wait_indirect_dma semaphore(%arg16 : memref<!tpu.dma_semaphore, #tpu.memory_space<semaphore_mem>>) src(%dma_wait3A_330 : memref<20000x64xf32, #tpu.memory_space<hbm>>) dst(%dma_wait3A_324 : memref<128x64xf32, #tpu.memory_space<vmem>>)
      %dma_wait3A_331 = arith.constant 3 : i32
      %dma_wait3A_332 = arith.constant 384 : i32
      %dma_wait3A_333 = arith.constant 0 : i32
      %dma_wait3A_334 = tpu.memref_slice %arg12[%dma_wait3A_332, %dma_wait3A_333] : memref<512x64xf32, #tpu.memory_space<vmem>> -> memref<128x64xf32, #tpu.memory_space<vmem>>
      %dma_wait3A_335 = arith.constant 0 : i32
      %dma_wait3A_336 = tpu.memref_slice %arg9[%dma_wait3A_331, %dma_wait3A_335] : memref<4x128xi32, #tpu.memory_space<vmem>> -> memref<1x128xi32, #tpu.memory_space<vmem>>
      %dma_wait3A_337 = tpu.memref_squeeze %dma_wait3A_336 : memref<1x128xi32, #tpu.memory_space<vmem>> -> memref<128xi32, #tpu.memory_space<vmem>>
      %dma_wait3A_338 = arith.constant 0 : i32
      %dma_wait3A_339 = arith.constant 0 : i32
      %dma_wait3A_340 = tpu.memref_slice %arg2[%dma_wait3A_338, %dma_wait3A_339] : memref<20000x64xf32, #tpu.memory_space<hbm>> -> memref<20000x64xf32, #tpu.memory_space<hbm>>
      tpu.wait_indirect_dma semaphore(%arg16 : memref<!tpu.dma_semaphore, #tpu.memory_space<semaphore_mem>>) src(%dma_wait3A_340 : memref<20000x64xf32, #tpu.memory_space<hbm>>) dst(%dma_wait3A_334 : memref<128x64xf32, #tpu.memory_space<vmem>>)
      %dma_start3A_341 = arith.constant 0 : i32
      %dma_start3A_342 = arith.constant 0 : i32
      %dma_start3A_343 = arith.constant 0 : i32
      %dma_start3A_344 = tpu.memref_slice %arg11[%dma_start3A_342, %dma_start3A_343] : memref<512x64xf32, #tpu.memory_space<vmem>> -> memref<128x64xf32, #tpu.memory_space<vmem>>
      %dma_start3A_345 = arith.constant 0 : i32
      %dma_start3A_346 = tpu.memref_slice %arg7[%dma_start3A_341, %dma_start3A_345] : memref<4x128xi32, #tpu.memory_space<vmem>> -> memref<1x128xi32, #tpu.memory_space<vmem>>
      %dma_start3A_347 = tpu.memref_squeeze %dma_start3A_346 : memref<1x128xi32, #tpu.memory_space<vmem>> -> memref<128xi32, #tpu.memory_space<vmem>>
      %dma_start3A_348 = arith.constant 0 : i32
      %dma_start3A_349 = arith.constant 0 : i32
      %dma_start3A_350 = tpu.memref_slice %arg2[%dma_start3A_348, %dma_start3A_349] : memref<20000x64xf32, #tpu.memory_space<hbm>> -> memref<20000x64xf32, #tpu.memory_space<hbm>>
      tpu.enqueue_indirect_dma source(%dma_start3A_350 : memref<20000x64xf32, #tpu.memory_space<hbm>>) target(%dma_start3A_344 : memref<128x64xf32, #tpu.memory_space<vmem>>) offsets(%dma_start3A_347 : memref<128xi32, #tpu.memory_space<vmem>>) semaphore(%arg15 : memref<!tpu.dma_semaphore, #tpu.memory_space<semaphore_mem>>)
      %dma_start3A_351 = arith.constant 1 : i32
      %dma_start3A_352 = arith.constant 128 : i32
      %dma_start3A_353 = arith.constant 0 : i32
      %dma_start3A_354 = tpu.memref_slice %arg11[%dma_start3A_352, %dma_start3A_353] : memref<512x64xf32, #tpu.memory_space<vmem>> -> memref<128x64xf32, #tpu.memory_space<vmem>>
      %dma_start3A_355 = arith.constant 0 : i32
      %dma_start3A_356 = tpu.memref_slice %arg7[%dma_start3A_351, %dma_start3A_355] : memref<4x128xi32, #tpu.memory_space<vmem>> -> memref<1x128xi32, #tpu.memory_space<vmem>>
      %dma_start3A_357 = tpu.memref_squeeze %dma_start3A_356 : memref<1x128xi32, #tpu.memory_space<vmem>> -> memref<128xi32, #tpu.memory_space<vmem>>
      %dma_start3A_358 = arith.constant 0 : i32
      %dma_start3A_359 = arith.constant 0 : i32
      %dma_start3A_360 = tpu.memref_slice %arg2[%dma_start3A_358, %dma_start3A_359] : memref<20000x64xf32, #tpu.memory_space<hbm>> -> memref<20000x64xf32, #tpu.memory_space<hbm>>
      tpu.enqueue_indirect_dma source(%dma_start3A_360 : memref<20000x64xf32, #tpu.memory_space<hbm>>) target(%dma_start3A_354 : memref<128x64xf32, #tpu.memory_space<vmem>>) offsets(%dma_start3A_357 : memref<128xi32, #tpu.memory_space<vmem>>) semaphore(%arg15 : memref<!tpu.dma_semaphore, #tpu.memory_space<semaphore_mem>>)
      %dma_start3A_361 = arith.constant 2 : i32
      %dma_start3A_362 = arith.constant 256 : i32
      %dma_start3A_363 = arith.constant 0 : i32
      %dma_start3A_364 = tpu.memref_slice %arg11[%dma_start3A_362, %dma_start3A_363] : memref<512x64xf32, #tpu.memory_space<vmem>> -> memref<128x64xf32, #tpu.memory_space<vmem>>
      %dma_start3A_365 = arith.constant 0 : i32
      %dma_start3A_366 = tpu.memref_slice %arg7[%dma_start3A_361, %dma_start3A_365] : memref<4x128xi32, #tpu.memory_space<vmem>> -> memref<1x128xi32, #tpu.memory_space<vmem>>
      %dma_start3A_367 = tpu.memref_squeeze %dma_start3A_366 : memref<1x128xi32, #tpu.memory_space<vmem>> -> memref<128xi32, #tpu.memory_space<vmem>>
      %dma_start3A_368 = arith.constant 0 : i32
      %dma_start3A_369 = arith.constant 0 : i32
      %dma_start3A_370 = tpu.memref_slice %arg2[%dma_start3A_368, %dma_start3A_369] : memref<20000x64xf32, #tpu.memory_space<hbm>> -> memref<20000x64xf32, #tpu.memory_space<hbm>>
      tpu.enqueue_indirect_dma source(%dma_start3A_370 : memref<20000x64xf32, #tpu.memory_space<hbm>>) target(%dma_start3A_364 : memref<128x64xf32, #tpu.memory_space<vmem>>) offsets(%dma_start3A_367 : memref<128xi32, #tpu.memory_space<vmem>>) semaphore(%arg15 : memref<!tpu.dma_semaphore, #tpu.memory_space<semaphore_mem>>)
      %dma_start3A_371 = arith.constant 3 : i32
      %dma_start3A_372 = arith.constant 384 : i32
      %dma_start3A_373 = arith.constant 0 : i32
      %dma_start3A_374 = tpu.memref_slice %arg11[%dma_start3A_372, %dma_start3A_373] : memref<512x64xf32, #tpu.memory_space<vmem>> -> memref<128x64xf32, #tpu.memory_space<vmem>>
      %dma_start3A_375 = arith.constant 0 : i32
      %dma_start3A_376 = tpu.memref_slice %arg7[%dma_start3A_371, %dma_start3A_375] : memref<4x128xi32, #tpu.memory_space<vmem>> -> memref<1x128xi32, #tpu.memory_space<vmem>>
      %dma_start3A_377 = tpu.memref_squeeze %dma_start3A_376 : memref<1x128xi32, #tpu.memory_space<vmem>> -> memref<128xi32, #tpu.memory_space<vmem>>
      %dma_start3A_378 = arith.constant 0 : i32
      %dma_start3A_379 = arith.constant 0 : i32
      %dma_start3A_380 = tpu.memref_slice %arg2[%dma_start3A_378, %dma_start3A_379] : memref<20000x64xf32, #tpu.memory_space<hbm>> -> memref<20000x64xf32, #tpu.memory_space<hbm>>
      tpu.enqueue_indirect_dma source(%dma_start3A_380 : memref<20000x64xf32, #tpu.memory_space<hbm>>) target(%dma_start3A_374 : memref<128x64xf32, #tpu.memory_space<vmem>>) offsets(%dma_start3A_377 : memref<128xi32, #tpu.memory_space<vmem>>) semaphore(%arg15 : memref<!tpu.dma_semaphore, #tpu.memory_space<semaphore_mem>>)
      %run_scoped3A_381 = arith.constant 0 : i32
      "tpu.region"() ({
        %run_scoped3A_400 = tpu.sem_alloc : memref<!tpu.dma_semaphore, #tpu.memory_space<semaphore_mem>>
        %dma_start3A_401 = arith.constant 0 : i32
        %dma_start3A_402 = arith.constant 0 : i32
        %dma_start3A_403 = tpu.memref_slice %arg12[%dma_start3A_401, %dma_start3A_402] : memref<512x64xf32, #tpu.memory_space<vmem>> -> memref<128x64xf32, #tpu.memory_space<vmem>>
        %dma_start3A_404 = arith.constant 0 : i32
        %dma_start3A_405 = tpu.memref_slice %arg10[%run_scoped3A_381, %dma_start3A_404] : memref<4x128xi32, #tpu.memory_space<vmem>> -> memref<1x128xi32, #tpu.memory_space<vmem>>
        %dma_start3A_406 = tpu.memref_squeeze %dma_start3A_405 : memref<1x128xi32, #tpu.memory_space<vmem>> -> memref<128xi32, #tpu.memory_space<vmem>>
        %dma_start3A_407 = arith.constant 0 : i32
        %dma_start3A_408 = arith.constant 0 : i32
        %dma_start3A_409 = tpu.memref_slice %arg14[%dma_start3A_407, %dma_start3A_408] : memref<10512x64xf32, #tpu.memory_space<vmem_shared>> -> memref<10512x64xf32, #tpu.memory_space<vmem_shared>>
        tpu.enqueue_indirect_dma source(%dma_start3A_403 : memref<128x64xf32, #tpu.memory_space<vmem>>) target(%dma_start3A_409 : memref<10512x64xf32, #tpu.memory_space<vmem_shared>>) offsets(%dma_start3A_406 : memref<128xi32, #tpu.memory_space<vmem>>) semaphore(%run_scoped3A_400 : memref<!tpu.dma_semaphore, #tpu.memory_space<semaphore_mem>>) {add = true}
        %dma_wait3A_410 = arith.constant 0 : i32
        %dma_wait3A_411 = arith.constant 0 : i32
        %dma_wait3A_412 = tpu.memref_slice %arg12[%dma_wait3A_410, %dma_wait3A_411] : memref<512x64xf32, #tpu.memory_space<vmem>> -> memref<128x64xf32, #tpu.memory_space<vmem>>
        %dma_wait3A_413 = arith.constant 0 : i32
        %dma_wait3A_414 = tpu.memref_slice %arg10[%run_scoped3A_381, %dma_wait3A_413] : memref<4x128xi32, #tpu.memory_space<vmem>> -> memref<1x128xi32, #tpu.memory_space<vmem>>
        %dma_wait3A_415 = tpu.memref_squeeze %dma_wait3A_414 : memref<1x128xi32, #tpu.memory_space<vmem>> -> memref<128xi32, #tpu.memory_space<vmem>>
        %dma_wait3A_416 = arith.constant 0 : i32
        %dma_wait3A_417 = arith.constant 0 : i32
        %dma_wait3A_418 = tpu.memref_slice %arg14[%dma_wait3A_416, %dma_wait3A_417] : memref<10512x64xf32, #tpu.memory_space<vmem_shared>> -> memref<10512x64xf32, #tpu.memory_space<vmem_shared>>
        tpu.wait_indirect_dma semaphore(%run_scoped3A_400 : memref<!tpu.dma_semaphore, #tpu.memory_space<semaphore_mem>>) src(%dma_wait3A_412 : memref<128x64xf32, #tpu.memory_space<vmem>>) dst(%dma_wait3A_418 : memref<10512x64xf32, #tpu.memory_space<vmem_shared>>)
        tpu.yield
      }) : () -> ()
      %run_scoped3A_382 = arith.constant 1 : i32
      "tpu.region"() ({
        %run_scoped3A_400 = tpu.sem_alloc : memref<!tpu.dma_semaphore, #tpu.memory_space<semaphore_mem>>
        %dma_start3A_401 = arith.constant 128 : i32
        %dma_start3A_402 = arith.constant 0 : i32
        %dma_start3A_403 = tpu.memref_slice %arg12[%dma_start3A_401, %dma_start3A_402] : memref<512x64xf32, #tpu.memory_space<vmem>> -> memref<128x64xf32, #tpu.memory_space<vmem>>
        %dma_start3A_404 = arith.constant 0 : i32
        %dma_start3A_405 = tpu.memref_slice %arg10[%run_scoped3A_382, %dma_start3A_404] : memref<4x128xi32, #tpu.memory_space<vmem>> -> memref<1x128xi32, #tpu.memory_space<vmem>>
        %dma_start3A_406 = tpu.memref_squeeze %dma_start3A_405 : memref<1x128xi32, #tpu.memory_space<vmem>> -> memref<128xi32, #tpu.memory_space<vmem>>
        %dma_start3A_407 = arith.constant 0 : i32
        %dma_start3A_408 = arith.constant 0 : i32
        %dma_start3A_409 = tpu.memref_slice %arg14[%dma_start3A_407, %dma_start3A_408] : memref<10512x64xf32, #tpu.memory_space<vmem_shared>> -> memref<10512x64xf32, #tpu.memory_space<vmem_shared>>
        tpu.enqueue_indirect_dma source(%dma_start3A_403 : memref<128x64xf32, #tpu.memory_space<vmem>>) target(%dma_start3A_409 : memref<10512x64xf32, #tpu.memory_space<vmem_shared>>) offsets(%dma_start3A_406 : memref<128xi32, #tpu.memory_space<vmem>>) semaphore(%run_scoped3A_400 : memref<!tpu.dma_semaphore, #tpu.memory_space<semaphore_mem>>) {add = true}
        %dma_wait3A_410 = arith.constant 128 : i32
        %dma_wait3A_411 = arith.constant 0 : i32
        %dma_wait3A_412 = tpu.memref_slice %arg12[%dma_wait3A_410, %dma_wait3A_411] : memref<512x64xf32, #tpu.memory_space<vmem>> -> memref<128x64xf32, #tpu.memory_space<vmem>>
        %dma_wait3A_413 = arith.constant 0 : i32
        %dma_wait3A_414 = tpu.memref_slice %arg10[%run_scoped3A_382, %dma_wait3A_413] : memref<4x128xi32, #tpu.memory_space<vmem>> -> memref<1x128xi32, #tpu.memory_space<vmem>>
        %dma_wait3A_415 = tpu.memref_squeeze %dma_wait3A_414 : memref<1x128xi32, #tpu.memory_space<vmem>> -> memref<128xi32, #tpu.memory_space<vmem>>
        %dma_wait3A_416 = arith.constant 0 : i32
        %dma_wait3A_417 = arith.constant 0 : i32
        %dma_wait3A_418 = tpu.memref_slice %arg14[%dma_wait3A_416, %dma_wait3A_417] : memref<10512x64xf32, #tpu.memory_space<vmem_shared>> -> memref<10512x64xf32, #tpu.memory_space<vmem_shared>>
        tpu.wait_indirect_dma semaphore(%run_scoped3A_400 : memref<!tpu.dma_semaphore, #tpu.memory_space<semaphore_mem>>) src(%dma_wait3A_412 : memref<128x64xf32, #tpu.memory_space<vmem>>) dst(%dma_wait3A_418 : memref<10512x64xf32, #tpu.memory_space<vmem_shared>>)
        tpu.yield
      }) : () -> ()
      %run_scoped3A_383 = arith.constant 2 : i32
      "tpu.region"() ({
        %run_scoped3A_400 = tpu.sem_alloc : memref<!tpu.dma_semaphore, #tpu.memory_space<semaphore_mem>>
        %dma_start3A_401 = arith.constant 256 : i32
        %dma_start3A_402 = arith.constant 0 : i32
        %dma_start3A_403 = tpu.memref_slice %arg12[%dma_start3A_401, %dma_start3A_402] : memref<512x64xf32, #tpu.memory_space<vmem>> -> memref<128x64xf32, #tpu.memory_space<vmem>>
        %dma_start3A_404 = arith.constant 0 : i32
        %dma_start3A_405 = tpu.memref_slice %arg10[%run_scoped3A_383, %dma_start3A_404] : memref<4x128xi32, #tpu.memory_space<vmem>> -> memref<1x128xi32, #tpu.memory_space<vmem>>
        %dma_start3A_406 = tpu.memref_squeeze %dma_start3A_405 : memref<1x128xi32, #tpu.memory_space<vmem>> -> memref<128xi32, #tpu.memory_space<vmem>>
        %dma_start3A_407 = arith.constant 0 : i32
        %dma_start3A_408 = arith.constant 0 : i32
        %dma_start3A_409 = tpu.memref_slice %arg14[%dma_start3A_407, %dma_start3A_408] : memref<10512x64xf32, #tpu.memory_space<vmem_shared>> -> memref<10512x64xf32, #tpu.memory_space<vmem_shared>>
        tpu.enqueue_indirect_dma source(%dma_start3A_403 : memref<128x64xf32, #tpu.memory_space<vmem>>) target(%dma_start3A_409 : memref<10512x64xf32, #tpu.memory_space<vmem_shared>>) offsets(%dma_start3A_406 : memref<128xi32, #tpu.memory_space<vmem>>) semaphore(%run_scoped3A_400 : memref<!tpu.dma_semaphore, #tpu.memory_space<semaphore_mem>>) {add = true}
        %dma_wait3A_410 = arith.constant 256 : i32
        %dma_wait3A_411 = arith.constant 0 : i32
        %dma_wait3A_412 = tpu.memref_slice %arg12[%dma_wait3A_410, %dma_wait3A_411] : memref<512x64xf32, #tpu.memory_space<vmem>> -> memref<128x64xf32, #tpu.memory_space<vmem>>
        %dma_wait3A_413 = arith.constant 0 : i32
        %dma_wait3A_414 = tpu.memref_slice %arg10[%run_scoped3A_383, %dma_wait3A_413] : memref<4x128xi32, #tpu.memory_space<vmem>> -> memref<1x128xi32, #tpu.memory_space<vmem>>
        %dma_wait3A_415 = tpu.memref_squeeze %dma_wait3A_414 : memref<1x128xi32, #tpu.memory_space<vmem>> -> memref<128xi32, #tpu.memory_space<vmem>>
        %dma_wait3A_416 = arith.constant 0 : i32
        %dma_wait3A_417 = arith.constant 0 : i32
        %dma_wait3A_418 = tpu.memref_slice %arg14[%dma_wait3A_416, %dma_wait3A_417] : memref<10512x64xf32, #tpu.memory_space<vmem_shared>> -> memref<10512x64xf32, #tpu.memory_space<vmem_shared>>
        tpu.wait_indirect_dma semaphore(%run_scoped3A_400 : memref<!tpu.dma_semaphore, #tpu.memory_space<semaphore_mem>>) src(%dma_wait3A_412 : memref<128x64xf32, #tpu.memory_space<vmem>>) dst(%dma_wait3A_418 : memref<10512x64xf32, #tpu.memory_space<vmem_shared>>)
        tpu.yield
      }) : () -> ()
      %run_scoped3A_384 = arith.constant 3 : i32
      "tpu.region"() ({
        %run_scoped3A_400 = tpu.sem_alloc : memref<!tpu.dma_semaphore, #tpu.memory_space<semaphore_mem>>
        %dma_start3A_401 = arith.constant 384 : i32
        %dma_start3A_402 = arith.constant 0 : i32
        %dma_start3A_403 = tpu.memref_slice %arg12[%dma_start3A_401, %dma_start3A_402] : memref<512x64xf32, #tpu.memory_space<vmem>> -> memref<128x64xf32, #tpu.memory_space<vmem>>
        %dma_start3A_404 = arith.constant 0 : i32
        %dma_start3A_405 = tpu.memref_slice %arg10[%run_scoped3A_384, %dma_start3A_404] : memref<4x128xi32, #tpu.memory_space<vmem>> -> memref<1x128xi32, #tpu.memory_space<vmem>>
        %dma_start3A_406 = tpu.memref_squeeze %dma_start3A_405 : memref<1x128xi32, #tpu.memory_space<vmem>> -> memref<128xi32, #tpu.memory_space<vmem>>
        %dma_start3A_407 = arith.constant 0 : i32
        %dma_start3A_408 = arith.constant 0 : i32
        %dma_start3A_409 = tpu.memref_slice %arg14[%dma_start3A_407, %dma_start3A_408] : memref<10512x64xf32, #tpu.memory_space<vmem_shared>> -> memref<10512x64xf32, #tpu.memory_space<vmem_shared>>
        tpu.enqueue_indirect_dma source(%dma_start3A_403 : memref<128x64xf32, #tpu.memory_space<vmem>>) target(%dma_start3A_409 : memref<10512x64xf32, #tpu.memory_space<vmem_shared>>) offsets(%dma_start3A_406 : memref<128xi32, #tpu.memory_space<vmem>>) semaphore(%run_scoped3A_400 : memref<!tpu.dma_semaphore, #tpu.memory_space<semaphore_mem>>) {add = true}
        %dma_wait3A_410 = arith.constant 384 : i32
        %dma_wait3A_411 = arith.constant 0 : i32
        %dma_wait3A_412 = tpu.memref_slice %arg12[%dma_wait3A_410, %dma_wait3A_411] : memref<512x64xf32, #tpu.memory_space<vmem>> -> memref<128x64xf32, #tpu.memory_space<vmem>>
        %dma_wait3A_413 = arith.constant 0 : i32
        %dma_wait3A_414 = tpu.memref_slice %arg10[%run_scoped3A_384, %dma_wait3A_413] : memref<4x128xi32, #tpu.memory_space<vmem>> -> memref<1x128xi32, #tpu.memory_space<vmem>>
        %dma_wait3A_415 = tpu.memref_squeeze %dma_wait3A_414 : memref<1x128xi32, #tpu.memory_space<vmem>> -> memref<128xi32, #tpu.memory_space<vmem>>
        %dma_wait3A_416 = arith.constant 0 : i32
        %dma_wait3A_417 = arith.constant 0 : i32
        %dma_wait3A_418 = tpu.memref_slice %arg14[%dma_wait3A_416, %dma_wait3A_417] : memref<10512x64xf32, #tpu.memory_space<vmem_shared>> -> memref<10512x64xf32, #tpu.memory_space<vmem_shared>>
        tpu.wait_indirect_dma semaphore(%run_scoped3A_400 : memref<!tpu.dma_semaphore, #tpu.memory_space<semaphore_mem>>) src(%dma_wait3A_412 : memref<128x64xf32, #tpu.memory_space<vmem>>) dst(%dma_wait3A_418 : memref<10512x64xf32, #tpu.memory_space<vmem_shared>>)
        tpu.yield
      }) : () -> ()
      %add3A_385 = arith.constant 3 : i32
      %add3A_386 = arith.addi %mul3A_197, %add3A_385 : i32
      %mul3A_387 = arith.constant 4 : i32
      %mul3A_388 = arith.muli %add3A_386, %mul3A_387 : i32
      %add3A_389 = arith.addi %mul3A_25, %mul3A_388 : i32
      %dma_start3A_390 = arith.constant 0 : i32
      %dma_start3A_391 = tpu.memref_slice %arg3[%arg0, %add3A_389, %dma_start3A_390] : memref<2x2568x128xi32, #tpu.memory_space<hbm>> -> memref<1x4x128xi32, #tpu.memory_space<hbm>>
      %dma_start3A_392 = tpu.memref_squeeze %dma_start3A_391 : memref<1x4x128xi32, #tpu.memory_space<hbm>> -> memref<4x128xi32, #tpu.memory_space<hbm>>
      %dma_start3A_393 = arith.constant 0 : i32
      %dma_start3A_394 = tpu.memref_slice %arg3[%arg0, %add3A_389, %dma_start3A_393] : memref<2x2568x128xi32, #tpu.memory_space<hbm>> -> memref<1x4x128xi32, #tpu.memory_space<hbm>>
      %dma_start3A_395 = tpu.memref_squeeze %dma_start3A_394 : memref<1x4x128xi32, #tpu.memory_space<hbm>> -> memref<4x128xi32, #tpu.memory_space<hbm>>
      tpu.enqueue_dma source(%dma_start3A_395 : memref<4x128xi32, #tpu.memory_space<hbm>>) target(%arg9 : memref<4x128xi32, #tpu.memory_space<vmem>>) target_semaphore(%arg17 : memref<!tpu.dma_semaphore, #tpu.memory_space<semaphore_mem>>)
      %dma_start3A_396 = arith.constant 0 : i32
      %dma_start3A_397 = tpu.memref_slice %arg4[%add3A_389, %dma_start3A_396] : memref<2568x128xi32, #tpu.memory_space<hbm>> -> memref<4x128xi32, #tpu.memory_space<hbm>>
      %dma_start3A_398 = arith.constant 0 : i32
      %dma_start3A_399 = tpu.memref_slice %arg4[%add3A_389, %dma_start3A_398] : memref<2568x128xi32, #tpu.memory_space<hbm>> -> memref<4x128xi32, #tpu.memory_space<hbm>>
      tpu.enqueue_dma source(%dma_start3A_399 : memref<4x128xi32, #tpu.memory_space<hbm>>) target(%arg10 : memref<4x128xi32, #tpu.memory_space<vmem>>) target_semaphore(%arg17 : memref<!tpu.dma_semaphore, #tpu.memory_space<semaphore_mem>>)
    }
    %dma_wait3A = arith.constant 0 : i32
    %dma_wait3A_90 = arith.constant 0 : i32
    %dma_wait3A_91 = arith.constant 0 : i32
    %dma_wait3A_92 = tpu.memref_slice %arg11[%dma_wait3A_90, %dma_wait3A_91] : memref<512x64xf32, #tpu.memory_space<vmem>> -> memref<128x64xf32, #tpu.memory_space<vmem>>
    %dma_wait3A_93 = arith.constant 0 : i32
    %dma_wait3A_94 = tpu.memref_slice %arg7[%dma_wait3A, %dma_wait3A_93] : memref<4x128xi32, #tpu.memory_space<vmem>> -> memref<1x128xi32, #tpu.memory_space<vmem>>
    %dma_wait3A_95 = tpu.memref_squeeze %dma_wait3A_94 : memref<1x128xi32, #tpu.memory_space<vmem>> -> memref<128xi32, #tpu.memory_space<vmem>>
    %dma_wait3A_96 = arith.constant 0 : i32
    %dma_wait3A_97 = arith.constant 0 : i32
    %dma_wait3A_98 = tpu.memref_slice %arg2[%dma_wait3A_96, %dma_wait3A_97] : memref<20000x64xf32, #tpu.memory_space<hbm>> -> memref<20000x64xf32, #tpu.memory_space<hbm>>
    tpu.wait_indirect_dma semaphore(%arg15 : memref<!tpu.dma_semaphore, #tpu.memory_space<semaphore_mem>>) src(%dma_wait3A_98 : memref<20000x64xf32, #tpu.memory_space<hbm>>) dst(%dma_wait3A_92 : memref<128x64xf32, #tpu.memory_space<vmem>>)
    %dma_wait3A_99 = arith.constant 1 : i32
    %dma_wait3A_100 = arith.constant 128 : i32
    %dma_wait3A_101 = arith.constant 0 : i32
    %dma_wait3A_102 = tpu.memref_slice %arg11[%dma_wait3A_100, %dma_wait3A_101] : memref<512x64xf32, #tpu.memory_space<vmem>> -> memref<128x64xf32, #tpu.memory_space<vmem>>
    %dma_wait3A_103 = arith.constant 0 : i32
    %dma_wait3A_104 = tpu.memref_slice %arg7[%dma_wait3A_99, %dma_wait3A_103] : memref<4x128xi32, #tpu.memory_space<vmem>> -> memref<1x128xi32, #tpu.memory_space<vmem>>
    %dma_wait3A_105 = tpu.memref_squeeze %dma_wait3A_104 : memref<1x128xi32, #tpu.memory_space<vmem>> -> memref<128xi32, #tpu.memory_space<vmem>>
    %dma_wait3A_106 = arith.constant 0 : i32
    %dma_wait3A_107 = arith.constant 0 : i32
    %dma_wait3A_108 = tpu.memref_slice %arg2[%dma_wait3A_106, %dma_wait3A_107] : memref<20000x64xf32, #tpu.memory_space<hbm>> -> memref<20000x64xf32, #tpu.memory_space<hbm>>
    tpu.wait_indirect_dma semaphore(%arg15 : memref<!tpu.dma_semaphore, #tpu.memory_space<semaphore_mem>>) src(%dma_wait3A_108 : memref<20000x64xf32, #tpu.memory_space<hbm>>) dst(%dma_wait3A_102 : memref<128x64xf32, #tpu.memory_space<vmem>>)
    %dma_wait3A_109 = arith.constant 2 : i32
    %dma_wait3A_110 = arith.constant 256 : i32
    %dma_wait3A_111 = arith.constant 0 : i32
    %dma_wait3A_112 = tpu.memref_slice %arg11[%dma_wait3A_110, %dma_wait3A_111] : memref<512x64xf32, #tpu.memory_space<vmem>> -> memref<128x64xf32, #tpu.memory_space<vmem>>
    %dma_wait3A_113 = arith.constant 0 : i32
    %dma_wait3A_114 = tpu.memref_slice %arg7[%dma_wait3A_109, %dma_wait3A_113] : memref<4x128xi32, #tpu.memory_space<vmem>> -> memref<1x128xi32, #tpu.memory_space<vmem>>
    %dma_wait3A_115 = tpu.memref_squeeze %dma_wait3A_114 : memref<1x128xi32, #tpu.memory_space<vmem>> -> memref<128xi32, #tpu.memory_space<vmem>>
    %dma_wait3A_116 = arith.constant 0 : i32
    %dma_wait3A_117 = arith.constant 0 : i32
    %dma_wait3A_118 = tpu.memref_slice %arg2[%dma_wait3A_116, %dma_wait3A_117] : memref<20000x64xf32, #tpu.memory_space<hbm>> -> memref<20000x64xf32, #tpu.memory_space<hbm>>
    tpu.wait_indirect_dma semaphore(%arg15 : memref<!tpu.dma_semaphore, #tpu.memory_space<semaphore_mem>>) src(%dma_wait3A_118 : memref<20000x64xf32, #tpu.memory_space<hbm>>) dst(%dma_wait3A_112 : memref<128x64xf32, #tpu.memory_space<vmem>>)
    %dma_wait3A_119 = arith.constant 3 : i32
    %dma_wait3A_120 = arith.constant 384 : i32
    %dma_wait3A_121 = arith.constant 0 : i32
    %dma_wait3A_122 = tpu.memref_slice %arg11[%dma_wait3A_120, %dma_wait3A_121] : memref<512x64xf32, #tpu.memory_space<vmem>> -> memref<128x64xf32, #tpu.memory_space<vmem>>
    %dma_wait3A_123 = arith.constant 0 : i32
    %dma_wait3A_124 = tpu.memref_slice %arg7[%dma_wait3A_119, %dma_wait3A_123] : memref<4x128xi32, #tpu.memory_space<vmem>> -> memref<1x128xi32, #tpu.memory_space<vmem>>
    %dma_wait3A_125 = tpu.memref_squeeze %dma_wait3A_124 : memref<1x128xi32, #tpu.memory_space<vmem>> -> memref<128xi32, #tpu.memory_space<vmem>>
    %dma_wait3A_126 = arith.constant 0 : i32
    %dma_wait3A_127 = arith.constant 0 : i32
    %dma_wait3A_128 = tpu.memref_slice %arg2[%dma_wait3A_126, %dma_wait3A_127] : memref<20000x64xf32, #tpu.memory_space<hbm>> -> memref<20000x64xf32, #tpu.memory_space<hbm>>
    tpu.wait_indirect_dma semaphore(%arg15 : memref<!tpu.dma_semaphore, #tpu.memory_space<semaphore_mem>>) src(%dma_wait3A_128 : memref<20000x64xf32, #tpu.memory_space<hbm>>) dst(%dma_wait3A_122 : memref<128x64xf32, #tpu.memory_space<vmem>>)
    %add3A_129 = arith.constant 164 : i32
    %add3A_130 = arith.addi %mul3A_25, %add3A_129 : i32
    %dma_wait3A_131 = arith.constant 0 : i32
    %dma_wait3A_132 = tpu.memref_slice %arg3[%arg0, %add3A_130, %dma_wait3A_131] : memref<2x2568x128xi32, #tpu.memory_space<hbm>> -> memref<1x4x128xi32, #tpu.memory_space<hbm>>
    %dma_wait3A_133 = tpu.memref_squeeze %dma_wait3A_132 : memref<1x4x128xi32, #tpu.memory_space<hbm>> -> memref<4x128xi32, #tpu.memory_space<hbm>>
    %dma_wait3A_134 = arith.constant 0 : i32
    %dma_wait3A_135 = tpu.memref_slice %arg3[%arg0, %add3A_130, %dma_wait3A_134] : memref<2x2568x128xi32, #tpu.memory_space<hbm>> -> memref<1x4x128xi32, #tpu.memory_space<hbm>>
    %dma_wait3A_136 = tpu.memref_squeeze %dma_wait3A_135 : memref<1x4x128xi32, #tpu.memory_space<hbm>> -> memref<4x128xi32, #tpu.memory_space<hbm>>
    tpu.wait_dma2 semaphore(%arg17 : memref<!tpu.dma_semaphore, #tpu.memory_space<semaphore_mem>>) src(%dma_wait3A_136 : memref<4x128xi32, #tpu.memory_space<hbm>>) dst(%arg9 : memref<4x128xi32, #tpu.memory_space<vmem>>)
    %dma_wait3A_137 = arith.constant 0 : i32
    %dma_wait3A_138 = tpu.memref_slice %arg4[%add3A_130, %dma_wait3A_137] : memref<2568x128xi32, #tpu.memory_space<hbm>> -> memref<4x128xi32, #tpu.memory_space<hbm>>
    %dma_wait3A_139 = arith.constant 0 : i32
    %dma_wait3A_140 = tpu.memref_slice %arg4[%add3A_130, %dma_wait3A_139] : memref<2568x128xi32, #tpu.memory_space<hbm>> -> memref<4x128xi32, #tpu.memory_space<hbm>>
    tpu.wait_dma2 semaphore(%arg17 : memref<!tpu.dma_semaphore, #tpu.memory_space<semaphore_mem>>) src(%dma_wait3A_140 : memref<4x128xi32, #tpu.memory_space<hbm>>) dst(%arg10 : memref<4x128xi32, #tpu.memory_space<vmem>>)
    %barrier3A_141 = arith.constant 0 : index
    tpu.barrier barrier_id(%barrier3A_141)
    %mul3A_142 = arith.constant 624 : i32
    %mul3A_143 = arith.muli %arg1, %mul3A_142 : i32
    %add3A_144 = arith.constant 0 : i32
    %add3A_145 = arith.addi %mul3A_143, %add3A_144 : i32
    "tpu.region"() ({
      %run_scoped3A = tpu.sem_alloc : memref<!tpu.dma_semaphore, #tpu.memory_space<semaphore_mem>>
      %dma_start3A_195 = arith.constant 0 : i32
      %dma_start3A_196 = tpu.memref_slice %arg14[%add3A_145, %dma_start3A_195] : memref<10512x64xf32, #tpu.memory_space<vmem_shared>> -> memref<104x64xf32, #tpu.memory_space<vmem_shared>>
      %dma_start3A_197 = arith.constant 0 : i32
      %dma_start3A_198 = tpu.memref_slice %arg14[%add3A_145, %dma_start3A_197] : memref<10512x64xf32, #tpu.memory_space<vmem_shared>> -> memref<104x64xf32, #tpu.memory_space<vmem_shared>>
      tpu.enqueue_dma source(%dma_start3A_198 : memref<104x64xf32, #tpu.memory_space<vmem_shared>>) target(%arg13 : memref<104x64xf32, #tpu.memory_space<vmem>>) target_semaphore(%run_scoped3A : memref<!tpu.dma_semaphore, #tpu.memory_space<semaphore_mem>>)
      %dma_wait3A_199 = arith.constant 0 : i32
      %dma_wait3A_200 = tpu.memref_slice %arg14[%add3A_145, %dma_wait3A_199] : memref<10512x64xf32, #tpu.memory_space<vmem_shared>> -> memref<104x64xf32, #tpu.memory_space<vmem_shared>>
      %dma_wait3A_201 = arith.constant 0 : i32
      %dma_wait3A_202 = tpu.memref_slice %arg14[%add3A_145, %dma_wait3A_201] : memref<10512x64xf32, #tpu.memory_space<vmem_shared>> -> memref<104x64xf32, #tpu.memory_space<vmem_shared>>
      tpu.wait_dma2 semaphore(%run_scoped3A : memref<!tpu.dma_semaphore, #tpu.memory_space<semaphore_mem>>) src(%dma_wait3A_202 : memref<104x64xf32, #tpu.memory_space<vmem_shared>>) dst(%arg13 : memref<104x64xf32, #tpu.memory_space<vmem>>)
      tpu.yield
    }) : () -> ()
    %mul3A_146 = arith.constant 624 : i32
    %mul3A_147 = arith.muli %arg1, %mul3A_146 : i32
    %add3A_148 = arith.constant 0 : i32
    %add3A_149 = arith.addi %mul3A_147, %add3A_148 : i32
    "tpu.region"() ({
      %run_scoped3A = tpu.sem_alloc : memref<!tpu.dma_semaphore, #tpu.memory_space<semaphore_mem>>
      %dma_start3A_195 = arith.constant 0 : i32
      %dma_start3A_196 = tpu.memref_slice %arg6[%arg0, %add3A_149, %dma_start3A_195] : memref<2x10000x64xf32, #tpu.memory_space<hbm>> -> memref<1x104x64xf32, #tpu.memory_space<hbm>>
      %dma_start3A_197 = tpu.memref_squeeze %dma_start3A_196 : memref<1x104x64xf32, #tpu.memory_space<hbm>> -> memref<104x64xf32, #tpu.memory_space<hbm>>
      %dma_start3A_198 = arith.constant 0 : i32
      %dma_start3A_199 = tpu.memref_slice %arg6[%arg0, %add3A_149, %dma_start3A_198] : memref<2x10000x64xf32, #tpu.memory_space<hbm>> -> memref<1x104x64xf32, #tpu.memory_space<hbm>>
      %dma_start3A_200 = tpu.memref_squeeze %dma_start3A_199 : memref<1x104x64xf32, #tpu.memory_space<hbm>> -> memref<104x64xf32, #tpu.memory_space<hbm>>
      tpu.enqueue_dma source(%arg13 : memref<104x64xf32, #tpu.memory_space<vmem>>) target(%dma_start3A_200 : memref<104x64xf32, #tpu.memory_space<hbm>>) target_semaphore(%run_scoped3A : memref<!tpu.dma_semaphore, #tpu.memory_space<semaphore_mem>>)
      %dma_wait3A_201 = arith.constant 0 : i32
      %dma_wait3A_202 = tpu.memref_slice %arg6[%arg0, %add3A_149, %dma_wait3A_201] : memref<2x10000x64xf32, #tpu.memory_space<hbm>> -> memref<1x104x64xf32, #tpu.memory_space<hbm>>
      %dma_wait3A_203 = tpu.memref_squeeze %dma_wait3A_202 : memref<1x104x64xf32, #tpu.memory_space<hbm>> -> memref<104x64xf32, #tpu.memory_space<hbm>>
      %dma_wait3A_204 = arith.constant 0 : i32
      %dma_wait3A_205 = tpu.memref_slice %arg6[%arg0, %add3A_149, %dma_wait3A_204] : memref<2x10000x64xf32, #tpu.memory_space<hbm>> -> memref<1x104x64xf32, #tpu.memory_space<hbm>>
      %dma_wait3A_206 = tpu.memref_squeeze %dma_wait3A_205 : memref<1x104x64xf32, #tpu.memory_space<hbm>> -> memref<104x64xf32, #tpu.memory_space<hbm>>
      tpu.wait_dma2 semaphore(%run_scoped3A : memref<!tpu.dma_semaphore, #tpu.memory_space<semaphore_mem>>) src(%arg13 : memref<104x64xf32, #tpu.memory_space<vmem>>) dst(%dma_wait3A_206 : memref<104x64xf32, #tpu.memory_space<hbm>>)
      tpu.yield
    }) : () -> ()
    %mul3A_150 = arith.constant 624 : i32
    %mul3A_151 = arith.muli %arg1, %mul3A_150 : i32
    %add3A_152 = arith.constant 104 : i32
    %add3A_153 = arith.addi %mul3A_151, %add3A_152 : i32
    "tpu.region"() ({
      %run_scoped3A = tpu.sem_alloc : memref<!tpu.dma_semaphore, #tpu.memory_space<semaphore_mem>>
      %dma_start3A_195 = arith.constant 0 : i32
      %dma_start3A_196 = tpu.memref_slice %arg14[%add3A_153, %dma_start3A_195] : memref<10512x64xf32, #tpu.memory_space<vmem_shared>> -> memref<104x64xf32, #tpu.memory_space<vmem_shared>>
      %dma_start3A_197 = arith.constant 0 : i32
      %dma_start3A_198 = tpu.memref_slice %arg14[%add3A_153, %dma_start3A_197] : memref<10512x64xf32, #tpu.memory_space<vmem_shared>> -> memref<104x64xf32, #tpu.memory_space<vmem_shared>>
      tpu.enqueue_dma source(%dma_start3A_198 : memref<104x64xf32, #tpu.memory_space<vmem_shared>>) target(%arg13 : memref<104x64xf32, #tpu.memory_space<vmem>>) target_semaphore(%run_scoped3A : memref<!tpu.dma_semaphore, #tpu.memory_space<semaphore_mem>>)
      %dma_wait3A_199 = arith.constant 0 : i32
      %dma_wait3A_200 = tpu.memref_slice %arg14[%add3A_153, %dma_wait3A_199] : memref<10512x64xf32, #tpu.memory_space<vmem_shared>> -> memref<104x64xf32, #tpu.memory_space<vmem_shared>>
      %dma_wait3A_201 = arith.constant 0 : i32
      %dma_wait3A_202 = tpu.memref_slice %arg14[%add3A_153, %dma_wait3A_201] : memref<10512x64xf32, #tpu.memory_space<vmem_shared>> -> memref<104x64xf32, #tpu.memory_space<vmem_shared>>
      tpu.wait_dma2 semaphore(%run_scoped3A : memref<!tpu.dma_semaphore, #tpu.memory_space<semaphore_mem>>) src(%dma_wait3A_202 : memref<104x64xf32, #tpu.memory_space<vmem_shared>>) dst(%arg13 : memref<104x64xf32, #tpu.memory_space<vmem>>)
      tpu.yield
    }) : () -> ()
    %mul3A_154 = arith.constant 624 : i32
    %mul3A_155 = arith.muli %arg1, %mul3A_154 : i32
    %add3A_156 = arith.constant 104 : i32
    %add3A_157 = arith.addi %mul3A_155, %add3A_156 : i32
    "tpu.region"() ({
      %run_scoped3A = tpu.sem_alloc : memref<!tpu.dma_semaphore, #tpu.memory_space<semaphore_mem>>
      %dma_start3A_195 = arith.constant 0 : i32
      %dma_start3A_196 = tpu.memref_slice %arg6[%arg0, %add3A_157, %dma_start3A_195] : memref<2x10000x64xf32, #tpu.memory_space<hbm>> -> memref<1x104x64xf32, #tpu.memory_space<hbm>>
      %dma_start3A_197 = tpu.memref_squeeze %dma_start3A_196 : memref<1x104x64xf32, #tpu.memory_space<hbm>> -> memref<104x64xf32, #tpu.memory_space<hbm>>
      %dma_start3A_198 = arith.constant 0 : i32
      %dma_start3A_199 = tpu.memref_slice %arg6[%arg0, %add3A_157, %dma_start3A_198] : memref<2x10000x64xf32, #tpu.memory_space<hbm>> -> memref<1x104x64xf32, #tpu.memory_space<hbm>>
      %dma_start3A_200 = tpu.memref_squeeze %dma_start3A_199 : memref<1x104x64xf32, #tpu.memory_space<hbm>> -> memref<104x64xf32, #tpu.memory_space<hbm>>
      tpu.enqueue_dma source(%arg13 : memref<104x64xf32, #tpu.memory_space<vmem>>) target(%dma_start3A_200 : memref<104x64xf32, #tpu.memory_space<hbm>>) target_semaphore(%run_scoped3A : memref<!tpu.dma_semaphore, #tpu.memory_space<semaphore_mem>>)
      %dma_wait3A_201 = arith.constant 0 : i32
      %dma_wait3A_202 = tpu.memref_slice %arg6[%arg0, %add3A_157, %dma_wait3A_201] : memref<2x10000x64xf32, #tpu.memory_space<hbm>> -> memref<1x104x64xf32, #tpu.memory_space<hbm>>
      %dma_wait3A_203 = tpu.memref_squeeze %dma_wait3A_202 : memref<1x104x64xf32, #tpu.memory_space<hbm>> -> memref<104x64xf32, #tpu.memory_space<hbm>>
      %dma_wait3A_204 = arith.constant 0 : i32
      %dma_wait3A_205 = tpu.memref_slice %arg6[%arg0, %add3A_157, %dma_wait3A_204] : memref<2x10000x64xf32, #tpu.memory_space<hbm>> -> memref<1x104x64xf32, #tpu.memory_space<hbm>>
      %dma_wait3A_206 = tpu.memref_squeeze %dma_wait3A_205 : memref<1x104x64xf32, #tpu.memory_space<hbm>> -> memref<104x64xf32, #tpu.memory_space<hbm>>
      tpu.wait_dma2 semaphore(%run_scoped3A : memref<!tpu.dma_semaphore, #tpu.memory_space<semaphore_mem>>) src(%arg13 : memref<104x64xf32, #tpu.memory_space<vmem>>) dst(%dma_wait3A_206 : memref<104x64xf32, #tpu.memory_space<hbm>>)
      tpu.yield
    }) : () -> ()
    %mul3A_158 = arith.constant 624 : i32
    %mul3A_159 = arith.muli %arg1, %mul3A_158 : i32
    %add3A_160 = arith.constant 208 : i32
    %add3A_161 = arith.addi %mul3A_159, %add3A_160 : i32
    "tpu.region"() ({
      %run_scoped3A = tpu.sem_alloc : memref<!tpu.dma_semaphore, #tpu.memory_space<semaphore_mem>>
      %dma_start3A_195 = arith.constant 0 : i32
      %dma_start3A_196 = tpu.memref_slice %arg14[%add3A_161, %dma_start3A_195] : memref<10512x64xf32, #tpu.memory_space<vmem_shared>> -> memref<104x64xf32, #tpu.memory_space<vmem_shared>>
      %dma_start3A_197 = arith.constant 0 : i32
      %dma_start3A_198 = tpu.memref_slice %arg14[%add3A_161, %dma_start3A_197] : memref<10512x64xf32, #tpu.memory_space<vmem_shared>> -> memref<104x64xf32, #tpu.memory_space<vmem_shared>>
      tpu.enqueue_dma source(%dma_start3A_198 : memref<104x64xf32, #tpu.memory_space<vmem_shared>>) target(%arg13 : memref<104x64xf32, #tpu.memory_space<vmem>>) target_semaphore(%run_scoped3A : memref<!tpu.dma_semaphore, #tpu.memory_space<semaphore_mem>>)
      %dma_wait3A_199 = arith.constant 0 : i32
      %dma_wait3A_200 = tpu.memref_slice %arg14[%add3A_161, %dma_wait3A_199] : memref<10512x64xf32, #tpu.memory_space<vmem_shared>> -> memref<104x64xf32, #tpu.memory_space<vmem_shared>>
      %dma_wait3A_201 = arith.constant 0 : i32
      %dma_wait3A_202 = tpu.memref_slice %arg14[%add3A_161, %dma_wait3A_201] : memref<10512x64xf32, #tpu.memory_space<vmem_shared>> -> memref<104x64xf32, #tpu.memory_space<vmem_shared>>
      tpu.wait_dma2 semaphore(%run_scoped3A : memref<!tpu.dma_semaphore, #tpu.memory_space<semaphore_mem>>) src(%dma_wait3A_202 : memref<104x64xf32, #tpu.memory_space<vmem_shared>>) dst(%arg13 : memref<104x64xf32, #tpu.memory_space<vmem>>)
      tpu.yield
    }) : () -> ()
    %mul3A_162 = arith.constant 624 : i32
    %mul3A_163 = arith.muli %arg1, %mul3A_162 : i32
    %add3A_164 = arith.constant 208 : i32
    %add3A_165 = arith.addi %mul3A_163, %add3A_164 : i32
    "tpu.region"() ({
      %run_scoped3A = tpu.sem_alloc : memref<!tpu.dma_semaphore, #tpu.memory_space<semaphore_mem>>
      %dma_start3A_195 = arith.constant 0 : i32
      %dma_start3A_196 = tpu.memref_slice %arg6[%arg0, %add3A_165, %dma_start3A_195] : memref<2x10000x64xf32, #tpu.memory_space<hbm>> -> memref<1x104x64xf32, #tpu.memory_space<hbm>>
      %dma_start3A_197 = tpu.memref_squeeze %dma_start3A_196 : memref<1x104x64xf32, #tpu.memory_space<hbm>> -> memref<104x64xf32, #tpu.memory_space<hbm>>
      %dma_start3A_198 = arith.constant 0 : i32
      %dma_start3A_199 = tpu.memref_slice %arg6[%arg0, %add3A_165, %dma_start3A_198] : memref<2x10000x64xf32, #tpu.memory_space<hbm>> -> memref<1x104x64xf32, #tpu.memory_space<hbm>>
      %dma_start3A_200 = tpu.memref_squeeze %dma_start3A_199 : memref<1x104x64xf32, #tpu.memory_space<hbm>> -> memref<104x64xf32, #tpu.memory_space<hbm>>
      tpu.enqueue_dma source(%arg13 : memref<104x64xf32, #tpu.memory_space<vmem>>) target(%dma_start3A_200 : memref<104x64xf32, #tpu.memory_space<hbm>>) target_semaphore(%run_scoped3A : memref<!tpu.dma_semaphore, #tpu.memory_space<semaphore_mem>>)
      %dma_wait3A_201 = arith.constant 0 : i32
      %dma_wait3A_202 = tpu.memref_slice %arg6[%arg0, %add3A_165, %dma_wait3A_201] : memref<2x10000x64xf32, #tpu.memory_space<hbm>> -> memref<1x104x64xf32, #tpu.memory_space<hbm>>
      %dma_wait3A_203 = tpu.memref_squeeze %dma_wait3A_202 : memref<1x104x64xf32, #tpu.memory_space<hbm>> -> memref<104x64xf32, #tpu.memory_space<hbm>>
      %dma_wait3A_204 = arith.constant 0 : i32
      %dma_wait3A_205 = tpu.memref_slice %arg6[%arg0, %add3A_165, %dma_wait3A_204] : memref<2x10000x64xf32, #tpu.memory_space<hbm>> -> memref<1x104x64xf32, #tpu.memory_space<hbm>>
      %dma_wait3A_206 = tpu.memref_squeeze %dma_wait3A_205 : memref<1x104x64xf32, #tpu.memory_space<hbm>> -> memref<104x64xf32, #tpu.memory_space<hbm>>
      tpu.wait_dma2 semaphore(%run_scoped3A : memref<!tpu.dma_semaphore, #tpu.memory_space<semaphore_mem>>) src(%arg13 : memref<104x64xf32, #tpu.memory_space<vmem>>) dst(%dma_wait3A_206 : memref<104x64xf32, #tpu.memory_space<hbm>>)
      tpu.yield
    }) : () -> ()
    %mul3A_166 = arith.constant 624 : i32
    %mul3A_167 = arith.muli %arg1, %mul3A_166 : i32
    %add3A_168 = arith.constant 312 : i32
    %add3A_169 = arith.addi %mul3A_167, %add3A_168 : i32
    "tpu.region"() ({
      %run_scoped3A = tpu.sem_alloc : memref<!tpu.dma_semaphore, #tpu.memory_space<semaphore_mem>>
      %dma_start3A_195 = arith.constant 0 : i32
      %dma_start3A_196 = tpu.memref_slice %arg14[%add3A_169, %dma_start3A_195] : memref<10512x64xf32, #tpu.memory_space<vmem_shared>> -> memref<104x64xf32, #tpu.memory_space<vmem_shared>>
      %dma_start3A_197 = arith.constant 0 : i32
      %dma_start3A_198 = tpu.memref_slice %arg14[%add3A_169, %dma_start3A_197] : memref<10512x64xf32, #tpu.memory_space<vmem_shared>> -> memref<104x64xf32, #tpu.memory_space<vmem_shared>>
      tpu.enqueue_dma source(%dma_start3A_198 : memref<104x64xf32, #tpu.memory_space<vmem_shared>>) target(%arg13 : memref<104x64xf32, #tpu.memory_space<vmem>>) target_semaphore(%run_scoped3A : memref<!tpu.dma_semaphore, #tpu.memory_space<semaphore_mem>>)
      %dma_wait3A_199 = arith.constant 0 : i32
      %dma_wait3A_200 = tpu.memref_slice %arg14[%add3A_169, %dma_wait3A_199] : memref<10512x64xf32, #tpu.memory_space<vmem_shared>> -> memref<104x64xf32, #tpu.memory_space<vmem_shared>>
      %dma_wait3A_201 = arith.constant 0 : i32
      %dma_wait3A_202 = tpu.memref_slice %arg14[%add3A_169, %dma_wait3A_201] : memref<10512x64xf32, #tpu.memory_space<vmem_shared>> -> memref<104x64xf32, #tpu.memory_space<vmem_shared>>
      tpu.wait_dma2 semaphore(%run_scoped3A : memref<!tpu.dma_semaphore, #tpu.memory_space<semaphore_mem>>) src(%dma_wait3A_202 : memref<104x64xf32, #tpu.memory_space<vmem_shared>>) dst(%arg13 : memref<104x64xf32, #tpu.memory_space<vmem>>)
      tpu.yield
    }) : () -> ()
    %mul3A_170 = arith.constant 624 : i32
    %mul3A_171 = arith.muli %arg1, %mul3A_170 : i32
    %add3A_172 = arith.constant 312 : i32
    %add3A_173 = arith.addi %mul3A_171, %add3A_172 : i32
    "tpu.region"() ({
      %run_scoped3A = tpu.sem_alloc : memref<!tpu.dma_semaphore, #tpu.memory_space<semaphore_mem>>
      %dma_start3A_195 = arith.constant 0 : i32
      %dma_start3A_196 = tpu.memref_slice %arg6[%arg0, %add3A_173, %dma_start3A_195] : memref<2x10000x64xf32, #tpu.memory_space<hbm>> -> memref<1x104x64xf32, #tpu.memory_space<hbm>>
      %dma_start3A_197 = tpu.memref_squeeze %dma_start3A_196 : memref<1x104x64xf32, #tpu.memory_space<hbm>> -> memref<104x64xf32, #tpu.memory_space<hbm>>
      %dma_start3A_198 = arith.constant 0 : i32
      %dma_start3A_199 = tpu.memref_slice %arg6[%arg0, %add3A_173, %dma_start3A_198] : memref<2x10000x64xf32, #tpu.memory_space<hbm>> -> memref<1x104x64xf32, #tpu.memory_space<hbm>>
      %dma_start3A_200 = tpu.memref_squeeze %dma_start3A_199 : memref<1x104x64xf32, #tpu.memory_space<hbm>> -> memref<104x64xf32, #tpu.memory_space<hbm>>
      tpu.enqueue_dma source(%arg13 : memref<104x64xf32, #tpu.memory_space<vmem>>) target(%dma_start3A_200 : memref<104x64xf32, #tpu.memory_space<hbm>>) target_semaphore(%run_scoped3A : memref<!tpu.dma_semaphore, #tpu.memory_space<semaphore_mem>>)
      %dma_wait3A_201 = arith.constant 0 : i32
      %dma_wait3A_202 = tpu.memref_slice %arg6[%arg0, %add3A_173, %dma_wait3A_201] : memref<2x10000x64xf32, #tpu.memory_space<hbm>> -> memref<1x104x64xf32, #tpu.memory_space<hbm>>
      %dma_wait3A_203 = tpu.memref_squeeze %dma_wait3A_202 : memref<1x104x64xf32, #tpu.memory_space<hbm>> -> memref<104x64xf32, #tpu.memory_space<hbm>>
      %dma_wait3A_204 = arith.constant 0 : i32
      %dma_wait3A_205 = tpu.memref_slice %arg6[%arg0, %add3A_173, %dma_wait3A_204] : memref<2x10000x64xf32, #tpu.memory_space<hbm>> -> memref<1x104x64xf32, #tpu.memory_space<hbm>>
      %dma_wait3A_206 = tpu.memref_squeeze %dma_wait3A_205 : memref<1x104x64xf32, #tpu.memory_space<hbm>> -> memref<104x64xf32, #tpu.memory_space<hbm>>
      tpu.wait_dma2 semaphore(%run_scoped3A : memref<!tpu.dma_semaphore, #tpu.memory_space<semaphore_mem>>) src(%arg13 : memref<104x64xf32, #tpu.memory_space<vmem>>) dst(%dma_wait3A_206 : memref<104x64xf32, #tpu.memory_space<hbm>>)
      tpu.yield
    }) : () -> ()
    %mul3A_174 = arith.constant 624 : i32
    %mul3A_175 = arith.muli %arg1, %mul3A_174 : i32
    %add3A_176 = arith.constant 416 : i32
    %add3A_177 = arith.addi %mul3A_175, %add3A_176 : i32
    "tpu.region"() ({
      %run_scoped3A = tpu.sem_alloc : memref<!tpu.dma_semaphore, #tpu.memory_space<semaphore_mem>>
      %dma_start3A_195 = arith.constant 0 : i32
      %dma_start3A_196 = tpu.memref_slice %arg14[%add3A_177, %dma_start3A_195] : memref<10512x64xf32, #tpu.memory_space<vmem_shared>> -> memref<104x64xf32, #tpu.memory_space<vmem_shared>>
      %dma_start3A_197 = arith.constant 0 : i32
      %dma_start3A_198 = tpu.memref_slice %arg14[%add3A_177, %dma_start3A_197] : memref<10512x64xf32, #tpu.memory_space<vmem_shared>> -> memref<104x64xf32, #tpu.memory_space<vmem_shared>>
      tpu.enqueue_dma source(%dma_start3A_198 : memref<104x64xf32, #tpu.memory_space<vmem_shared>>) target(%arg13 : memref<104x64xf32, #tpu.memory_space<vmem>>) target_semaphore(%run_scoped3A : memref<!tpu.dma_semaphore, #tpu.memory_space<semaphore_mem>>)
      %dma_wait3A_199 = arith.constant 0 : i32
      %dma_wait3A_200 = tpu.memref_slice %arg14[%add3A_177, %dma_wait3A_199] : memref<10512x64xf32, #tpu.memory_space<vmem_shared>> -> memref<104x64xf32, #tpu.memory_space<vmem_shared>>
      %dma_wait3A_201 = arith.constant 0 : i32
      %dma_wait3A_202 = tpu.memref_slice %arg14[%add3A_177, %dma_wait3A_201] : memref<10512x64xf32, #tpu.memory_space<vmem_shared>> -> memref<104x64xf32, #tpu.memory_space<vmem_shared>>
      tpu.wait_dma2 semaphore(%run_scoped3A : memref<!tpu.dma_semaphore, #tpu.memory_space<semaphore_mem>>) src(%dma_wait3A_202 : memref<104x64xf32, #tpu.memory_space<vmem_shared>>) dst(%arg13 : memref<104x64xf32, #tpu.memory_space<vmem>>)
      tpu.yield
    }) : () -> ()
    %mul3A_178 = arith.constant 624 : i32
    %mul3A_179 = arith.muli %arg1, %mul3A_178 : i32
    %add3A_180 = arith.constant 416 : i32
    %add3A_181 = arith.addi %mul3A_179, %add3A_180 : i32
    "tpu.region"() ({
      %run_scoped3A = tpu.sem_alloc : memref<!tpu.dma_semaphore, #tpu.memory_space<semaphore_mem>>
      %dma_start3A_195 = arith.constant 0 : i32
      %dma_start3A_196 = tpu.memref_slice %arg6[%arg0, %add3A_181, %dma_start3A_195] : memref<2x10000x64xf32, #tpu.memory_space<hbm>> -> memref<1x104x64xf32, #tpu.memory_space<hbm>>
      %dma_start3A_197 = tpu.memref_squeeze %dma_start3A_196 : memref<1x104x64xf32, #tpu.memory_space<hbm>> -> memref<104x64xf32, #tpu.memory_space<hbm>>
      %dma_start3A_198 = arith.constant 0 : i32
      %dma_start3A_199 = tpu.memref_slice %arg6[%arg0, %add3A_181, %dma_start3A_198] : memref<2x10000x64xf32, #tpu.memory_space<hbm>> -> memref<1x104x64xf32, #tpu.memory_space<hbm>>
      %dma_start3A_200 = tpu.memref_squeeze %dma_start3A_199 : memref<1x104x64xf32, #tpu.memory_space<hbm>> -> memref<104x64xf32, #tpu.memory_space<hbm>>
      tpu.enqueue_dma source(%arg13 : memref<104x64xf32, #tpu.memory_space<vmem>>) target(%dma_start3A_200 : memref<104x64xf32, #tpu.memory_space<hbm>>) target_semaphore(%run_scoped3A : memref<!tpu.dma_semaphore, #tpu.memory_space<semaphore_mem>>)
      %dma_wait3A_201 = arith.constant 0 : i32
      %dma_wait3A_202 = tpu.memref_slice %arg6[%arg0, %add3A_181, %dma_wait3A_201] : memref<2x10000x64xf32, #tpu.memory_space<hbm>> -> memref<1x104x64xf32, #tpu.memory_space<hbm>>
      %dma_wait3A_203 = tpu.memref_squeeze %dma_wait3A_202 : memref<1x104x64xf32, #tpu.memory_space<hbm>> -> memref<104x64xf32, #tpu.memory_space<hbm>>
      %dma_wait3A_204 = arith.constant 0 : i32
      %dma_wait3A_205 = tpu.memref_slice %arg6[%arg0, %add3A_181, %dma_wait3A_204] : memref<2x10000x64xf32, #tpu.memory_space<hbm>> -> memref<1x104x64xf32, #tpu.memory_space<hbm>>
      %dma_wait3A_206 = tpu.memref_squeeze %dma_wait3A_205 : memref<1x104x64xf32, #tpu.memory_space<hbm>> -> memref<104x64xf32, #tpu.memory_space<hbm>>
      tpu.wait_dma2 semaphore(%run_scoped3A : memref<!tpu.dma_semaphore, #tpu.memory_space<semaphore_mem>>) src(%arg13 : memref<104x64xf32, #tpu.memory_space<vmem>>) dst(%dma_wait3A_206 : memref<104x64xf32, #tpu.memory_space<hbm>>)
      tpu.yield
    }) : () -> ()
    %mul3A_182 = arith.constant 624 : i32
    %mul3A_183 = arith.muli %arg1, %mul3A_182 : i32
    %add3A_184 = arith.constant 520 : i32
    %add3A_185 = arith.addi %mul3A_183, %add3A_184 : i32
    "tpu.region"() ({
      %run_scoped3A = tpu.sem_alloc : memref<!tpu.dma_semaphore, #tpu.memory_space<semaphore_mem>>
      %dma_start3A_195 = arith.constant 0 : i32
      %dma_start3A_196 = tpu.memref_slice %arg14[%add3A_185, %dma_start3A_195] : memref<10512x64xf32, #tpu.memory_space<vmem_shared>> -> memref<104x64xf32, #tpu.memory_space<vmem_shared>>
      %dma_start3A_197 = arith.constant 0 : i32
      %dma_start3A_198 = tpu.memref_slice %arg14[%add3A_185, %dma_start3A_197] : memref<10512x64xf32, #tpu.memory_space<vmem_shared>> -> memref<104x64xf32, #tpu.memory_space<vmem_shared>>
      tpu.enqueue_dma source(%dma_start3A_198 : memref<104x64xf32, #tpu.memory_space<vmem_shared>>) target(%arg13 : memref<104x64xf32, #tpu.memory_space<vmem>>) target_semaphore(%run_scoped3A : memref<!tpu.dma_semaphore, #tpu.memory_space<semaphore_mem>>)
      %dma_wait3A_199 = arith.constant 0 : i32
      %dma_wait3A_200 = tpu.memref_slice %arg14[%add3A_185, %dma_wait3A_199] : memref<10512x64xf32, #tpu.memory_space<vmem_shared>> -> memref<104x64xf32, #tpu.memory_space<vmem_shared>>
      %dma_wait3A_201 = arith.constant 0 : i32
      %dma_wait3A_202 = tpu.memref_slice %arg14[%add3A_185, %dma_wait3A_201] : memref<10512x64xf32, #tpu.memory_space<vmem_shared>> -> memref<104x64xf32, #tpu.memory_space<vmem_shared>>
      tpu.wait_dma2 semaphore(%run_scoped3A : memref<!tpu.dma_semaphore, #tpu.memory_space<semaphore_mem>>) src(%dma_wait3A_202 : memref<104x64xf32, #tpu.memory_space<vmem_shared>>) dst(%arg13 : memref<104x64xf32, #tpu.memory_space<vmem>>)
      tpu.yield
    }) : () -> ()
    %mul3A_186 = arith.constant 624 : i32
    %mul3A_187 = arith.muli %arg1, %mul3A_186 : i32
    %add3A_188 = arith.constant 520 : i32
    %add3A_189 = arith.addi %mul3A_187, %add3A_188 : i32
    "tpu.region"() ({
      %run_scoped3A = tpu.sem_alloc : memref<!tpu.dma_semaphore, #tpu.memory_space<semaphore_mem>>
      %dma_start3A_195 = arith.constant 0 : i32
      %dma_start3A_196 = tpu.memref_slice %arg6[%arg0, %add3A_189, %dma_start3A_195] : memref<2x10000x64xf32, #tpu.memory_space<hbm>> -> memref<1x104x64xf32, #tpu.memory_space<hbm>>
      %dma_start3A_197 = tpu.memref_squeeze %dma_start3A_196 : memref<1x104x64xf32, #tpu.memory_space<hbm>> -> memref<104x64xf32, #tpu.memory_space<hbm>>
      %dma_start3A_198 = arith.constant 0 : i32
      %dma_start3A_199 = tpu.memref_slice %arg6[%arg0, %add3A_189, %dma_start3A_198] : memref<2x10000x64xf32, #tpu.memory_space<hbm>> -> memref<1x104x64xf32, #tpu.memory_space<hbm>>
      %dma_start3A_200 = tpu.memref_squeeze %dma_start3A_199 : memref<1x104x64xf32, #tpu.memory_space<hbm>> -> memref<104x64xf32, #tpu.memory_space<hbm>>
      tpu.enqueue_dma source(%arg13 : memref<104x64xf32, #tpu.memory_space<vmem>>) target(%dma_start3A_200 : memref<104x64xf32, #tpu.memory_space<hbm>>) target_semaphore(%run_scoped3A : memref<!tpu.dma_semaphore, #tpu.memory_space<semaphore_mem>>)
      %dma_wait3A_201 = arith.constant 0 : i32
      %dma_wait3A_202 = tpu.memref_slice %arg6[%arg0, %add3A_189, %dma_wait3A_201] : memref<2x10000x64xf32, #tpu.memory_space<hbm>> -> memref<1x104x64xf32, #tpu.memory_space<hbm>>
      %dma_wait3A_203 = tpu.memref_squeeze %dma_wait3A_202 : memref<1x104x64xf32, #tpu.memory_space<hbm>> -> memref<104x64xf32, #tpu.memory_space<hbm>>
      %dma_wait3A_204 = arith.constant 0 : i32
      %dma_wait3A_205 = tpu.memref_slice %arg6[%arg0, %add3A_189, %dma_wait3A_204] : memref<2x10000x64xf32, #tpu.memory_space<hbm>> -> memref<1x104x64xf32, #tpu.memory_space<hbm>>
      %dma_wait3A_206 = tpu.memref_squeeze %dma_wait3A_205 : memref<1x104x64xf32, #tpu.memory_space<hbm>> -> memref<104x64xf32, #tpu.memory_space<hbm>>
      tpu.wait_dma2 semaphore(%run_scoped3A : memref<!tpu.dma_semaphore, #tpu.memory_space<semaphore_mem>>) src(%arg13 : memref<104x64xf32, #tpu.memory_space<vmem>>) dst(%dma_wait3A_206 : memref<104x64xf32, #tpu.memory_space<hbm>>)
      tpu.yield
    }) : () -> ()
    %eq3A_190 = arith.constant 15 : i32
    %eq3A_191 = arith.cmpi eq, %arg1, %eq3A_190 : i32
    %convert_element_type3A_192 = arith.extui %eq3A_191 : i1 to i32
    %cond3A_193 = arith.constant 0 : i32
    %cond3A_194 = arith.cmpi ne, %convert_element_type3A_192, %cond3A_193 : i32
    scf.if %cond3A_194 {
      "tpu.region"() ({
        %run_scoped3A = tpu.sem_alloc : memref<!tpu.dma_semaphore, #tpu.memory_space<semaphore_mem>>
        %dma_start3A_195 = arith.constant 0 : i32
        %dma_start3A_196 = arith.constant 0 : i32
        %dma_start3A_197 = tpu.memref_slice %arg13[%dma_start3A_195, %dma_start3A_196] : memref<104x64xf32, #tpu.memory_space<vmem>> -> memref<16x64xf32, #tpu.memory_space<vmem>>
        %dma_start3A_198 = arith.constant 9984 : i32
        %dma_start3A_199 = arith.constant 0 : i32
        %dma_start3A_200 = tpu.memref_slice %arg14[%dma_start3A_198, %dma_start3A_199] : memref<10512x64xf32, #tpu.memory_space<vmem_shared>> -> memref<16x64xf32, #tpu.memory_space<vmem_shared>>
        %dma_start3A_201 = arith.constant 0 : i32
        %dma_start3A_202 = arith.constant 0 : i32
        %dma_start3A_203 = tpu.memref_slice %arg13[%dma_start3A_201, %dma_start3A_202] : memref<104x64xf32, #tpu.memory_space<vmem>> -> memref<16x64xf32, #tpu.memory_space<vmem>>
        %dma_start3A_204 = arith.constant 9984 : i32
        %dma_start3A_205 = arith.constant 0 : i32
        %dma_start3A_206 = tpu.memref_slice %arg14[%dma_start3A_204, %dma_start3A_205] : memref<10512x64xf32, #tpu.memory_space<vmem_shared>> -> memref<16x64xf32, #tpu.memory_space<vmem_shared>>
        tpu.enqueue_dma source(%dma_start3A_206 : memref<16x64xf32, #tpu.memory_space<vmem_shared>>) target(%dma_start3A_203 : memref<16x64xf32, #tpu.memory_space<vmem>>) target_semaphore(%run_scoped3A : memref<!tpu.dma_semaphore, #tpu.memory_space<semaphore_mem>>)
        %dma_wait3A_207 = arith.constant 0 : i32
        %dma_wait3A_208 = arith.constant 0 : i32
        %dma_wait3A_209 = tpu.memref_slice %arg13[%dma_wait3A_207, %dma_wait3A_208] : memref<104x64xf32, #tpu.memory_space<vmem>> -> memref<16x64xf32, #tpu.memory_space<vmem>>
        %dma_wait3A_210 = arith.constant 9984 : i32
        %dma_wait3A_211 = arith.constant 0 : i32
        %dma_wait3A_212 = tpu.memref_slice %arg14[%dma_wait3A_210, %dma_wait3A_211] : memref<10512x64xf32, #tpu.memory_space<vmem_shared>> -> memref<16x64xf32, #tpu.memory_space<vmem_shared>>
        %dma_wait3A_213 = arith.constant 0 : i32
        %dma_wait3A_214 = arith.constant 0 : i32
        %dma_wait3A_215 = tpu.memref_slice %arg13[%dma_wait3A_213, %dma_wait3A_214] : memref<104x64xf32, #tpu.memory_space<vmem>> -> memref<16x64xf32, #tpu.memory_space<vmem>>
        %dma_wait3A_216 = arith.constant 9984 : i32
        %dma_wait3A_217 = arith.constant 0 : i32
        %dma_wait3A_218 = tpu.memref_slice %arg14[%dma_wait3A_216, %dma_wait3A_217] : memref<10512x64xf32, #tpu.memory_space<vmem_shared>> -> memref<16x64xf32, #tpu.memory_space<vmem_shared>>
        tpu.wait_dma2 semaphore(%run_scoped3A : memref<!tpu.dma_semaphore, #tpu.memory_space<semaphore_mem>>) src(%dma_wait3A_218 : memref<16x64xf32, #tpu.memory_space<vmem_shared>>) dst(%dma_wait3A_215 : memref<16x64xf32, #tpu.memory_space<vmem>>)
        tpu.yield
      }) : () -> ()
      "tpu.region"() ({
        %run_scoped3A = tpu.sem_alloc : memref<!tpu.dma_semaphore, #tpu.memory_space<semaphore_mem>>
        %dma_start3A_195 = arith.constant 0 : i32
        %dma_start3A_196 = arith.constant 0 : i32
        %dma_start3A_197 = tpu.memref_slice %arg13[%dma_start3A_195, %dma_start3A_196] : memref<104x64xf32, #tpu.memory_space<vmem>> -> memref<16x64xf32, #tpu.memory_space<vmem>>
        %dma_start3A_198 = arith.constant 9984 : i32
        %dma_start3A_199 = arith.constant 0 : i32
        %dma_start3A_200 = tpu.memref_slice %arg6[%arg0, %dma_start3A_198, %dma_start3A_199] : memref<2x10000x64xf32, #tpu.memory_space<hbm>> -> memref<1x16x64xf32, #tpu.memory_space<hbm>>
        %dma_start3A_201 = tpu.memref_squeeze %dma_start3A_200 : memref<1x16x64xf32, #tpu.memory_space<hbm>> -> memref<16x64xf32, #tpu.memory_space<hbm>>
        %dma_start3A_202 = arith.constant 9984 : i32
        %dma_start3A_203 = arith.constant 0 : i32
        %dma_start3A_204 = tpu.memref_slice %arg6[%arg0, %dma_start3A_202, %dma_start3A_203] : memref<2x10000x64xf32, #tpu.memory_space<hbm>> -> memref<1x16x64xf32, #tpu.memory_space<hbm>>
        %dma_start3A_205 = tpu.memref_squeeze %dma_start3A_204 : memref<1x16x64xf32, #tpu.memory_space<hbm>> -> memref<16x64xf32, #tpu.memory_space<hbm>>
        %dma_start3A_206 = arith.constant 0 : i32
        %dma_start3A_207 = arith.constant 0 : i32
        %dma_start3A_208 = tpu.memref_slice %arg13[%dma_start3A_206, %dma_start3A_207] : memref<104x64xf32, #tpu.memory_space<vmem>> -> memref<16x64xf32, #tpu.memory_space<vmem>>
        tpu.enqueue_dma source(%dma_start3A_208 : memref<16x64xf32, #tpu.memory_space<vmem>>) target(%dma_start3A_205 : memref<16x64xf32, #tpu.memory_space<hbm>>) target_semaphore(%run_scoped3A : memref<!tpu.dma_semaphore, #tpu.memory_space<semaphore_mem>>)
        %dma_wait3A_209 = arith.constant 0 : i32
        %dma_wait3A_210 = arith.constant 0 : i32
        %dma_wait3A_211 = tpu.memref_slice %arg13[%dma_wait3A_209, %dma_wait3A_210] : memref<104x64xf32, #tpu.memory_space<vmem>> -> memref<16x64xf32, #tpu.memory_space<vmem>>
        %dma_wait3A_212 = arith.constant 9984 : i32
        %dma_wait3A_213 = arith.constant 0 : i32
        %dma_wait3A_214 = tpu.memref_slice %arg6[%arg0, %dma_wait3A_212, %dma_wait3A_213] : memref<2x10000x64xf32, #tpu.memory_space<hbm>> -> memref<1x16x64xf32, #tpu.memory_space<hbm>>
        %dma_wait3A_215 = tpu.memref_squeeze %dma_wait3A_214 : memref<1x16x64xf32, #tpu.memory_space<hbm>> -> memref<16x64xf32, #tpu.memory_space<hbm>>
        %dma_wait3A_216 = arith.constant 9984 : i32
        %dma_wait3A_217 = arith.constant 0 : i32
        %dma_wait3A_218 = tpu.memref_slice %arg6[%arg0, %dma_wait3A_216, %dma_wait3A_217] : memref<2x10000x64xf32, #tpu.memory_space<hbm>> -> memref<1x16x64xf32, #tpu.memory_space<hbm>>
        %dma_wait3A_219 = tpu.memref_squeeze %dma_wait3A_218 : memref<1x16x64xf32, #tpu.memory_space<hbm>> -> memref<16x64xf32, #tpu.memory_space<hbm>>
        %dma_wait3A_220 = arith.constant 0 : i32
        %dma_wait3A_221 = arith.constant 0 : i32
        %dma_wait3A_222 = tpu.memref_slice %arg13[%dma_wait3A_220, %dma_wait3A_221] : memref<104x64xf32, #tpu.memory_space<vmem>> -> memref<16x64xf32, #tpu.memory_space<vmem>>
        tpu.wait_dma2 semaphore(%run_scoped3A : memref<!tpu.dma_semaphore, #tpu.memory_space<semaphore_mem>>) src(%dma_wait3A_222 : memref<16x64xf32, #tpu.memory_space<vmem>>) dst(%dma_wait3A_219 : memref<16x64xf32, #tpu.memory_space<hbm>>)
        tpu.yield
      }) : () -> ()
    } else {
    }
    return
  }
}

#map = affine_map<(d0, d1) -> (0, 0)>
#map1 = affine_map<(d0, d1) -> (0, 0, 0)>
module attributes {stable_mosaic.version = 14 : i64} {
  func.func @_agg_body(%arg0: i32, %arg1: i32, %arg2: memref<20000x64xf32, #tpu.memory_space<hbm>>, %arg3: memref<2x2568x128xi32, #tpu.memory_space<hbm>>, %arg4: memref<2568x128xi32, #tpu.memory_space<hbm>>, %arg5: memref<104x64xf32, #tpu.memory_space<hbm>>, %arg6: memref<2x10000x64xf32, #tpu.memory_space<hbm>>, %arg7: memref<4x128xi32, #tpu.memory_space<vmem>>, %arg8: memref<4x128xi32, #tpu.memory_space<vmem>>, %arg9: memref<4x128xi32, #tpu.memory_space<vmem>>, %arg10: memref<4x128xi32, #tpu.memory_space<vmem>>, %arg11: memref<512x64xf32, #tpu.memory_space<vmem>>, %arg12: memref<512x64xf32, #tpu.memory_space<vmem>>, %arg13: memref<104x64xf32, #tpu.memory_space<vmem>>, %arg14: memref<10512x64xf32, #tpu.memory_space<vmem_shared>>, %arg15: memref<!tpu.dma_semaphore, #tpu.memory_space<semaphore_mem>>, %arg16: memref<!tpu.dma_semaphore, #tpu.memory_space<semaphore_mem>>, %arg17: memref<!tpu.dma_semaphore, #tpu.memory_space<semaphore_mem>>) attributes {dimension_semantics = [#tpu.dimension_semantics<core_parallel>, #tpu.dimension_semantics<subcore_parallel>], iteration_bounds = array<i64: 2, 16>, scalar_prefetch = 0 : i64, scratch_operands = 11 : i64, tpu.core_type = #tpu.core_type<sc_vector_subcore>, window_params = [{transform_indices = #map}, {transform_indices = #map1}, {transform_indices = #map}, {transform_indices = #map}, {transform_indices = #map1}]} {
    "tpu.region"() ({
      %run_scoped3A = tpu.sem_alloc : memref<!tpu.dma_semaphore, #tpu.memory_space<semaphore_mem>>
      tpu.enqueue_dma source(%arg5 : memref<104x64xf32, #tpu.memory_space<hbm>>) target(%arg13 : memref<104x64xf32, #tpu.memory_space<vmem>>) target_semaphore(%run_scoped3A : memref<!tpu.dma_semaphore, #tpu.memory_space<semaphore_mem>>)
      tpu.wait_dma2 semaphore(%run_scoped3A : memref<!tpu.dma_semaphore, #tpu.memory_space<semaphore_mem>>) src(%arg5 : memref<104x64xf32, #tpu.memory_space<hbm>>) dst(%arg13 : memref<104x64xf32, #tpu.memory_space<vmem>>)
      tpu.yield
    }) : () -> ()
    %mul3A = arith.constant 624 : i32
    %mul3A_0 = arith.muli %arg1, %mul3A : i32
    %add3A = arith.constant 0 : i32
    %add3A_1 = arith.addi %mul3A_0, %add3A : i32
    "tpu.region"() ({
      %run_scoped3A = tpu.sem_alloc : memref<!tpu.dma_semaphore, #tpu.memory_space<semaphore_mem>>
      %dma_start3A_195 = arith.constant 0 : i32
      %dma_start3A_196 = tpu.memref_slice %arg14[%add3A_1, %dma_start3A_195] : memref<10512x64xf32, #tpu.memory_space<vmem_shared>> -> memref<104x64xf32, #tpu.memory_space<vmem_shared>>
      %dma_start3A_197 = arith.constant 0 : i32
      %dma_start3A_198 = tpu.memref_slice %arg14[%add3A_1, %dma_start3A_197] : memref<10512x64xf32, #tpu.memory_space<vmem_shared>> -> memref<104x64xf32, #tpu.memory_space<vmem_shared>>
      tpu.enqueue_dma source(%arg13 : memref<104x64xf32, #tpu.memory_space<vmem>>) target(%dma_start3A_198 : memref<104x64xf32, #tpu.memory_space<vmem_shared>>) target_semaphore(%run_scoped3A : memref<!tpu.dma_semaphore, #tpu.memory_space<semaphore_mem>>)
      %dma_wait3A_199 = arith.constant 0 : i32
      %dma_wait3A_200 = tpu.memref_slice %arg14[%add3A_1, %dma_wait3A_199] : memref<10512x64xf32, #tpu.memory_space<vmem_shared>> -> memref<104x64xf32, #tpu.memory_space<vmem_shared>>
      %dma_wait3A_201 = arith.constant 0 : i32
      %dma_wait3A_202 = tpu.memref_slice %arg14[%add3A_1, %dma_wait3A_201] : memref<10512x64xf32, #tpu.memory_space<vmem_shared>> -> memref<104x64xf32, #tpu.memory_space<vmem_shared>>
      tpu.wait_dma2 semaphore(%run_scoped3A : memref<!tpu.dma_semaphore, #tpu.memory_space<semaphore_mem>>) src(%arg13 : memref<104x64xf32, #tpu.memory_space<vmem>>) dst(%dma_wait3A_202 : memref<104x64xf32, #tpu.memory_space<vmem_shared>>)
      tpu.yield
    }) : () -> ()
    %mul3A_2 = arith.constant 624 : i32
    %mul3A_3 = arith.muli %arg1, %mul3A_2 : i32
    %add3A_4 = arith.constant 104 : i32
    %add3A_5 = arith.addi %mul3A_3, %add3A_4 : i32
    "tpu.region"() ({
      %run_scoped3A = tpu.sem_alloc : memref<!tpu.dma_semaphore, #tpu.memory_space<semaphore_mem>>
      %dma_start3A_195 = arith.constant 0 : i32
      %dma_start3A_196 = tpu.memref_slice %arg14[%add3A_5, %dma_start3A_195] : memref<10512x64xf32, #tpu.memory_space<vmem_shared>> -> memref<104x64xf32, #tpu.memory_space<vmem_shared>>
      %dma_start3A_197 = arith.constant 0 : i32
      %dma_start3A_198 = tpu.memref_slice %arg14[%add3A_5, %dma_start3A_197] : memref<10512x64xf32, #tpu.memory_space<vmem_shared>> -> memref<104x64xf32, #tpu.memory_space<vmem_shared>>
      tpu.enqueue_dma source(%arg13 : memref<104x64xf32, #tpu.memory_space<vmem>>) target(%dma_start3A_198 : memref<104x64xf32, #tpu.memory_space<vmem_shared>>) target_semaphore(%run_scoped3A : memref<!tpu.dma_semaphore, #tpu.memory_space<semaphore_mem>>)
      %dma_wait3A_199 = arith.constant 0 : i32
      %dma_wait3A_200 = tpu.memref_slice %arg14[%add3A_5, %dma_wait3A_199] : memref<10512x64xf32, #tpu.memory_space<vmem_shared>> -> memref<104x64xf32, #tpu.memory_space<vmem_shared>>
      %dma_wait3A_201 = arith.constant 0 : i32
      %dma_wait3A_202 = tpu.memref_slice %arg14[%add3A_5, %dma_wait3A_201] : memref<10512x64xf32, #tpu.memory_space<vmem_shared>> -> memref<104x64xf32, #tpu.memory_space<vmem_shared>>
      tpu.wait_dma2 semaphore(%run_scoped3A : memref<!tpu.dma_semaphore, #tpu.memory_space<semaphore_mem>>) src(%arg13 : memref<104x64xf32, #tpu.memory_space<vmem>>) dst(%dma_wait3A_202 : memref<104x64xf32, #tpu.memory_space<vmem_shared>>)
      tpu.yield
    }) : () -> ()
    %mul3A_6 = arith.constant 624 : i32
    %mul3A_7 = arith.muli %arg1, %mul3A_6 : i32
    %add3A_8 = arith.constant 208 : i32
    %add3A_9 = arith.addi %mul3A_7, %add3A_8 : i32
    "tpu.region"() ({
      %run_scoped3A = tpu.sem_alloc : memref<!tpu.dma_semaphore, #tpu.memory_space<semaphore_mem>>
      %dma_start3A_195 = arith.constant 0 : i32
      %dma_start3A_196 = tpu.memref_slice %arg14[%add3A_9, %dma_start3A_195] : memref<10512x64xf32, #tpu.memory_space<vmem_shared>> -> memref<104x64xf32, #tpu.memory_space<vmem_shared>>
      %dma_start3A_197 = arith.constant 0 : i32
      %dma_start3A_198 = tpu.memref_slice %arg14[%add3A_9, %dma_start3A_197] : memref<10512x64xf32, #tpu.memory_space<vmem_shared>> -> memref<104x64xf32, #tpu.memory_space<vmem_shared>>
      tpu.enqueue_dma source(%arg13 : memref<104x64xf32, #tpu.memory_space<vmem>>) target(%dma_start3A_198 : memref<104x64xf32, #tpu.memory_space<vmem_shared>>) target_semaphore(%run_scoped3A : memref<!tpu.dma_semaphore, #tpu.memory_space<semaphore_mem>>)
      %dma_wait3A_199 = arith.constant 0 : i32
      %dma_wait3A_200 = tpu.memref_slice %arg14[%add3A_9, %dma_wait3A_199] : memref<10512x64xf32, #tpu.memory_space<vmem_shared>> -> memref<104x64xf32, #tpu.memory_space<vmem_shared>>
      %dma_wait3A_201 = arith.constant 0 : i32
      %dma_wait3A_202 = tpu.memref_slice %arg14[%add3A_9, %dma_wait3A_201] : memref<10512x64xf32, #tpu.memory_space<vmem_shared>> -> memref<104x64xf32, #tpu.memory_space<vmem_shared>>
      tpu.wait_dma2 semaphore(%run_scoped3A : memref<!tpu.dma_semaphore, #tpu.memory_space<semaphore_mem>>) src(%arg13 : memref<104x64xf32, #tpu.memory_space<vmem>>) dst(%dma_wait3A_202 : memref<104x64xf32, #tpu.memory_space<vmem_shared>>)
      tpu.yield
    }) : () -> ()
    %mul3A_10 = arith.constant 624 : i32
    %mul3A_11 = arith.muli %arg1, %mul3A_10 : i32
    %add3A_12 = arith.constant 312 : i32
    %add3A_13 = arith.addi %mul3A_11, %add3A_12 : i32
    "tpu.region"() ({
      %run_scoped3A = tpu.sem_alloc : memref<!tpu.dma_semaphore, #tpu.memory_space<semaphore_mem>>
      %dma_start3A_195 = arith.constant 0 : i32
      %dma_start3A_196 = tpu.memref_slice %arg14[%add3A_13, %dma_start3A_195] : memref<10512x64xf32, #tpu.memory_space<vmem_shared>> -> memref<104x64xf32, #tpu.memory_space<vmem_shared>>
      %dma_start3A_197 = arith.constant 0 : i32
      %dma_start3A_198 = tpu.memref_slice %arg14[%add3A_13, %dma_start3A_197] : memref<10512x64xf32, #tpu.memory_space<vmem_shared>> -> memref<104x64xf32, #tpu.memory_space<vmem_shared>>
      tpu.enqueue_dma source(%arg13 : memref<104x64xf32, #tpu.memory_space<vmem>>) target(%dma_start3A_198 : memref<104x64xf32, #tpu.memory_space<vmem_shared>>) target_semaphore(%run_scoped3A : memref<!tpu.dma_semaphore, #tpu.memory_space<semaphore_mem>>)
      %dma_wait3A_199 = arith.constant 0 : i32
      %dma_wait3A_200 = tpu.memref_slice %arg14[%add3A_13, %dma_wait3A_199] : memref<10512x64xf32, #tpu.memory_space<vmem_shared>> -> memref<104x64xf32, #tpu.memory_space<vmem_shared>>
      %dma_wait3A_201 = arith.constant 0 : i32
      %dma_wait3A_202 = tpu.memref_slice %arg14[%add3A_13, %dma_wait3A_201] : memref<10512x64xf32, #tpu.memory_space<vmem_shared>> -> memref<104x64xf32, #tpu.memory_space<vmem_shared>>
      tpu.wait_dma2 semaphore(%run_scoped3A : memref<!tpu.dma_semaphore, #tpu.memory_space<semaphore_mem>>) src(%arg13 : memref<104x64xf32, #tpu.memory_space<vmem>>) dst(%dma_wait3A_202 : memref<104x64xf32, #tpu.memory_space<vmem_shared>>)
      tpu.yield
    }) : () -> ()
    %mul3A_14 = arith.constant 624 : i32
    %mul3A_15 = arith.muli %arg1, %mul3A_14 : i32
    %add3A_16 = arith.constant 416 : i32
    %add3A_17 = arith.addi %mul3A_15, %add3A_16 : i32
    "tpu.region"() ({
      %run_scoped3A = tpu.sem_alloc : memref<!tpu.dma_semaphore, #tpu.memory_space<semaphore_mem>>
      %dma_start3A_195 = arith.constant 0 : i32
      %dma_start3A_196 = tpu.memref_slice %arg14[%add3A_17, %dma_start3A_195] : memref<10512x64xf32, #tpu.memory_space<vmem_shared>> -> memref<104x64xf32, #tpu.memory_space<vmem_shared>>
      %dma_start3A_197 = arith.constant 0 : i32
      %dma_start3A_198 = tpu.memref_slice %arg14[%add3A_17, %dma_start3A_197] : memref<10512x64xf32, #tpu.memory_space<vmem_shared>> -> memref<104x64xf32, #tpu.memory_space<vmem_shared>>
      tpu.enqueue_dma source(%arg13 : memref<104x64xf32, #tpu.memory_space<vmem>>) target(%dma_start3A_198 : memref<104x64xf32, #tpu.memory_space<vmem_shared>>) target_semaphore(%run_scoped3A : memref<!tpu.dma_semaphore, #tpu.memory_space<semaphore_mem>>)
      %dma_wait3A_199 = arith.constant 0 : i32
      %dma_wait3A_200 = tpu.memref_slice %arg14[%add3A_17, %dma_wait3A_199] : memref<10512x64xf32, #tpu.memory_space<vmem_shared>> -> memref<104x64xf32, #tpu.memory_space<vmem_shared>>
      %dma_wait3A_201 = arith.constant 0 : i32
      %dma_wait3A_202 = tpu.memref_slice %arg14[%add3A_17, %dma_wait3A_201] : memref<10512x64xf32, #tpu.memory_space<vmem_shared>> -> memref<104x64xf32, #tpu.memory_space<vmem_shared>>
      tpu.wait_dma2 semaphore(%run_scoped3A : memref<!tpu.dma_semaphore, #tpu.memory_space<semaphore_mem>>) src(%arg13 : memref<104x64xf32, #tpu.memory_space<vmem>>) dst(%dma_wait3A_202 : memref<104x64xf32, #tpu.memory_space<vmem_shared>>)
      tpu.yield
    }) : () -> ()
    %mul3A_18 = arith.constant 624 : i32
    %mul3A_19 = arith.muli %arg1, %mul3A_18 : i32
    %add3A_20 = arith.constant 520 : i32
    %add3A_21 = arith.addi %mul3A_19, %add3A_20 : i32
    "tpu.region"() ({
      %run_scoped3A = tpu.sem_alloc : memref<!tpu.dma_semaphore, #tpu.memory_space<semaphore_mem>>
      %dma_start3A_195 = arith.constant 0 : i32
      %dma_start3A_196 = tpu.memref_slice %arg14[%add3A_21, %dma_start3A_195] : memref<10512x64xf32, #tpu.memory_space<vmem_shared>> -> memref<104x64xf32, #tpu.memory_space<vmem_shared>>
      %dma_start3A_197 = arith.constant 0 : i32
      %dma_start3A_198 = tpu.memref_slice %arg14[%add3A_21, %dma_start3A_197] : memref<10512x64xf32, #tpu.memory_space<vmem_shared>> -> memref<104x64xf32, #tpu.memory_space<vmem_shared>>
      tpu.enqueue_dma source(%arg13 : memref<104x64xf32, #tpu.memory_space<vmem>>) target(%dma_start3A_198 : memref<104x64xf32, #tpu.memory_space<vmem_shared>>) target_semaphore(%run_scoped3A : memref<!tpu.dma_semaphore, #tpu.memory_space<semaphore_mem>>)
      %dma_wait3A_199 = arith.constant 0 : i32
      %dma_wait3A_200 = tpu.memref_slice %arg14[%add3A_21, %dma_wait3A_199] : memref<10512x64xf32, #tpu.memory_space<vmem_shared>> -> memref<104x64xf32, #tpu.memory_space<vmem_shared>>
      %dma_wait3A_201 = arith.constant 0 : i32
      %dma_wait3A_202 = tpu.memref_slice %arg14[%add3A_21, %dma_wait3A_201] : memref<10512x64xf32, #tpu.memory_space<vmem_shared>> -> memref<104x64xf32, #tpu.memory_space<vmem_shared>>
      tpu.wait_dma2 semaphore(%run_scoped3A : memref<!tpu.dma_semaphore, #tpu.memory_space<semaphore_mem>>) src(%arg13 : memref<104x64xf32, #tpu.memory_space<vmem>>) dst(%dma_wait3A_202 : memref<104x64xf32, #tpu.memory_space<vmem_shared>>)
      tpu.yield
    }) : () -> ()
    %eq3A = arith.constant 15 : i32
    %eq3A_22 = arith.cmpi eq, %arg1, %eq3A : i32
    %convert_element_type3A = arith.extui %eq3A_22 : i1 to i32
    %cond3A = arith.constant 0 : i32
    %cond3A_23 = arith.cmpi ne, %convert_element_type3A, %cond3A : i32
    scf.if %cond3A_23 {
      "tpu.region"() ({
        %run_scoped3A = tpu.sem_alloc : memref<!tpu.dma_semaphore, #tpu.memory_space<semaphore_mem>>
        %dma_start3A_195 = arith.constant 0 : i32
        %dma_start3A_196 = arith.constant 0 : i32
        %dma_start3A_197 = tpu.memref_slice %arg13[%dma_start3A_195, %dma_start3A_196] : memref<104x64xf32, #tpu.memory_space<vmem>> -> memref<16x64xf32, #tpu.memory_space<vmem>>
        %dma_start3A_198 = arith.constant 9984 : i32
        %dma_start3A_199 = arith.constant 0 : i32
        %dma_start3A_200 = tpu.memref_slice %arg14[%dma_start3A_198, %dma_start3A_199] : memref<10512x64xf32, #tpu.memory_space<vmem_shared>> -> memref<16x64xf32, #tpu.memory_space<vmem_shared>>
        %dma_start3A_201 = arith.constant 9984 : i32
        %dma_start3A_202 = arith.constant 0 : i32
        %dma_start3A_203 = tpu.memref_slice %arg14[%dma_start3A_201, %dma_start3A_202] : memref<10512x64xf32, #tpu.memory_space<vmem_shared>> -> memref<16x64xf32, #tpu.memory_space<vmem_shared>>
        %dma_start3A_204 = arith.constant 0 : i32
        %dma_start3A_205 = arith.constant 0 : i32
        %dma_start3A_206 = tpu.memref_slice %arg13[%dma_start3A_204, %dma_start3A_205] : memref<104x64xf32, #tpu.memory_space<vmem>> -> memref<16x64xf32, #tpu.memory_space<vmem>>
        tpu.enqueue_dma source(%dma_start3A_206 : memref<16x64xf32, #tpu.memory_space<vmem>>) target(%dma_start3A_203 : memref<16x64xf32, #tpu.memory_space<vmem_shared>>) target_semaphore(%run_scoped3A : memref<!tpu.dma_semaphore, #tpu.memory_space<semaphore_mem>>)
        %dma_wait3A_207 = arith.constant 0 : i32
        %dma_wait3A_208 = arith.constant 0 : i32
        %dma_wait3A_209 = tpu.memref_slice %arg13[%dma_wait3A_207, %dma_wait3A_208] : memref<104x64xf32, #tpu.memory_space<vmem>> -> memref<16x64xf32, #tpu.memory_space<vmem>>
        %dma_wait3A_210 = arith.constant 9984 : i32
        %dma_wait3A_211 = arith.constant 0 : i32
        %dma_wait3A_212 = tpu.memref_slice %arg14[%dma_wait3A_210, %dma_wait3A_211] : memref<10512x64xf32, #tpu.memory_space<vmem_shared>> -> memref<16x64xf32, #tpu.memory_space<vmem_shared>>
        %dma_wait3A_213 = arith.constant 9984 : i32
        %dma_wait3A_214 = arith.constant 0 : i32
        %dma_wait3A_215 = tpu.memref_slice %arg14[%dma_wait3A_213, %dma_wait3A_214] : memref<10512x64xf32, #tpu.memory_space<vmem_shared>> -> memref<16x64xf32, #tpu.memory_space<vmem_shared>>
        %dma_wait3A_216 = arith.constant 0 : i32
        %dma_wait3A_217 = arith.constant 0 : i32
        %dma_wait3A_218 = tpu.memref_slice %arg13[%dma_wait3A_216, %dma_wait3A_217] : memref<104x64xf32, #tpu.memory_space<vmem>> -> memref<16x64xf32, #tpu.memory_space<vmem>>
        tpu.wait_dma2 semaphore(%run_scoped3A : memref<!tpu.dma_semaphore, #tpu.memory_space<semaphore_mem>>) src(%dma_wait3A_218 : memref<16x64xf32, #tpu.memory_space<vmem>>) dst(%dma_wait3A_215 : memref<16x64xf32, #tpu.memory_space<vmem_shared>>)
        tpu.yield
      }) : () -> ()
    } else {
    }
    %mul3A_24 = arith.constant 160 : i32
    %mul3A_25 = arith.muli %arg1, %mul3A_24 : i32
    %barrier3A = arith.constant 0 : index
    tpu.barrier barrier_id(%barrier3A)
    %add3A_26 = arith.constant 0 : i32
    %add3A_27 = arith.addi %mul3A_25, %add3A_26 : i32
    "tpu.region"() ({
      %run_scoped3A = tpu.sem_alloc : memref<!tpu.dma_semaphore, #tpu.memory_space<semaphore_mem>>
      %dma_start3A_195 = arith.constant 0 : i32
      %dma_start3A_196 = tpu.memref_slice %arg3[%arg0, %add3A_27, %dma_start3A_195] : memref<2x2568x128xi32, #tpu.memory_space<hbm>> -> memref<1x4x128xi32, #tpu.memory_space<hbm>>
      %dma_start3A_197 = tpu.memref_squeeze %dma_start3A_196 : memref<1x4x128xi32, #tpu.memory_space<hbm>> -> memref<4x128xi32, #tpu.memory_space<hbm>>
      %dma_start3A_198 = arith.constant 0 : i32
      %dma_start3A_199 = tpu.memref_slice %arg3[%arg0, %add3A_27, %dma_start3A_198] : memref<2x2568x128xi32, #tpu.memory_space<hbm>> -> memref<1x4x128xi32, #tpu.memory_space<hbm>>
      %dma_start3A_200 = tpu.memref_squeeze %dma_start3A_199 : memref<1x4x128xi32, #tpu.memory_space<hbm>> -> memref<4x128xi32, #tpu.memory_space<hbm>>
      tpu.enqueue_dma source(%dma_start3A_200 : memref<4x128xi32, #tpu.memory_space<hbm>>) target(%arg7 : memref<4x128xi32, #tpu.memory_space<vmem>>) target_semaphore(%run_scoped3A : memref<!tpu.dma_semaphore, #tpu.memory_space<semaphore_mem>>)
      %dma_wait3A_201 = arith.constant 0 : i32
      %dma_wait3A_202 = tpu.memref_slice %arg3[%arg0, %add3A_27, %dma_wait3A_201] : memref<2x2568x128xi32, #tpu.memory_space<hbm>> -> memref<1x4x128xi32, #tpu.memory_space<hbm>>
      %dma_wait3A_203 = tpu.memref_squeeze %dma_wait3A_202 : memref<1x4x128xi32, #tpu.memory_space<hbm>> -> memref<4x128xi32, #tpu.memory_space<hbm>>
      %dma_wait3A_204 = arith.constant 0 : i32
      %dma_wait3A_205 = tpu.memref_slice %arg3[%arg0, %add3A_27, %dma_wait3A_204] : memref<2x2568x128xi32, #tpu.memory_space<hbm>> -> memref<1x4x128xi32, #tpu.memory_space<hbm>>
      %dma_wait3A_206 = tpu.memref_squeeze %dma_wait3A_205 : memref<1x4x128xi32, #tpu.memory_space<hbm>> -> memref<4x128xi32, #tpu.memory_space<hbm>>
      tpu.wait_dma2 semaphore(%run_scoped3A : memref<!tpu.dma_semaphore, #tpu.memory_space<semaphore_mem>>) src(%dma_wait3A_206 : memref<4x128xi32, #tpu.memory_space<hbm>>) dst(%arg7 : memref<4x128xi32, #tpu.memory_space<vmem>>)
      tpu.yield
    }) : () -> ()
    "tpu.region"() ({
      %run_scoped3A = tpu.sem_alloc : memref<!tpu.dma_semaphore, #tpu.memory_space<semaphore_mem>>
      %dma_start3A_195 = arith.constant 0 : i32
      %dma_start3A_196 = tpu.memref_slice %arg4[%add3A_27, %dma_start3A_195] : memref<2568x128xi32, #tpu.memory_space<hbm>> -> memref<4x128xi32, #tpu.memory_space<hbm>>
      %dma_start3A_197 = arith.constant 0 : i32
      %dma_start3A_198 = tpu.memref_slice %arg4[%add3A_27, %dma_start3A_197] : memref<2568x128xi32, #tpu.memory_space<hbm>> -> memref<4x128xi32, #tpu.memory_space<hbm>>
      tpu.enqueue_dma source(%dma_start3A_198 : memref<4x128xi32, #tpu.memory_space<hbm>>) target(%arg8 : memref<4x128xi32, #tpu.memory_space<vmem>>) target_semaphore(%run_scoped3A : memref<!tpu.dma_semaphore, #tpu.memory_space<semaphore_mem>>)
      %dma_wait3A_199 = arith.constant 0 : i32
      %dma_wait3A_200 = tpu.memref_slice %arg4[%add3A_27, %dma_wait3A_199] : memref<2568x128xi32, #tpu.memory_space<hbm>> -> memref<4x128xi32, #tpu.memory_space<hbm>>
      %dma_wait3A_201 = arith.constant 0 : i32
      %dma_wait3A_202 = tpu.memref_slice %arg4[%add3A_27, %dma_wait3A_201] : memref<2568x128xi32, #tpu.memory_space<hbm>> -> memref<4x128xi32, #tpu.memory_space<hbm>>
      tpu.wait_dma2 semaphore(%run_scoped3A : memref<!tpu.dma_semaphore, #tpu.memory_space<semaphore_mem>>) src(%dma_wait3A_202 : memref<4x128xi32, #tpu.memory_space<hbm>>) dst(%arg8 : memref<4x128xi32, #tpu.memory_space<vmem>>)
      tpu.yield
    }) : () -> ()
    %dma_start3A = arith.constant 0 : i32
    %dma_start3A_28 = arith.constant 0 : i32
    %dma_start3A_29 = arith.constant 0 : i32
    %dma_start3A_30 = tpu.memref_slice %arg11[%dma_start3A_28, %dma_start3A_29] : memref<512x64xf32, #tpu.memory_space<vmem>> -> memref<128x64xf32, #tpu.memory_space<vmem>>
    %dma_start3A_31 = arith.constant 0 : i32
    %dma_start3A_32 = tpu.memref_slice %arg7[%dma_start3A, %dma_start3A_31] : memref<4x128xi32, #tpu.memory_space<vmem>> -> memref<1x128xi32, #tpu.memory_space<vmem>>
    %dma_start3A_33 = tpu.memref_squeeze %dma_start3A_32 : memref<1x128xi32, #tpu.memory_space<vmem>> -> memref<128xi32, #tpu.memory_space<vmem>>
    %dma_start3A_34 = arith.constant 0 : i32
    %dma_start3A_35 = arith.constant 0 : i32
    %dma_start3A_36 = tpu.memref_slice %arg2[%dma_start3A_34, %dma_start3A_35] : memref<20000x64xf32, #tpu.memory_space<hbm>> -> memref<20000x64xf32, #tpu.memory_space<hbm>>
    tpu.enqueue_indirect_dma source(%dma_start3A_36 : memref<20000x64xf32, #tpu.memory_space<hbm>>) target(%dma_start3A_30 : memref<128x64xf32, #tpu.memory_space<vmem>>) offsets(%dma_start3A_33 : memref<128xi32, #tpu.memory_space<vmem>>) semaphore(%arg15 : memref<!tpu.dma_semaphore, #tpu.memory_space<semaphore_mem>>)
    %dma_start3A_37 = arith.constant 1 : i32
    %dma_start3A_38 = arith.constant 128 : i32
    %dma_start3A_39 = arith.constant 0 : i32
    %dma_start3A_40 = tpu.memref_slice %arg11[%dma_start3A_38, %dma_start3A_39] : memref<512x64xf32, #tpu.memory_space<vmem>> -> memref<128x64xf32, #tpu.memory_space<vmem>>
    %dma_start3A_41 = arith.constant 0 : i32
    %dma_start3A_42 = tpu.memref_slice %arg7[%dma_start3A_37, %dma_start3A_41] : memref<4x128xi32, #tpu.memory_space<vmem>> -> memref<1x128xi32, #tpu.memory_space<vmem>>
    %dma_start3A_43 = tpu.memref_squeeze %dma_start3A_42 : memref<1x128xi32, #tpu.memory_space<vmem>> -> memref<128xi32, #tpu.memory_space<vmem>>
    %dma_start3A_44 = arith.constant 0 : i32
    %dma_start3A_45 = arith.constant 0 : i32
    %dma_start3A_46 = tpu.memref_slice %arg2[%dma_start3A_44, %dma_start3A_45] : memref<20000x64xf32, #tpu.memory_space<hbm>> -> memref<20000x64xf32, #tpu.memory_space<hbm>>
    tpu.enqueue_indirect_dma source(%dma_start3A_46 : memref<20000x64xf32, #tpu.memory_space<hbm>>) target(%dma_start3A_40 : memref<128x64xf32, #tpu.memory_space<vmem>>) offsets(%dma_start3A_43 : memref<128xi32, #tpu.memory_space<vmem>>) semaphore(%arg15 : memref<!tpu.dma_semaphore, #tpu.memory_space<semaphore_mem>>)
    %dma_start3A_47 = arith.constant 2 : i32
    %dma_start3A_48 = arith.constant 256 : i32
    %dma_start3A_49 = arith.constant 0 : i32
    %dma_start3A_50 = tpu.memref_slice %arg11[%dma_start3A_48, %dma_start3A_49] : memref<512x64xf32, #tpu.memory_space<vmem>> -> memref<128x64xf32, #tpu.memory_space<vmem>>
    %dma_start3A_51 = arith.constant 0 : i32
    %dma_start3A_52 = tpu.memref_slice %arg7[%dma_start3A_47, %dma_start3A_51] : memref<4x128xi32, #tpu.memory_space<vmem>> -> memref<1x128xi32, #tpu.memory_space<vmem>>
    %dma_start3A_53 = tpu.memref_squeeze %dma_start3A_52 : memref<1x128xi32, #tpu.memory_space<vmem>> -> memref<128xi32, #tpu.memory_space<vmem>>
    %dma_start3A_54 = arith.constant 0 : i32
    %dma_start3A_55 = arith.constant 0 : i32
    %dma_start3A_56 = tpu.memref_slice %arg2[%dma_start3A_54, %dma_start3A_55] : memref<20000x64xf32, #tpu.memory_space<hbm>> -> memref<20000x64xf32, #tpu.memory_space<hbm>>
    tpu.enqueue_indirect_dma source(%dma_start3A_56 : memref<20000x64xf32, #tpu.memory_space<hbm>>) target(%dma_start3A_50 : memref<128x64xf32, #tpu.memory_space<vmem>>) offsets(%dma_start3A_53 : memref<128xi32, #tpu.memory_space<vmem>>) semaphore(%arg15 : memref<!tpu.dma_semaphore, #tpu.memory_space<semaphore_mem>>)
    %dma_start3A_57 = arith.constant 3 : i32
    %dma_start3A_58 = arith.constant 384 : i32
    %dma_start3A_59 = arith.constant 0 : i32
    %dma_start3A_60 = tpu.memref_slice %arg11[%dma_start3A_58, %dma_start3A_59] : memref<512x64xf32, #tpu.memory_space<vmem>> -> memref<128x64xf32, #tpu.memory_space<vmem>>
    %dma_start3A_61 = arith.constant 0 : i32
    %dma_start3A_62 = tpu.memref_slice %arg7[%dma_start3A_57, %dma_start3A_61] : memref<4x128xi32, #tpu.memory_space<vmem>> -> memref<1x128xi32, #tpu.memory_space<vmem>>
    %dma_start3A_63 = tpu.memref_squeeze %dma_start3A_62 : memref<1x128xi32, #tpu.memory_space<vmem>> -> memref<128xi32, #tpu.memory_space<vmem>>
    %dma_start3A_64 = arith.constant 0 : i32
    %dma_start3A_65 = arith.constant 0 : i32
    %dma_start3A_66 = tpu.memref_slice %arg2[%dma_start3A_64, %dma_start3A_65] : memref<20000x64xf32, #tpu.memory_space<hbm>> -> memref<20000x64xf32, #tpu.memory_space<hbm>>
    tpu.enqueue_indirect_dma source(%dma_start3A_66 : memref<20000x64xf32, #tpu.memory_space<hbm>>) target(%dma_start3A_60 : memref<128x64xf32, #tpu.memory_space<vmem>>) offsets(%dma_start3A_63 : memref<128xi32, #tpu.memory_space<vmem>>) semaphore(%arg15 : memref<!tpu.dma_semaphore, #tpu.memory_space<semaphore_mem>>)
    %add3A_67 = arith.constant 4 : i32
    %add3A_68 = arith.addi %mul3A_25, %add3A_67 : i32
    %dma_start3A_69 = arith.constant 0 : i32
    %dma_start3A_70 = tpu.memref_slice %arg3[%arg0, %add3A_68, %dma_start3A_69] : memref<2x2568x128xi32, #tpu.memory_space<hbm>> -> memref<1x4x128xi32, #tpu.memory_space<hbm>>
    %dma_start3A_71 = tpu.memref_squeeze %dma_start3A_70 : memref<1x4x128xi32, #tpu.memory_space<hbm>> -> memref<4x128xi32, #tpu.memory_space<hbm>>
    %dma_start3A_72 = arith.constant 0 : i32
    %dma_start3A_73 = tpu.memref_slice %arg3[%arg0, %add3A_68, %dma_start3A_72] : memref<2x2568x128xi32, #tpu.memory_space<hbm>> -> memref<1x4x128xi32, #tpu.memory_space<hbm>>
    %dma_start3A_74 = tpu.memref_squeeze %dma_start3A_73 : memref<1x4x128xi32, #tpu.memory_space<hbm>> -> memref<4x128xi32, #tpu.memory_space<hbm>>
    tpu.enqueue_dma source(%dma_start3A_74 : memref<4x128xi32, #tpu.memory_space<hbm>>) target(%arg9 : memref<4x128xi32, #tpu.memory_space<vmem>>) target_semaphore(%arg17 : memref<!tpu.dma_semaphore, #tpu.memory_space<semaphore_mem>>)
    %dma_start3A_75 = arith.constant 0 : i32
    %dma_start3A_76 = tpu.memref_slice %arg4[%add3A_68, %dma_start3A_75] : memref<2568x128xi32, #tpu.memory_space<hbm>> -> memref<4x128xi32, #tpu.memory_space<hbm>>
    %dma_start3A_77 = arith.constant 0 : i32
    %dma_start3A_78 = tpu.memref_slice %arg4[%add3A_68, %dma_start3A_77] : memref<2568x128xi32, #tpu.memory_space<hbm>> -> memref<4x128xi32, #tpu.memory_space<hbm>>
    tpu.enqueue_dma source(%dma_start3A_78 : memref<4x128xi32, #tpu.memory_space<hbm>>) target(%arg10 : memref<4x128xi32, #tpu.memory_space<vmem>>) target_semaphore(%arg17 : memref<!tpu.dma_semaphore, #tpu.memory_space<semaphore_mem>>)
    %ge3A = arith.constant 0 : i32
    %ge3A_79 = arith.cmpi sge, %arg1, %ge3A : i32
    %jit3A = arith.constant 20 : i32
    %jit3A_80 = arith.constant 0 : i32
    %select_n3A = arith.select %ge3A_79, %jit3A, %jit3A_80 : i32
    %while3A = arith.constant 0 : i32
    %while3A_81 = arith.constant 0 : i32
    %while3A_82 = arith.subi %select_n3A, %while3A_81 : i32
    %while3A_83 = arith.addi %while3A_81, %while3A_82 : i32
    %while3A_84 = arith.constant 1 : i32
    %while3A_85 = arith.divsi %while3A_82, %while3A_84 : i32
    %while3A_86 = arith.muli %while3A_85, %while3A_84 : i32
    %while3A_87 = arith.addi %while3A_81, %while3A_86 : i32
    %while3A_88 = arith.constant 1 : i32
    scf.for %while3A_195 = %while3A_81 to %while3A_87 step %while3A_88  : i32 {
      %mul3A_196 = arith.constant 2 : i32
      %mul3A_197 = arith.muli %mul3A_196, %while3A_195 : i32
      %add3A_198 = arith.constant 1 : i32
      %add3A_199 = arith.addi %mul3A_197, %add3A_198 : i32
      %mul3A_200 = arith.constant 4 : i32
      %mul3A_201 = arith.muli %add3A_199, %mul3A_200 : i32
      %add3A_202 = arith.addi %mul3A_25, %mul3A_201 : i32
      %dma_wait3A_203 = arith.constant 0 : i32
      %dma_wait3A_204 = tpu.memref_slice %arg3[%arg0, %add3A_202, %dma_wait3A_203] : memref<2x2568x128xi32, #tpu.memory_space<hbm>> -> memref<1x4x128xi32, #tpu.memory_space<hbm>>
      %dma_wait3A_205 = tpu.memref_squeeze %dma_wait3A_204 : memref<1x4x128xi32, #tpu.memory_space<hbm>> -> memref<4x128xi32, #tpu.memory_space<hbm>>
      %dma_wait3A_206 = arith.constant 0 : i32
      %dma_wait3A_207 = tpu.memref_slice %arg3[%arg0, %add3A_202, %dma_wait3A_206] : memref<2x2568x128xi32, #tpu.memory_space<hbm>> -> memref<1x4x128xi32, #tpu.memory_space<hbm>>
      %dma_wait3A_208 = tpu.memref_squeeze %dma_wait3A_207 : memref<1x4x128xi32, #tpu.memory_space<hbm>> -> memref<4x128xi32, #tpu.memory_space<hbm>>
      tpu.wait_dma2 semaphore(%arg17 : memref<!tpu.dma_semaphore, #tpu.memory_space<semaphore_mem>>) src(%dma_wait3A_208 : memref<4x128xi32, #tpu.memory_space<hbm>>) dst(%arg9 : memref<4x128xi32, #tpu.memory_space<vmem>>)
      %dma_wait3A_209 = arith.constant 0 : i32
      %dma_wait3A_210 = tpu.memref_slice %arg4[%add3A_202, %dma_wait3A_209] : memref<2568x128xi32, #tpu.memory_space<hbm>> -> memref<4x128xi32, #tpu.memory_space<hbm>>
      %dma_wait3A_211 = arith.constant 0 : i32
      %dma_wait3A_212 = tpu.memref_slice %arg4[%add3A_202, %dma_wait3A_211] : memref<2568x128xi32, #tpu.memory_space<hbm>> -> memref<4x128xi32, #tpu.memory_space<hbm>>
      tpu.wait_dma2 semaphore(%arg17 : memref<!tpu.dma_semaphore, #tpu.memory_space<semaphore_mem>>) src(%dma_wait3A_212 : memref<4x128xi32, #tpu.memory_space<hbm>>) dst(%arg10 : memref<4x128xi32, #tpu.memory_space<vmem>>)
      %dma_wait3A_213 = arith.constant 0 : i32
      %dma_wait3A_214 = arith.constant 0 : i32
      %dma_wait3A_215 = arith.constant 0 : i32
      %dma_wait3A_216 = tpu.memref_slice %arg11[%dma_wait3A_214, %dma_wait3A_215] : memref<512x64xf32, #tpu.memory_space<vmem>> -> memref<128x64xf32, #tpu.memory_space<vmem>>
      %dma_wait3A_217 = arith.constant 0 : i32
      %dma_wait3A_218 = tpu.memref_slice %arg7[%dma_wait3A_213, %dma_wait3A_217] : memref<4x128xi32, #tpu.memory_space<vmem>> -> memref<1x128xi32, #tpu.memory_space<vmem>>
      %dma_wait3A_219 = tpu.memref_squeeze %dma_wait3A_218 : memref<1x128xi32, #tpu.memory_space<vmem>> -> memref<128xi32, #tpu.memory_space<vmem>>
      %dma_wait3A_220 = arith.constant 0 : i32
      %dma_wait3A_221 = arith.constant 0 : i32
      %dma_wait3A_222 = tpu.memref_slice %arg2[%dma_wait3A_220, %dma_wait3A_221] : memref<20000x64xf32, #tpu.memory_space<hbm>> -> memref<20000x64xf32, #tpu.memory_space<hbm>>
      tpu.wait_indirect_dma semaphore(%arg15 : memref<!tpu.dma_semaphore, #tpu.memory_space<semaphore_mem>>) src(%dma_wait3A_222 : memref<20000x64xf32, #tpu.memory_space<hbm>>) dst(%dma_wait3A_216 : memref<128x64xf32, #tpu.memory_space<vmem>>)
      %dma_wait3A_223 = arith.constant 1 : i32
      %dma_wait3A_224 = arith.constant 128 : i32
      %dma_wait3A_225 = arith.constant 0 : i32
      %dma_wait3A_226 = tpu.memref_slice %arg11[%dma_wait3A_224, %dma_wait3A_225] : memref<512x64xf32, #tpu.memory_space<vmem>> -> memref<128x64xf32, #tpu.memory_space<vmem>>
      %dma_wait3A_227 = arith.constant 0 : i32
      %dma_wait3A_228 = tpu.memref_slice %arg7[%dma_wait3A_223, %dma_wait3A_227] : memref<4x128xi32, #tpu.memory_space<vmem>> -> memref<1x128xi32, #tpu.memory_space<vmem>>
      %dma_wait3A_229 = tpu.memref_squeeze %dma_wait3A_228 : memref<1x128xi32, #tpu.memory_space<vmem>> -> memref<128xi32, #tpu.memory_space<vmem>>
      %dma_wait3A_230 = arith.constant 0 : i32
      %dma_wait3A_231 = arith.constant 0 : i32
      %dma_wait3A_232 = tpu.memref_slice %arg2[%dma_wait3A_230, %dma_wait3A_231] : memref<20000x64xf32, #tpu.memory_space<hbm>> -> memref<20000x64xf32, #tpu.memory_space<hbm>>
      tpu.wait_indirect_dma semaphore(%arg15 : memref<!tpu.dma_semaphore, #tpu.memory_space<semaphore_mem>>) src(%dma_wait3A_232 : memref<20000x64xf32, #tpu.memory_space<hbm>>) dst(%dma_wait3A_226 : memref<128x64xf32, #tpu.memory_space<vmem>>)
      %dma_wait3A_233 = arith.constant 2 : i32
      %dma_wait3A_234 = arith.constant 256 : i32
      %dma_wait3A_235 = arith.constant 0 : i32
      %dma_wait3A_236 = tpu.memref_slice %arg11[%dma_wait3A_234, %dma_wait3A_235] : memref<512x64xf32, #tpu.memory_space<vmem>> -> memref<128x64xf32, #tpu.memory_space<vmem>>
      %dma_wait3A_237 = arith.constant 0 : i32
      %dma_wait3A_238 = tpu.memref_slice %arg7[%dma_wait3A_233, %dma_wait3A_237] : memref<4x128xi32, #tpu.memory_space<vmem>> -> memref<1x128xi32, #tpu.memory_space<vmem>>
      %dma_wait3A_239 = tpu.memref_squeeze %dma_wait3A_238 : memref<1x128xi32, #tpu.memory_space<vmem>> -> memref<128xi32, #tpu.memory_space<vmem>>
      %dma_wait3A_240 = arith.constant 0 : i32
      %dma_wait3A_241 = arith.constant 0 : i32
      %dma_wait3A_242 = tpu.memref_slice %arg2[%dma_wait3A_240, %dma_wait3A_241] : memref<20000x64xf32, #tpu.memory_space<hbm>> -> memref<20000x64xf32, #tpu.memory_space<hbm>>
      tpu.wait_indirect_dma semaphore(%arg15 : memref<!tpu.dma_semaphore, #tpu.memory_space<semaphore_mem>>) src(%dma_wait3A_242 : memref<20000x64xf32, #tpu.memory_space<hbm>>) dst(%dma_wait3A_236 : memref<128x64xf32, #tpu.memory_space<vmem>>)
      %dma_wait3A_243 = arith.constant 3 : i32
      %dma_wait3A_244 = arith.constant 384 : i32
      %dma_wait3A_245 = arith.constant 0 : i32
      %dma_wait3A_246 = tpu.memref_slice %arg11[%dma_wait3A_244, %dma_wait3A_245] : memref<512x64xf32, #tpu.memory_space<vmem>> -> memref<128x64xf32, #tpu.memory_space<vmem>>
      %dma_wait3A_247 = arith.constant 0 : i32
      %dma_wait3A_248 = tpu.memref_slice %arg7[%dma_wait3A_243, %dma_wait3A_247] : memref<4x128xi32, #tpu.memory_space<vmem>> -> memref<1x128xi32, #tpu.memory_space<vmem>>
      %dma_wait3A_249 = tpu.memref_squeeze %dma_wait3A_248 : memref<1x128xi32, #tpu.memory_space<vmem>> -> memref<128xi32, #tpu.memory_space<vmem>>
      %dma_wait3A_250 = arith.constant 0 : i32
      %dma_wait3A_251 = arith.constant 0 : i32
      %dma_wait3A_252 = tpu.memref_slice %arg2[%dma_wait3A_250, %dma_wait3A_251] : memref<20000x64xf32, #tpu.memory_space<hbm>> -> memref<20000x64xf32, #tpu.memory_space<hbm>>
      tpu.wait_indirect_dma semaphore(%arg15 : memref<!tpu.dma_semaphore, #tpu.memory_space<semaphore_mem>>) src(%dma_wait3A_252 : memref<20000x64xf32, #tpu.memory_space<hbm>>) dst(%dma_wait3A_246 : memref<128x64xf32, #tpu.memory_space<vmem>>)
      %dma_start3A_253 = arith.constant 0 : i32
      %dma_start3A_254 = arith.constant 0 : i32
      %dma_start3A_255 = arith.constant 0 : i32
      %dma_start3A_256 = tpu.memref_slice %arg12[%dma_start3A_254, %dma_start3A_255] : memref<512x64xf32, #tpu.memory_space<vmem>> -> memref<128x64xf32, #tpu.memory_space<vmem>>
      %dma_start3A_257 = arith.constant 0 : i32
      %dma_start3A_258 = tpu.memref_slice %arg9[%dma_start3A_253, %dma_start3A_257] : memref<4x128xi32, #tpu.memory_space<vmem>> -> memref<1x128xi32, #tpu.memory_space<vmem>>
      %dma_start3A_259 = tpu.memref_squeeze %dma_start3A_258 : memref<1x128xi32, #tpu.memory_space<vmem>> -> memref<128xi32, #tpu.memory_space<vmem>>
      %dma_start3A_260 = arith.constant 0 : i32
      %dma_start3A_261 = arith.constant 0 : i32
      %dma_start3A_262 = tpu.memref_slice %arg2[%dma_start3A_260, %dma_start3A_261] : memref<20000x64xf32, #tpu.memory_space<hbm>> -> memref<20000x64xf32, #tpu.memory_space<hbm>>
      tpu.enqueue_indirect_dma source(%dma_start3A_262 : memref<20000x64xf32, #tpu.memory_space<hbm>>) target(%dma_start3A_256 : memref<128x64xf32, #tpu.memory_space<vmem>>) offsets(%dma_start3A_259 : memref<128xi32, #tpu.memory_space<vmem>>) semaphore(%arg16 : memref<!tpu.dma_semaphore, #tpu.memory_space<semaphore_mem>>)
      %dma_start3A_263 = arith.constant 1 : i32
      %dma_start3A_264 = arith.constant 128 : i32
      %dma_start3A_265 = arith.constant 0 : i32
      %dma_start3A_266 = tpu.memref_slice %arg12[%dma_start3A_264, %dma_start3A_265] : memref<512x64xf32, #tpu.memory_space<vmem>> -> memref<128x64xf32, #tpu.memory_space<vmem>>
      %dma_start3A_267 = arith.constant 0 : i32
      %dma_start3A_268 = tpu.memref_slice %arg9[%dma_start3A_263, %dma_start3A_267] : memref<4x128xi32, #tpu.memory_space<vmem>> -> memref<1x128xi32, #tpu.memory_space<vmem>>
      %dma_start3A_269 = tpu.memref_squeeze %dma_start3A_268 : memref<1x128xi32, #tpu.memory_space<vmem>> -> memref<128xi32, #tpu.memory_space<vmem>>
      %dma_start3A_270 = arith.constant 0 : i32
      %dma_start3A_271 = arith.constant 0 : i32
      %dma_start3A_272 = tpu.memref_slice %arg2[%dma_start3A_270, %dma_start3A_271] : memref<20000x64xf32, #tpu.memory_space<hbm>> -> memref<20000x64xf32, #tpu.memory_space<hbm>>
      tpu.enqueue_indirect_dma source(%dma_start3A_272 : memref<20000x64xf32, #tpu.memory_space<hbm>>) target(%dma_start3A_266 : memref<128x64xf32, #tpu.memory_space<vmem>>) offsets(%dma_start3A_269 : memref<128xi32, #tpu.memory_space<vmem>>) semaphore(%arg16 : memref<!tpu.dma_semaphore, #tpu.memory_space<semaphore_mem>>)
      %dma_start3A_273 = arith.constant 2 : i32
      %dma_start3A_274 = arith.constant 256 : i32
      %dma_start3A_275 = arith.constant 0 : i32
      %dma_start3A_276 = tpu.memref_slice %arg12[%dma_start3A_274, %dma_start3A_275] : memref<512x64xf32, #tpu.memory_space<vmem>> -> memref<128x64xf32, #tpu.memory_space<vmem>>
      %dma_start3A_277 = arith.constant 0 : i32
      %dma_start3A_278 = tpu.memref_slice %arg9[%dma_start3A_273, %dma_start3A_277] : memref<4x128xi32, #tpu.memory_space<vmem>> -> memref<1x128xi32, #tpu.memory_space<vmem>>
      %dma_start3A_279 = tpu.memref_squeeze %dma_start3A_278 : memref<1x128xi32, #tpu.memory_space<vmem>> -> memref<128xi32, #tpu.memory_space<vmem>>
      %dma_start3A_280 = arith.constant 0 : i32
      %dma_start3A_281 = arith.constant 0 : i32
      %dma_start3A_282 = tpu.memref_slice %arg2[%dma_start3A_280, %dma_start3A_281] : memref<20000x64xf32, #tpu.memory_space<hbm>> -> memref<20000x64xf32, #tpu.memory_space<hbm>>
      tpu.enqueue_indirect_dma source(%dma_start3A_282 : memref<20000x64xf32, #tpu.memory_space<hbm>>) target(%dma_start3A_276 : memref<128x64xf32, #tpu.memory_space<vmem>>) offsets(%dma_start3A_279 : memref<128xi32, #tpu.memory_space<vmem>>) semaphore(%arg16 : memref<!tpu.dma_semaphore, #tpu.memory_space<semaphore_mem>>)
      %dma_start3A_283 = arith.constant 3 : i32
      %dma_start3A_284 = arith.constant 384 : i32
      %dma_start3A_285 = arith.constant 0 : i32
      %dma_start3A_286 = tpu.memref_slice %arg12[%dma_start3A_284, %dma_start3A_285] : memref<512x64xf32, #tpu.memory_space<vmem>> -> memref<128x64xf32, #tpu.memory_space<vmem>>
      %dma_start3A_287 = arith.constant 0 : i32
      %dma_start3A_288 = tpu.memref_slice %arg9[%dma_start3A_283, %dma_start3A_287] : memref<4x128xi32, #tpu.memory_space<vmem>> -> memref<1x128xi32, #tpu.memory_space<vmem>>
      %dma_start3A_289 = tpu.memref_squeeze %dma_start3A_288 : memref<1x128xi32, #tpu.memory_space<vmem>> -> memref<128xi32, #tpu.memory_space<vmem>>
      %dma_start3A_290 = arith.constant 0 : i32
      %dma_start3A_291 = arith.constant 0 : i32
      %dma_start3A_292 = tpu.memref_slice %arg2[%dma_start3A_290, %dma_start3A_291] : memref<20000x64xf32, #tpu.memory_space<hbm>> -> memref<20000x64xf32, #tpu.memory_space<hbm>>
      tpu.enqueue_indirect_dma source(%dma_start3A_292 : memref<20000x64xf32, #tpu.memory_space<hbm>>) target(%dma_start3A_286 : memref<128x64xf32, #tpu.memory_space<vmem>>) offsets(%dma_start3A_289 : memref<128xi32, #tpu.memory_space<vmem>>) semaphore(%arg16 : memref<!tpu.dma_semaphore, #tpu.memory_space<semaphore_mem>>)
      %run_scoped3A = arith.constant 0 : i32
      "tpu.region"() ({
        %run_scoped3A_400 = tpu.sem_alloc : memref<!tpu.dma_semaphore, #tpu.memory_space<semaphore_mem>>
        %dma_start3A_401 = arith.constant 0 : i32
        %dma_start3A_402 = arith.constant 0 : i32
        %dma_start3A_403 = tpu.memref_slice %arg11[%dma_start3A_401, %dma_start3A_402] : memref<512x64xf32, #tpu.memory_space<vmem>> -> memref<128x64xf32, #tpu.memory_space<vmem>>
        %dma_start3A_404 = arith.constant 0 : i32
        %dma_start3A_405 = tpu.memref_slice %arg8[%run_scoped3A, %dma_start3A_404] : memref<4x128xi32, #tpu.memory_space<vmem>> -> memref<1x128xi32, #tpu.memory_space<vmem>>
        %dma_start3A_406 = tpu.memref_squeeze %dma_start3A_405 : memref<1x128xi32, #tpu.memory_space<vmem>> -> memref<128xi32, #tpu.memory_space<vmem>>
        %dma_start3A_407 = arith.constant 0 : i32
        %dma_start3A_408 = arith.constant 0 : i32
        %dma_start3A_409 = tpu.memref_slice %arg14[%dma_start3A_407, %dma_start3A_408] : memref<10512x64xf32, #tpu.memory_space<vmem_shared>> -> memref<10512x64xf32, #tpu.memory_space<vmem_shared>>
        tpu.enqueue_indirect_dma source(%dma_start3A_403 : memref<128x64xf32, #tpu.memory_space<vmem>>) target(%dma_start3A_409 : memref<10512x64xf32, #tpu.memory_space<vmem_shared>>) offsets(%dma_start3A_406 : memref<128xi32, #tpu.memory_space<vmem>>) semaphore(%run_scoped3A_400 : memref<!tpu.dma_semaphore, #tpu.memory_space<semaphore_mem>>) {add = true}
        %dma_wait3A_410 = arith.constant 0 : i32
        %dma_wait3A_411 = arith.constant 0 : i32
        %dma_wait3A_412 = tpu.memref_slice %arg11[%dma_wait3A_410, %dma_wait3A_411] : memref<512x64xf32, #tpu.memory_space<vmem>> -> memref<128x64xf32, #tpu.memory_space<vmem>>
        %dma_wait3A_413 = arith.constant 0 : i32
        %dma_wait3A_414 = tpu.memref_slice %arg8[%run_scoped3A, %dma_wait3A_413] : memref<4x128xi32, #tpu.memory_space<vmem>> -> memref<1x128xi32, #tpu.memory_space<vmem>>
        %dma_wait3A_415 = tpu.memref_squeeze %dma_wait3A_414 : memref<1x128xi32, #tpu.memory_space<vmem>> -> memref<128xi32, #tpu.memory_space<vmem>>
        %dma_wait3A_416 = arith.constant 0 : i32
        %dma_wait3A_417 = arith.constant 0 : i32
        %dma_wait3A_418 = tpu.memref_slice %arg14[%dma_wait3A_416, %dma_wait3A_417] : memref<10512x64xf32, #tpu.memory_space<vmem_shared>> -> memref<10512x64xf32, #tpu.memory_space<vmem_shared>>
        tpu.wait_indirect_dma semaphore(%run_scoped3A_400 : memref<!tpu.dma_semaphore, #tpu.memory_space<semaphore_mem>>) src(%dma_wait3A_412 : memref<128x64xf32, #tpu.memory_space<vmem>>) dst(%dma_wait3A_418 : memref<10512x64xf32, #tpu.memory_space<vmem_shared>>)
        tpu.yield
      }) : () -> ()
      %run_scoped3A_293 = arith.constant 1 : i32
      "tpu.region"() ({
        %run_scoped3A_400 = tpu.sem_alloc : memref<!tpu.dma_semaphore, #tpu.memory_space<semaphore_mem>>
        %dma_start3A_401 = arith.constant 128 : i32
        %dma_start3A_402 = arith.constant 0 : i32
        %dma_start3A_403 = tpu.memref_slice %arg11[%dma_start3A_401, %dma_start3A_402] : memref<512x64xf32, #tpu.memory_space<vmem>> -> memref<128x64xf32, #tpu.memory_space<vmem>>
        %dma_start3A_404 = arith.constant 0 : i32
        %dma_start3A_405 = tpu.memref_slice %arg8[%run_scoped3A_293, %dma_start3A_404] : memref<4x128xi32, #tpu.memory_space<vmem>> -> memref<1x128xi32, #tpu.memory_space<vmem>>
        %dma_start3A_406 = tpu.memref_squeeze %dma_start3A_405 : memref<1x128xi32, #tpu.memory_space<vmem>> -> memref<128xi32, #tpu.memory_space<vmem>>
        %dma_start3A_407 = arith.constant 0 : i32
        %dma_start3A_408 = arith.constant 0 : i32
        %dma_start3A_409 = tpu.memref_slice %arg14[%dma_start3A_407, %dma_start3A_408] : memref<10512x64xf32, #tpu.memory_space<vmem_shared>> -> memref<10512x64xf32, #tpu.memory_space<vmem_shared>>
        tpu.enqueue_indirect_dma source(%dma_start3A_403 : memref<128x64xf32, #tpu.memory_space<vmem>>) target(%dma_start3A_409 : memref<10512x64xf32, #tpu.memory_space<vmem_shared>>) offsets(%dma_start3A_406 : memref<128xi32, #tpu.memory_space<vmem>>) semaphore(%run_scoped3A_400 : memref<!tpu.dma_semaphore, #tpu.memory_space<semaphore_mem>>) {add = true}
        %dma_wait3A_410 = arith.constant 128 : i32
        %dma_wait3A_411 = arith.constant 0 : i32
        %dma_wait3A_412 = tpu.memref_slice %arg11[%dma_wait3A_410, %dma_wait3A_411] : memref<512x64xf32, #tpu.memory_space<vmem>> -> memref<128x64xf32, #tpu.memory_space<vmem>>
        %dma_wait3A_413 = arith.constant 0 : i32
        %dma_wait3A_414 = tpu.memref_slice %arg8[%run_scoped3A_293, %dma_wait3A_413] : memref<4x128xi32, #tpu.memory_space<vmem>> -> memref<1x128xi32, #tpu.memory_space<vmem>>
        %dma_wait3A_415 = tpu.memref_squeeze %dma_wait3A_414 : memref<1x128xi32, #tpu.memory_space<vmem>> -> memref<128xi32, #tpu.memory_space<vmem>>
        %dma_wait3A_416 = arith.constant 0 : i32
        %dma_wait3A_417 = arith.constant 0 : i32
        %dma_wait3A_418 = tpu.memref_slice %arg14[%dma_wait3A_416, %dma_wait3A_417] : memref<10512x64xf32, #tpu.memory_space<vmem_shared>> -> memref<10512x64xf32, #tpu.memory_space<vmem_shared>>
        tpu.wait_indirect_dma semaphore(%run_scoped3A_400 : memref<!tpu.dma_semaphore, #tpu.memory_space<semaphore_mem>>) src(%dma_wait3A_412 : memref<128x64xf32, #tpu.memory_space<vmem>>) dst(%dma_wait3A_418 : memref<10512x64xf32, #tpu.memory_space<vmem_shared>>)
        tpu.yield
      }) : () -> ()
      %run_scoped3A_294 = arith.constant 2 : i32
      "tpu.region"() ({
        %run_scoped3A_400 = tpu.sem_alloc : memref<!tpu.dma_semaphore, #tpu.memory_space<semaphore_mem>>
        %dma_start3A_401 = arith.constant 256 : i32
        %dma_start3A_402 = arith.constant 0 : i32
        %dma_start3A_403 = tpu.memref_slice %arg11[%dma_start3A_401, %dma_start3A_402] : memref<512x64xf32, #tpu.memory_space<vmem>> -> memref<128x64xf32, #tpu.memory_space<vmem>>
        %dma_start3A_404 = arith.constant 0 : i32
        %dma_start3A_405 = tpu.memref_slice %arg8[%run_scoped3A_294, %dma_start3A_404] : memref<4x128xi32, #tpu.memory_space<vmem>> -> memref<1x128xi32, #tpu.memory_space<vmem>>
        %dma_start3A_406 = tpu.memref_squeeze %dma_start3A_405 : memref<1x128xi32, #tpu.memory_space<vmem>> -> memref<128xi32, #tpu.memory_space<vmem>>
        %dma_start3A_407 = arith.constant 0 : i32
        %dma_start3A_408 = arith.constant 0 : i32
        %dma_start3A_409 = tpu.memref_slice %arg14[%dma_start3A_407, %dma_start3A_408] : memref<10512x64xf32, #tpu.memory_space<vmem_shared>> -> memref<10512x64xf32, #tpu.memory_space<vmem_shared>>
        tpu.enqueue_indirect_dma source(%dma_start3A_403 : memref<128x64xf32, #tpu.memory_space<vmem>>) target(%dma_start3A_409 : memref<10512x64xf32, #tpu.memory_space<vmem_shared>>) offsets(%dma_start3A_406 : memref<128xi32, #tpu.memory_space<vmem>>) semaphore(%run_scoped3A_400 : memref<!tpu.dma_semaphore, #tpu.memory_space<semaphore_mem>>) {add = true}
        %dma_wait3A_410 = arith.constant 256 : i32
        %dma_wait3A_411 = arith.constant 0 : i32
        %dma_wait3A_412 = tpu.memref_slice %arg11[%dma_wait3A_410, %dma_wait3A_411] : memref<512x64xf32, #tpu.memory_space<vmem>> -> memref<128x64xf32, #tpu.memory_space<vmem>>
        %dma_wait3A_413 = arith.constant 0 : i32
        %dma_wait3A_414 = tpu.memref_slice %arg8[%run_scoped3A_294, %dma_wait3A_413] : memref<4x128xi32, #tpu.memory_space<vmem>> -> memref<1x128xi32, #tpu.memory_space<vmem>>
        %dma_wait3A_415 = tpu.memref_squeeze %dma_wait3A_414 : memref<1x128xi32, #tpu.memory_space<vmem>> -> memref<128xi32, #tpu.memory_space<vmem>>
        %dma_wait3A_416 = arith.constant 0 : i32
        %dma_wait3A_417 = arith.constant 0 : i32
        %dma_wait3A_418 = tpu.memref_slice %arg14[%dma_wait3A_416, %dma_wait3A_417] : memref<10512x64xf32, #tpu.memory_space<vmem_shared>> -> memref<10512x64xf32, #tpu.memory_space<vmem_shared>>
        tpu.wait_indirect_dma semaphore(%run_scoped3A_400 : memref<!tpu.dma_semaphore, #tpu.memory_space<semaphore_mem>>) src(%dma_wait3A_412 : memref<128x64xf32, #tpu.memory_space<vmem>>) dst(%dma_wait3A_418 : memref<10512x64xf32, #tpu.memory_space<vmem_shared>>)
        tpu.yield
      }) : () -> ()
      %run_scoped3A_295 = arith.constant 3 : i32
      "tpu.region"() ({
        %run_scoped3A_400 = tpu.sem_alloc : memref<!tpu.dma_semaphore, #tpu.memory_space<semaphore_mem>>
        %dma_start3A_401 = arith.constant 384 : i32
        %dma_start3A_402 = arith.constant 0 : i32
        %dma_start3A_403 = tpu.memref_slice %arg11[%dma_start3A_401, %dma_start3A_402] : memref<512x64xf32, #tpu.memory_space<vmem>> -> memref<128x64xf32, #tpu.memory_space<vmem>>
        %dma_start3A_404 = arith.constant 0 : i32
        %dma_start3A_405 = tpu.memref_slice %arg8[%run_scoped3A_295, %dma_start3A_404] : memref<4x128xi32, #tpu.memory_space<vmem>> -> memref<1x128xi32, #tpu.memory_space<vmem>>
        %dma_start3A_406 = tpu.memref_squeeze %dma_start3A_405 : memref<1x128xi32, #tpu.memory_space<vmem>> -> memref<128xi32, #tpu.memory_space<vmem>>
        %dma_start3A_407 = arith.constant 0 : i32
        %dma_start3A_408 = arith.constant 0 : i32
        %dma_start3A_409 = tpu.memref_slice %arg14[%dma_start3A_407, %dma_start3A_408] : memref<10512x64xf32, #tpu.memory_space<vmem_shared>> -> memref<10512x64xf32, #tpu.memory_space<vmem_shared>>
        tpu.enqueue_indirect_dma source(%dma_start3A_403 : memref<128x64xf32, #tpu.memory_space<vmem>>) target(%dma_start3A_409 : memref<10512x64xf32, #tpu.memory_space<vmem_shared>>) offsets(%dma_start3A_406 : memref<128xi32, #tpu.memory_space<vmem>>) semaphore(%run_scoped3A_400 : memref<!tpu.dma_semaphore, #tpu.memory_space<semaphore_mem>>) {add = true}
        %dma_wait3A_410 = arith.constant 384 : i32
        %dma_wait3A_411 = arith.constant 0 : i32
        %dma_wait3A_412 = tpu.memref_slice %arg11[%dma_wait3A_410, %dma_wait3A_411] : memref<512x64xf32, #tpu.memory_space<vmem>> -> memref<128x64xf32, #tpu.memory_space<vmem>>
        %dma_wait3A_413 = arith.constant 0 : i32
        %dma_wait3A_414 = tpu.memref_slice %arg8[%run_scoped3A_295, %dma_wait3A_413] : memref<4x128xi32, #tpu.memory_space<vmem>> -> memref<1x128xi32, #tpu.memory_space<vmem>>
        %dma_wait3A_415 = tpu.memref_squeeze %dma_wait3A_414 : memref<1x128xi32, #tpu.memory_space<vmem>> -> memref<128xi32, #tpu.memory_space<vmem>>
        %dma_wait3A_416 = arith.constant 0 : i32
        %dma_wait3A_417 = arith.constant 0 : i32
        %dma_wait3A_418 = tpu.memref_slice %arg14[%dma_wait3A_416, %dma_wait3A_417] : memref<10512x64xf32, #tpu.memory_space<vmem_shared>> -> memref<10512x64xf32, #tpu.memory_space<vmem_shared>>
        tpu.wait_indirect_dma semaphore(%run_scoped3A_400 : memref<!tpu.dma_semaphore, #tpu.memory_space<semaphore_mem>>) src(%dma_wait3A_412 : memref<128x64xf32, #tpu.memory_space<vmem>>) dst(%dma_wait3A_418 : memref<10512x64xf32, #tpu.memory_space<vmem_shared>>)
        tpu.yield
      }) : () -> ()
      %add3A_296 = arith.constant 2 : i32
      %add3A_297 = arith.addi %mul3A_197, %add3A_296 : i32
      %mul3A_298 = arith.constant 4 : i32
      %mul3A_299 = arith.muli %add3A_297, %mul3A_298 : i32
      %add3A_300 = arith.addi %mul3A_25, %mul3A_299 : i32
      "tpu.region"() ({
        %run_scoped3A_400 = tpu.sem_alloc : memref<!tpu.dma_semaphore, #tpu.memory_space<semaphore_mem>>
        %dma_start3A_401 = arith.constant 0 : i32
        %dma_start3A_402 = tpu.memref_slice %arg3[%arg0, %add3A_300, %dma_start3A_401] : memref<2x2568x128xi32, #tpu.memory_space<hbm>> -> memref<1x4x128xi32, #tpu.memory_space<hbm>>
        %dma_start3A_403 = tpu.memref_squeeze %dma_start3A_402 : memref<1x4x128xi32, #tpu.memory_space<hbm>> -> memref<4x128xi32, #tpu.memory_space<hbm>>
        %dma_start3A_404 = arith.constant 0 : i32
        %dma_start3A_405 = tpu.memref_slice %arg3[%arg0, %add3A_300, %dma_start3A_404] : memref<2x2568x128xi32, #tpu.memory_space<hbm>> -> memref<1x4x128xi32, #tpu.memory_space<hbm>>
        %dma_start3A_406 = tpu.memref_squeeze %dma_start3A_405 : memref<1x4x128xi32, #tpu.memory_space<hbm>> -> memref<4x128xi32, #tpu.memory_space<hbm>>
        tpu.enqueue_dma source(%dma_start3A_406 : memref<4x128xi32, #tpu.memory_space<hbm>>) target(%arg7 : memref<4x128xi32, #tpu.memory_space<vmem>>) target_semaphore(%run_scoped3A_400 : memref<!tpu.dma_semaphore, #tpu.memory_space<semaphore_mem>>)
        %dma_wait3A_407 = arith.constant 0 : i32
        %dma_wait3A_408 = tpu.memref_slice %arg3[%arg0, %add3A_300, %dma_wait3A_407] : memref<2x2568x128xi32, #tpu.memory_space<hbm>> -> memref<1x4x128xi32, #tpu.memory_space<hbm>>
        %dma_wait3A_409 = tpu.memref_squeeze %dma_wait3A_408 : memref<1x4x128xi32, #tpu.memory_space<hbm>> -> memref<4x128xi32, #tpu.memory_space<hbm>>
        %dma_wait3A_410 = arith.constant 0 : i32
        %dma_wait3A_411 = tpu.memref_slice %arg3[%arg0, %add3A_300, %dma_wait3A_410] : memref<2x2568x128xi32, #tpu.memory_space<hbm>> -> memref<1x4x128xi32, #tpu.memory_space<hbm>>
        %dma_wait3A_412 = tpu.memref_squeeze %dma_wait3A_411 : memref<1x4x128xi32, #tpu.memory_space<hbm>> -> memref<4x128xi32, #tpu.memory_space<hbm>>
        tpu.wait_dma2 semaphore(%run_scoped3A_400 : memref<!tpu.dma_semaphore, #tpu.memory_space<semaphore_mem>>) src(%dma_wait3A_412 : memref<4x128xi32, #tpu.memory_space<hbm>>) dst(%arg7 : memref<4x128xi32, #tpu.memory_space<vmem>>)
        tpu.yield
      }) : () -> ()
      "tpu.region"() ({
        %run_scoped3A_400 = tpu.sem_alloc : memref<!tpu.dma_semaphore, #tpu.memory_space<semaphore_mem>>
        %dma_start3A_401 = arith.constant 0 : i32
        %dma_start3A_402 = tpu.memref_slice %arg4[%add3A_300, %dma_start3A_401] : memref<2568x128xi32, #tpu.memory_space<hbm>> -> memref<4x128xi32, #tpu.memory_space<hbm>>
        %dma_start3A_403 = arith.constant 0 : i32
        %dma_start3A_404 = tpu.memref_slice %arg4[%add3A_300, %dma_start3A_403] : memref<2568x128xi32, #tpu.memory_space<hbm>> -> memref<4x128xi32, #tpu.memory_space<hbm>>
        tpu.enqueue_dma source(%dma_start3A_404 : memref<4x128xi32, #tpu.memory_space<hbm>>) target(%arg8 : memref<4x128xi32, #tpu.memory_space<vmem>>) target_semaphore(%run_scoped3A_400 : memref<!tpu.dma_semaphore, #tpu.memory_space<semaphore_mem>>)
        %dma_wait3A_405 = arith.constant 0 : i32
        %dma_wait3A_406 = tpu.memref_slice %arg4[%add3A_300, %dma_wait3A_405] : memref<2568x128xi32, #tpu.memory_space<hbm>> -> memref<4x128xi32, #tpu.memory_space<hbm>>
        %dma_wait3A_407 = arith.constant 0 : i32
        %dma_wait3A_408 = tpu.memref_slice %arg4[%add3A_300, %dma_wait3A_407] : memref<2568x128xi32, #tpu.memory_space<hbm>> -> memref<4x128xi32, #tpu.memory_space<hbm>>
        tpu.wait_dma2 semaphore(%run_scoped3A_400 : memref<!tpu.dma_semaphore, #tpu.memory_space<semaphore_mem>>) src(%dma_wait3A_408 : memref<4x128xi32, #tpu.memory_space<hbm>>) dst(%arg8 : memref<4x128xi32, #tpu.memory_space<vmem>>)
        tpu.yield
      }) : () -> ()
      %dma_wait3A_301 = arith.constant 0 : i32
      %dma_wait3A_302 = arith.constant 0 : i32
      %dma_wait3A_303 = arith.constant 0 : i32
      %dma_wait3A_304 = tpu.memref_slice %arg12[%dma_wait3A_302, %dma_wait3A_303] : memref<512x64xf32, #tpu.memory_space<vmem>> -> memref<128x64xf32, #tpu.memory_space<vmem>>
      %dma_wait3A_305 = arith.constant 0 : i32
      %dma_wait3A_306 = tpu.memref_slice %arg9[%dma_wait3A_301, %dma_wait3A_305] : memref<4x128xi32, #tpu.memory_space<vmem>> -> memref<1x128xi32, #tpu.memory_space<vmem>>
      %dma_wait3A_307 = tpu.memref_squeeze %dma_wait3A_306 : memref<1x128xi32, #tpu.memory_space<vmem>> -> memref<128xi32, #tpu.memory_space<vmem>>
      %dma_wait3A_308 = arith.constant 0 : i32
      %dma_wait3A_309 = arith.constant 0 : i32
      %dma_wait3A_310 = tpu.memref_slice %arg2[%dma_wait3A_308, %dma_wait3A_309] : memref<20000x64xf32, #tpu.memory_space<hbm>> -> memref<20000x64xf32, #tpu.memory_space<hbm>>
      tpu.wait_indirect_dma semaphore(%arg16 : memref<!tpu.dma_semaphore, #tpu.memory_space<semaphore_mem>>) src(%dma_wait3A_310 : memref<20000x64xf32, #tpu.memory_space<hbm>>) dst(%dma_wait3A_304 : memref<128x64xf32, #tpu.memory_space<vmem>>)
      %dma_wait3A_311 = arith.constant 1 : i32
      %dma_wait3A_312 = arith.constant 128 : i32
      %dma_wait3A_313 = arith.constant 0 : i32
      %dma_wait3A_314 = tpu.memref_slice %arg12[%dma_wait3A_312, %dma_wait3A_313] : memref<512x64xf32, #tpu.memory_space<vmem>> -> memref<128x64xf32, #tpu.memory_space<vmem>>
      %dma_wait3A_315 = arith.constant 0 : i32
      %dma_wait3A_316 = tpu.memref_slice %arg9[%dma_wait3A_311, %dma_wait3A_315] : memref<4x128xi32, #tpu.memory_space<vmem>> -> memref<1x128xi32, #tpu.memory_space<vmem>>
      %dma_wait3A_317 = tpu.memref_squeeze %dma_wait3A_316 : memref<1x128xi32, #tpu.memory_space<vmem>> -> memref<128xi32, #tpu.memory_space<vmem>>
      %dma_wait3A_318 = arith.constant 0 : i32
      %dma_wait3A_319 = arith.constant 0 : i32
      %dma_wait3A_320 = tpu.memref_slice %arg2[%dma_wait3A_318, %dma_wait3A_319] : memref<20000x64xf32, #tpu.memory_space<hbm>> -> memref<20000x64xf32, #tpu.memory_space<hbm>>
      tpu.wait_indirect_dma semaphore(%arg16 : memref<!tpu.dma_semaphore, #tpu.memory_space<semaphore_mem>>) src(%dma_wait3A_320 : memref<20000x64xf32, #tpu.memory_space<hbm>>) dst(%dma_wait3A_314 : memref<128x64xf32, #tpu.memory_space<vmem>>)
      %dma_wait3A_321 = arith.constant 2 : i32
      %dma_wait3A_322 = arith.constant 256 : i32
      %dma_wait3A_323 = arith.constant 0 : i32
      %dma_wait3A_324 = tpu.memref_slice %arg12[%dma_wait3A_322, %dma_wait3A_323] : memref<512x64xf32, #tpu.memory_space<vmem>> -> memref<128x64xf32, #tpu.memory_space<vmem>>
      %dma_wait3A_325 = arith.constant 0 : i32
      %dma_wait3A_326 = tpu.memref_slice %arg9[%dma_wait3A_321, %dma_wait3A_325] : memref<4x128xi32, #tpu.memory_space<vmem>> -> memref<1x128xi32, #tpu.memory_space<vmem>>
      %dma_wait3A_327 = tpu.memref_squeeze %dma_wait3A_326 : memref<1x128xi32, #tpu.memory_space<vmem>> -> memref<128xi32, #tpu.memory_space<vmem>>
      %dma_wait3A_328 = arith.constant 0 : i32
      %dma_wait3A_329 = arith.constant 0 : i32
      %dma_wait3A_330 = tpu.memref_slice %arg2[%dma_wait3A_328, %dma_wait3A_329] : memref<20000x64xf32, #tpu.memory_space<hbm>> -> memref<20000x64xf32, #tpu.memory_space<hbm>>
      tpu.wait_indirect_dma semaphore(%arg16 : memref<!tpu.dma_semaphore, #tpu.memory_space<semaphore_mem>>) src(%dma_wait3A_330 : memref<20000x64xf32, #tpu.memory_space<hbm>>) dst(%dma_wait3A_324 : memref<128x64xf32, #tpu.memory_space<vmem>>)
      %dma_wait3A_331 = arith.constant 3 : i32
      %dma_wait3A_332 = arith.constant 384 : i32
      %dma_wait3A_333 = arith.constant 0 : i32
      %dma_wait3A_334 = tpu.memref_slice %arg12[%dma_wait3A_332, %dma_wait3A_333] : memref<512x64xf32, #tpu.memory_space<vmem>> -> memref<128x64xf32, #tpu.memory_space<vmem>>
      %dma_wait3A_335 = arith.constant 0 : i32
      %dma_wait3A_336 = tpu.memref_slice %arg9[%dma_wait3A_331, %dma_wait3A_335] : memref<4x128xi32, #tpu.memory_space<vmem>> -> memref<1x128xi32, #tpu.memory_space<vmem>>
      %dma_wait3A_337 = tpu.memref_squeeze %dma_wait3A_336 : memref<1x128xi32, #tpu.memory_space<vmem>> -> memref<128xi32, #tpu.memory_space<vmem>>
      %dma_wait3A_338 = arith.constant 0 : i32
      %dma_wait3A_339 = arith.constant 0 : i32
      %dma_wait3A_340 = tpu.memref_slice %arg2[%dma_wait3A_338, %dma_wait3A_339] : memref<20000x64xf32, #tpu.memory_space<hbm>> -> memref<20000x64xf32, #tpu.memory_space<hbm>>
      tpu.wait_indirect_dma semaphore(%arg16 : memref<!tpu.dma_semaphore, #tpu.memory_space<semaphore_mem>>) src(%dma_wait3A_340 : memref<20000x64xf32, #tpu.memory_space<hbm>>) dst(%dma_wait3A_334 : memref<128x64xf32, #tpu.memory_space<vmem>>)
      %dma_start3A_341 = arith.constant 0 : i32
      %dma_start3A_342 = arith.constant 0 : i32
      %dma_start3A_343 = arith.constant 0 : i32
      %dma_start3A_344 = tpu.memref_slice %arg11[%dma_start3A_342, %dma_start3A_343] : memref<512x64xf32, #tpu.memory_space<vmem>> -> memref<128x64xf32, #tpu.memory_space<vmem>>
      %dma_start3A_345 = arith.constant 0 : i32
      %dma_start3A_346 = tpu.memref_slice %arg7[%dma_start3A_341, %dma_start3A_345] : memref<4x128xi32, #tpu.memory_space<vmem>> -> memref<1x128xi32, #tpu.memory_space<vmem>>
      %dma_start3A_347 = tpu.memref_squeeze %dma_start3A_346 : memref<1x128xi32, #tpu.memory_space<vmem>> -> memref<128xi32, #tpu.memory_space<vmem>>
      %dma_start3A_348 = arith.constant 0 : i32
      %dma_start3A_349 = arith.constant 0 : i32
      %dma_start3A_350 = tpu.memref_slice %arg2[%dma_start3A_348, %dma_start3A_349] : memref<20000x64xf32, #tpu.memory_space<hbm>> -> memref<20000x64xf32, #tpu.memory_space<hbm>>
      tpu.enqueue_indirect_dma source(%dma_start3A_350 : memref<20000x64xf32, #tpu.memory_space<hbm>>) target(%dma_start3A_344 : memref<128x64xf32, #tpu.memory_space<vmem>>) offsets(%dma_start3A_347 : memref<128xi32, #tpu.memory_space<vmem>>) semaphore(%arg15 : memref<!tpu.dma_semaphore, #tpu.memory_space<semaphore_mem>>)
      %dma_start3A_351 = arith.constant 1 : i32
      %dma_start3A_352 = arith.constant 128 : i32
      %dma_start3A_353 = arith.constant 0 : i32
      %dma_start3A_354 = tpu.memref_slice %arg11[%dma_start3A_352, %dma_start3A_353] : memref<512x64xf32, #tpu.memory_space<vmem>> -> memref<128x64xf32, #tpu.memory_space<vmem>>
      %dma_start3A_355 = arith.constant 0 : i32
      %dma_start3A_356 = tpu.memref_slice %arg7[%dma_start3A_351, %dma_start3A_355] : memref<4x128xi32, #tpu.memory_space<vmem>> -> memref<1x128xi32, #tpu.memory_space<vmem>>
      %dma_start3A_357 = tpu.memref_squeeze %dma_start3A_356 : memref<1x128xi32, #tpu.memory_space<vmem>> -> memref<128xi32, #tpu.memory_space<vmem>>
      %dma_start3A_358 = arith.constant 0 : i32
      %dma_start3A_359 = arith.constant 0 : i32
      %dma_start3A_360 = tpu.memref_slice %arg2[%dma_start3A_358, %dma_start3A_359] : memref<20000x64xf32, #tpu.memory_space<hbm>> -> memref<20000x64xf32, #tpu.memory_space<hbm>>
      tpu.enqueue_indirect_dma source(%dma_start3A_360 : memref<20000x64xf32, #tpu.memory_space<hbm>>) target(%dma_start3A_354 : memref<128x64xf32, #tpu.memory_space<vmem>>) offsets(%dma_start3A_357 : memref<128xi32, #tpu.memory_space<vmem>>) semaphore(%arg15 : memref<!tpu.dma_semaphore, #tpu.memory_space<semaphore_mem>>)
      %dma_start3A_361 = arith.constant 2 : i32
      %dma_start3A_362 = arith.constant 256 : i32
      %dma_start3A_363 = arith.constant 0 : i32
      %dma_start3A_364 = tpu.memref_slice %arg11[%dma_start3A_362, %dma_start3A_363] : memref<512x64xf32, #tpu.memory_space<vmem>> -> memref<128x64xf32, #tpu.memory_space<vmem>>
      %dma_start3A_365 = arith.constant 0 : i32
      %dma_start3A_366 = tpu.memref_slice %arg7[%dma_start3A_361, %dma_start3A_365] : memref<4x128xi32, #tpu.memory_space<vmem>> -> memref<1x128xi32, #tpu.memory_space<vmem>>
      %dma_start3A_367 = tpu.memref_squeeze %dma_start3A_366 : memref<1x128xi32, #tpu.memory_space<vmem>> -> memref<128xi32, #tpu.memory_space<vmem>>
      %dma_start3A_368 = arith.constant 0 : i32
      %dma_start3A_369 = arith.constant 0 : i32
      %dma_start3A_370 = tpu.memref_slice %arg2[%dma_start3A_368, %dma_start3A_369] : memref<20000x64xf32, #tpu.memory_space<hbm>> -> memref<20000x64xf32, #tpu.memory_space<hbm>>
      tpu.enqueue_indirect_dma source(%dma_start3A_370 : memref<20000x64xf32, #tpu.memory_space<hbm>>) target(%dma_start3A_364 : memref<128x64xf32, #tpu.memory_space<vmem>>) offsets(%dma_start3A_367 : memref<128xi32, #tpu.memory_space<vmem>>) semaphore(%arg15 : memref<!tpu.dma_semaphore, #tpu.memory_space<semaphore_mem>>)
      %dma_start3A_371 = arith.constant 3 : i32
      %dma_start3A_372 = arith.constant 384 : i32
      %dma_start3A_373 = arith.constant 0 : i32
      %dma_start3A_374 = tpu.memref_slice %arg11[%dma_start3A_372, %dma_start3A_373] : memref<512x64xf32, #tpu.memory_space<vmem>> -> memref<128x64xf32, #tpu.memory_space<vmem>>
      %dma_start3A_375 = arith.constant 0 : i32
      %dma_start3A_376 = tpu.memref_slice %arg7[%dma_start3A_371, %dma_start3A_375] : memref<4x128xi32, #tpu.memory_space<vmem>> -> memref<1x128xi32, #tpu.memory_space<vmem>>
      %dma_start3A_377 = tpu.memref_squeeze %dma_start3A_376 : memref<1x128xi32, #tpu.memory_space<vmem>> -> memref<128xi32, #tpu.memory_space<vmem>>
      %dma_start3A_378 = arith.constant 0 : i32
      %dma_start3A_379 = arith.constant 0 : i32
      %dma_start3A_380 = tpu.memref_slice %arg2[%dma_start3A_378, %dma_start3A_379] : memref<20000x64xf32, #tpu.memory_space<hbm>> -> memref<20000x64xf32, #tpu.memory_space<hbm>>
      tpu.enqueue_indirect_dma source(%dma_start3A_380 : memref<20000x64xf32, #tpu.memory_space<hbm>>) target(%dma_start3A_374 : memref<128x64xf32, #tpu.memory_space<vmem>>) offsets(%dma_start3A_377 : memref<128xi32, #tpu.memory_space<vmem>>) semaphore(%arg15 : memref<!tpu.dma_semaphore, #tpu.memory_space<semaphore_mem>>)
      %run_scoped3A_381 = arith.constant 0 : i32
      "tpu.region"() ({
        %run_scoped3A_400 = tpu.sem_alloc : memref<!tpu.dma_semaphore, #tpu.memory_space<semaphore_mem>>
        %dma_start3A_401 = arith.constant 0 : i32
        %dma_start3A_402 = arith.constant 0 : i32
        %dma_start3A_403 = tpu.memref_slice %arg12[%dma_start3A_401, %dma_start3A_402] : memref<512x64xf32, #tpu.memory_space<vmem>> -> memref<128x64xf32, #tpu.memory_space<vmem>>
        %dma_start3A_404 = arith.constant 0 : i32
        %dma_start3A_405 = tpu.memref_slice %arg10[%run_scoped3A_381, %dma_start3A_404] : memref<4x128xi32, #tpu.memory_space<vmem>> -> memref<1x128xi32, #tpu.memory_space<vmem>>
        %dma_start3A_406 = tpu.memref_squeeze %dma_start3A_405 : memref<1x128xi32, #tpu.memory_space<vmem>> -> memref<128xi32, #tpu.memory_space<vmem>>
        %dma_start3A_407 = arith.constant 0 : i32
        %dma_start3A_408 = arith.constant 0 : i32
        %dma_start3A_409 = tpu.memref_slice %arg14[%dma_start3A_407, %dma_start3A_408] : memref<10512x64xf32, #tpu.memory_space<vmem_shared>> -> memref<10512x64xf32, #tpu.memory_space<vmem_shared>>
        tpu.enqueue_indirect_dma source(%dma_start3A_403 : memref<128x64xf32, #tpu.memory_space<vmem>>) target(%dma_start3A_409 : memref<10512x64xf32, #tpu.memory_space<vmem_shared>>) offsets(%dma_start3A_406 : memref<128xi32, #tpu.memory_space<vmem>>) semaphore(%run_scoped3A_400 : memref<!tpu.dma_semaphore, #tpu.memory_space<semaphore_mem>>) {add = true}
        %dma_wait3A_410 = arith.constant 0 : i32
        %dma_wait3A_411 = arith.constant 0 : i32
        %dma_wait3A_412 = tpu.memref_slice %arg12[%dma_wait3A_410, %dma_wait3A_411] : memref<512x64xf32, #tpu.memory_space<vmem>> -> memref<128x64xf32, #tpu.memory_space<vmem>>
        %dma_wait3A_413 = arith.constant 0 : i32
        %dma_wait3A_414 = tpu.memref_slice %arg10[%run_scoped3A_381, %dma_wait3A_413] : memref<4x128xi32, #tpu.memory_space<vmem>> -> memref<1x128xi32, #tpu.memory_space<vmem>>
        %dma_wait3A_415 = tpu.memref_squeeze %dma_wait3A_414 : memref<1x128xi32, #tpu.memory_space<vmem>> -> memref<128xi32, #tpu.memory_space<vmem>>
        %dma_wait3A_416 = arith.constant 0 : i32
        %dma_wait3A_417 = arith.constant 0 : i32
        %dma_wait3A_418 = tpu.memref_slice %arg14[%dma_wait3A_416, %dma_wait3A_417] : memref<10512x64xf32, #tpu.memory_space<vmem_shared>> -> memref<10512x64xf32, #tpu.memory_space<vmem_shared>>
        tpu.wait_indirect_dma semaphore(%run_scoped3A_400 : memref<!tpu.dma_semaphore, #tpu.memory_space<semaphore_mem>>) src(%dma_wait3A_412 : memref<128x64xf32, #tpu.memory_space<vmem>>) dst(%dma_wait3A_418 : memref<10512x64xf32, #tpu.memory_space<vmem_shared>>)
        tpu.yield
      }) : () -> ()
      %run_scoped3A_382 = arith.constant 1 : i32
      "tpu.region"() ({
        %run_scoped3A_400 = tpu.sem_alloc : memref<!tpu.dma_semaphore, #tpu.memory_space<semaphore_mem>>
        %dma_start3A_401 = arith.constant 128 : i32
        %dma_start3A_402 = arith.constant 0 : i32
        %dma_start3A_403 = tpu.memref_slice %arg12[%dma_start3A_401, %dma_start3A_402] : memref<512x64xf32, #tpu.memory_space<vmem>> -> memref<128x64xf32, #tpu.memory_space<vmem>>
        %dma_start3A_404 = arith.constant 0 : i32
        %dma_start3A_405 = tpu.memref_slice %arg10[%run_scoped3A_382, %dma_start3A_404] : memref<4x128xi32, #tpu.memory_space<vmem>> -> memref<1x128xi32, #tpu.memory_space<vmem>>
        %dma_start3A_406 = tpu.memref_squeeze %dma_start3A_405 : memref<1x128xi32, #tpu.memory_space<vmem>> -> memref<128xi32, #tpu.memory_space<vmem>>
        %dma_start3A_407 = arith.constant 0 : i32
        %dma_start3A_408 = arith.constant 0 : i32
        %dma_start3A_409 = tpu.memref_slice %arg14[%dma_start3A_407, %dma_start3A_408] : memref<10512x64xf32, #tpu.memory_space<vmem_shared>> -> memref<10512x64xf32, #tpu.memory_space<vmem_shared>>
        tpu.enqueue_indirect_dma source(%dma_start3A_403 : memref<128x64xf32, #tpu.memory_space<vmem>>) target(%dma_start3A_409 : memref<10512x64xf32, #tpu.memory_space<vmem_shared>>) offsets(%dma_start3A_406 : memref<128xi32, #tpu.memory_space<vmem>>) semaphore(%run_scoped3A_400 : memref<!tpu.dma_semaphore, #tpu.memory_space<semaphore_mem>>) {add = true}
        %dma_wait3A_410 = arith.constant 128 : i32
        %dma_wait3A_411 = arith.constant 0 : i32
        %dma_wait3A_412 = tpu.memref_slice %arg12[%dma_wait3A_410, %dma_wait3A_411] : memref<512x64xf32, #tpu.memory_space<vmem>> -> memref<128x64xf32, #tpu.memory_space<vmem>>
        %dma_wait3A_413 = arith.constant 0 : i32
        %dma_wait3A_414 = tpu.memref_slice %arg10[%run_scoped3A_382, %dma_wait3A_413] : memref<4x128xi32, #tpu.memory_space<vmem>> -> memref<1x128xi32, #tpu.memory_space<vmem>>
        %dma_wait3A_415 = tpu.memref_squeeze %dma_wait3A_414 : memref<1x128xi32, #tpu.memory_space<vmem>> -> memref<128xi32, #tpu.memory_space<vmem>>
        %dma_wait3A_416 = arith.constant 0 : i32
        %dma_wait3A_417 = arith.constant 0 : i32
        %dma_wait3A_418 = tpu.memref_slice %arg14[%dma_wait3A_416, %dma_wait3A_417] : memref<10512x64xf32, #tpu.memory_space<vmem_shared>> -> memref<10512x64xf32, #tpu.memory_space<vmem_shared>>
        tpu.wait_indirect_dma semaphore(%run_scoped3A_400 : memref<!tpu.dma_semaphore, #tpu.memory_space<semaphore_mem>>) src(%dma_wait3A_412 : memref<128x64xf32, #tpu.memory_space<vmem>>) dst(%dma_wait3A_418 : memref<10512x64xf32, #tpu.memory_space<vmem_shared>>)
        tpu.yield
      }) : () -> ()
      %run_scoped3A_383 = arith.constant 2 : i32
      "tpu.region"() ({
        %run_scoped3A_400 = tpu.sem_alloc : memref<!tpu.dma_semaphore, #tpu.memory_space<semaphore_mem>>
        %dma_start3A_401 = arith.constant 256 : i32
        %dma_start3A_402 = arith.constant 0 : i32
        %dma_start3A_403 = tpu.memref_slice %arg12[%dma_start3A_401, %dma_start3A_402] : memref<512x64xf32, #tpu.memory_space<vmem>> -> memref<128x64xf32, #tpu.memory_space<vmem>>
        %dma_start3A_404 = arith.constant 0 : i32
        %dma_start3A_405 = tpu.memref_slice %arg10[%run_scoped3A_383, %dma_start3A_404] : memref<4x128xi32, #tpu.memory_space<vmem>> -> memref<1x128xi32, #tpu.memory_space<vmem>>
        %dma_start3A_406 = tpu.memref_squeeze %dma_start3A_405 : memref<1x128xi32, #tpu.memory_space<vmem>> -> memref<128xi32, #tpu.memory_space<vmem>>
        %dma_start3A_407 = arith.constant 0 : i32
        %dma_start3A_408 = arith.constant 0 : i32
        %dma_start3A_409 = tpu.memref_slice %arg14[%dma_start3A_407, %dma_start3A_408] : memref<10512x64xf32, #tpu.memory_space<vmem_shared>> -> memref<10512x64xf32, #tpu.memory_space<vmem_shared>>
        tpu.enqueue_indirect_dma source(%dma_start3A_403 : memref<128x64xf32, #tpu.memory_space<vmem>>) target(%dma_start3A_409 : memref<10512x64xf32, #tpu.memory_space<vmem_shared>>) offsets(%dma_start3A_406 : memref<128xi32, #tpu.memory_space<vmem>>) semaphore(%run_scoped3A_400 : memref<!tpu.dma_semaphore, #tpu.memory_space<semaphore_mem>>) {add = true}
        %dma_wait3A_410 = arith.constant 256 : i32
        %dma_wait3A_411 = arith.constant 0 : i32
        %dma_wait3A_412 = tpu.memref_slice %arg12[%dma_wait3A_410, %dma_wait3A_411] : memref<512x64xf32, #tpu.memory_space<vmem>> -> memref<128x64xf32, #tpu.memory_space<vmem>>
        %dma_wait3A_413 = arith.constant 0 : i32
        %dma_wait3A_414 = tpu.memref_slice %arg10[%run_scoped3A_383, %dma_wait3A_413] : memref<4x128xi32, #tpu.memory_space<vmem>> -> memref<1x128xi32, #tpu.memory_space<vmem>>
        %dma_wait3A_415 = tpu.memref_squeeze %dma_wait3A_414 : memref<1x128xi32, #tpu.memory_space<vmem>> -> memref<128xi32, #tpu.memory_space<vmem>>
        %dma_wait3A_416 = arith.constant 0 : i32
        %dma_wait3A_417 = arith.constant 0 : i32
        %dma_wait3A_418 = tpu.memref_slice %arg14[%dma_wait3A_416, %dma_wait3A_417] : memref<10512x64xf32, #tpu.memory_space<vmem_shared>> -> memref<10512x64xf32, #tpu.memory_space<vmem_shared>>
        tpu.wait_indirect_dma semaphore(%run_scoped3A_400 : memref<!tpu.dma_semaphore, #tpu.memory_space<semaphore_mem>>) src(%dma_wait3A_412 : memref<128x64xf32, #tpu.memory_space<vmem>>) dst(%dma_wait3A_418 : memref<10512x64xf32, #tpu.memory_space<vmem_shared>>)
        tpu.yield
      }) : () -> ()
      %run_scoped3A_384 = arith.constant 3 : i32
      "tpu.region"() ({
        %run_scoped3A_400 = tpu.sem_alloc : memref<!tpu.dma_semaphore, #tpu.memory_space<semaphore_mem>>
        %dma_start3A_401 = arith.constant 384 : i32
        %dma_start3A_402 = arith.constant 0 : i32
        %dma_start3A_403 = tpu.memref_slice %arg12[%dma_start3A_401, %dma_start3A_402] : memref<512x64xf32, #tpu.memory_space<vmem>> -> memref<128x64xf32, #tpu.memory_space<vmem>>
        %dma_start3A_404 = arith.constant 0 : i32
        %dma_start3A_405 = tpu.memref_slice %arg10[%run_scoped3A_384, %dma_start3A_404] : memref<4x128xi32, #tpu.memory_space<vmem>> -> memref<1x128xi32, #tpu.memory_space<vmem>>
        %dma_start3A_406 = tpu.memref_squeeze %dma_start3A_405 : memref<1x128xi32, #tpu.memory_space<vmem>> -> memref<128xi32, #tpu.memory_space<vmem>>
        %dma_start3A_407 = arith.constant 0 : i32
        %dma_start3A_408 = arith.constant 0 : i32
        %dma_start3A_409 = tpu.memref_slice %arg14[%dma_start3A_407, %dma_start3A_408] : memref<10512x64xf32, #tpu.memory_space<vmem_shared>> -> memref<10512x64xf32, #tpu.memory_space<vmem_shared>>
        tpu.enqueue_indirect_dma source(%dma_start3A_403 : memref<128x64xf32, #tpu.memory_space<vmem>>) target(%dma_start3A_409 : memref<10512x64xf32, #tpu.memory_space<vmem_shared>>) offsets(%dma_start3A_406 : memref<128xi32, #tpu.memory_space<vmem>>) semaphore(%run_scoped3A_400 : memref<!tpu.dma_semaphore, #tpu.memory_space<semaphore_mem>>) {add = true}
        %dma_wait3A_410 = arith.constant 384 : i32
        %dma_wait3A_411 = arith.constant 0 : i32
        %dma_wait3A_412 = tpu.memref_slice %arg12[%dma_wait3A_410, %dma_wait3A_411] : memref<512x64xf32, #tpu.memory_space<vmem>> -> memref<128x64xf32, #tpu.memory_space<vmem>>
        %dma_wait3A_413 = arith.constant 0 : i32
        %dma_wait3A_414 = tpu.memref_slice %arg10[%run_scoped3A_384, %dma_wait3A_413] : memref<4x128xi32, #tpu.memory_space<vmem>> -> memref<1x128xi32, #tpu.memory_space<vmem>>
        %dma_wait3A_415 = tpu.memref_squeeze %dma_wait3A_414 : memref<1x128xi32, #tpu.memory_space<vmem>> -> memref<128xi32, #tpu.memory_space<vmem>>
        %dma_wait3A_416 = arith.constant 0 : i32
        %dma_wait3A_417 = arith.constant 0 : i32
        %dma_wait3A_418 = tpu.memref_slice %arg14[%dma_wait3A_416, %dma_wait3A_417] : memref<10512x64xf32, #tpu.memory_space<vmem_shared>> -> memref<10512x64xf32, #tpu.memory_space<vmem_shared>>
        tpu.wait_indirect_dma semaphore(%run_scoped3A_400 : memref<!tpu.dma_semaphore, #tpu.memory_space<semaphore_mem>>) src(%dma_wait3A_412 : memref<128x64xf32, #tpu.memory_space<vmem>>) dst(%dma_wait3A_418 : memref<10512x64xf32, #tpu.memory_space<vmem_shared>>)
        tpu.yield
      }) : () -> ()
      %add3A_385 = arith.constant 3 : i32
      %add3A_386 = arith.addi %mul3A_197, %add3A_385 : i32
      %mul3A_387 = arith.constant 4 : i32
      %mul3A_388 = arith.muli %add3A_386, %mul3A_387 : i32
      %add3A_389 = arith.addi %mul3A_25, %mul3A_388 : i32
      %dma_start3A_390 = arith.constant 0 : i32
      %dma_start3A_391 = tpu.memref_slice %arg3[%arg0, %add3A_389, %dma_start3A_390] : memref<2x2568x128xi32, #tpu.memory_space<hbm>> -> memref<1x4x128xi32, #tpu.memory_space<hbm>>
      %dma_start3A_392 = tpu.memref_squeeze %dma_start3A_391 : memref<1x4x128xi32, #tpu.memory_space<hbm>> -> memref<4x128xi32, #tpu.memory_space<hbm>>
      %dma_start3A_393 = arith.constant 0 : i32
      %dma_start3A_394 = tpu.memref_slice %arg3[%arg0, %add3A_389, %dma_start3A_393] : memref<2x2568x128xi32, #tpu.memory_space<hbm>> -> memref<1x4x128xi32, #tpu.memory_space<hbm>>
      %dma_start3A_395 = tpu.memref_squeeze %dma_start3A_394 : memref<1x4x128xi32, #tpu.memory_space<hbm>> -> memref<4x128xi32, #tpu.memory_space<hbm>>
      tpu.enqueue_dma source(%dma_start3A_395 : memref<4x128xi32, #tpu.memory_space<hbm>>) target(%arg9 : memref<4x128xi32, #tpu.memory_space<vmem>>) target_semaphore(%arg17 : memref<!tpu.dma_semaphore, #tpu.memory_space<semaphore_mem>>)
      %dma_start3A_396 = arith.constant 0 : i32
      %dma_start3A_397 = tpu.memref_slice %arg4[%add3A_389, %dma_start3A_396] : memref<2568x128xi32, #tpu.memory_space<hbm>> -> memref<4x128xi32, #tpu.memory_space<hbm>>
      %dma_start3A_398 = arith.constant 0 : i32
      %dma_start3A_399 = tpu.memref_slice %arg4[%add3A_389, %dma_start3A_398] : memref<2568x128xi32, #tpu.memory_space<hbm>> -> memref<4x128xi32, #tpu.memory_space<hbm>>
      tpu.enqueue_dma source(%dma_start3A_399 : memref<4x128xi32, #tpu.memory_space<hbm>>) target(%arg10 : memref<4x128xi32, #tpu.memory_space<vmem>>) target_semaphore(%arg17 : memref<!tpu.dma_semaphore, #tpu.memory_space<semaphore_mem>>)
    }
    %while3A_89 = arith.constant 1 : i32
    scf.for %while3A_195 = %while3A_87 to %while3A_83 step %while3A_89  : i32 {
      %mul3A_196 = arith.constant 2 : i32
      %mul3A_197 = arith.muli %mul3A_196, %while3A_195 : i32
      %add3A_198 = arith.constant 1 : i32
      %add3A_199 = arith.addi %mul3A_197, %add3A_198 : i32
      %mul3A_200 = arith.constant 4 : i32
      %mul3A_201 = arith.muli %add3A_199, %mul3A_200 : i32
      %add3A_202 = arith.addi %mul3A_25, %mul3A_201 : i32
      %dma_wait3A_203 = arith.constant 0 : i32
      %dma_wait3A_204 = tpu.memref_slice %arg3[%arg0, %add3A_202, %dma_wait3A_203] : memref<2x2568x128xi32, #tpu.memory_space<hbm>> -> memref<1x4x128xi32, #tpu.memory_space<hbm>>
      %dma_wait3A_205 = tpu.memref_squeeze %dma_wait3A_204 : memref<1x4x128xi32, #tpu.memory_space<hbm>> -> memref<4x128xi32, #tpu.memory_space<hbm>>
      %dma_wait3A_206 = arith.constant 0 : i32
      %dma_wait3A_207 = tpu.memref_slice %arg3[%arg0, %add3A_202, %dma_wait3A_206] : memref<2x2568x128xi32, #tpu.memory_space<hbm>> -> memref<1x4x128xi32, #tpu.memory_space<hbm>>
      %dma_wait3A_208 = tpu.memref_squeeze %dma_wait3A_207 : memref<1x4x128xi32, #tpu.memory_space<hbm>> -> memref<4x128xi32, #tpu.memory_space<hbm>>
      tpu.wait_dma2 semaphore(%arg17 : memref<!tpu.dma_semaphore, #tpu.memory_space<semaphore_mem>>) src(%dma_wait3A_208 : memref<4x128xi32, #tpu.memory_space<hbm>>) dst(%arg9 : memref<4x128xi32, #tpu.memory_space<vmem>>)
      %dma_wait3A_209 = arith.constant 0 : i32
      %dma_wait3A_210 = tpu.memref_slice %arg4[%add3A_202, %dma_wait3A_209] : memref<2568x128xi32, #tpu.memory_space<hbm>> -> memref<4x128xi32, #tpu.memory_space<hbm>>
      %dma_wait3A_211 = arith.constant 0 : i32
      %dma_wait3A_212 = tpu.memref_slice %arg4[%add3A_202, %dma_wait3A_211] : memref<2568x128xi32, #tpu.memory_space<hbm>> -> memref<4x128xi32, #tpu.memory_space<hbm>>
      tpu.wait_dma2 semaphore(%arg17 : memref<!tpu.dma_semaphore, #tpu.memory_space<semaphore_mem>>) src(%dma_wait3A_212 : memref<4x128xi32, #tpu.memory_space<hbm>>) dst(%arg10 : memref<4x128xi32, #tpu.memory_space<vmem>>)
      %dma_wait3A_213 = arith.constant 0 : i32
      %dma_wait3A_214 = arith.constant 0 : i32
      %dma_wait3A_215 = arith.constant 0 : i32
      %dma_wait3A_216 = tpu.memref_slice %arg11[%dma_wait3A_214, %dma_wait3A_215] : memref<512x64xf32, #tpu.memory_space<vmem>> -> memref<128x64xf32, #tpu.memory_space<vmem>>
      %dma_wait3A_217 = arith.constant 0 : i32
      %dma_wait3A_218 = tpu.memref_slice %arg7[%dma_wait3A_213, %dma_wait3A_217] : memref<4x128xi32, #tpu.memory_space<vmem>> -> memref<1x128xi32, #tpu.memory_space<vmem>>
      %dma_wait3A_219 = tpu.memref_squeeze %dma_wait3A_218 : memref<1x128xi32, #tpu.memory_space<vmem>> -> memref<128xi32, #tpu.memory_space<vmem>>
      %dma_wait3A_220 = arith.constant 0 : i32
      %dma_wait3A_221 = arith.constant 0 : i32
      %dma_wait3A_222 = tpu.memref_slice %arg2[%dma_wait3A_220, %dma_wait3A_221] : memref<20000x64xf32, #tpu.memory_space<hbm>> -> memref<20000x64xf32, #tpu.memory_space<hbm>>
      tpu.wait_indirect_dma semaphore(%arg15 : memref<!tpu.dma_semaphore, #tpu.memory_space<semaphore_mem>>) src(%dma_wait3A_222 : memref<20000x64xf32, #tpu.memory_space<hbm>>) dst(%dma_wait3A_216 : memref<128x64xf32, #tpu.memory_space<vmem>>)
      %dma_wait3A_223 = arith.constant 1 : i32
      %dma_wait3A_224 = arith.constant 128 : i32
      %dma_wait3A_225 = arith.constant 0 : i32
      %dma_wait3A_226 = tpu.memref_slice %arg11[%dma_wait3A_224, %dma_wait3A_225] : memref<512x64xf32, #tpu.memory_space<vmem>> -> memref<128x64xf32, #tpu.memory_space<vmem>>
      %dma_wait3A_227 = arith.constant 0 : i32
      %dma_wait3A_228 = tpu.memref_slice %arg7[%dma_wait3A_223, %dma_wait3A_227] : memref<4x128xi32, #tpu.memory_space<vmem>> -> memref<1x128xi32, #tpu.memory_space<vmem>>
      %dma_wait3A_229 = tpu.memref_squeeze %dma_wait3A_228 : memref<1x128xi32, #tpu.memory_space<vmem>> -> memref<128xi32, #tpu.memory_space<vmem>>
      %dma_wait3A_230 = arith.constant 0 : i32
      %dma_wait3A_231 = arith.constant 0 : i32
      %dma_wait3A_232 = tpu.memref_slice %arg2[%dma_wait3A_230, %dma_wait3A_231] : memref<20000x64xf32, #tpu.memory_space<hbm>> -> memref<20000x64xf32, #tpu.memory_space<hbm>>
      tpu.wait_indirect_dma semaphore(%arg15 : memref<!tpu.dma_semaphore, #tpu.memory_space<semaphore_mem>>) src(%dma_wait3A_232 : memref<20000x64xf32, #tpu.memory_space<hbm>>) dst(%dma_wait3A_226 : memref<128x64xf32, #tpu.memory_space<vmem>>)
      %dma_wait3A_233 = arith.constant 2 : i32
      %dma_wait3A_234 = arith.constant 256 : i32
      %dma_wait3A_235 = arith.constant 0 : i32
      %dma_wait3A_236 = tpu.memref_slice %arg11[%dma_wait3A_234, %dma_wait3A_235] : memref<512x64xf32, #tpu.memory_space<vmem>> -> memref<128x64xf32, #tpu.memory_space<vmem>>
      %dma_wait3A_237 = arith.constant 0 : i32
      %dma_wait3A_238 = tpu.memref_slice %arg7[%dma_wait3A_233, %dma_wait3A_237] : memref<4x128xi32, #tpu.memory_space<vmem>> -> memref<1x128xi32, #tpu.memory_space<vmem>>
      %dma_wait3A_239 = tpu.memref_squeeze %dma_wait3A_238 : memref<1x128xi32, #tpu.memory_space<vmem>> -> memref<128xi32, #tpu.memory_space<vmem>>
      %dma_wait3A_240 = arith.constant 0 : i32
      %dma_wait3A_241 = arith.constant 0 : i32
      %dma_wait3A_242 = tpu.memref_slice %arg2[%dma_wait3A_240, %dma_wait3A_241] : memref<20000x64xf32, #tpu.memory_space<hbm>> -> memref<20000x64xf32, #tpu.memory_space<hbm>>
      tpu.wait_indirect_dma semaphore(%arg15 : memref<!tpu.dma_semaphore, #tpu.memory_space<semaphore_mem>>) src(%dma_wait3A_242 : memref<20000x64xf32, #tpu.memory_space<hbm>>) dst(%dma_wait3A_236 : memref<128x64xf32, #tpu.memory_space<vmem>>)
      %dma_wait3A_243 = arith.constant 3 : i32
      %dma_wait3A_244 = arith.constant 384 : i32
      %dma_wait3A_245 = arith.constant 0 : i32
      %dma_wait3A_246 = tpu.memref_slice %arg11[%dma_wait3A_244, %dma_wait3A_245] : memref<512x64xf32, #tpu.memory_space<vmem>> -> memref<128x64xf32, #tpu.memory_space<vmem>>
      %dma_wait3A_247 = arith.constant 0 : i32
      %dma_wait3A_248 = tpu.memref_slice %arg7[%dma_wait3A_243, %dma_wait3A_247] : memref<4x128xi32, #tpu.memory_space<vmem>> -> memref<1x128xi32, #tpu.memory_space<vmem>>
      %dma_wait3A_249 = tpu.memref_squeeze %dma_wait3A_248 : memref<1x128xi32, #tpu.memory_space<vmem>> -> memref<128xi32, #tpu.memory_space<vmem>>
      %dma_wait3A_250 = arith.constant 0 : i32
      %dma_wait3A_251 = arith.constant 0 : i32
      %dma_wait3A_252 = tpu.memref_slice %arg2[%dma_wait3A_250, %dma_wait3A_251] : memref<20000x64xf32, #tpu.memory_space<hbm>> -> memref<20000x64xf32, #tpu.memory_space<hbm>>
      tpu.wait_indirect_dma semaphore(%arg15 : memref<!tpu.dma_semaphore, #tpu.memory_space<semaphore_mem>>) src(%dma_wait3A_252 : memref<20000x64xf32, #tpu.memory_space<hbm>>) dst(%dma_wait3A_246 : memref<128x64xf32, #tpu.memory_space<vmem>>)
      %dma_start3A_253 = arith.constant 0 : i32
      %dma_start3A_254 = arith.constant 0 : i32
      %dma_start3A_255 = arith.constant 0 : i32
      %dma_start3A_256 = tpu.memref_slice %arg12[%dma_start3A_254, %dma_start3A_255] : memref<512x64xf32, #tpu.memory_space<vmem>> -> memref<128x64xf32, #tpu.memory_space<vmem>>
      %dma_start3A_257 = arith.constant 0 : i32
      %dma_start3A_258 = tpu.memref_slice %arg9[%dma_start3A_253, %dma_start3A_257] : memref<4x128xi32, #tpu.memory_space<vmem>> -> memref<1x128xi32, #tpu.memory_space<vmem>>
      %dma_start3A_259 = tpu.memref_squeeze %dma_start3A_258 : memref<1x128xi32, #tpu.memory_space<vmem>> -> memref<128xi32, #tpu.memory_space<vmem>>
      %dma_start3A_260 = arith.constant 0 : i32
      %dma_start3A_261 = arith.constant 0 : i32
      %dma_start3A_262 = tpu.memref_slice %arg2[%dma_start3A_260, %dma_start3A_261] : memref<20000x64xf32, #tpu.memory_space<hbm>> -> memref<20000x64xf32, #tpu.memory_space<hbm>>
      tpu.enqueue_indirect_dma source(%dma_start3A_262 : memref<20000x64xf32, #tpu.memory_space<hbm>>) target(%dma_start3A_256 : memref<128x64xf32, #tpu.memory_space<vmem>>) offsets(%dma_start3A_259 : memref<128xi32, #tpu.memory_space<vmem>>) semaphore(%arg16 : memref<!tpu.dma_semaphore, #tpu.memory_space<semaphore_mem>>)
      %dma_start3A_263 = arith.constant 1 : i32
      %dma_start3A_264 = arith.constant 128 : i32
      %dma_start3A_265 = arith.constant 0 : i32
      %dma_start3A_266 = tpu.memref_slice %arg12[%dma_start3A_264, %dma_start3A_265] : memref<512x64xf32, #tpu.memory_space<vmem>> -> memref<128x64xf32, #tpu.memory_space<vmem>>
      %dma_start3A_267 = arith.constant 0 : i32
      %dma_start3A_268 = tpu.memref_slice %arg9[%dma_start3A_263, %dma_start3A_267] : memref<4x128xi32, #tpu.memory_space<vmem>> -> memref<1x128xi32, #tpu.memory_space<vmem>>
      %dma_start3A_269 = tpu.memref_squeeze %dma_start3A_268 : memref<1x128xi32, #tpu.memory_space<vmem>> -> memref<128xi32, #tpu.memory_space<vmem>>
      %dma_start3A_270 = arith.constant 0 : i32
      %dma_start3A_271 = arith.constant 0 : i32
      %dma_start3A_272 = tpu.memref_slice %arg2[%dma_start3A_270, %dma_start3A_271] : memref<20000x64xf32, #tpu.memory_space<hbm>> -> memref<20000x64xf32, #tpu.memory_space<hbm>>
      tpu.enqueue_indirect_dma source(%dma_start3A_272 : memref<20000x64xf32, #tpu.memory_space<hbm>>) target(%dma_start3A_266 : memref<128x64xf32, #tpu.memory_space<vmem>>) offsets(%dma_start3A_269 : memref<128xi32, #tpu.memory_space<vmem>>) semaphore(%arg16 : memref<!tpu.dma_semaphore, #tpu.memory_space<semaphore_mem>>)
      %dma_start3A_273 = arith.constant 2 : i32
      %dma_start3A_274 = arith.constant 256 : i32
      %dma_start3A_275 = arith.constant 0 : i32
      %dma_start3A_276 = tpu.memref_slice %arg12[%dma_start3A_274, %dma_start3A_275] : memref<512x64xf32, #tpu.memory_space<vmem>> -> memref<128x64xf32, #tpu.memory_space<vmem>>
      %dma_start3A_277 = arith.constant 0 : i32
      %dma_start3A_278 = tpu.memref_slice %arg9[%dma_start3A_273, %dma_start3A_277] : memref<4x128xi32, #tpu.memory_space<vmem>> -> memref<1x128xi32, #tpu.memory_space<vmem>>
      %dma_start3A_279 = tpu.memref_squeeze %dma_start3A_278 : memref<1x128xi32, #tpu.memory_space<vmem>> -> memref<128xi32, #tpu.memory_space<vmem>>
      %dma_start3A_280 = arith.constant 0 : i32
      %dma_start3A_281 = arith.constant 0 : i32
      %dma_start3A_282 = tpu.memref_slice %arg2[%dma_start3A_280, %dma_start3A_281] : memref<20000x64xf32, #tpu.memory_space<hbm>> -> memref<20000x64xf32, #tpu.memory_space<hbm>>
      tpu.enqueue_indirect_dma source(%dma_start3A_282 : memref<20000x64xf32, #tpu.memory_space<hbm>>) target(%dma_start3A_276 : memref<128x64xf32, #tpu.memory_space<vmem>>) offsets(%dma_start3A_279 : memref<128xi32, #tpu.memory_space<vmem>>) semaphore(%arg16 : memref<!tpu.dma_semaphore, #tpu.memory_space<semaphore_mem>>)
      %dma_start3A_283 = arith.constant 3 : i32
      %dma_start3A_284 = arith.constant 384 : i32
      %dma_start3A_285 = arith.constant 0 : i32
      %dma_start3A_286 = tpu.memref_slice %arg12[%dma_start3A_284, %dma_start3A_285] : memref<512x64xf32, #tpu.memory_space<vmem>> -> memref<128x64xf32, #tpu.memory_space<vmem>>
      %dma_start3A_287 = arith.constant 0 : i32
      %dma_start3A_288 = tpu.memref_slice %arg9[%dma_start3A_283, %dma_start3A_287] : memref<4x128xi32, #tpu.memory_space<vmem>> -> memref<1x128xi32, #tpu.memory_space<vmem>>
      %dma_start3A_289 = tpu.memref_squeeze %dma_start3A_288 : memref<1x128xi32, #tpu.memory_space<vmem>> -> memref<128xi32, #tpu.memory_space<vmem>>
      %dma_start3A_290 = arith.constant 0 : i32
      %dma_start3A_291 = arith.constant 0 : i32
      %dma_start3A_292 = tpu.memref_slice %arg2[%dma_start3A_290, %dma_start3A_291] : memref<20000x64xf32, #tpu.memory_space<hbm>> -> memref<20000x64xf32, #tpu.memory_space<hbm>>
      tpu.enqueue_indirect_dma source(%dma_start3A_292 : memref<20000x64xf32, #tpu.memory_space<hbm>>) target(%dma_start3A_286 : memref<128x64xf32, #tpu.memory_space<vmem>>) offsets(%dma_start3A_289 : memref<128xi32, #tpu.memory_space<vmem>>) semaphore(%arg16 : memref<!tpu.dma_semaphore, #tpu.memory_space<semaphore_mem>>)
      %run_scoped3A = arith.constant 0 : i32
      "tpu.region"() ({
        %run_scoped3A_400 = tpu.sem_alloc : memref<!tpu.dma_semaphore, #tpu.memory_space<semaphore_mem>>
        %dma_start3A_401 = arith.constant 0 : i32
        %dma_start3A_402 = arith.constant 0 : i32
        %dma_start3A_403 = tpu.memref_slice %arg11[%dma_start3A_401, %dma_start3A_402] : memref<512x64xf32, #tpu.memory_space<vmem>> -> memref<128x64xf32, #tpu.memory_space<vmem>>
        %dma_start3A_404 = arith.constant 0 : i32
        %dma_start3A_405 = tpu.memref_slice %arg8[%run_scoped3A, %dma_start3A_404] : memref<4x128xi32, #tpu.memory_space<vmem>> -> memref<1x128xi32, #tpu.memory_space<vmem>>
        %dma_start3A_406 = tpu.memref_squeeze %dma_start3A_405 : memref<1x128xi32, #tpu.memory_space<vmem>> -> memref<128xi32, #tpu.memory_space<vmem>>
        %dma_start3A_407 = arith.constant 0 : i32
        %dma_start3A_408 = arith.constant 0 : i32
        %dma_start3A_409 = tpu.memref_slice %arg14[%dma_start3A_407, %dma_start3A_408] : memref<10512x64xf32, #tpu.memory_space<vmem_shared>> -> memref<10512x64xf32, #tpu.memory_space<vmem_shared>>
        tpu.enqueue_indirect_dma source(%dma_start3A_403 : memref<128x64xf32, #tpu.memory_space<vmem>>) target(%dma_start3A_409 : memref<10512x64xf32, #tpu.memory_space<vmem_shared>>) offsets(%dma_start3A_406 : memref<128xi32, #tpu.memory_space<vmem>>) semaphore(%run_scoped3A_400 : memref<!tpu.dma_semaphore, #tpu.memory_space<semaphore_mem>>) {add = true}
        %dma_wait3A_410 = arith.constant 0 : i32
        %dma_wait3A_411 = arith.constant 0 : i32
        %dma_wait3A_412 = tpu.memref_slice %arg11[%dma_wait3A_410, %dma_wait3A_411] : memref<512x64xf32, #tpu.memory_space<vmem>> -> memref<128x64xf32, #tpu.memory_space<vmem>>
        %dma_wait3A_413 = arith.constant 0 : i32
        %dma_wait3A_414 = tpu.memref_slice %arg8[%run_scoped3A, %dma_wait3A_413] : memref<4x128xi32, #tpu.memory_space<vmem>> -> memref<1x128xi32, #tpu.memory_space<vmem>>
        %dma_wait3A_415 = tpu.memref_squeeze %dma_wait3A_414 : memref<1x128xi32, #tpu.memory_space<vmem>> -> memref<128xi32, #tpu.memory_space<vmem>>
        %dma_wait3A_416 = arith.constant 0 : i32
        %dma_wait3A_417 = arith.constant 0 : i32
        %dma_wait3A_418 = tpu.memref_slice %arg14[%dma_wait3A_416, %dma_wait3A_417] : memref<10512x64xf32, #tpu.memory_space<vmem_shared>> -> memref<10512x64xf32, #tpu.memory_space<vmem_shared>>
        tpu.wait_indirect_dma semaphore(%run_scoped3A_400 : memref<!tpu.dma_semaphore, #tpu.memory_space<semaphore_mem>>) src(%dma_wait3A_412 : memref<128x64xf32, #tpu.memory_space<vmem>>) dst(%dma_wait3A_418 : memref<10512x64xf32, #tpu.memory_space<vmem_shared>>)
        tpu.yield
      }) : () -> ()
      %run_scoped3A_293 = arith.constant 1 : i32
      "tpu.region"() ({
        %run_scoped3A_400 = tpu.sem_alloc : memref<!tpu.dma_semaphore, #tpu.memory_space<semaphore_mem>>
        %dma_start3A_401 = arith.constant 128 : i32
        %dma_start3A_402 = arith.constant 0 : i32
        %dma_start3A_403 = tpu.memref_slice %arg11[%dma_start3A_401, %dma_start3A_402] : memref<512x64xf32, #tpu.memory_space<vmem>> -> memref<128x64xf32, #tpu.memory_space<vmem>>
        %dma_start3A_404 = arith.constant 0 : i32
        %dma_start3A_405 = tpu.memref_slice %arg8[%run_scoped3A_293, %dma_start3A_404] : memref<4x128xi32, #tpu.memory_space<vmem>> -> memref<1x128xi32, #tpu.memory_space<vmem>>
        %dma_start3A_406 = tpu.memref_squeeze %dma_start3A_405 : memref<1x128xi32, #tpu.memory_space<vmem>> -> memref<128xi32, #tpu.memory_space<vmem>>
        %dma_start3A_407 = arith.constant 0 : i32
        %dma_start3A_408 = arith.constant 0 : i32
        %dma_start3A_409 = tpu.memref_slice %arg14[%dma_start3A_407, %dma_start3A_408] : memref<10512x64xf32, #tpu.memory_space<vmem_shared>> -> memref<10512x64xf32, #tpu.memory_space<vmem_shared>>
        tpu.enqueue_indirect_dma source(%dma_start3A_403 : memref<128x64xf32, #tpu.memory_space<vmem>>) target(%dma_start3A_409 : memref<10512x64xf32, #tpu.memory_space<vmem_shared>>) offsets(%dma_start3A_406 : memref<128xi32, #tpu.memory_space<vmem>>) semaphore(%run_scoped3A_400 : memref<!tpu.dma_semaphore, #tpu.memory_space<semaphore_mem>>) {add = true}
        %dma_wait3A_410 = arith.constant 128 : i32
        %dma_wait3A_411 = arith.constant 0 : i32
        %dma_wait3A_412 = tpu.memref_slice %arg11[%dma_wait3A_410, %dma_wait3A_411] : memref<512x64xf32, #tpu.memory_space<vmem>> -> memref<128x64xf32, #tpu.memory_space<vmem>>
        %dma_wait3A_413 = arith.constant 0 : i32
        %dma_wait3A_414 = tpu.memref_slice %arg8[%run_scoped3A_293, %dma_wait3A_413] : memref<4x128xi32, #tpu.memory_space<vmem>> -> memref<1x128xi32, #tpu.memory_space<vmem>>
        %dma_wait3A_415 = tpu.memref_squeeze %dma_wait3A_414 : memref<1x128xi32, #tpu.memory_space<vmem>> -> memref<128xi32, #tpu.memory_space<vmem>>
        %dma_wait3A_416 = arith.constant 0 : i32
        %dma_wait3A_417 = arith.constant 0 : i32
        %dma_wait3A_418 = tpu.memref_slice %arg14[%dma_wait3A_416, %dma_wait3A_417] : memref<10512x64xf32, #tpu.memory_space<vmem_shared>> -> memref<10512x64xf32, #tpu.memory_space<vmem_shared>>
        tpu.wait_indirect_dma semaphore(%run_scoped3A_400 : memref<!tpu.dma_semaphore, #tpu.memory_space<semaphore_mem>>) src(%dma_wait3A_412 : memref<128x64xf32, #tpu.memory_space<vmem>>) dst(%dma_wait3A_418 : memref<10512x64xf32, #tpu.memory_space<vmem_shared>>)
        tpu.yield
      }) : () -> ()
      %run_scoped3A_294 = arith.constant 2 : i32
      "tpu.region"() ({
        %run_scoped3A_400 = tpu.sem_alloc : memref<!tpu.dma_semaphore, #tpu.memory_space<semaphore_mem>>
        %dma_start3A_401 = arith.constant 256 : i32
        %dma_start3A_402 = arith.constant 0 : i32
        %dma_start3A_403 = tpu.memref_slice %arg11[%dma_start3A_401, %dma_start3A_402] : memref<512x64xf32, #tpu.memory_space<vmem>> -> memref<128x64xf32, #tpu.memory_space<vmem>>
        %dma_start3A_404 = arith.constant 0 : i32
        %dma_start3A_405 = tpu.memref_slice %arg8[%run_scoped3A_294, %dma_start3A_404] : memref<4x128xi32, #tpu.memory_space<vmem>> -> memref<1x128xi32, #tpu.memory_space<vmem>>
        %dma_start3A_406 = tpu.memref_squeeze %dma_start3A_405 : memref<1x128xi32, #tpu.memory_space<vmem>> -> memref<128xi32, #tpu.memory_space<vmem>>
        %dma_start3A_407 = arith.constant 0 : i32
        %dma_start3A_408 = arith.constant 0 : i32
        %dma_start3A_409 = tpu.memref_slice %arg14[%dma_start3A_407, %dma_start3A_408] : memref<10512x64xf32, #tpu.memory_space<vmem_shared>> -> memref<10512x64xf32, #tpu.memory_space<vmem_shared>>
        tpu.enqueue_indirect_dma source(%dma_start3A_403 : memref<128x64xf32, #tpu.memory_space<vmem>>) target(%dma_start3A_409 : memref<10512x64xf32, #tpu.memory_space<vmem_shared>>) offsets(%dma_start3A_406 : memref<128xi32, #tpu.memory_space<vmem>>) semaphore(%run_scoped3A_400 : memref<!tpu.dma_semaphore, #tpu.memory_space<semaphore_mem>>) {add = true}
        %dma_wait3A_410 = arith.constant 256 : i32
        %dma_wait3A_411 = arith.constant 0 : i32
        %dma_wait3A_412 = tpu.memref_slice %arg11[%dma_wait3A_410, %dma_wait3A_411] : memref<512x64xf32, #tpu.memory_space<vmem>> -> memref<128x64xf32, #tpu.memory_space<vmem>>
        %dma_wait3A_413 = arith.constant 0 : i32
        %dma_wait3A_414 = tpu.memref_slice %arg8[%run_scoped3A_294, %dma_wait3A_413] : memref<4x128xi32, #tpu.memory_space<vmem>> -> memref<1x128xi32, #tpu.memory_space<vmem>>
        %dma_wait3A_415 = tpu.memref_squeeze %dma_wait3A_414 : memref<1x128xi32, #tpu.memory_space<vmem>> -> memref<128xi32, #tpu.memory_space<vmem>>
        %dma_wait3A_416 = arith.constant 0 : i32
        %dma_wait3A_417 = arith.constant 0 : i32
        %dma_wait3A_418 = tpu.memref_slice %arg14[%dma_wait3A_416, %dma_wait3A_417] : memref<10512x64xf32, #tpu.memory_space<vmem_shared>> -> memref<10512x64xf32, #tpu.memory_space<vmem_shared>>
        tpu.wait_indirect_dma semaphore(%run_scoped3A_400 : memref<!tpu.dma_semaphore, #tpu.memory_space<semaphore_mem>>) src(%dma_wait3A_412 : memref<128x64xf32, #tpu.memory_space<vmem>>) dst(%dma_wait3A_418 : memref<10512x64xf32, #tpu.memory_space<vmem_shared>>)
        tpu.yield
      }) : () -> ()
      %run_scoped3A_295 = arith.constant 3 : i32
      "tpu.region"() ({
        %run_scoped3A_400 = tpu.sem_alloc : memref<!tpu.dma_semaphore, #tpu.memory_space<semaphore_mem>>
        %dma_start3A_401 = arith.constant 384 : i32
        %dma_start3A_402 = arith.constant 0 : i32
        %dma_start3A_403 = tpu.memref_slice %arg11[%dma_start3A_401, %dma_start3A_402] : memref<512x64xf32, #tpu.memory_space<vmem>> -> memref<128x64xf32, #tpu.memory_space<vmem>>
        %dma_start3A_404 = arith.constant 0 : i32
        %dma_start3A_405 = tpu.memref_slice %arg8[%run_scoped3A_295, %dma_start3A_404] : memref<4x128xi32, #tpu.memory_space<vmem>> -> memref<1x128xi32, #tpu.memory_space<vmem>>
        %dma_start3A_406 = tpu.memref_squeeze %dma_start3A_405 : memref<1x128xi32, #tpu.memory_space<vmem>> -> memref<128xi32, #tpu.memory_space<vmem>>
        %dma_start3A_407 = arith.constant 0 : i32
        %dma_start3A_408 = arith.constant 0 : i32
        %dma_start3A_409 = tpu.memref_slice %arg14[%dma_start3A_407, %dma_start3A_408] : memref<10512x64xf32, #tpu.memory_space<vmem_shared>> -> memref<10512x64xf32, #tpu.memory_space<vmem_shared>>
        tpu.enqueue_indirect_dma source(%dma_start3A_403 : memref<128x64xf32, #tpu.memory_space<vmem>>) target(%dma_start3A_409 : memref<10512x64xf32, #tpu.memory_space<vmem_shared>>) offsets(%dma_start3A_406 : memref<128xi32, #tpu.memory_space<vmem>>) semaphore(%run_scoped3A_400 : memref<!tpu.dma_semaphore, #tpu.memory_space<semaphore_mem>>) {add = true}
        %dma_wait3A_410 = arith.constant 384 : i32
        %dma_wait3A_411 = arith.constant 0 : i32
        %dma_wait3A_412 = tpu.memref_slice %arg11[%dma_wait3A_410, %dma_wait3A_411] : memref<512x64xf32, #tpu.memory_space<vmem>> -> memref<128x64xf32, #tpu.memory_space<vmem>>
        %dma_wait3A_413 = arith.constant 0 : i32
        %dma_wait3A_414 = tpu.memref_slice %arg8[%run_scoped3A_295, %dma_wait3A_413] : memref<4x128xi32, #tpu.memory_space<vmem>> -> memref<1x128xi32, #tpu.memory_space<vmem>>
        %dma_wait3A_415 = tpu.memref_squeeze %dma_wait3A_414 : memref<1x128xi32, #tpu.memory_space<vmem>> -> memref<128xi32, #tpu.memory_space<vmem>>
        %dma_wait3A_416 = arith.constant 0 : i32
        %dma_wait3A_417 = arith.constant 0 : i32
        %dma_wait3A_418 = tpu.memref_slice %arg14[%dma_wait3A_416, %dma_wait3A_417] : memref<10512x64xf32, #tpu.memory_space<vmem_shared>> -> memref<10512x64xf32, #tpu.memory_space<vmem_shared>>
        tpu.wait_indirect_dma semaphore(%run_scoped3A_400 : memref<!tpu.dma_semaphore, #tpu.memory_space<semaphore_mem>>) src(%dma_wait3A_412 : memref<128x64xf32, #tpu.memory_space<vmem>>) dst(%dma_wait3A_418 : memref<10512x64xf32, #tpu.memory_space<vmem_shared>>)
        tpu.yield
      }) : () -> ()
      %add3A_296 = arith.constant 2 : i32
      %add3A_297 = arith.addi %mul3A_197, %add3A_296 : i32
      %mul3A_298 = arith.constant 4 : i32
      %mul3A_299 = arith.muli %add3A_297, %mul3A_298 : i32
      %add3A_300 = arith.addi %mul3A_25, %mul3A_299 : i32
      "tpu.region"() ({
        %run_scoped3A_400 = tpu.sem_alloc : memref<!tpu.dma_semaphore, #tpu.memory_space<semaphore_mem>>
        %dma_start3A_401 = arith.constant 0 : i32
        %dma_start3A_402 = tpu.memref_slice %arg3[%arg0, %add3A_300, %dma_start3A_401] : memref<2x2568x128xi32, #tpu.memory_space<hbm>> -> memref<1x4x128xi32, #tpu.memory_space<hbm>>
        %dma_start3A_403 = tpu.memref_squeeze %dma_start3A_402 : memref<1x4x128xi32, #tpu.memory_space<hbm>> -> memref<4x128xi32, #tpu.memory_space<hbm>>
        %dma_start3A_404 = arith.constant 0 : i32
        %dma_start3A_405 = tpu.memref_slice %arg3[%arg0, %add3A_300, %dma_start3A_404] : memref<2x2568x128xi32, #tpu.memory_space<hbm>> -> memref<1x4x128xi32, #tpu.memory_space<hbm>>
        %dma_start3A_406 = tpu.memref_squeeze %dma_start3A_405 : memref<1x4x128xi32, #tpu.memory_space<hbm>> -> memref<4x128xi32, #tpu.memory_space<hbm>>
        tpu.enqueue_dma source(%dma_start3A_406 : memref<4x128xi32, #tpu.memory_space<hbm>>) target(%arg7 : memref<4x128xi32, #tpu.memory_space<vmem>>) target_semaphore(%run_scoped3A_400 : memref<!tpu.dma_semaphore, #tpu.memory_space<semaphore_mem>>)
        %dma_wait3A_407 = arith.constant 0 : i32
        %dma_wait3A_408 = tpu.memref_slice %arg3[%arg0, %add3A_300, %dma_wait3A_407] : memref<2x2568x128xi32, #tpu.memory_space<hbm>> -> memref<1x4x128xi32, #tpu.memory_space<hbm>>
        %dma_wait3A_409 = tpu.memref_squeeze %dma_wait3A_408 : memref<1x4x128xi32, #tpu.memory_space<hbm>> -> memref<4x128xi32, #tpu.memory_space<hbm>>
        %dma_wait3A_410 = arith.constant 0 : i32
        %dma_wait3A_411 = tpu.memref_slice %arg3[%arg0, %add3A_300, %dma_wait3A_410] : memref<2x2568x128xi32, #tpu.memory_space<hbm>> -> memref<1x4x128xi32, #tpu.memory_space<hbm>>
        %dma_wait3A_412 = tpu.memref_squeeze %dma_wait3A_411 : memref<1x4x128xi32, #tpu.memory_space<hbm>> -> memref<4x128xi32, #tpu.memory_space<hbm>>
        tpu.wait_dma2 semaphore(%run_scoped3A_400 : memref<!tpu.dma_semaphore, #tpu.memory_space<semaphore_mem>>) src(%dma_wait3A_412 : memref<4x128xi32, #tpu.memory_space<hbm>>) dst(%arg7 : memref<4x128xi32, #tpu.memory_space<vmem>>)
        tpu.yield
      }) : () -> ()
      "tpu.region"() ({
        %run_scoped3A_400 = tpu.sem_alloc : memref<!tpu.dma_semaphore, #tpu.memory_space<semaphore_mem>>
        %dma_start3A_401 = arith.constant 0 : i32
        %dma_start3A_402 = tpu.memref_slice %arg4[%add3A_300, %dma_start3A_401] : memref<2568x128xi32, #tpu.memory_space<hbm>> -> memref<4x128xi32, #tpu.memory_space<hbm>>
        %dma_start3A_403 = arith.constant 0 : i32
        %dma_start3A_404 = tpu.memref_slice %arg4[%add3A_300, %dma_start3A_403] : memref<2568x128xi32, #tpu.memory_space<hbm>> -> memref<4x128xi32, #tpu.memory_space<hbm>>
        tpu.enqueue_dma source(%dma_start3A_404 : memref<4x128xi32, #tpu.memory_space<hbm>>) target(%arg8 : memref<4x128xi32, #tpu.memory_space<vmem>>) target_semaphore(%run_scoped3A_400 : memref<!tpu.dma_semaphore, #tpu.memory_space<semaphore_mem>>)
        %dma_wait3A_405 = arith.constant 0 : i32
        %dma_wait3A_406 = tpu.memref_slice %arg4[%add3A_300, %dma_wait3A_405] : memref<2568x128xi32, #tpu.memory_space<hbm>> -> memref<4x128xi32, #tpu.memory_space<hbm>>
        %dma_wait3A_407 = arith.constant 0 : i32
        %dma_wait3A_408 = tpu.memref_slice %arg4[%add3A_300, %dma_wait3A_407] : memref<2568x128xi32, #tpu.memory_space<hbm>> -> memref<4x128xi32, #tpu.memory_space<hbm>>
        tpu.wait_dma2 semaphore(%run_scoped3A_400 : memref<!tpu.dma_semaphore, #tpu.memory_space<semaphore_mem>>) src(%dma_wait3A_408 : memref<4x128xi32, #tpu.memory_space<hbm>>) dst(%arg8 : memref<4x128xi32, #tpu.memory_space<vmem>>)
        tpu.yield
      }) : () -> ()
      %dma_wait3A_301 = arith.constant 0 : i32
      %dma_wait3A_302 = arith.constant 0 : i32
      %dma_wait3A_303 = arith.constant 0 : i32
      %dma_wait3A_304 = tpu.memref_slice %arg12[%dma_wait3A_302, %dma_wait3A_303] : memref<512x64xf32, #tpu.memory_space<vmem>> -> memref<128x64xf32, #tpu.memory_space<vmem>>
      %dma_wait3A_305 = arith.constant 0 : i32
      %dma_wait3A_306 = tpu.memref_slice %arg9[%dma_wait3A_301, %dma_wait3A_305] : memref<4x128xi32, #tpu.memory_space<vmem>> -> memref<1x128xi32, #tpu.memory_space<vmem>>
      %dma_wait3A_307 = tpu.memref_squeeze %dma_wait3A_306 : memref<1x128xi32, #tpu.memory_space<vmem>> -> memref<128xi32, #tpu.memory_space<vmem>>
      %dma_wait3A_308 = arith.constant 0 : i32
      %dma_wait3A_309 = arith.constant 0 : i32
      %dma_wait3A_310 = tpu.memref_slice %arg2[%dma_wait3A_308, %dma_wait3A_309] : memref<20000x64xf32, #tpu.memory_space<hbm>> -> memref<20000x64xf32, #tpu.memory_space<hbm>>
      tpu.wait_indirect_dma semaphore(%arg16 : memref<!tpu.dma_semaphore, #tpu.memory_space<semaphore_mem>>) src(%dma_wait3A_310 : memref<20000x64xf32, #tpu.memory_space<hbm>>) dst(%dma_wait3A_304 : memref<128x64xf32, #tpu.memory_space<vmem>>)
      %dma_wait3A_311 = arith.constant 1 : i32
      %dma_wait3A_312 = arith.constant 128 : i32
      %dma_wait3A_313 = arith.constant 0 : i32
      %dma_wait3A_314 = tpu.memref_slice %arg12[%dma_wait3A_312, %dma_wait3A_313] : memref<512x64xf32, #tpu.memory_space<vmem>> -> memref<128x64xf32, #tpu.memory_space<vmem>>
      %dma_wait3A_315 = arith.constant 0 : i32
      %dma_wait3A_316 = tpu.memref_slice %arg9[%dma_wait3A_311, %dma_wait3A_315] : memref<4x128xi32, #tpu.memory_space<vmem>> -> memref<1x128xi32, #tpu.memory_space<vmem>>
      %dma_wait3A_317 = tpu.memref_squeeze %dma_wait3A_316 : memref<1x128xi32, #tpu.memory_space<vmem>> -> memref<128xi32, #tpu.memory_space<vmem>>
      %dma_wait3A_318 = arith.constant 0 : i32
      %dma_wait3A_319 = arith.constant 0 : i32
      %dma_wait3A_320 = tpu.memref_slice %arg2[%dma_wait3A_318, %dma_wait3A_319] : memref<20000x64xf32, #tpu.memory_space<hbm>> -> memref<20000x64xf32, #tpu.memory_space<hbm>>
      tpu.wait_indirect_dma semaphore(%arg16 : memref<!tpu.dma_semaphore, #tpu.memory_space<semaphore_mem>>) src(%dma_wait3A_320 : memref<20000x64xf32, #tpu.memory_space<hbm>>) dst(%dma_wait3A_314 : memref<128x64xf32, #tpu.memory_space<vmem>>)
      %dma_wait3A_321 = arith.constant 2 : i32
      %dma_wait3A_322 = arith.constant 256 : i32
      %dma_wait3A_323 = arith.constant 0 : i32
      %dma_wait3A_324 = tpu.memref_slice %arg12[%dma_wait3A_322, %dma_wait3A_323] : memref<512x64xf32, #tpu.memory_space<vmem>> -> memref<128x64xf32, #tpu.memory_space<vmem>>
      %dma_wait3A_325 = arith.constant 0 : i32
      %dma_wait3A_326 = tpu.memref_slice %arg9[%dma_wait3A_321, %dma_wait3A_325] : memref<4x128xi32, #tpu.memory_space<vmem>> -> memref<1x128xi32, #tpu.memory_space<vmem>>
      %dma_wait3A_327 = tpu.memref_squeeze %dma_wait3A_326 : memref<1x128xi32, #tpu.memory_space<vmem>> -> memref<128xi32, #tpu.memory_space<vmem>>
      %dma_wait3A_328 = arith.constant 0 : i32
      %dma_wait3A_329 = arith.constant 0 : i32
      %dma_wait3A_330 = tpu.memref_slice %arg2[%dma_wait3A_328, %dma_wait3A_329] : memref<20000x64xf32, #tpu.memory_space<hbm>> -> memref<20000x64xf32, #tpu.memory_space<hbm>>
      tpu.wait_indirect_dma semaphore(%arg16 : memref<!tpu.dma_semaphore, #tpu.memory_space<semaphore_mem>>) src(%dma_wait3A_330 : memref<20000x64xf32, #tpu.memory_space<hbm>>) dst(%dma_wait3A_324 : memref<128x64xf32, #tpu.memory_space<vmem>>)
      %dma_wait3A_331 = arith.constant 3 : i32
      %dma_wait3A_332 = arith.constant 384 : i32
      %dma_wait3A_333 = arith.constant 0 : i32
      %dma_wait3A_334 = tpu.memref_slice %arg12[%dma_wait3A_332, %dma_wait3A_333] : memref<512x64xf32, #tpu.memory_space<vmem>> -> memref<128x64xf32, #tpu.memory_space<vmem>>
      %dma_wait3A_335 = arith.constant 0 : i32
      %dma_wait3A_336 = tpu.memref_slice %arg9[%dma_wait3A_331, %dma_wait3A_335] : memref<4x128xi32, #tpu.memory_space<vmem>> -> memref<1x128xi32, #tpu.memory_space<vmem>>
      %dma_wait3A_337 = tpu.memref_squeeze %dma_wait3A_336 : memref<1x128xi32, #tpu.memory_space<vmem>> -> memref<128xi32, #tpu.memory_space<vmem>>
      %dma_wait3A_338 = arith.constant 0 : i32
      %dma_wait3A_339 = arith.constant 0 : i32
      %dma_wait3A_340 = tpu.memref_slice %arg2[%dma_wait3A_338, %dma_wait3A_339] : memref<20000x64xf32, #tpu.memory_space<hbm>> -> memref<20000x64xf32, #tpu.memory_space<hbm>>
      tpu.wait_indirect_dma semaphore(%arg16 : memref<!tpu.dma_semaphore, #tpu.memory_space<semaphore_mem>>) src(%dma_wait3A_340 : memref<20000x64xf32, #tpu.memory_space<hbm>>) dst(%dma_wait3A_334 : memref<128x64xf32, #tpu.memory_space<vmem>>)
      %dma_start3A_341 = arith.constant 0 : i32
      %dma_start3A_342 = arith.constant 0 : i32
      %dma_start3A_343 = arith.constant 0 : i32
      %dma_start3A_344 = tpu.memref_slice %arg11[%dma_start3A_342, %dma_start3A_343] : memref<512x64xf32, #tpu.memory_space<vmem>> -> memref<128x64xf32, #tpu.memory_space<vmem>>
      %dma_start3A_345 = arith.constant 0 : i32
      %dma_start3A_346 = tpu.memref_slice %arg7[%dma_start3A_341, %dma_start3A_345] : memref<4x128xi32, #tpu.memory_space<vmem>> -> memref<1x128xi32, #tpu.memory_space<vmem>>
      %dma_start3A_347 = tpu.memref_squeeze %dma_start3A_346 : memref<1x128xi32, #tpu.memory_space<vmem>> -> memref<128xi32, #tpu.memory_space<vmem>>
      %dma_start3A_348 = arith.constant 0 : i32
      %dma_start3A_349 = arith.constant 0 : i32
      %dma_start3A_350 = tpu.memref_slice %arg2[%dma_start3A_348, %dma_start3A_349] : memref<20000x64xf32, #tpu.memory_space<hbm>> -> memref<20000x64xf32, #tpu.memory_space<hbm>>
      tpu.enqueue_indirect_dma source(%dma_start3A_350 : memref<20000x64xf32, #tpu.memory_space<hbm>>) target(%dma_start3A_344 : memref<128x64xf32, #tpu.memory_space<vmem>>) offsets(%dma_start3A_347 : memref<128xi32, #tpu.memory_space<vmem>>) semaphore(%arg15 : memref<!tpu.dma_semaphore, #tpu.memory_space<semaphore_mem>>)
      %dma_start3A_351 = arith.constant 1 : i32
      %dma_start3A_352 = arith.constant 128 : i32
      %dma_start3A_353 = arith.constant 0 : i32
      %dma_start3A_354 = tpu.memref_slice %arg11[%dma_start3A_352, %dma_start3A_353] : memref<512x64xf32, #tpu.memory_space<vmem>> -> memref<128x64xf32, #tpu.memory_space<vmem>>
      %dma_start3A_355 = arith.constant 0 : i32
      %dma_start3A_356 = tpu.memref_slice %arg7[%dma_start3A_351, %dma_start3A_355] : memref<4x128xi32, #tpu.memory_space<vmem>> -> memref<1x128xi32, #tpu.memory_space<vmem>>
      %dma_start3A_357 = tpu.memref_squeeze %dma_start3A_356 : memref<1x128xi32, #tpu.memory_space<vmem>> -> memref<128xi32, #tpu.memory_space<vmem>>
      %dma_start3A_358 = arith.constant 0 : i32
      %dma_start3A_359 = arith.constant 0 : i32
      %dma_start3A_360 = tpu.memref_slice %arg2[%dma_start3A_358, %dma_start3A_359] : memref<20000x64xf32, #tpu.memory_space<hbm>> -> memref<20000x64xf32, #tpu.memory_space<hbm>>
      tpu.enqueue_indirect_dma source(%dma_start3A_360 : memref<20000x64xf32, #tpu.memory_space<hbm>>) target(%dma_start3A_354 : memref<128x64xf32, #tpu.memory_space<vmem>>) offsets(%dma_start3A_357 : memref<128xi32, #tpu.memory_space<vmem>>) semaphore(%arg15 : memref<!tpu.dma_semaphore, #tpu.memory_space<semaphore_mem>>)
      %dma_start3A_361 = arith.constant 2 : i32
      %dma_start3A_362 = arith.constant 256 : i32
      %dma_start3A_363 = arith.constant 0 : i32
      %dma_start3A_364 = tpu.memref_slice %arg11[%dma_start3A_362, %dma_start3A_363] : memref<512x64xf32, #tpu.memory_space<vmem>> -> memref<128x64xf32, #tpu.memory_space<vmem>>
      %dma_start3A_365 = arith.constant 0 : i32
      %dma_start3A_366 = tpu.memref_slice %arg7[%dma_start3A_361, %dma_start3A_365] : memref<4x128xi32, #tpu.memory_space<vmem>> -> memref<1x128xi32, #tpu.memory_space<vmem>>
      %dma_start3A_367 = tpu.memref_squeeze %dma_start3A_366 : memref<1x128xi32, #tpu.memory_space<vmem>> -> memref<128xi32, #tpu.memory_space<vmem>>
      %dma_start3A_368 = arith.constant 0 : i32
      %dma_start3A_369 = arith.constant 0 : i32
      %dma_start3A_370 = tpu.memref_slice %arg2[%dma_start3A_368, %dma_start3A_369] : memref<20000x64xf32, #tpu.memory_space<hbm>> -> memref<20000x64xf32, #tpu.memory_space<hbm>>
      tpu.enqueue_indirect_dma source(%dma_start3A_370 : memref<20000x64xf32, #tpu.memory_space<hbm>>) target(%dma_start3A_364 : memref<128x64xf32, #tpu.memory_space<vmem>>) offsets(%dma_start3A_367 : memref<128xi32, #tpu.memory_space<vmem>>) semaphore(%arg15 : memref<!tpu.dma_semaphore, #tpu.memory_space<semaphore_mem>>)
      %dma_start3A_371 = arith.constant 3 : i32
      %dma_start3A_372 = arith.constant 384 : i32
      %dma_start3A_373 = arith.constant 0 : i32
      %dma_start3A_374 = tpu.memref_slice %arg11[%dma_start3A_372, %dma_start3A_373] : memref<512x64xf32, #tpu.memory_space<vmem>> -> memref<128x64xf32, #tpu.memory_space<vmem>>
      %dma_start3A_375 = arith.constant 0 : i32
      %dma_start3A_376 = tpu.memref_slice %arg7[%dma_start3A_371, %dma_start3A_375] : memref<4x128xi32, #tpu.memory_space<vmem>> -> memref<1x128xi32, #tpu.memory_space<vmem>>
      %dma_start3A_377 = tpu.memref_squeeze %dma_start3A_376 : memref<1x128xi32, #tpu.memory_space<vmem>> -> memref<128xi32, #tpu.memory_space<vmem>>
      %dma_start3A_378 = arith.constant 0 : i32
      %dma_start3A_379 = arith.constant 0 : i32
      %dma_start3A_380 = tpu.memref_slice %arg2[%dma_start3A_378, %dma_start3A_379] : memref<20000x64xf32, #tpu.memory_space<hbm>> -> memref<20000x64xf32, #tpu.memory_space<hbm>>
      tpu.enqueue_indirect_dma source(%dma_start3A_380 : memref<20000x64xf32, #tpu.memory_space<hbm>>) target(%dma_start3A_374 : memref<128x64xf32, #tpu.memory_space<vmem>>) offsets(%dma_start3A_377 : memref<128xi32, #tpu.memory_space<vmem>>) semaphore(%arg15 : memref<!tpu.dma_semaphore, #tpu.memory_space<semaphore_mem>>)
      %run_scoped3A_381 = arith.constant 0 : i32
      "tpu.region"() ({
        %run_scoped3A_400 = tpu.sem_alloc : memref<!tpu.dma_semaphore, #tpu.memory_space<semaphore_mem>>
        %dma_start3A_401 = arith.constant 0 : i32
        %dma_start3A_402 = arith.constant 0 : i32
        %dma_start3A_403 = tpu.memref_slice %arg12[%dma_start3A_401, %dma_start3A_402] : memref<512x64xf32, #tpu.memory_space<vmem>> -> memref<128x64xf32, #tpu.memory_space<vmem>>
        %dma_start3A_404 = arith.constant 0 : i32
        %dma_start3A_405 = tpu.memref_slice %arg10[%run_scoped3A_381, %dma_start3A_404] : memref<4x128xi32, #tpu.memory_space<vmem>> -> memref<1x128xi32, #tpu.memory_space<vmem>>
        %dma_start3A_406 = tpu.memref_squeeze %dma_start3A_405 : memref<1x128xi32, #tpu.memory_space<vmem>> -> memref<128xi32, #tpu.memory_space<vmem>>
        %dma_start3A_407 = arith.constant 0 : i32
        %dma_start3A_408 = arith.constant 0 : i32
        %dma_start3A_409 = tpu.memref_slice %arg14[%dma_start3A_407, %dma_start3A_408] : memref<10512x64xf32, #tpu.memory_space<vmem_shared>> -> memref<10512x64xf32, #tpu.memory_space<vmem_shared>>
        tpu.enqueue_indirect_dma source(%dma_start3A_403 : memref<128x64xf32, #tpu.memory_space<vmem>>) target(%dma_start3A_409 : memref<10512x64xf32, #tpu.memory_space<vmem_shared>>) offsets(%dma_start3A_406 : memref<128xi32, #tpu.memory_space<vmem>>) semaphore(%run_scoped3A_400 : memref<!tpu.dma_semaphore, #tpu.memory_space<semaphore_mem>>) {add = true}
        %dma_wait3A_410 = arith.constant 0 : i32
        %dma_wait3A_411 = arith.constant 0 : i32
        %dma_wait3A_412 = tpu.memref_slice %arg12[%dma_wait3A_410, %dma_wait3A_411] : memref<512x64xf32, #tpu.memory_space<vmem>> -> memref<128x64xf32, #tpu.memory_space<vmem>>
        %dma_wait3A_413 = arith.constant 0 : i32
        %dma_wait3A_414 = tpu.memref_slice %arg10[%run_scoped3A_381, %dma_wait3A_413] : memref<4x128xi32, #tpu.memory_space<vmem>> -> memref<1x128xi32, #tpu.memory_space<vmem>>
        %dma_wait3A_415 = tpu.memref_squeeze %dma_wait3A_414 : memref<1x128xi32, #tpu.memory_space<vmem>> -> memref<128xi32, #tpu.memory_space<vmem>>
        %dma_wait3A_416 = arith.constant 0 : i32
        %dma_wait3A_417 = arith.constant 0 : i32
        %dma_wait3A_418 = tpu.memref_slice %arg14[%dma_wait3A_416, %dma_wait3A_417] : memref<10512x64xf32, #tpu.memory_space<vmem_shared>> -> memref<10512x64xf32, #tpu.memory_space<vmem_shared>>
        tpu.wait_indirect_dma semaphore(%run_scoped3A_400 : memref<!tpu.dma_semaphore, #tpu.memory_space<semaphore_mem>>) src(%dma_wait3A_412 : memref<128x64xf32, #tpu.memory_space<vmem>>) dst(%dma_wait3A_418 : memref<10512x64xf32, #tpu.memory_space<vmem_shared>>)
        tpu.yield
      }) : () -> ()
      %run_scoped3A_382 = arith.constant 1 : i32
      "tpu.region"() ({
        %run_scoped3A_400 = tpu.sem_alloc : memref<!tpu.dma_semaphore, #tpu.memory_space<semaphore_mem>>
        %dma_start3A_401 = arith.constant 128 : i32
        %dma_start3A_402 = arith.constant 0 : i32
        %dma_start3A_403 = tpu.memref_slice %arg12[%dma_start3A_401, %dma_start3A_402] : memref<512x64xf32, #tpu.memory_space<vmem>> -> memref<128x64xf32, #tpu.memory_space<vmem>>
        %dma_start3A_404 = arith.constant 0 : i32
        %dma_start3A_405 = tpu.memref_slice %arg10[%run_scoped3A_382, %dma_start3A_404] : memref<4x128xi32, #tpu.memory_space<vmem>> -> memref<1x128xi32, #tpu.memory_space<vmem>>
        %dma_start3A_406 = tpu.memref_squeeze %dma_start3A_405 : memref<1x128xi32, #tpu.memory_space<vmem>> -> memref<128xi32, #tpu.memory_space<vmem>>
        %dma_start3A_407 = arith.constant 0 : i32
        %dma_start3A_408 = arith.constant 0 : i32
        %dma_start3A_409 = tpu.memref_slice %arg14[%dma_start3A_407, %dma_start3A_408] : memref<10512x64xf32, #tpu.memory_space<vmem_shared>> -> memref<10512x64xf32, #tpu.memory_space<vmem_shared>>
        tpu.enqueue_indirect_dma source(%dma_start3A_403 : memref<128x64xf32, #tpu.memory_space<vmem>>) target(%dma_start3A_409 : memref<10512x64xf32, #tpu.memory_space<vmem_shared>>) offsets(%dma_start3A_406 : memref<128xi32, #tpu.memory_space<vmem>>) semaphore(%run_scoped3A_400 : memref<!tpu.dma_semaphore, #tpu.memory_space<semaphore_mem>>) {add = true}
        %dma_wait3A_410 = arith.constant 128 : i32
        %dma_wait3A_411 = arith.constant 0 : i32
        %dma_wait3A_412 = tpu.memref_slice %arg12[%dma_wait3A_410, %dma_wait3A_411] : memref<512x64xf32, #tpu.memory_space<vmem>> -> memref<128x64xf32, #tpu.memory_space<vmem>>
        %dma_wait3A_413 = arith.constant 0 : i32
        %dma_wait3A_414 = tpu.memref_slice %arg10[%run_scoped3A_382, %dma_wait3A_413] : memref<4x128xi32, #tpu.memory_space<vmem>> -> memref<1x128xi32, #tpu.memory_space<vmem>>
        %dma_wait3A_415 = tpu.memref_squeeze %dma_wait3A_414 : memref<1x128xi32, #tpu.memory_space<vmem>> -> memref<128xi32, #tpu.memory_space<vmem>>
        %dma_wait3A_416 = arith.constant 0 : i32
        %dma_wait3A_417 = arith.constant 0 : i32
        %dma_wait3A_418 = tpu.memref_slice %arg14[%dma_wait3A_416, %dma_wait3A_417] : memref<10512x64xf32, #tpu.memory_space<vmem_shared>> -> memref<10512x64xf32, #tpu.memory_space<vmem_shared>>
        tpu.wait_indirect_dma semaphore(%run_scoped3A_400 : memref<!tpu.dma_semaphore, #tpu.memory_space<semaphore_mem>>) src(%dma_wait3A_412 : memref<128x64xf32, #tpu.memory_space<vmem>>) dst(%dma_wait3A_418 : memref<10512x64xf32, #tpu.memory_space<vmem_shared>>)
        tpu.yield
      }) : () -> ()
      %run_scoped3A_383 = arith.constant 2 : i32
      "tpu.region"() ({
        %run_scoped3A_400 = tpu.sem_alloc : memref<!tpu.dma_semaphore, #tpu.memory_space<semaphore_mem>>
        %dma_start3A_401 = arith.constant 256 : i32
        %dma_start3A_402 = arith.constant 0 : i32
        %dma_start3A_403 = tpu.memref_slice %arg12[%dma_start3A_401, %dma_start3A_402] : memref<512x64xf32, #tpu.memory_space<vmem>> -> memref<128x64xf32, #tpu.memory_space<vmem>>
        %dma_start3A_404 = arith.constant 0 : i32
        %dma_start3A_405 = tpu.memref_slice %arg10[%run_scoped3A_383, %dma_start3A_404] : memref<4x128xi32, #tpu.memory_space<vmem>> -> memref<1x128xi32, #tpu.memory_space<vmem>>
        %dma_start3A_406 = tpu.memref_squeeze %dma_start3A_405 : memref<1x128xi32, #tpu.memory_space<vmem>> -> memref<128xi32, #tpu.memory_space<vmem>>
        %dma_start3A_407 = arith.constant 0 : i32
        %dma_start3A_408 = arith.constant 0 : i32
        %dma_start3A_409 = tpu.memref_slice %arg14[%dma_start3A_407, %dma_start3A_408] : memref<10512x64xf32, #tpu.memory_space<vmem_shared>> -> memref<10512x64xf32, #tpu.memory_space<vmem_shared>>
        tpu.enqueue_indirect_dma source(%dma_start3A_403 : memref<128x64xf32, #tpu.memory_space<vmem>>) target(%dma_start3A_409 : memref<10512x64xf32, #tpu.memory_space<vmem_shared>>) offsets(%dma_start3A_406 : memref<128xi32, #tpu.memory_space<vmem>>) semaphore(%run_scoped3A_400 : memref<!tpu.dma_semaphore, #tpu.memory_space<semaphore_mem>>) {add = true}
        %dma_wait3A_410 = arith.constant 256 : i32
        %dma_wait3A_411 = arith.constant 0 : i32
        %dma_wait3A_412 = tpu.memref_slice %arg12[%dma_wait3A_410, %dma_wait3A_411] : memref<512x64xf32, #tpu.memory_space<vmem>> -> memref<128x64xf32, #tpu.memory_space<vmem>>
        %dma_wait3A_413 = arith.constant 0 : i32
        %dma_wait3A_414 = tpu.memref_slice %arg10[%run_scoped3A_383, %dma_wait3A_413] : memref<4x128xi32, #tpu.memory_space<vmem>> -> memref<1x128xi32, #tpu.memory_space<vmem>>
        %dma_wait3A_415 = tpu.memref_squeeze %dma_wait3A_414 : memref<1x128xi32, #tpu.memory_space<vmem>> -> memref<128xi32, #tpu.memory_space<vmem>>
        %dma_wait3A_416 = arith.constant 0 : i32
        %dma_wait3A_417 = arith.constant 0 : i32
        %dma_wait3A_418 = tpu.memref_slice %arg14[%dma_wait3A_416, %dma_wait3A_417] : memref<10512x64xf32, #tpu.memory_space<vmem_shared>> -> memref<10512x64xf32, #tpu.memory_space<vmem_shared>>
        tpu.wait_indirect_dma semaphore(%run_scoped3A_400 : memref<!tpu.dma_semaphore, #tpu.memory_space<semaphore_mem>>) src(%dma_wait3A_412 : memref<128x64xf32, #tpu.memory_space<vmem>>) dst(%dma_wait3A_418 : memref<10512x64xf32, #tpu.memory_space<vmem_shared>>)
        tpu.yield
      }) : () -> ()
      %run_scoped3A_384 = arith.constant 3 : i32
      "tpu.region"() ({
        %run_scoped3A_400 = tpu.sem_alloc : memref<!tpu.dma_semaphore, #tpu.memory_space<semaphore_mem>>
        %dma_start3A_401 = arith.constant 384 : i32
        %dma_start3A_402 = arith.constant 0 : i32
        %dma_start3A_403 = tpu.memref_slice %arg12[%dma_start3A_401, %dma_start3A_402] : memref<512x64xf32, #tpu.memory_space<vmem>> -> memref<128x64xf32, #tpu.memory_space<vmem>>
        %dma_start3A_404 = arith.constant 0 : i32
        %dma_start3A_405 = tpu.memref_slice %arg10[%run_scoped3A_384, %dma_start3A_404] : memref<4x128xi32, #tpu.memory_space<vmem>> -> memref<1x128xi32, #tpu.memory_space<vmem>>
        %dma_start3A_406 = tpu.memref_squeeze %dma_start3A_405 : memref<1x128xi32, #tpu.memory_space<vmem>> -> memref<128xi32, #tpu.memory_space<vmem>>
        %dma_start3A_407 = arith.constant 0 : i32
        %dma_start3A_408 = arith.constant 0 : i32
        %dma_start3A_409 = tpu.memref_slice %arg14[%dma_start3A_407, %dma_start3A_408] : memref<10512x64xf32, #tpu.memory_space<vmem_shared>> -> memref<10512x64xf32, #tpu.memory_space<vmem_shared>>
        tpu.enqueue_indirect_dma source(%dma_start3A_403 : memref<128x64xf32, #tpu.memory_space<vmem>>) target(%dma_start3A_409 : memref<10512x64xf32, #tpu.memory_space<vmem_shared>>) offsets(%dma_start3A_406 : memref<128xi32, #tpu.memory_space<vmem>>) semaphore(%run_scoped3A_400 : memref<!tpu.dma_semaphore, #tpu.memory_space<semaphore_mem>>) {add = true}
        %dma_wait3A_410 = arith.constant 384 : i32
        %dma_wait3A_411 = arith.constant 0 : i32
        %dma_wait3A_412 = tpu.memref_slice %arg12[%dma_wait3A_410, %dma_wait3A_411] : memref<512x64xf32, #tpu.memory_space<vmem>> -> memref<128x64xf32, #tpu.memory_space<vmem>>
        %dma_wait3A_413 = arith.constant 0 : i32
        %dma_wait3A_414 = tpu.memref_slice %arg10[%run_scoped3A_384, %dma_wait3A_413] : memref<4x128xi32, #tpu.memory_space<vmem>> -> memref<1x128xi32, #tpu.memory_space<vmem>>
        %dma_wait3A_415 = tpu.memref_squeeze %dma_wait3A_414 : memref<1x128xi32, #tpu.memory_space<vmem>> -> memref<128xi32, #tpu.memory_space<vmem>>
        %dma_wait3A_416 = arith.constant 0 : i32
        %dma_wait3A_417 = arith.constant 0 : i32
        %dma_wait3A_418 = tpu.memref_slice %arg14[%dma_wait3A_416, %dma_wait3A_417] : memref<10512x64xf32, #tpu.memory_space<vmem_shared>> -> memref<10512x64xf32, #tpu.memory_space<vmem_shared>>
        tpu.wait_indirect_dma semaphore(%run_scoped3A_400 : memref<!tpu.dma_semaphore, #tpu.memory_space<semaphore_mem>>) src(%dma_wait3A_412 : memref<128x64xf32, #tpu.memory_space<vmem>>) dst(%dma_wait3A_418 : memref<10512x64xf32, #tpu.memory_space<vmem_shared>>)
        tpu.yield
      }) : () -> ()
      %add3A_385 = arith.constant 3 : i32
      %add3A_386 = arith.addi %mul3A_197, %add3A_385 : i32
      %mul3A_387 = arith.constant 4 : i32
      %mul3A_388 = arith.muli %add3A_386, %mul3A_387 : i32
      %add3A_389 = arith.addi %mul3A_25, %mul3A_388 : i32
      %dma_start3A_390 = arith.constant 0 : i32
      %dma_start3A_391 = tpu.memref_slice %arg3[%arg0, %add3A_389, %dma_start3A_390] : memref<2x2568x128xi32, #tpu.memory_space<hbm>> -> memref<1x4x128xi32, #tpu.memory_space<hbm>>
      %dma_start3A_392 = tpu.memref_squeeze %dma_start3A_391 : memref<1x4x128xi32, #tpu.memory_space<hbm>> -> memref<4x128xi32, #tpu.memory_space<hbm>>
      %dma_start3A_393 = arith.constant 0 : i32
      %dma_start3A_394 = tpu.memref_slice %arg3[%arg0, %add3A_389, %dma_start3A_393] : memref<2x2568x128xi32, #tpu.memory_space<hbm>> -> memref<1x4x128xi32, #tpu.memory_space<hbm>>
      %dma_start3A_395 = tpu.memref_squeeze %dma_start3A_394 : memref<1x4x128xi32, #tpu.memory_space<hbm>> -> memref<4x128xi32, #tpu.memory_space<hbm>>
      tpu.enqueue_dma source(%dma_start3A_395 : memref<4x128xi32, #tpu.memory_space<hbm>>) target(%arg9 : memref<4x128xi32, #tpu.memory_space<vmem>>) target_semaphore(%arg17 : memref<!tpu.dma_semaphore, #tpu.memory_space<semaphore_mem>>)
      %dma_start3A_396 = arith.constant 0 : i32
      %dma_start3A_397 = tpu.memref_slice %arg4[%add3A_389, %dma_start3A_396] : memref<2568x128xi32, #tpu.memory_space<hbm>> -> memref<4x128xi32, #tpu.memory_space<hbm>>
      %dma_start3A_398 = arith.constant 0 : i32
      %dma_start3A_399 = tpu.memref_slice %arg4[%add3A_389, %dma_start3A_398] : memref<2568x128xi32, #tpu.memory_space<hbm>> -> memref<4x128xi32, #tpu.memory_space<hbm>>
      tpu.enqueue_dma source(%dma_start3A_399 : memref<4x128xi32, #tpu.memory_space<hbm>>) target(%arg10 : memref<4x128xi32, #tpu.memory_space<vmem>>) target_semaphore(%arg17 : memref<!tpu.dma_semaphore, #tpu.memory_space<semaphore_mem>>)
    }
    %dma_wait3A = arith.constant 0 : i32
    %dma_wait3A_90 = arith.constant 0 : i32
    %dma_wait3A_91 = arith.constant 0 : i32
    %dma_wait3A_92 = tpu.memref_slice %arg11[%dma_wait3A_90, %dma_wait3A_91] : memref<512x64xf32, #tpu.memory_space<vmem>> -> memref<128x64xf32, #tpu.memory_space<vmem>>
    %dma_wait3A_93 = arith.constant 0 : i32
    %dma_wait3A_94 = tpu.memref_slice %arg7[%dma_wait3A, %dma_wait3A_93] : memref<4x128xi32, #tpu.memory_space<vmem>> -> memref<1x128xi32, #tpu.memory_space<vmem>>
    %dma_wait3A_95 = tpu.memref_squeeze %dma_wait3A_94 : memref<1x128xi32, #tpu.memory_space<vmem>> -> memref<128xi32, #tpu.memory_space<vmem>>
    %dma_wait3A_96 = arith.constant 0 : i32
    %dma_wait3A_97 = arith.constant 0 : i32
    %dma_wait3A_98 = tpu.memref_slice %arg2[%dma_wait3A_96, %dma_wait3A_97] : memref<20000x64xf32, #tpu.memory_space<hbm>> -> memref<20000x64xf32, #tpu.memory_space<hbm>>
    tpu.wait_indirect_dma semaphore(%arg15 : memref<!tpu.dma_semaphore, #tpu.memory_space<semaphore_mem>>) src(%dma_wait3A_98 : memref<20000x64xf32, #tpu.memory_space<hbm>>) dst(%dma_wait3A_92 : memref<128x64xf32, #tpu.memory_space<vmem>>)
    %dma_wait3A_99 = arith.constant 1 : i32
    %dma_wait3A_100 = arith.constant 128 : i32
    %dma_wait3A_101 = arith.constant 0 : i32
    %dma_wait3A_102 = tpu.memref_slice %arg11[%dma_wait3A_100, %dma_wait3A_101] : memref<512x64xf32, #tpu.memory_space<vmem>> -> memref<128x64xf32, #tpu.memory_space<vmem>>
    %dma_wait3A_103 = arith.constant 0 : i32
    %dma_wait3A_104 = tpu.memref_slice %arg7[%dma_wait3A_99, %dma_wait3A_103] : memref<4x128xi32, #tpu.memory_space<vmem>> -> memref<1x128xi32, #tpu.memory_space<vmem>>
    %dma_wait3A_105 = tpu.memref_squeeze %dma_wait3A_104 : memref<1x128xi32, #tpu.memory_space<vmem>> -> memref<128xi32, #tpu.memory_space<vmem>>
    %dma_wait3A_106 = arith.constant 0 : i32
    %dma_wait3A_107 = arith.constant 0 : i32
    %dma_wait3A_108 = tpu.memref_slice %arg2[%dma_wait3A_106, %dma_wait3A_107] : memref<20000x64xf32, #tpu.memory_space<hbm>> -> memref<20000x64xf32, #tpu.memory_space<hbm>>
    tpu.wait_indirect_dma semaphore(%arg15 : memref<!tpu.dma_semaphore, #tpu.memory_space<semaphore_mem>>) src(%dma_wait3A_108 : memref<20000x64xf32, #tpu.memory_space<hbm>>) dst(%dma_wait3A_102 : memref<128x64xf32, #tpu.memory_space<vmem>>)
    %dma_wait3A_109 = arith.constant 2 : i32
    %dma_wait3A_110 = arith.constant 256 : i32
    %dma_wait3A_111 = arith.constant 0 : i32
    %dma_wait3A_112 = tpu.memref_slice %arg11[%dma_wait3A_110, %dma_wait3A_111] : memref<512x64xf32, #tpu.memory_space<vmem>> -> memref<128x64xf32, #tpu.memory_space<vmem>>
    %dma_wait3A_113 = arith.constant 0 : i32
    %dma_wait3A_114 = tpu.memref_slice %arg7[%dma_wait3A_109, %dma_wait3A_113] : memref<4x128xi32, #tpu.memory_space<vmem>> -> memref<1x128xi32, #tpu.memory_space<vmem>>
    %dma_wait3A_115 = tpu.memref_squeeze %dma_wait3A_114 : memref<1x128xi32, #tpu.memory_space<vmem>> -> memref<128xi32, #tpu.memory_space<vmem>>
    %dma_wait3A_116 = arith.constant 0 : i32
    %dma_wait3A_117 = arith.constant 0 : i32
    %dma_wait3A_118 = tpu.memref_slice %arg2[%dma_wait3A_116, %dma_wait3A_117] : memref<20000x64xf32, #tpu.memory_space<hbm>> -> memref<20000x64xf32, #tpu.memory_space<hbm>>
    tpu.wait_indirect_dma semaphore(%arg15 : memref<!tpu.dma_semaphore, #tpu.memory_space<semaphore_mem>>) src(%dma_wait3A_118 : memref<20000x64xf32, #tpu.memory_space<hbm>>) dst(%dma_wait3A_112 : memref<128x64xf32, #tpu.memory_space<vmem>>)
    %dma_wait3A_119 = arith.constant 3 : i32
    %dma_wait3A_120 = arith.constant 384 : i32
    %dma_wait3A_121 = arith.constant 0 : i32
    %dma_wait3A_122 = tpu.memref_slice %arg11[%dma_wait3A_120, %dma_wait3A_121] : memref<512x64xf32, #tpu.memory_space<vmem>> -> memref<128x64xf32, #tpu.memory_space<vmem>>
    %dma_wait3A_123 = arith.constant 0 : i32
    %dma_wait3A_124 = tpu.memref_slice %arg7[%dma_wait3A_119, %dma_wait3A_123] : memref<4x128xi32, #tpu.memory_space<vmem>> -> memref<1x128xi32, #tpu.memory_space<vmem>>
    %dma_wait3A_125 = tpu.memref_squeeze %dma_wait3A_124 : memref<1x128xi32, #tpu.memory_space<vmem>> -> memref<128xi32, #tpu.memory_space<vmem>>
    %dma_wait3A_126 = arith.constant 0 : i32
    %dma_wait3A_127 = arith.constant 0 : i32
    %dma_wait3A_128 = tpu.memref_slice %arg2[%dma_wait3A_126, %dma_wait3A_127] : memref<20000x64xf32, #tpu.memory_space<hbm>> -> memref<20000x64xf32, #tpu.memory_space<hbm>>
    tpu.wait_indirect_dma semaphore(%arg15 : memref<!tpu.dma_semaphore, #tpu.memory_space<semaphore_mem>>) src(%dma_wait3A_128 : memref<20000x64xf32, #tpu.memory_space<hbm>>) dst(%dma_wait3A_122 : memref<128x64xf32, #tpu.memory_space<vmem>>)
    %add3A_129 = arith.constant 164 : i32
    %add3A_130 = arith.addi %mul3A_25, %add3A_129 : i32
    %dma_wait3A_131 = arith.constant 0 : i32
    %dma_wait3A_132 = tpu.memref_slice %arg3[%arg0, %add3A_130, %dma_wait3A_131] : memref<2x2568x128xi32, #tpu.memory_space<hbm>> -> memref<1x4x128xi32, #tpu.memory_space<hbm>>
    %dma_wait3A_133 = tpu.memref_squeeze %dma_wait3A_132 : memref<1x4x128xi32, #tpu.memory_space<hbm>> -> memref<4x128xi32, #tpu.memory_space<hbm>>
    %dma_wait3A_134 = arith.constant 0 : i32
    %dma_wait3A_135 = tpu.memref_slice %arg3[%arg0, %add3A_130, %dma_wait3A_134] : memref<2x2568x128xi32, #tpu.memory_space<hbm>> -> memref<1x4x128xi32, #tpu.memory_space<hbm>>
    %dma_wait3A_136 = tpu.memref_squeeze %dma_wait3A_135 : memref<1x4x128xi32, #tpu.memory_space<hbm>> -> memref<4x128xi32, #tpu.memory_space<hbm>>
    tpu.wait_dma2 semaphore(%arg17 : memref<!tpu.dma_semaphore, #tpu.memory_space<semaphore_mem>>) src(%dma_wait3A_136 : memref<4x128xi32, #tpu.memory_space<hbm>>) dst(%arg9 : memref<4x128xi32, #tpu.memory_space<vmem>>)
    %dma_wait3A_137 = arith.constant 0 : i32
    %dma_wait3A_138 = tpu.memref_slice %arg4[%add3A_130, %dma_wait3A_137] : memref<2568x128xi32, #tpu.memory_space<hbm>> -> memref<4x128xi32, #tpu.memory_space<hbm>>
    %dma_wait3A_139 = arith.constant 0 : i32
    %dma_wait3A_140 = tpu.memref_slice %arg4[%add3A_130, %dma_wait3A_139] : memref<2568x128xi32, #tpu.memory_space<hbm>> -> memref<4x128xi32, #tpu.memory_space<hbm>>
    tpu.wait_dma2 semaphore(%arg17 : memref<!tpu.dma_semaphore, #tpu.memory_space<semaphore_mem>>) src(%dma_wait3A_140 : memref<4x128xi32, #tpu.memory_space<hbm>>) dst(%arg10 : memref<4x128xi32, #tpu.memory_space<vmem>>)
    %barrier3A_141 = arith.constant 0 : index
    tpu.barrier barrier_id(%barrier3A_141)
    %mul3A_142 = arith.constant 624 : i32
    %mul3A_143 = arith.muli %arg1, %mul3A_142 : i32
    %add3A_144 = arith.constant 0 : i32
    %add3A_145 = arith.addi %mul3A_143, %add3A_144 : i32
    "tpu.region"() ({
      %run_scoped3A = tpu.sem_alloc : memref<!tpu.dma_semaphore, #tpu.memory_space<semaphore_mem>>
      %dma_start3A_195 = arith.constant 0 : i32
      %dma_start3A_196 = tpu.memref_slice %arg14[%add3A_145, %dma_start3A_195] : memref<10512x64xf32, #tpu.memory_space<vmem_shared>> -> memref<104x64xf32, #tpu.memory_space<vmem_shared>>
      %dma_start3A_197 = arith.constant 0 : i32
      %dma_start3A_198 = tpu.memref_slice %arg14[%add3A_145, %dma_start3A_197] : memref<10512x64xf32, #tpu.memory_space<vmem_shared>> -> memref<104x64xf32, #tpu.memory_space<vmem_shared>>
      tpu.enqueue_dma source(%dma_start3A_198 : memref<104x64xf32, #tpu.memory_space<vmem_shared>>) target(%arg13 : memref<104x64xf32, #tpu.memory_space<vmem>>) target_semaphore(%run_scoped3A : memref<!tpu.dma_semaphore, #tpu.memory_space<semaphore_mem>>)
      %dma_wait3A_199 = arith.constant 0 : i32
      %dma_wait3A_200 = tpu.memref_slice %arg14[%add3A_145, %dma_wait3A_199] : memref<10512x64xf32, #tpu.memory_space<vmem_shared>> -> memref<104x64xf32, #tpu.memory_space<vmem_shared>>
      %dma_wait3A_201 = arith.constant 0 : i32
      %dma_wait3A_202 = tpu.memref_slice %arg14[%add3A_145, %dma_wait3A_201] : memref<10512x64xf32, #tpu.memory_space<vmem_shared>> -> memref<104x64xf32, #tpu.memory_space<vmem_shared>>
      tpu.wait_dma2 semaphore(%run_scoped3A : memref<!tpu.dma_semaphore, #tpu.memory_space<semaphore_mem>>) src(%dma_wait3A_202 : memref<104x64xf32, #tpu.memory_space<vmem_shared>>) dst(%arg13 : memref<104x64xf32, #tpu.memory_space<vmem>>)
      tpu.yield
    }) : () -> ()
    %mul3A_146 = arith.constant 624 : i32
    %mul3A_147 = arith.muli %arg1, %mul3A_146 : i32
    %add3A_148 = arith.constant 0 : i32
    %add3A_149 = arith.addi %mul3A_147, %add3A_148 : i32
    "tpu.region"() ({
      %run_scoped3A = tpu.sem_alloc : memref<!tpu.dma_semaphore, #tpu.memory_space<semaphore_mem>>
      %dma_start3A_195 = arith.constant 0 : i32
      %dma_start3A_196 = tpu.memref_slice %arg6[%arg0, %add3A_149, %dma_start3A_195] : memref<2x10000x64xf32, #tpu.memory_space<hbm>> -> memref<1x104x64xf32, #tpu.memory_space<hbm>>
      %dma_start3A_197 = tpu.memref_squeeze %dma_start3A_196 : memref<1x104x64xf32, #tpu.memory_space<hbm>> -> memref<104x64xf32, #tpu.memory_space<hbm>>
      %dma_start3A_198 = arith.constant 0 : i32
      %dma_start3A_199 = tpu.memref_slice %arg6[%arg0, %add3A_149, %dma_start3A_198] : memref<2x10000x64xf32, #tpu.memory_space<hbm>> -> memref<1x104x64xf32, #tpu.memory_space<hbm>>
      %dma_start3A_200 = tpu.memref_squeeze %dma_start3A_199 : memref<1x104x64xf32, #tpu.memory_space<hbm>> -> memref<104x64xf32, #tpu.memory_space<hbm>>
      tpu.enqueue_dma source(%arg13 : memref<104x64xf32, #tpu.memory_space<vmem>>) target(%dma_start3A_200 : memref<104x64xf32, #tpu.memory_space<hbm>>) target_semaphore(%run_scoped3A : memref<!tpu.dma_semaphore, #tpu.memory_space<semaphore_mem>>)
      %dma_wait3A_201 = arith.constant 0 : i32
      %dma_wait3A_202 = tpu.memref_slice %arg6[%arg0, %add3A_149, %dma_wait3A_201] : memref<2x10000x64xf32, #tpu.memory_space<hbm>> -> memref<1x104x64xf32, #tpu.memory_space<hbm>>
      %dma_wait3A_203 = tpu.memref_squeeze %dma_wait3A_202 : memref<1x104x64xf32, #tpu.memory_space<hbm>> -> memref<104x64xf32, #tpu.memory_space<hbm>>
      %dma_wait3A_204 = arith.constant 0 : i32
      %dma_wait3A_205 = tpu.memref_slice %arg6[%arg0, %add3A_149, %dma_wait3A_204] : memref<2x10000x64xf32, #tpu.memory_space<hbm>> -> memref<1x104x64xf32, #tpu.memory_space<hbm>>
      %dma_wait3A_206 = tpu.memref_squeeze %dma_wait3A_205 : memref<1x104x64xf32, #tpu.memory_space<hbm>> -> memref<104x64xf32, #tpu.memory_space<hbm>>
      tpu.wait_dma2 semaphore(%run_scoped3A : memref<!tpu.dma_semaphore, #tpu.memory_space<semaphore_mem>>) src(%arg13 : memref<104x64xf32, #tpu.memory_space<vmem>>) dst(%dma_wait3A_206 : memref<104x64xf32, #tpu.memory_space<hbm>>)
      tpu.yield
    }) : () -> ()
    %mul3A_150 = arith.constant 624 : i32
    %mul3A_151 = arith.muli %arg1, %mul3A_150 : i32
    %add3A_152 = arith.constant 104 : i32
    %add3A_153 = arith.addi %mul3A_151, %add3A_152 : i32
    "tpu.region"() ({
      %run_scoped3A = tpu.sem_alloc : memref<!tpu.dma_semaphore, #tpu.memory_space<semaphore_mem>>
      %dma_start3A_195 = arith.constant 0 : i32
      %dma_start3A_196 = tpu.memref_slice %arg14[%add3A_153, %dma_start3A_195] : memref<10512x64xf32, #tpu.memory_space<vmem_shared>> -> memref<104x64xf32, #tpu.memory_space<vmem_shared>>
      %dma_start3A_197 = arith.constant 0 : i32
      %dma_start3A_198 = tpu.memref_slice %arg14[%add3A_153, %dma_start3A_197] : memref<10512x64xf32, #tpu.memory_space<vmem_shared>> -> memref<104x64xf32, #tpu.memory_space<vmem_shared>>
      tpu.enqueue_dma source(%dma_start3A_198 : memref<104x64xf32, #tpu.memory_space<vmem_shared>>) target(%arg13 : memref<104x64xf32, #tpu.memory_space<vmem>>) target_semaphore(%run_scoped3A : memref<!tpu.dma_semaphore, #tpu.memory_space<semaphore_mem>>)
      %dma_wait3A_199 = arith.constant 0 : i32
      %dma_wait3A_200 = tpu.memref_slice %arg14[%add3A_153, %dma_wait3A_199] : memref<10512x64xf32, #tpu.memory_space<vmem_shared>> -> memref<104x64xf32, #tpu.memory_space<vmem_shared>>
      %dma_wait3A_201 = arith.constant 0 : i32
      %dma_wait3A_202 = tpu.memref_slice %arg14[%add3A_153, %dma_wait3A_201] : memref<10512x64xf32, #tpu.memory_space<vmem_shared>> -> memref<104x64xf32, #tpu.memory_space<vmem_shared>>
      tpu.wait_dma2 semaphore(%run_scoped3A : memref<!tpu.dma_semaphore, #tpu.memory_space<semaphore_mem>>) src(%dma_wait3A_202 : memref<104x64xf32, #tpu.memory_space<vmem_shared>>) dst(%arg13 : memref<104x64xf32, #tpu.memory_space<vmem>>)
      tpu.yield
    }) : () -> ()
    %mul3A_154 = arith.constant 624 : i32
    %mul3A_155 = arith.muli %arg1, %mul3A_154 : i32
    %add3A_156 = arith.constant 104 : i32
    %add3A_157 = arith.addi %mul3A_155, %add3A_156 : i32
    "tpu.region"() ({
      %run_scoped3A = tpu.sem_alloc : memref<!tpu.dma_semaphore, #tpu.memory_space<semaphore_mem>>
      %dma_start3A_195 = arith.constant 0 : i32
      %dma_start3A_196 = tpu.memref_slice %arg6[%arg0, %add3A_157, %dma_start3A_195] : memref<2x10000x64xf32, #tpu.memory_space<hbm>> -> memref<1x104x64xf32, #tpu.memory_space<hbm>>
      %dma_start3A_197 = tpu.memref_squeeze %dma_start3A_196 : memref<1x104x64xf32, #tpu.memory_space<hbm>> -> memref<104x64xf32, #tpu.memory_space<hbm>>
      %dma_start3A_198 = arith.constant 0 : i32
      %dma_start3A_199 = tpu.memref_slice %arg6[%arg0, %add3A_157, %dma_start3A_198] : memref<2x10000x64xf32, #tpu.memory_space<hbm>> -> memref<1x104x64xf32, #tpu.memory_space<hbm>>
      %dma_start3A_200 = tpu.memref_squeeze %dma_start3A_199 : memref<1x104x64xf32, #tpu.memory_space<hbm>> -> memref<104x64xf32, #tpu.memory_space<hbm>>
      tpu.enqueue_dma source(%arg13 : memref<104x64xf32, #tpu.memory_space<vmem>>) target(%dma_start3A_200 : memref<104x64xf32, #tpu.memory_space<hbm>>) target_semaphore(%run_scoped3A : memref<!tpu.dma_semaphore, #tpu.memory_space<semaphore_mem>>)
      %dma_wait3A_201 = arith.constant 0 : i32
      %dma_wait3A_202 = tpu.memref_slice %arg6[%arg0, %add3A_157, %dma_wait3A_201] : memref<2x10000x64xf32, #tpu.memory_space<hbm>> -> memref<1x104x64xf32, #tpu.memory_space<hbm>>
      %dma_wait3A_203 = tpu.memref_squeeze %dma_wait3A_202 : memref<1x104x64xf32, #tpu.memory_space<hbm>> -> memref<104x64xf32, #tpu.memory_space<hbm>>
      %dma_wait3A_204 = arith.constant 0 : i32
      %dma_wait3A_205 = tpu.memref_slice %arg6[%arg0, %add3A_157, %dma_wait3A_204] : memref<2x10000x64xf32, #tpu.memory_space<hbm>> -> memref<1x104x64xf32, #tpu.memory_space<hbm>>
      %dma_wait3A_206 = tpu.memref_squeeze %dma_wait3A_205 : memref<1x104x64xf32, #tpu.memory_space<hbm>> -> memref<104x64xf32, #tpu.memory_space<hbm>>
      tpu.wait_dma2 semaphore(%run_scoped3A : memref<!tpu.dma_semaphore, #tpu.memory_space<semaphore_mem>>) src(%arg13 : memref<104x64xf32, #tpu.memory_space<vmem>>) dst(%dma_wait3A_206 : memref<104x64xf32, #tpu.memory_space<hbm>>)
      tpu.yield
    }) : () -> ()
    %mul3A_158 = arith.constant 624 : i32
    %mul3A_159 = arith.muli %arg1, %mul3A_158 : i32
    %add3A_160 = arith.constant 208 : i32
    %add3A_161 = arith.addi %mul3A_159, %add3A_160 : i32
    "tpu.region"() ({
      %run_scoped3A = tpu.sem_alloc : memref<!tpu.dma_semaphore, #tpu.memory_space<semaphore_mem>>
      %dma_start3A_195 = arith.constant 0 : i32
      %dma_start3A_196 = tpu.memref_slice %arg14[%add3A_161, %dma_start3A_195] : memref<10512x64xf32, #tpu.memory_space<vmem_shared>> -> memref<104x64xf32, #tpu.memory_space<vmem_shared>>
      %dma_start3A_197 = arith.constant 0 : i32
      %dma_start3A_198 = tpu.memref_slice %arg14[%add3A_161, %dma_start3A_197] : memref<10512x64xf32, #tpu.memory_space<vmem_shared>> -> memref<104x64xf32, #tpu.memory_space<vmem_shared>>
      tpu.enqueue_dma source(%dma_start3A_198 : memref<104x64xf32, #tpu.memory_space<vmem_shared>>) target(%arg13 : memref<104x64xf32, #tpu.memory_space<vmem>>) target_semaphore(%run_scoped3A : memref<!tpu.dma_semaphore, #tpu.memory_space<semaphore_mem>>)
      %dma_wait3A_199 = arith.constant 0 : i32
      %dma_wait3A_200 = tpu.memref_slice %arg14[%add3A_161, %dma_wait3A_199] : memref<10512x64xf32, #tpu.memory_space<vmem_shared>> -> memref<104x64xf32, #tpu.memory_space<vmem_shared>>
      %dma_wait3A_201 = arith.constant 0 : i32
      %dma_wait3A_202 = tpu.memref_slice %arg14[%add3A_161, %dma_wait3A_201] : memref<10512x64xf32, #tpu.memory_space<vmem_shared>> -> memref<104x64xf32, #tpu.memory_space<vmem_shared>>
      tpu.wait_dma2 semaphore(%run_scoped3A : memref<!tpu.dma_semaphore, #tpu.memory_space<semaphore_mem>>) src(%dma_wait3A_202 : memref<104x64xf32, #tpu.memory_space<vmem_shared>>) dst(%arg13 : memref<104x64xf32, #tpu.memory_space<vmem>>)
      tpu.yield
    }) : () -> ()
    %mul3A_162 = arith.constant 624 : i32
    %mul3A_163 = arith.muli %arg1, %mul3A_162 : i32
    %add3A_164 = arith.constant 208 : i32
    %add3A_165 = arith.addi %mul3A_163, %add3A_164 : i32
    "tpu.region"() ({
      %run_scoped3A = tpu.sem_alloc : memref<!tpu.dma_semaphore, #tpu.memory_space<semaphore_mem>>
      %dma_start3A_195 = arith.constant 0 : i32
      %dma_start3A_196 = tpu.memref_slice %arg6[%arg0, %add3A_165, %dma_start3A_195] : memref<2x10000x64xf32, #tpu.memory_space<hbm>> -> memref<1x104x64xf32, #tpu.memory_space<hbm>>
      %dma_start3A_197 = tpu.memref_squeeze %dma_start3A_196 : memref<1x104x64xf32, #tpu.memory_space<hbm>> -> memref<104x64xf32, #tpu.memory_space<hbm>>
      %dma_start3A_198 = arith.constant 0 : i32
      %dma_start3A_199 = tpu.memref_slice %arg6[%arg0, %add3A_165, %dma_start3A_198] : memref<2x10000x64xf32, #tpu.memory_space<hbm>> -> memref<1x104x64xf32, #tpu.memory_space<hbm>>
      %dma_start3A_200 = tpu.memref_squeeze %dma_start3A_199 : memref<1x104x64xf32, #tpu.memory_space<hbm>> -> memref<104x64xf32, #tpu.memory_space<hbm>>
      tpu.enqueue_dma source(%arg13 : memref<104x64xf32, #tpu.memory_space<vmem>>) target(%dma_start3A_200 : memref<104x64xf32, #tpu.memory_space<hbm>>) target_semaphore(%run_scoped3A : memref<!tpu.dma_semaphore, #tpu.memory_space<semaphore_mem>>)
      %dma_wait3A_201 = arith.constant 0 : i32
      %dma_wait3A_202 = tpu.memref_slice %arg6[%arg0, %add3A_165, %dma_wait3A_201] : memref<2x10000x64xf32, #tpu.memory_space<hbm>> -> memref<1x104x64xf32, #tpu.memory_space<hbm>>
      %dma_wait3A_203 = tpu.memref_squeeze %dma_wait3A_202 : memref<1x104x64xf32, #tpu.memory_space<hbm>> -> memref<104x64xf32, #tpu.memory_space<hbm>>
      %dma_wait3A_204 = arith.constant 0 : i32
      %dma_wait3A_205 = tpu.memref_slice %arg6[%arg0, %add3A_165, %dma_wait3A_204] : memref<2x10000x64xf32, #tpu.memory_space<hbm>> -> memref<1x104x64xf32, #tpu.memory_space<hbm>>
      %dma_wait3A_206 = tpu.memref_squeeze %dma_wait3A_205 : memref<1x104x64xf32, #tpu.memory_space<hbm>> -> memref<104x64xf32, #tpu.memory_space<hbm>>
      tpu.wait_dma2 semaphore(%run_scoped3A : memref<!tpu.dma_semaphore, #tpu.memory_space<semaphore_mem>>) src(%arg13 : memref<104x64xf32, #tpu.memory_space<vmem>>) dst(%dma_wait3A_206 : memref<104x64xf32, #tpu.memory_space<hbm>>)
      tpu.yield
    }) : () -> ()
    %mul3A_166 = arith.constant 624 : i32
    %mul3A_167 = arith.muli %arg1, %mul3A_166 : i32
    %add3A_168 = arith.constant 312 : i32
    %add3A_169 = arith.addi %mul3A_167, %add3A_168 : i32
    "tpu.region"() ({
      %run_scoped3A = tpu.sem_alloc : memref<!tpu.dma_semaphore, #tpu.memory_space<semaphore_mem>>
      %dma_start3A_195 = arith.constant 0 : i32
      %dma_start3A_196 = tpu.memref_slice %arg14[%add3A_169, %dma_start3A_195] : memref<10512x64xf32, #tpu.memory_space<vmem_shared>> -> memref<104x64xf32, #tpu.memory_space<vmem_shared>>
      %dma_start3A_197 = arith.constant 0 : i32
      %dma_start3A_198 = tpu.memref_slice %arg14[%add3A_169, %dma_start3A_197] : memref<10512x64xf32, #tpu.memory_space<vmem_shared>> -> memref<104x64xf32, #tpu.memory_space<vmem_shared>>
      tpu.enqueue_dma source(%dma_start3A_198 : memref<104x64xf32, #tpu.memory_space<vmem_shared>>) target(%arg13 : memref<104x64xf32, #tpu.memory_space<vmem>>) target_semaphore(%run_scoped3A : memref<!tpu.dma_semaphore, #tpu.memory_space<semaphore_mem>>)
      %dma_wait3A_199 = arith.constant 0 : i32
      %dma_wait3A_200 = tpu.memref_slice %arg14[%add3A_169, %dma_wait3A_199] : memref<10512x64xf32, #tpu.memory_space<vmem_shared>> -> memref<104x64xf32, #tpu.memory_space<vmem_shared>>
      %dma_wait3A_201 = arith.constant 0 : i32
      %dma_wait3A_202 = tpu.memref_slice %arg14[%add3A_169, %dma_wait3A_201] : memref<10512x64xf32, #tpu.memory_space<vmem_shared>> -> memref<104x64xf32, #tpu.memory_space<vmem_shared>>
      tpu.wait_dma2 semaphore(%run_scoped3A : memref<!tpu.dma_semaphore, #tpu.memory_space<semaphore_mem>>) src(%dma_wait3A_202 : memref<104x64xf32, #tpu.memory_space<vmem_shared>>) dst(%arg13 : memref<104x64xf32, #tpu.memory_space<vmem>>)
      tpu.yield
    }) : () -> ()
    %mul3A_170 = arith.constant 624 : i32
    %mul3A_171 = arith.muli %arg1, %mul3A_170 : i32
    %add3A_172 = arith.constant 312 : i32
    %add3A_173 = arith.addi %mul3A_171, %add3A_172 : i32
    "tpu.region"() ({
      %run_scoped3A = tpu.sem_alloc : memref<!tpu.dma_semaphore, #tpu.memory_space<semaphore_mem>>
      %dma_start3A_195 = arith.constant 0 : i32
      %dma_start3A_196 = tpu.memref_slice %arg6[%arg0, %add3A_173, %dma_start3A_195] : memref<2x10000x64xf32, #tpu.memory_space<hbm>> -> memref<1x104x64xf32, #tpu.memory_space<hbm>>
      %dma_start3A_197 = tpu.memref_squeeze %dma_start3A_196 : memref<1x104x64xf32, #tpu.memory_space<hbm>> -> memref<104x64xf32, #tpu.memory_space<hbm>>
      %dma_start3A_198 = arith.constant 0 : i32
      %dma_start3A_199 = tpu.memref_slice %arg6[%arg0, %add3A_173, %dma_start3A_198] : memref<2x10000x64xf32, #tpu.memory_space<hbm>> -> memref<1x104x64xf32, #tpu.memory_space<hbm>>
      %dma_start3A_200 = tpu.memref_squeeze %dma_start3A_199 : memref<1x104x64xf32, #tpu.memory_space<hbm>> -> memref<104x64xf32, #tpu.memory_space<hbm>>
      tpu.enqueue_dma source(%arg13 : memref<104x64xf32, #tpu.memory_space<vmem>>) target(%dma_start3A_200 : memref<104x64xf32, #tpu.memory_space<hbm>>) target_semaphore(%run_scoped3A : memref<!tpu.dma_semaphore, #tpu.memory_space<semaphore_mem>>)
      %dma_wait3A_201 = arith.constant 0 : i32
      %dma_wait3A_202 = tpu.memref_slice %arg6[%arg0, %add3A_173, %dma_wait3A_201] : memref<2x10000x64xf32, #tpu.memory_space<hbm>> -> memref<1x104x64xf32, #tpu.memory_space<hbm>>
      %dma_wait3A_203 = tpu.memref_squeeze %dma_wait3A_202 : memref<1x104x64xf32, #tpu.memory_space<hbm>> -> memref<104x64xf32, #tpu.memory_space<hbm>>
      %dma_wait3A_204 = arith.constant 0 : i32
      %dma_wait3A_205 = tpu.memref_slice %arg6[%arg0, %add3A_173, %dma_wait3A_204] : memref<2x10000x64xf32, #tpu.memory_space<hbm>> -> memref<1x104x64xf32, #tpu.memory_space<hbm>>
      %dma_wait3A_206 = tpu.memref_squeeze %dma_wait3A_205 : memref<1x104x64xf32, #tpu.memory_space<hbm>> -> memref<104x64xf32, #tpu.memory_space<hbm>>
      tpu.wait_dma2 semaphore(%run_scoped3A : memref<!tpu.dma_semaphore, #tpu.memory_space<semaphore_mem>>) src(%arg13 : memref<104x64xf32, #tpu.memory_space<vmem>>) dst(%dma_wait3A_206 : memref<104x64xf32, #tpu.memory_space<hbm>>)
      tpu.yield
    }) : () -> ()
    %mul3A_174 = arith.constant 624 : i32
    %mul3A_175 = arith.muli %arg1, %mul3A_174 : i32
    %add3A_176 = arith.constant 416 : i32
    %add3A_177 = arith.addi %mul3A_175, %add3A_176 : i32
    "tpu.region"() ({
      %run_scoped3A = tpu.sem_alloc : memref<!tpu.dma_semaphore, #tpu.memory_space<semaphore_mem>>
      %dma_start3A_195 = arith.constant 0 : i32
      %dma_start3A_196 = tpu.memref_slice %arg14[%add3A_177, %dma_start3A_195] : memref<10512x64xf32, #tpu.memory_space<vmem_shared>> -> memref<104x64xf32, #tpu.memory_space<vmem_shared>>
      %dma_start3A_197 = arith.constant 0 : i32
      %dma_start3A_198 = tpu.memref_slice %arg14[%add3A_177, %dma_start3A_197] : memref<10512x64xf32, #tpu.memory_space<vmem_shared>> -> memref<104x64xf32, #tpu.memory_space<vmem_shared>>
      tpu.enqueue_dma source(%dma_start3A_198 : memref<104x64xf32, #tpu.memory_space<vmem_shared>>) target(%arg13 : memref<104x64xf32, #tpu.memory_space<vmem>>) target_semaphore(%run_scoped3A : memref<!tpu.dma_semaphore, #tpu.memory_space<semaphore_mem>>)
      %dma_wait3A_199 = arith.constant 0 : i32
      %dma_wait3A_200 = tpu.memref_slice %arg14[%add3A_177, %dma_wait3A_199] : memref<10512x64xf32, #tpu.memory_space<vmem_shared>> -> memref<104x64xf32, #tpu.memory_space<vmem_shared>>
      %dma_wait3A_201 = arith.constant 0 : i32
      %dma_wait3A_202 = tpu.memref_slice %arg14[%add3A_177, %dma_wait3A_201] : memref<10512x64xf32, #tpu.memory_space<vmem_shared>> -> memref<104x64xf32, #tpu.memory_space<vmem_shared>>
      tpu.wait_dma2 semaphore(%run_scoped3A : memref<!tpu.dma_semaphore, #tpu.memory_space<semaphore_mem>>) src(%dma_wait3A_202 : memref<104x64xf32, #tpu.memory_space<vmem_shared>>) dst(%arg13 : memref<104x64xf32, #tpu.memory_space<vmem>>)
      tpu.yield
    }) : () -> ()
    %mul3A_178 = arith.constant 624 : i32
    %mul3A_179 = arith.muli %arg1, %mul3A_178 : i32
    %add3A_180 = arith.constant 416 : i32
    %add3A_181 = arith.addi %mul3A_179, %add3A_180 : i32
    "tpu.region"() ({
      %run_scoped3A = tpu.sem_alloc : memref<!tpu.dma_semaphore, #tpu.memory_space<semaphore_mem>>
      %dma_start3A_195 = arith.constant 0 : i32
      %dma_start3A_196 = tpu.memref_slice %arg6[%arg0, %add3A_181, %dma_start3A_195] : memref<2x10000x64xf32, #tpu.memory_space<hbm>> -> memref<1x104x64xf32, #tpu.memory_space<hbm>>
      %dma_start3A_197 = tpu.memref_squeeze %dma_start3A_196 : memref<1x104x64xf32, #tpu.memory_space<hbm>> -> memref<104x64xf32, #tpu.memory_space<hbm>>
      %dma_start3A_198 = arith.constant 0 : i32
      %dma_start3A_199 = tpu.memref_slice %arg6[%arg0, %add3A_181, %dma_start3A_198] : memref<2x10000x64xf32, #tpu.memory_space<hbm>> -> memref<1x104x64xf32, #tpu.memory_space<hbm>>
      %dma_start3A_200 = tpu.memref_squeeze %dma_start3A_199 : memref<1x104x64xf32, #tpu.memory_space<hbm>> -> memref<104x64xf32, #tpu.memory_space<hbm>>
      tpu.enqueue_dma source(%arg13 : memref<104x64xf32, #tpu.memory_space<vmem>>) target(%dma_start3A_200 : memref<104x64xf32, #tpu.memory_space<hbm>>) target_semaphore(%run_scoped3A : memref<!tpu.dma_semaphore, #tpu.memory_space<semaphore_mem>>)
      %dma_wait3A_201 = arith.constant 0 : i32
      %dma_wait3A_202 = tpu.memref_slice %arg6[%arg0, %add3A_181, %dma_wait3A_201] : memref<2x10000x64xf32, #tpu.memory_space<hbm>> -> memref<1x104x64xf32, #tpu.memory_space<hbm>>
      %dma_wait3A_203 = tpu.memref_squeeze %dma_wait3A_202 : memref<1x104x64xf32, #tpu.memory_space<hbm>> -> memref<104x64xf32, #tpu.memory_space<hbm>>
      %dma_wait3A_204 = arith.constant 0 : i32
      %dma_wait3A_205 = tpu.memref_slice %arg6[%arg0, %add3A_181, %dma_wait3A_204] : memref<2x10000x64xf32, #tpu.memory_space<hbm>> -> memref<1x104x64xf32, #tpu.memory_space<hbm>>
      %dma_wait3A_206 = tpu.memref_squeeze %dma_wait3A_205 : memref<1x104x64xf32, #tpu.memory_space<hbm>> -> memref<104x64xf32, #tpu.memory_space<hbm>>
      tpu.wait_dma2 semaphore(%run_scoped3A : memref<!tpu.dma_semaphore, #tpu.memory_space<semaphore_mem>>) src(%arg13 : memref<104x64xf32, #tpu.memory_space<vmem>>) dst(%dma_wait3A_206 : memref<104x64xf32, #tpu.memory_space<hbm>>)
      tpu.yield
    }) : () -> ()
    %mul3A_182 = arith.constant 624 : i32
    %mul3A_183 = arith.muli %arg1, %mul3A_182 : i32
    %add3A_184 = arith.constant 520 : i32
    %add3A_185 = arith.addi %mul3A_183, %add3A_184 : i32
    "tpu.region"() ({
      %run_scoped3A = tpu.sem_alloc : memref<!tpu.dma_semaphore, #tpu.memory_space<semaphore_mem>>
      %dma_start3A_195 = arith.constant 0 : i32
      %dma_start3A_196 = tpu.memref_slice %arg14[%add3A_185, %dma_start3A_195] : memref<10512x64xf32, #tpu.memory_space<vmem_shared>> -> memref<104x64xf32, #tpu.memory_space<vmem_shared>>
      %dma_start3A_197 = arith.constant 0 : i32
      %dma_start3A_198 = tpu.memref_slice %arg14[%add3A_185, %dma_start3A_197] : memref<10512x64xf32, #tpu.memory_space<vmem_shared>> -> memref<104x64xf32, #tpu.memory_space<vmem_shared>>
      tpu.enqueue_dma source(%dma_start3A_198 : memref<104x64xf32, #tpu.memory_space<vmem_shared>>) target(%arg13 : memref<104x64xf32, #tpu.memory_space<vmem>>) target_semaphore(%run_scoped3A : memref<!tpu.dma_semaphore, #tpu.memory_space<semaphore_mem>>)
      %dma_wait3A_199 = arith.constant 0 : i32
      %dma_wait3A_200 = tpu.memref_slice %arg14[%add3A_185, %dma_wait3A_199] : memref<10512x64xf32, #tpu.memory_space<vmem_shared>> -> memref<104x64xf32, #tpu.memory_space<vmem_shared>>
      %dma_wait3A_201 = arith.constant 0 : i32
      %dma_wait3A_202 = tpu.memref_slice %arg14[%add3A_185, %dma_wait3A_201] : memref<10512x64xf32, #tpu.memory_space<vmem_shared>> -> memref<104x64xf32, #tpu.memory_space<vmem_shared>>
      tpu.wait_dma2 semaphore(%run_scoped3A : memref<!tpu.dma_semaphore, #tpu.memory_space<semaphore_mem>>) src(%dma_wait3A_202 : memref<104x64xf32, #tpu.memory_space<vmem_shared>>) dst(%arg13 : memref<104x64xf32, #tpu.memory_space<vmem>>)
      tpu.yield
    }) : () -> ()
    %mul3A_186 = arith.constant 624 : i32
    %mul3A_187 = arith.muli %arg1, %mul3A_186 : i32
    %add3A_188 = arith.constant 520 : i32
    %add3A_189 = arith.addi %mul3A_187, %add3A_188 : i32
    "tpu.region"() ({
      %run_scoped3A = tpu.sem_alloc : memref<!tpu.dma_semaphore, #tpu.memory_space<semaphore_mem>>
      %dma_start3A_195 = arith.constant 0 : i32
      %dma_start3A_196 = tpu.memref_slice %arg6[%arg0, %add3A_189, %dma_start3A_195] : memref<2x10000x64xf32, #tpu.memory_space<hbm>> -> memref<1x104x64xf32, #tpu.memory_space<hbm>>
      %dma_start3A_197 = tpu.memref_squeeze %dma_start3A_196 : memref<1x104x64xf32, #tpu.memory_space<hbm>> -> memref<104x64xf32, #tpu.memory_space<hbm>>
      %dma_start3A_198 = arith.constant 0 : i32
      %dma_start3A_199 = tpu.memref_slice %arg6[%arg0, %add3A_189, %dma_start3A_198] : memref<2x10000x64xf32, #tpu.memory_space<hbm>> -> memref<1x104x64xf32, #tpu.memory_space<hbm>>
      %dma_start3A_200 = tpu.memref_squeeze %dma_start3A_199 : memref<1x104x64xf32, #tpu.memory_space<hbm>> -> memref<104x64xf32, #tpu.memory_space<hbm>>
      tpu.enqueue_dma source(%arg13 : memref<104x64xf32, #tpu.memory_space<vmem>>) target(%dma_start3A_200 : memref<104x64xf32, #tpu.memory_space<hbm>>) target_semaphore(%run_scoped3A : memref<!tpu.dma_semaphore, #tpu.memory_space<semaphore_mem>>)
      %dma_wait3A_201 = arith.constant 0 : i32
      %dma_wait3A_202 = tpu.memref_slice %arg6[%arg0, %add3A_189, %dma_wait3A_201] : memref<2x10000x64xf32, #tpu.memory_space<hbm>> -> memref<1x104x64xf32, #tpu.memory_space<hbm>>
      %dma_wait3A_203 = tpu.memref_squeeze %dma_wait3A_202 : memref<1x104x64xf32, #tpu.memory_space<hbm>> -> memref<104x64xf32, #tpu.memory_space<hbm>>
      %dma_wait3A_204 = arith.constant 0 : i32
      %dma_wait3A_205 = tpu.memref_slice %arg6[%arg0, %add3A_189, %dma_wait3A_204] : memref<2x10000x64xf32, #tpu.memory_space<hbm>> -> memref<1x104x64xf32, #tpu.memory_space<hbm>>
      %dma_wait3A_206 = tpu.memref_squeeze %dma_wait3A_205 : memref<1x104x64xf32, #tpu.memory_space<hbm>> -> memref<104x64xf32, #tpu.memory_space<hbm>>
      tpu.wait_dma2 semaphore(%run_scoped3A : memref<!tpu.dma_semaphore, #tpu.memory_space<semaphore_mem>>) src(%arg13 : memref<104x64xf32, #tpu.memory_space<vmem>>) dst(%dma_wait3A_206 : memref<104x64xf32, #tpu.memory_space<hbm>>)
      tpu.yield
    }) : () -> ()
    %eq3A_190 = arith.constant 15 : i32
    %eq3A_191 = arith.cmpi eq, %arg1, %eq3A_190 : i32
    %convert_element_type3A_192 = arith.extui %eq3A_191 : i1 to i32
    %cond3A_193 = arith.constant 0 : i32
    %cond3A_194 = arith.cmpi ne, %convert_element_type3A_192, %cond3A_193 : i32
    scf.if %cond3A_194 {
      "tpu.region"() ({
        %run_scoped3A = tpu.sem_alloc : memref<!tpu.dma_semaphore, #tpu.memory_space<semaphore_mem>>
        %dma_start3A_195 = arith.constant 0 : i32
        %dma_start3A_196 = arith.constant 0 : i32
        %dma_start3A_197 = tpu.memref_slice %arg13[%dma_start3A_195, %dma_start3A_196] : memref<104x64xf32, #tpu.memory_space<vmem>> -> memref<16x64xf32, #tpu.memory_space<vmem>>
        %dma_start3A_198 = arith.constant 9984 : i32
        %dma_start3A_199 = arith.constant 0 : i32
        %dma_start3A_200 = tpu.memref_slice %arg14[%dma_start3A_198, %dma_start3A_199] : memref<10512x64xf32, #tpu.memory_space<vmem_shared>> -> memref<16x64xf32, #tpu.memory_space<vmem_shared>>
        %dma_start3A_201 = arith.constant 0 : i32
        %dma_start3A_202 = arith.constant 0 : i32
        %dma_start3A_203 = tpu.memref_slice %arg13[%dma_start3A_201, %dma_start3A_202] : memref<104x64xf32, #tpu.memory_space<vmem>> -> memref<16x64xf32, #tpu.memory_space<vmem>>
        %dma_start3A_204 = arith.constant 9984 : i32
        %dma_start3A_205 = arith.constant 0 : i32
        %dma_start3A_206 = tpu.memref_slice %arg14[%dma_start3A_204, %dma_start3A_205] : memref<10512x64xf32, #tpu.memory_space<vmem_shared>> -> memref<16x64xf32, #tpu.memory_space<vmem_shared>>
        tpu.enqueue_dma source(%dma_start3A_206 : memref<16x64xf32, #tpu.memory_space<vmem_shared>>) target(%dma_start3A_203 : memref<16x64xf32, #tpu.memory_space<vmem>>) target_semaphore(%run_scoped3A : memref<!tpu.dma_semaphore, #tpu.memory_space<semaphore_mem>>)
        %dma_wait3A_207 = arith.constant 0 : i32
        %dma_wait3A_208 = arith.constant 0 : i32
        %dma_wait3A_209 = tpu.memref_slice %arg13[%dma_wait3A_207, %dma_wait3A_208] : memref<104x64xf32, #tpu.memory_space<vmem>> -> memref<16x64xf32, #tpu.memory_space<vmem>>
        %dma_wait3A_210 = arith.constant 9984 : i32
        %dma_wait3A_211 = arith.constant 0 : i32
        %dma_wait3A_212 = tpu.memref_slice %arg14[%dma_wait3A_210, %dma_wait3A_211] : memref<10512x64xf32, #tpu.memory_space<vmem_shared>> -> memref<16x64xf32, #tpu.memory_space<vmem_shared>>
        %dma_wait3A_213 = arith.constant 0 : i32
        %dma_wait3A_214 = arith.constant 0 : i32
        %dma_wait3A_215 = tpu.memref_slice %arg13[%dma_wait3A_213, %dma_wait3A_214] : memref<104x64xf32, #tpu.memory_space<vmem>> -> memref<16x64xf32, #tpu.memory_space<vmem>>
        %dma_wait3A_216 = arith.constant 9984 : i32
        %dma_wait3A_217 = arith.constant 0 : i32
        %dma_wait3A_218 = tpu.memref_slice %arg14[%dma_wait3A_216, %dma_wait3A_217] : memref<10512x64xf32, #tpu.memory_space<vmem_shared>> -> memref<16x64xf32, #tpu.memory_space<vmem_shared>>
        tpu.wait_dma2 semaphore(%run_scoped3A : memref<!tpu.dma_semaphore, #tpu.memory_space<semaphore_mem>>) src(%dma_wait3A_218 : memref<16x64xf32, #tpu.memory_space<vmem_shared>>) dst(%dma_wait3A_215 : memref<16x64xf32, #tpu.memory_space<vmem>>)
        tpu.yield
      }) : () -> ()
      "tpu.region"() ({
        %run_scoped3A = tpu.sem_alloc : memref<!tpu.dma_semaphore, #tpu.memory_space<semaphore_mem>>
        %dma_start3A_195 = arith.constant 0 : i32
        %dma_start3A_196 = arith.constant 0 : i32
        %dma_start3A_197 = tpu.memref_slice %arg13[%dma_start3A_195, %dma_start3A_196] : memref<104x64xf32, #tpu.memory_space<vmem>> -> memref<16x64xf32, #tpu.memory_space<vmem>>
        %dma_start3A_198 = arith.constant 9984 : i32
        %dma_start3A_199 = arith.constant 0 : i32
        %dma_start3A_200 = tpu.memref_slice %arg6[%arg0, %dma_start3A_198, %dma_start3A_199] : memref<2x10000x64xf32, #tpu.memory_space<hbm>> -> memref<1x16x64xf32, #tpu.memory_space<hbm>>
        %dma_start3A_201 = tpu.memref_squeeze %dma_start3A_200 : memref<1x16x64xf32, #tpu.memory_space<hbm>> -> memref<16x64xf32, #tpu.memory_space<hbm>>
        %dma_start3A_202 = arith.constant 9984 : i32
        %dma_start3A_203 = arith.constant 0 : i32
        %dma_start3A_204 = tpu.memref_slice %arg6[%arg0, %dma_start3A_202, %dma_start3A_203] : memref<2x10000x64xf32, #tpu.memory_space<hbm>> -> memref<1x16x64xf32, #tpu.memory_space<hbm>>
        %dma_start3A_205 = tpu.memref_squeeze %dma_start3A_204 : memref<1x16x64xf32, #tpu.memory_space<hbm>> -> memref<16x64xf32, #tpu.memory_space<hbm>>
        %dma_start3A_206 = arith.constant 0 : i32
        %dma_start3A_207 = arith.constant 0 : i32
        %dma_start3A_208 = tpu.memref_slice %arg13[%dma_start3A_206, %dma_start3A_207] : memref<104x64xf32, #tpu.memory_space<vmem>> -> memref<16x64xf32, #tpu.memory_space<vmem>>
        tpu.enqueue_dma source(%dma_start3A_208 : memref<16x64xf32, #tpu.memory_space<vmem>>) target(%dma_start3A_205 : memref<16x64xf32, #tpu.memory_space<hbm>>) target_semaphore(%run_scoped3A : memref<!tpu.dma_semaphore, #tpu.memory_space<semaphore_mem>>)
        %dma_wait3A_209 = arith.constant 0 : i32
        %dma_wait3A_210 = arith.constant 0 : i32
        %dma_wait3A_211 = tpu.memref_slice %arg13[%dma_wait3A_209, %dma_wait3A_210] : memref<104x64xf32, #tpu.memory_space<vmem>> -> memref<16x64xf32, #tpu.memory_space<vmem>>
        %dma_wait3A_212 = arith.constant 9984 : i32
        %dma_wait3A_213 = arith.constant 0 : i32
        %dma_wait3A_214 = tpu.memref_slice %arg6[%arg0, %dma_wait3A_212, %dma_wait3A_213] : memref<2x10000x64xf32, #tpu.memory_space<hbm>> -> memref<1x16x64xf32, #tpu.memory_space<hbm>>
        %dma_wait3A_215 = tpu.memref_squeeze %dma_wait3A_214 : memref<1x16x64xf32, #tpu.memory_space<hbm>> -> memref<16x64xf32, #tpu.memory_space<hbm>>
        %dma_wait3A_216 = arith.constant 9984 : i32
        %dma_wait3A_217 = arith.constant 0 : i32
        %dma_wait3A_218 = tpu.memref_slice %arg6[%arg0, %dma_wait3A_216, %dma_wait3A_217] : memref<2x10000x64xf32, #tpu.memory_space<hbm>> -> memref<1x16x64xf32, #tpu.memory_space<hbm>>
        %dma_wait3A_219 = tpu.memref_squeeze %dma_wait3A_218 : memref<1x16x64xf32, #tpu.memory_space<hbm>> -> memref<16x64xf32, #tpu.memory_space<hbm>>
        %dma_wait3A_220 = arith.constant 0 : i32
        %dma_wait3A_221 = arith.constant 0 : i32
        %dma_wait3A_222 = tpu.memref_slice %arg13[%dma_wait3A_220, %dma_wait3A_221] : memref<104x64xf32, #tpu.memory_space<vmem>> -> memref<16x64xf32, #tpu.memory_space<vmem>>
        tpu.wait_dma2 semaphore(%run_scoped3A : memref<!tpu.dma_semaphore, #tpu.memory_space<semaphore_mem>>) src(%dma_wait3A_222 : memref<16x64xf32, #tpu.memory_space<vmem>>) dst(%dma_wait3A_219 : memref<16x64xf32, #tpu.memory_space<hbm>>)
        tpu.yield
      }) : () -> ()
    } else {
    }
    return
  }
}

module attributes {stable_mosaic.version = 14 : i64} {
  func.func @_mm1_body(%arg0: i32, %arg1: memref<10000x128xf32, #tpu.memory_space<vmem>>, %arg2: memref<1x128x64xf32, #tpu.memory_space<vmem>>, %arg3: memref<1x10000x64xf32, #tpu.memory_space<vmem>>) attributes {dimension_semantics = [#tpu.dimension_semantics<arbitrary>], iteration_bounds = array<i64: 2>, scalar_prefetch = 0 : i64, scratch_operands = 0 : i64, tpu.core_type = #tpu.core_type<tc>, window_params = [{pipeline_mode = #tpu.pipeline_mode<synchronous>, transform_indices = @transform_0, window_bounds = array<i64: 10000, 128>}, {transform_indices = @transform_1, window_bounds = array<i64: 1, 128, 64>}, {transform_indices = @transform_2, window_bounds = array<i64: 1, 10000, 64>}]} {
    %get3A = arith.constant 0 : index
    %get3A_0 = arith.constant 0 : index
    %get3A_1 = vector.load %arg1[%get3A, %get3A_0] : memref<10000x128xf32, #tpu.memory_space<vmem>>, vector<10000x128xf32>
    %get3A_2 = arith.constant 0 : index
    %get3A_3 = arith.constant 0 : index
    %get3A_4 = arith.constant 0 : index
    %get3A_5 = vector.load %arg2[%get3A_2, %get3A_3, %get3A_4] : memref<1x128x64xf32, #tpu.memory_space<vmem>>, vector<1x128x64xf32>
    %get3A_6 = vector.shape_cast %get3A_5 : vector<1x128x64xf32> to vector<128x64xf32>
    %dot_general3A = arith.constant dense<0.000000e+00> : vector<10000x64xf32>
    %dot_general3A_7 = tpu.matmul %get3A_1, %get3A_6, %dot_general3A {dimension_numbers = #tpu.dot_dimension_numbers<[1], [0], [0], [1], [0, 0, 1, 1], [], []>, precision = #tpu.contract_precision<fp32>, transpose_lhs_hint = false} : vector<10000x128xf32>, vector<128x64xf32>, vector<10000x64xf32> -> vector<10000x64xf32>
    %swap3A = arith.constant 0 : index
    %swap3A_8 = arith.constant 0 : index
    %swap3A_9 = arith.constant 0 : index
    %swap3A_10 = vector.load %arg3[%swap3A, %swap3A_8, %swap3A_9] : memref<1x10000x64xf32, #tpu.memory_space<vmem>>, vector<1x10000x64xf32>
    %swap3A_11 = vector.shape_cast %swap3A_10 : vector<1x10000x64xf32> to vector<10000x64xf32>
    %swap3A_12 = vector.shape_cast %dot_general3A_7 : vector<10000x64xf32> to vector<1x10000x64xf32>
    tpu.vector_store %arg3[%swap3A, %swap3A_8, %swap3A_9], %swap3A_12 {strides = array<i32>} : memref<1x10000x64xf32, #tpu.memory_space<vmem>>, vector<1x10000x64xf32>,
    return
  }
  func.func @transform_0(%arg0: i32) -> (i32, i32) {
    %c0_i32 = arith.constant 0 : i32
    %c0_i32_0 = arith.constant 0 : i32
    %c0_i32_1 = arith.constant 0 : i32
    return %c0_i32, %c0_i32_0 : i32, i32
  }
  func.func @transform_1(%arg0: i32) -> (i32, i32, i32) {
    %c0_i32 = arith.constant 0 : i32
    %c0_i32_0 = arith.constant 0 : i32
    %c0_i32_1 = arith.constant 0 : i32
    return %arg0, %c0_i32, %c0_i32_0 : i32, i32, i32
  }
  func.func @transform_2(%arg0: i32) -> (i32, i32, i32) {
    %c0_i32 = arith.constant 0 : i32
    %c0_i32_0 = arith.constant 0 : i32
    %c0_i32_1 = arith.constant 0 : i32
    return %arg0, %c0_i32, %c0_i32_0 : i32, i32, i32
  }
}

module attributes {stable_mosaic.version = 14 : i64} {
  func.func @_scale1_body(%arg0: memref<2x10000x1xf32, #tpu.memory_space<vmem>>, %arg1: memref<2x10000x64xf32, #tpu.memory_space<vmem>>, %arg2: memref<2x10000x64xf32, #tpu.memory_space<vmem>>, %arg3: memref<10000x1xf32, #tpu.memory_space<vmem>>) attributes {dimension_semantics = [], scalar_prefetch = 0 : i64, scratch_operands = 0 : i64, tpu.core_type = #tpu.core_type<tc>} {
    %get3A = arith.constant 0 : index
    %get3A_0 = arith.constant 0 : index
    %get3A_1 = arith.constant 0 : index
    %get3A_2 = vector.load %arg0[%get3A, %get3A_0, %get3A_1] : memref<2x10000x1xf32, #tpu.memory_space<vmem>>, vector<1x10000x1xf32>
    %get3A_3 = vector.shape_cast %get3A_2 : vector<1x10000x1xf32> to vector<10000x1xf32>
    %get3A_4 = arith.constant 1 : index
    %get3A_5 = arith.constant 0 : index
    %get3A_6 = arith.constant 0 : index
    %get3A_7 = vector.load %arg0[%get3A_4, %get3A_5, %get3A_6] : memref<2x10000x1xf32, #tpu.memory_space<vmem>>, vector<1x10000x1xf32>
    %get3A_8 = vector.shape_cast %get3A_7 : vector<1x10000x1xf32> to vector<10000x1xf32>
    %add3A = arith.addf %get3A_3, %get3A_8 : vector<10000x1xf32>
    %add3A_9 = arith.constant 1.000000e+00 : f32
    %add3A_10 = vector.broadcast %add3A_9 : f32 to vector<10000x1xf32>
    %add3A_11 = arith.addf %add3A, %add3A_10 : vector<10000x1xf32>
    %rsqrt3A = math.rsqrt %add3A_11 : vector<10000x1xf32>
    %swap3A = arith.constant 0 : index
    %swap3A_12 = arith.constant 0 : index
    %swap3A_13 = vector.load %arg3[%swap3A, %swap3A_12] : memref<10000x1xf32, #tpu.memory_space<vmem>>, vector<10000x1xf32>
    tpu.vector_store %arg3[%swap3A, %swap3A_12], %rsqrt3A {strides = array<i32>} : memref<10000x1xf32, #tpu.memory_space<vmem>>, vector<10000x1xf32>,
    %get3A_14 = arith.constant 0 : index
    %get3A_15 = arith.constant 0 : index
    %get3A_16 = arith.constant 0 : index
    %get3A_17 = vector.load %arg1[%get3A_14, %get3A_15, %get3A_16] : memref<2x10000x64xf32, #tpu.memory_space<vmem>>, vector<1x10000x64xf32>
    %get3A_18 = vector.shape_cast %get3A_17 : vector<1x10000x64xf32> to vector<10000x64xf32>
    %mul3A = vector.broadcast %rsqrt3A : vector<10000x1xf32> to vector<10000x64xf32>
    %mul3A_19 = arith.mulf %get3A_18, %mul3A : vector<10000x64xf32>
    %swap3A_20 = arith.constant 0 : index
    %swap3A_21 = arith.constant 0 : index
    %swap3A_22 = arith.constant 0 : index
    %swap3A_23 = vector.load %arg2[%swap3A_20, %swap3A_21, %swap3A_22] : memref<2x10000x64xf32, #tpu.memory_space<vmem>>, vector<1x10000x64xf32>
    %swap3A_24 = vector.shape_cast %swap3A_23 : vector<1x10000x64xf32> to vector<10000x64xf32>
    %swap3A_25 = vector.shape_cast %mul3A_19 : vector<10000x64xf32> to vector<1x10000x64xf32>
    tpu.vector_store %arg2[%swap3A_20, %swap3A_21, %swap3A_22], %swap3A_25 {strides = array<i32>} : memref<2x10000x64xf32, #tpu.memory_space<vmem>>, vector<1x10000x64xf32>,
    %get3A_26 = arith.constant 1 : index
    %get3A_27 = arith.constant 0 : index
    %get3A_28 = arith.constant 0 : index
    %get3A_29 = vector.load %arg1[%get3A_26, %get3A_27, %get3A_28] : memref<2x10000x64xf32, #tpu.memory_space<vmem>>, vector<1x10000x64xf32>
    %get3A_30 = vector.shape_cast %get3A_29 : vector<1x10000x64xf32> to vector<10000x64xf32>
    %mul3A_31 = vector.broadcast %rsqrt3A : vector<10000x1xf32> to vector<10000x64xf32>
    %mul3A_32 = arith.mulf %get3A_30, %mul3A_31 : vector<10000x64xf32>
    %swap3A_33 = arith.constant 1 : index
    %swap3A_34 = arith.constant 0 : index
    %swap3A_35 = arith.constant 0 : index
    %swap3A_36 = vector.load %arg2[%swap3A_33, %swap3A_34, %swap3A_35] : memref<2x10000x64xf32, #tpu.memory_space<vmem>>, vector<1x10000x64xf32>
    %swap3A_37 = vector.shape_cast %swap3A_36 : vector<1x10000x64xf32> to vector<10000x64xf32>
    %swap3A_38 = vector.shape_cast %mul3A_32 : vector<10000x64xf32> to vector<1x10000x64xf32>
    tpu.vector_store %arg2[%swap3A_33, %swap3A_34, %swap3A_35], %swap3A_38 {strides = array<i32>} : memref<2x10000x64xf32, #tpu.memory_space<vmem>>, vector<1x10000x64xf32>,
    return
  }
}

module attributes {stable_mosaic.version = 14 : i64} {
  func.func @_tc2_body(%arg0: i32, %arg1: memref<2x2000x64xf32, #tpu.memory_space<vmem>>, %arg2: memref<2x2000x64xf32, #tpu.memory_space<vmem>>, %arg3: memref<2000x1xf32, #tpu.memory_space<vmem>>, %arg4: memref<1x128xf32, #tpu.memory_space<vmem>>, %arg5: memref<128x128xf32, #tpu.memory_space<vmem>>, %arg6: memref<2x2000x64xf32, #tpu.memory_space<vmem>>) attributes {dimension_semantics = [#tpu.dimension_semantics<arbitrary>], iteration_bounds = array<i64: 5>, scalar_prefetch = 0 : i64, scratch_operands = 0 : i64, tpu.core_type = #tpu.core_type<tc>, window_params = [{transform_indices = @transform_0, window_bounds = array<i64: 2, 2000, 64>}, {transform_indices = @transform_1, window_bounds = array<i64: 2, 2000, 64>}, {transform_indices = @transform_2, window_bounds = array<i64: 2000, 1>}, {pipeline_mode = #tpu.pipeline_mode<synchronous>, transform_indices = @transform_3, window_bounds = array<i64: 1, 128>}, {pipeline_mode = #tpu.pipeline_mode<synchronous>, transform_indices = @transform_4, window_bounds = array<i64: 128, 128>}, {transform_indices = @transform_5, window_bounds = array<i64: 2, 2000, 64>}]} {
    %get3A = arith.constant 0 : index
    %get3A_0 = arith.constant 0 : index
    %get3A_1 = vector.load %arg3[%get3A, %get3A_0] : memref<2000x1xf32, #tpu.memory_space<vmem>>, vector<2000x1xf32>
    %get3A_2 = arith.constant 0 : index
    %get3A_3 = arith.constant 0 : index
    %get3A_4 = arith.constant 0 : index
    %get3A_5 = vector.load %arg1[%get3A_2, %get3A_3, %get3A_4] : memref<2x2000x64xf32, #tpu.memory_space<vmem>>, vector<1x2000x64xf32>
    %get3A_6 = vector.shape_cast %get3A_5 : vector<1x2000x64xf32> to vector<2000x64xf32>
    %get3A_7 = arith.constant 0 : index
    %get3A_8 = arith.constant 0 : index
    %get3A_9 = arith.constant 0 : index
    %get3A_10 = vector.load %arg2[%get3A_7, %get3A_8, %get3A_9] : memref<2x2000x64xf32, #tpu.memory_space<vmem>>, vector<1x2000x64xf32>
    %get3A_11 = vector.shape_cast %get3A_10 : vector<1x2000x64xf32> to vector<2000x64xf32>
    %add3A = arith.addf %get3A_6, %get3A_11 : vector<2000x64xf32>
    %mul3A = vector.broadcast %get3A_1 : vector<2000x1xf32> to vector<2000x64xf32>
    %mul3A_12 = arith.mulf %mul3A, %add3A : vector<2000x64xf32>
    %get3A_13 = arith.constant 1 : index
    %get3A_14 = arith.constant 0 : index
    %get3A_15 = arith.constant 0 : index
    %get3A_16 = vector.load %arg1[%get3A_13, %get3A_14, %get3A_15] : memref<2x2000x64xf32, #tpu.memory_space<vmem>>, vector<1x2000x64xf32>
    %get3A_17 = vector.shape_cast %get3A_16 : vector<1x2000x64xf32> to vector<2000x64xf32>
    %get3A_18 = arith.constant 1 : index
    %get3A_19 = arith.constant 0 : index
    %get3A_20 = arith.constant 0 : index
    %get3A_21 = vector.load %arg2[%get3A_18, %get3A_19, %get3A_20] : memref<2x2000x64xf32, #tpu.memory_space<vmem>>, vector<1x2000x64xf32>
    %get3A_22 = vector.shape_cast %get3A_21 : vector<1x2000x64xf32> to vector<2000x64xf32>
    %add3A_23 = arith.addf %get3A_17, %get3A_22 : vector<2000x64xf32>
    %mul3A_24 = vector.broadcast %get3A_1 : vector<2000x1xf32> to vector<2000x64xf32>
    %mul3A_25 = arith.mulf %mul3A_24, %add3A_23 : vector<2000x64xf32>
    %concatenate3A = tpu.concatenate %mul3A_12, %mul3A_25 in 1 : vector<2000x64xf32>, vector<2000x64xf32> -> vector<2000x128xf32>
    %get3A_26 = arith.constant 0 : index
    %get3A_27 = arith.constant 0 : index
    %get3A_28 = vector.load %arg4[%get3A_26, %get3A_27] : memref<1x128xf32, #tpu.memory_space<vmem>>, vector<1x128xf32>
    %add3A_29 = vector.broadcast %get3A_28 : vector<1x128xf32> to vector<2000x128xf32>
    %add3A_30 = arith.addf %concatenate3A, %add3A_29 : vector<2000x128xf32>
    %max3A = arith.constant 0.000000e+00 : f32
    %max3A_31 = vector.broadcast %max3A : f32 to vector<2000x128xf32>
    %max3A_32 = arith.maximumf %add3A_30, %max3A_31 : vector<2000x128xf32>
    %get3A_33 = arith.constant 0 : index
    %get3A_34 = arith.constant 0 : index
    %get3A_35 = vector.load %arg5[%get3A_33, %get3A_34] : memref<128x128xf32, #tpu.memory_space<vmem>>, vector<128x128xf32>
    %dot_general3A = arith.constant dense<0.000000e+00> : vector<2000x128xf32>
    %dot_general3A_36 = tpu.matmul %max3A_32, %get3A_35, %dot_general3A {dimension_numbers = #tpu.dot_dimension_numbers<[1], [0], [0], [1], [0, 0, 1, 1], [], []>, precision = #tpu.contract_precision<fp32>, transpose_lhs_hint = false} : vector<2000x128xf32>, vector<128x128xf32>, vector<2000x128xf32> -> vector<2000x128xf32>
    %slice3A = vector.extract_strided_slice %dot_general3A_36 {offsets = [0, 0], sizes = [2000, 64], strides = [1, 1]} : vector<2000x128xf32> to vector<2000x64xf32>
    %mul3A_37 = vector.broadcast %get3A_1 : vector<2000x1xf32> to vector<2000x64xf32>
    %mul3A_38 = arith.mulf %mul3A_37, %slice3A : vector<2000x64xf32>
    %swap3A = arith.constant 0 : index
    %swap3A_39 = arith.constant 0 : index
    %swap3A_40 = arith.constant 0 : index
    %swap3A_41 = vector.load %arg6[%swap3A, %swap3A_39, %swap3A_40] : memref<2x2000x64xf32, #tpu.memory_space<vmem>>, vector<1x2000x64xf32>
    %swap3A_42 = vector.shape_cast %swap3A_41 : vector<1x2000x64xf32> to vector<2000x64xf32>
    %swap3A_43 = vector.shape_cast %mul3A_38 : vector<2000x64xf32> to vector<1x2000x64xf32>
    tpu.vector_store %arg6[%swap3A, %swap3A_39, %swap3A_40], %swap3A_43 {strides = array<i32>} : memref<2x2000x64xf32, #tpu.memory_space<vmem>>, vector<1x2000x64xf32>,
    %slice3A_44 = vector.extract_strided_slice %dot_general3A_36 {offsets = [0, 64], sizes = [2000, 64], strides = [1, 1]} : vector<2000x128xf32> to vector<2000x64xf32>
    %mul3A_45 = vector.broadcast %get3A_1 : vector<2000x1xf32> to vector<2000x64xf32>
    %mul3A_46 = arith.mulf %mul3A_45, %slice3A_44 : vector<2000x64xf32>
    %swap3A_47 = arith.constant 1 : index
    %swap3A_48 = arith.constant 0 : index
    %swap3A_49 = arith.constant 0 : index
    %swap3A_50 = vector.load %arg6[%swap3A_47, %swap3A_48, %swap3A_49] : memref<2x2000x64xf32, #tpu.memory_space<vmem>>, vector<1x2000x64xf32>
    %swap3A_51 = vector.shape_cast %swap3A_50 : vector<1x2000x64xf32> to vector<2000x64xf32>
    %swap3A_52 = vector.shape_cast %mul3A_46 : vector<2000x64xf32> to vector<1x2000x64xf32>
    tpu.vector_store %arg6[%swap3A_47, %swap3A_48, %swap3A_49], %swap3A_52 {strides = array<i32>} : memref<2x2000x64xf32, #tpu.memory_space<vmem>>, vector<1x2000x64xf32>,
    return
  }
  func.func @transform_0(%arg0: i32) -> (i32, i32, i32) {
    %c0_i32 = arith.constant 0 : i32
    %c0_i32_0 = arith.constant 0 : i32
    %c0_i32_1 = arith.constant 0 : i32
    return %c0_i32, %arg0, %c0_i32_0 : i32, i32, i32
  }
  func.func @transform_1(%arg0: i32) -> (i32, i32, i32) {
    %c0_i32 = arith.constant 0 : i32
    %c0_i32_0 = arith.constant 0 : i32
    %c0_i32_1 = arith.constant 0 : i32
    return %c0_i32, %arg0, %c0_i32_0 : i32, i32, i32
  }
  func.func @transform_2(%arg0: i32) -> (i32, i32) {
    %c0_i32 = arith.constant 0 : i32
    %c0_i32_0 = arith.constant 0 : i32
    return %arg0, %c0_i32 : i32, i32
  }
  func.func @transform_3(%arg0: i32) -> (i32, i32) {
    %c0_i32 = arith.constant 0 : i32
    %c0_i32_0 = arith.constant 0 : i32
    %c0_i32_1 = arith.constant 0 : i32
    return %c0_i32, %c0_i32_0 : i32, i32
  }
  func.func @transform_4(%arg0: i32) -> (i32, i32) {
    %c0_i32 = arith.constant 0 : i32
    %c0_i32_0 = arith.constant 0 : i32
    %c0_i32_1 = arith.constant 0 : i32
    return %c0_i32, %c0_i32_0 : i32, i32
  }
  func.func @transform_5(%arg0: i32) -> (i32, i32, i32) {
    %c0_i32 = arith.constant 0 : i32
    %c0_i32_0 = arith.constant 0 : i32
    %c0_i32_1 = arith.constant 0 : i32
    return %c0_i32, %arg0, %c0_i32_0 : i32, i32, i32
  }
}

module attributes {stable_mosaic.version = 14 : i64} {
  func.func @_tc3_body(%arg0: i32, %arg1: memref<2x2000x64xf32, #tpu.memory_space<vmem>>, %arg2: memref<2x2000x64xf32, #tpu.memory_space<vmem>>, %arg3: memref<2000x1xf32, #tpu.memory_space<vmem>>, %arg4: memref<1x128xf32, #tpu.memory_space<vmem>>, %arg5: memref<128x64xf32, #tpu.memory_space<vmem>>, %arg6: memref<1x64xf32, #tpu.memory_space<vmem>>, %arg7: memref<128x64xf32, #tpu.memory_space<vmem>>, %arg8: memref<1x64xf32, #tpu.memory_space<vmem>>, %arg9: memref<2000x64xf32, #tpu.memory_space<vmem>>, %arg10: memref<1x10000xi32, #tpu.memory_space<vmem>>, %arg11: memref<2000x64xf32, #tpu.memory_space<vmem>>, %arg12: memref<2000x64xf32, #tpu.memory_space<vmem>>, %arg13: memref<2000x64xf32, #tpu.memory_space<vmem>>, %arg14: memref<1x16xi32, #tpu.memory_space<vmem>>, %arg15: memref<1x16xi32, #tpu.memory_space<vmem>>) attributes {dimension_semantics = [#tpu.dimension_semantics<arbitrary>], iteration_bounds = array<i64: 6>, scalar_prefetch = 0 : i64, scratch_operands = 0 : i64, tpu.core_type = #tpu.core_type<tc>, window_params = [{transform_indices = @transform_0, window_bounds = array<i64: 2, 2000, 64>}, {transform_indices = @transform_1, window_bounds = array<i64: 2, 2000, 64>}, {transform_indices = @transform_2, window_bounds = array<i64: 2000, 1>}, {pipeline_mode = #tpu.pipeline_mode<synchronous>, transform_indices = @transform_3, window_bounds = array<i64: 1, 128>}, {pipeline_mode = #tpu.pipeline_mode<synchronous>, transform_indices = @transform_4, window_bounds = array<i64: 128, 64>}, {pipeline_mode = #tpu.pipeline_mode<synchronous>, transform_indices = @transform_5, window_bounds = array<i64: 1, 64>}, {pipeline_mode = #tpu.pipeline_mode<synchronous>, transform_indices = @transform_6, window_bounds = array<i64: 128, 64>}, {pipeline_mode = #tpu.pipeline_mode<synchronous>, transform_indices = @transform_7, window_bounds = array<i64: 1, 64>}, {transform_indices = @transform_8, window_bounds = array<i64: 2000, 64>}, {pipeline_mode = #tpu.pipeline_mode<synchronous>, transform_indices = @transform_9, window_bounds = array<i64: 1, 10000>}, {transform_indices = @transform_10, window_bounds = array<i64: 2000, 64>}, {transform_indices = @transform_11, window_bounds = array<i64: 2000, 64>}, {transform_indices = @transform_12, window_bounds = array<i64: 2000, 64>}, {pipeline_mode = #tpu.pipeline_mode<synchronous>, transform_indices = @transform_13, window_bounds = array<i64: 1, 16>}, {pipeline_mode = #tpu.pipeline_mode<synchronous>, transform_indices = @transform_14, window_bounds = array<i64: 1, 16>}]} {
    %get3A = arith.constant 0 : index
    %get3A_0 = arith.constant 0 : index
    %get3A_1 = vector.load %arg3[%get3A, %get3A_0] : memref<2000x1xf32, #tpu.memory_space<vmem>>, vector<2000x1xf32>
    %get3A_2 = arith.constant 0 : index
    %get3A_3 = arith.constant 0 : index
    %get3A_4 = arith.constant 0 : index
    %get3A_5 = vector.load %arg1[%get3A_2, %get3A_3, %get3A_4] : memref<2x2000x64xf32, #tpu.memory_space<vmem>>, vector<1x2000x64xf32>
    %get3A_6 = vector.shape_cast %get3A_5 : vector<1x2000x64xf32> to vector<2000x64xf32>
    %get3A_7 = arith.constant 0 : index
    %get3A_8 = arith.constant 0 : index
    %get3A_9 = arith.constant 0 : index
    %get3A_10 = vector.load %arg2[%get3A_7, %get3A_8, %get3A_9] : memref<2x2000x64xf32, #tpu.memory_space<vmem>>, vector<1x2000x64xf32>
    %get3A_11 = vector.shape_cast %get3A_10 : vector<1x2000x64xf32> to vector<2000x64xf32>
    %add3A = arith.addf %get3A_6, %get3A_11 : vector<2000x64xf32>
    %mul3A = vector.broadcast %get3A_1 : vector<2000x1xf32> to vector<2000x64xf32>
    %mul3A_12 = arith.mulf %mul3A, %add3A : vector<2000x64xf32>
    %get3A_13 = arith.constant 1 : index
    %get3A_14 = arith.constant 0 : index
    %get3A_15 = arith.constant 0 : index
    %get3A_16 = vector.load %arg1[%get3A_13, %get3A_14, %get3A_15] : memref<2x2000x64xf32, #tpu.memory_space<vmem>>, vector<1x2000x64xf32>
    %get3A_17 = vector.shape_cast %get3A_16 : vector<1x2000x64xf32> to vector<2000x64xf32>
    %get3A_18 = arith.constant 1 : index
    %get3A_19 = arith.constant 0 : index
    %get3A_20 = arith.constant 0 : index
    %get3A_21 = vector.load %arg2[%get3A_18, %get3A_19, %get3A_20] : memref<2x2000x64xf32, #tpu.memory_space<vmem>>, vector<1x2000x64xf32>
    %get3A_22 = vector.shape_cast %get3A_21 : vector<1x2000x64xf32> to vector<2000x64xf32>
    %add3A_23 = arith.addf %get3A_17, %get3A_22 : vector<2000x64xf32>
    %mul3A_24 = vector.broadcast %get3A_1 : vector<2000x1xf32> to vector<2000x64xf32>
    %mul3A_25 = arith.mulf %mul3A_24, %add3A_23 : vector<2000x64xf32>
    %concatenate3A = tpu.concatenate %mul3A_12, %mul3A_25 in 1 : vector<2000x64xf32>, vector<2000x64xf32> -> vector<2000x128xf32>
    %get3A_26 = arith.constant 0 : index
    %get3A_27 = arith.constant 0 : index
    %get3A_28 = vector.load %arg4[%get3A_26, %get3A_27] : memref<1x128xf32, #tpu.memory_space<vmem>>, vector<1x128xf32>
    %add3A_29 = vector.broadcast %get3A_28 : vector<1x128xf32> to vector<2000x128xf32>
    %add3A_30 = arith.addf %concatenate3A, %add3A_29 : vector<2000x128xf32>
    %max3A = arith.constant 0.000000e+00 : f32
    %max3A_31 = vector.broadcast %max3A : f32 to vector<2000x128xf32>
    %max3A_32 = arith.maximumf %add3A_30, %max3A_31 : vector<2000x128xf32>
    %get3A_33 = arith.constant 0 : index
    %get3A_34 = arith.constant 0 : index
    %get3A_35 = vector.load %arg5[%get3A_33, %get3A_34] : memref<128x64xf32, #tpu.memory_space<vmem>>, vector<128x64xf32>
    %dot_general3A = arith.constant dense<0.000000e+00> : vector<2000x64xf32>
    %dot_general3A_36 = tpu.matmul %max3A_32, %get3A_35, %dot_general3A {dimension_numbers = #tpu.dot_dimension_numbers<[1], [0], [0], [1], [0, 0, 1, 1], [], []>, precision = #tpu.contract_precision<fp32>, transpose_lhs_hint = false} : vector<2000x128xf32>, vector<128x64xf32>, vector<2000x64xf32> -> vector<2000x64xf32>
    %get3A_37 = arith.constant 0 : index
    %get3A_38 = arith.constant 0 : index
    %get3A_39 = vector.load %arg6[%get3A_37, %get3A_38] : memref<1x64xf32, #tpu.memory_space<vmem>>, vector<1x64xf32>
    %add3A_40 = vector.broadcast %get3A_39 : vector<1x64xf32> to vector<2000x64xf32>
    %add3A_41 = arith.addf %dot_general3A_36, %add3A_40 : vector<2000x64xf32>
    %get3A_42 = arith.constant 0 : index
    %get3A_43 = arith.constant 0 : index
    %get3A_44 = vector.load %arg7[%get3A_42, %get3A_43] : memref<128x64xf32, #tpu.memory_space<vmem>>, vector<128x64xf32>
    %dot_general3A_45 = arith.constant dense<0.000000e+00> : vector<2000x64xf32>
    %dot_general3A_46 = tpu.matmul %max3A_32, %get3A_44, %dot_general3A_45 {dimension_numbers = #tpu.dot_dimension_numbers<[1], [0], [0], [1], [0, 0, 1, 1], [], []>, precision = #tpu.contract_precision<fp32>, transpose_lhs_hint = false} : vector<2000x128xf32>, vector<128x64xf32>, vector<2000x64xf32> -> vector<2000x64xf32>
    %get3A_47 = arith.constant 0 : index
    %get3A_48 = arith.constant 0 : index
    %get3A_49 = vector.load %arg8[%get3A_47, %get3A_48] : memref<1x64xf32, #tpu.memory_space<vmem>>, vector<1x64xf32>
    %add3A_50 = vector.broadcast %get3A_49 : vector<1x64xf32> to vector<2000x64xf32>
    %add3A_51 = arith.addf %dot_general3A_46, %add3A_50 : vector<2000x64xf32>
    %swap3A = arith.constant 0 : index
    %swap3A_52 = arith.constant 0 : index
    %swap3A_53 = vector.load %arg11[%swap3A, %swap3A_52] : memref<2000x64xf32, #tpu.memory_space<vmem>>, vector<2000x64xf32>
    tpu.vector_store %arg11[%swap3A, %swap3A_52], %add3A_41 {strides = array<i32>} : memref<2000x64xf32, #tpu.memory_space<vmem>>, vector<2000x64xf32>,
    %swap3A_54 = arith.constant 0 : index
    %swap3A_55 = arith.constant 0 : index
    %swap3A_56 = vector.load %arg12[%swap3A_54, %swap3A_55] : memref<2000x64xf32, #tpu.memory_space<vmem>>, vector<2000x64xf32>
    tpu.vector_store %arg12[%swap3A_54, %swap3A_55], %add3A_51 {strides = array<i32>} : memref<2000x64xf32, #tpu.memory_space<vmem>>, vector<2000x64xf32>,
    %jit3A = arith.constant -2.000000e+01 : f32
    %jit3A_57 = arith.constant 2.000000e+01 : f32
    %max3A_58 = vector.broadcast %jit3A : f32 to vector<2000x64xf32>
    %max3A_59 = arith.maximumf %max3A_58, %add3A_51 : vector<2000x64xf32>
    %min3A = vector.broadcast %jit3A_57 : f32 to vector<2000x64xf32>
    %min3A_60 = arith.minimumf %min3A, %max3A_59 : vector<2000x64xf32>
    %get3A_61 = arith.constant 0 : index
    %get3A_62 = arith.constant 0 : index
    %get3A_63 = vector.load %arg9[%get3A_61, %get3A_62] : memref<2000x64xf32, #tpu.memory_space<vmem>>, vector<2000x64xf32>
    %mul3A_64 = arith.constant 5.000000e-01 : f32
    %mul3A_65 = vector.broadcast %mul3A_64 : f32 to vector<2000x64xf32>
    %mul3A_66 = arith.mulf %mul3A_65, %min3A_60 : vector<2000x64xf32>
    %exp3A = math.exp %mul3A_66 : vector<2000x64xf32>
    %mul3A_67 = arith.mulf %get3A_63, %exp3A : vector<2000x64xf32>
    %add3A_68 = arith.addf %add3A_41, %mul3A_67 : vector<2000x64xf32>
    %lt3A = arith.constant 5 : i32
    %lt3A_69 = arith.cmpi slt, %arg0, %lt3A : i32
    %jit3A_70 = arith.constant 0.000000e+00 : f32
    %broadcast_in_dim3A = vector.broadcast %jit3A_70 : f32 to vector<2000x64xf32>
    %select_n3A = arith.select %lt3A_69, %add3A_68, %broadcast_in_dim3A : vector<2000x64xf32>
    %swap3A_71 = arith.constant 0 : index
    %swap3A_72 = arith.constant 0 : index
    %swap3A_73 = vector.load %arg13[%swap3A_71, %swap3A_72] : memref<2000x64xf32, #tpu.memory_space<vmem>>, vector<2000x64xf32>
    tpu.vector_store %arg13[%swap3A_71, %swap3A_72], %select_n3A {strides = array<i32>} : memref<2000x64xf32, #tpu.memory_space<vmem>>, vector<2000x64xf32>,
    %iota3A = tpu.iota {dimensions = array<i32: 0>} : vector<16x10000xi32>
    %get3A_74 = arith.constant 0 : index
    %get3A_75 = arith.constant 0 : index
    %get3A_76 = vector.load %arg10[%get3A_74, %get3A_75] : memref<1x10000xi32, #tpu.memory_space<vmem>>, vector<1x10000xi32>
    %eq3A = vector.broadcast %get3A_76 : vector<1x10000xi32> to vector<16x10000xi32>
    %eq3A_77 = arith.cmpi eq, %eq3A, %iota3A : vector<16x10000xi32>
    %convert_element_type3A = arith.extui %eq3A_77 : vector<16x10000xi1> to vector<16x10000xi32>
    %reduce_sum3A = arith.constant dense<0> : vector<16xi32>
    %reduce_sum3A_78 = vector.multi_reduction <add>, %convert_element_type3A, %reduce_sum3A [1] : vector<16x10000xi32> to vector<16xi32>
    %reshape3A = vector.shape_cast %reduce_sum3A_78 : vector<16xi32> to vector<1x16xi32>
    %swap3A_79 = arith.constant 0 : index
    %swap3A_80 = arith.constant 0 : index
    %swap3A_81 = vector.load %arg15[%swap3A_79, %swap3A_80] : memref<1x16xi32, #tpu.memory_space<vmem>>, vector<1x16xi32>
    tpu.vector_store %arg15[%swap3A_79, %swap3A_80], %reshape3A {strides = array<i32>} : memref<1x16xi32, #tpu.memory_space<vmem>>, vector<1x16xi32>,
    %lt3A_82 = vector.broadcast %get3A_76 : vector<1x10000xi32> to vector<16x10000xi32>
    %lt3A_83 = arith.cmpi slt, %lt3A_82, %iota3A : vector<16x10000xi32>
    %convert_element_type3A_84 = arith.extui %lt3A_83 : vector<16x10000xi1> to vector<16x10000xi32>
    %reduce_sum3A_85 = arith.constant dense<0> : vector<16xi32>
    %reduce_sum3A_86 = vector.multi_reduction <add>, %convert_element_type3A_84, %reduce_sum3A_85 [1] : vector<16x10000xi32> to vector<16xi32>
    %reshape3A_87 = vector.shape_cast %reduce_sum3A_86 : vector<16xi32> to vector<1x16xi32>
    %swap3A_88 = arith.constant 0 : index
    %swap3A_89 = arith.constant 0 : index
    %swap3A_90 = vector.load %arg14[%swap3A_88, %swap3A_89] : memref<1x16xi32, #tpu.memory_space<vmem>>, vector<1x16xi32>
    tpu.vector_store %arg14[%swap3A_88, %swap3A_89], %reshape3A_87 {strides = array<i32>} : memref<1x16xi32, #tpu.memory_space<vmem>>, vector<1x16xi32>,
    return
  }
  func.func @transform_0(%arg0: i32) -> (i32, i32, i32) {
    %min3A = arith.constant 4 : i32
    %min3A_0 = arith.minsi %arg0, %min3A : i32
    %c0_i32 = arith.constant 0 : i32
    %c0_i32_1 = arith.constant 0 : i32
    %c0_i32_2 = arith.constant 0 : i32
    return %c0_i32, %min3A_0, %c0_i32_1 : i32, i32, i32
  }
  func.func @transform_1(%arg0: i32) -> (i32, i32, i32) {
    %min3A = arith.constant 4 : i32
    %min3A_0 = arith.minsi %arg0, %min3A : i32
    %c0_i32 = arith.constant 0 : i32
    %c0_i32_1 = arith.constant 0 : i32
    %c0_i32_2 = arith.constant 0 : i32
    return %c0_i32, %min3A_0, %c0_i32_1 : i32, i32, i32
  }
  func.func @transform_2(%arg0: i32) -> (i32, i32) {
    %min3A = arith.constant 4 : i32
    %min3A_0 = arith.minsi %arg0, %min3A : i32
    %c0_i32 = arith.constant 0 : i32
    %c0_i32_1 = arith.constant 0 : i32
    return %min3A_0, %c0_i32 : i32, i32
  }
  func.func @transform_3(%arg0: i32) -> (i32, i32) {
    %c0_i32 = arith.constant 0 : i32
    %c0_i32_0 = arith.constant 0 : i32
    %c0_i32_1 = arith.constant 0 : i32
    return %c0_i32, %c0_i32_0 : i32, i32
  }
  func.func @transform_4(%arg0: i32) -> (i32, i32) {
    %c0_i32 = arith.constant 0 : i32
    %c0_i32_0 = arith.constant 0 : i32
    %c0_i32_1 = arith.constant 0 : i32
    return %c0_i32, %c0_i32_0 : i32, i32
  }
  func.func @transform_5(%arg0: i32) -> (i32, i32) {
    %c0_i32 = arith.constant 0 : i32
    %c0_i32_0 = arith.constant 0 : i32
    %c0_i32_1 = arith.constant 0 : i32
    return %c0_i32, %c0_i32_0 : i32, i32
  }
  func.func @transform_6(%arg0: i32) -> (i32, i32) {
    %c0_i32 = arith.constant 0 : i32
    %c0_i32_0 = arith.constant 0 : i32
    %c0_i32_1 = arith.constant 0 : i32
    return %c0_i32, %c0_i32_0 : i32, i32
  }
  func.func @transform_7(%arg0: i32) -> (i32, i32) {
    %c0_i32 = arith.constant 0 : i32
    %c0_i32_0 = arith.constant 0 : i32
    %c0_i32_1 = arith.constant 0 : i32
    return %c0_i32, %c0_i32_0 : i32, i32
  }
  func.func @transform_8(%arg0: i32) -> (i32, i32) {
    %min3A = arith.constant 4 : i32
    %min3A_0 = arith.minsi %arg0, %min3A : i32
    %c0_i32 = arith.constant 0 : i32
    %c0_i32_1 = arith.constant 0 : i32
    return %min3A_0, %c0_i32 : i32, i32
  }
  func.func @transform_9(%arg0: i32) -> (i32, i32) {
    %c0_i32 = arith.constant 0 : i32
    %c0_i32_0 = arith.constant 0 : i32
    %c0_i32_1 = arith.constant 0 : i32
    return %c0_i32, %c0_i32_0 : i32, i32
  }
  func.func @transform_10(%arg0: i32) -> (i32, i32) {
    %min3A = arith.constant 4 : i32
    %min3A_0 = arith.minsi %arg0, %min3A : i32
    %c0_i32 = arith.constant 0 : i32
    %c0_i32_1 = arith.constant 0 : i32
    return %min3A_0, %c0_i32 : i32, i32
  }
  func.func @transform_11(%arg0: i32) -> (i32, i32) {
    %min3A = arith.constant 4 : i32
    %min3A_0 = arith.minsi %arg0, %min3A : i32
    %c0_i32 = arith.constant 0 : i32
    %c0_i32_1 = arith.constant 0 : i32
    return %min3A_0, %c0_i32 : i32, i32
  }
  func.func @transform_12(%arg0: i32) -> (i32, i32) {
    %c0_i32 = arith.constant 0 : i32
    %c0_i32_0 = arith.constant 0 : i32
    return %arg0, %c0_i32 : i32, i32
  }
  func.func @transform_13(%arg0: i32) -> (i32, i32) {
    %c0_i32 = arith.constant 0 : i32
    %c0_i32_0 = arith.constant 0 : i32
    %c0_i32_1 = arith.constant 0 : i32
    return %c0_i32, %c0_i32_0 : i32, i32
  }
  func.func @transform_14(%arg0: i32) -> (i32, i32) {
    %c0_i32 = arith.constant 0 : i32
    %c0_i32_0 = arith.constant 0 : i32
    %c0_i32_1 = arith.constant 0 : i32
    return %c0_i32, %c0_i32_0 : i32, i32
  }
}

module attributes {stable_mosaic.version = 14 : i64} {
  func.func @_dec_body(%arg0: i32, %arg1: memref<16xi32, #tpu.memory_space<smem>>, %arg2: memref<16xi32, #tpu.memory_space<smem>>, %arg3: memref<12000x64xf32, #tpu.memory_space<vmem>>, %arg4: memref<1xf32, #tpu.memory_space<vmem>>, %arg5: memref<1x1024x1024xf32, #tpu.memory_space<vmem>>, %arg6: memref<1x1x1024xi32, #tpu.memory_space<vmem>>) attributes {dimension_semantics = [#tpu.dimension_semantics<arbitrary>], iteration_bounds = array<i64: 16>, scalar_prefetch = 2 : i64, scratch_operands = 0 : i64, tpu.core_type = #tpu.core_type<tc>, window_params = [{pipeline_mode = #tpu.pipeline_mode<synchronous>, transform_indices = @transform_0, window_bounds = array<i64: 12000, 64>}, {pipeline_mode = #tpu.pipeline_mode<synchronous>, transform_indices = @transform_1, window_bounds = array<i64: 1>}, {transform_indices = @transform_2, window_bounds = array<i64: 1, 1024, 1024>}, {transform_indices = @transform_3, window_bounds = array<i64: 1, 1, 1024>}]} {
    %get3A = arith.index_cast %arg0 : i32 to index
    %get3A_0 = memref.load %arg1[%get3A] : memref<16xi32, #tpu.memory_space<smem>>
    %get3A_1 = arith.index_cast %arg0 : i32 to index
    %get3A_2 = memref.load %arg2[%get3A_1] : memref<16xi32, #tpu.memory_space<smem>>
    %get3A_3 = arith.index_cast %get3A_0 : i32 to index
    %get3A_4 = arith.constant 0 : index
    %get3A_5 = vector.load %arg3[%get3A_3, %get3A_4] : memref<12000x64xf32, #tpu.memory_space<vmem>>, vector<1024x64xf32>
    %iota3A = tpu.iota {dimensions = array<i32: 0>} : vector<1024x1xi32>
    %lt3A = vector.broadcast %get3A_2 : i32 to vector<1024x1xi32>
    %lt3A_6 = arith.cmpi slt, %iota3A, %lt3A : vector<1024x1xi32>
    %jit3A = arith.constant 0.000000e+00 : f32
    %broadcast_in_dim3A = vector.shape_cast %lt3A_6 : vector<1024x1xi1> to vector<1024x1xi1>
    %broadcast_in_dim3A_7 = vector.broadcast %broadcast_in_dim3A : vector<1024x1xi1> to vector<1024x64xi1>
    %broadcast_in_dim3A_8 = vector.broadcast %jit3A : f32 to vector<1024x64xf32>
    %select_n3A = arith.select %broadcast_in_dim3A_7, %get3A_5, %broadcast_in_dim3A_8 : vector<1024x64xi1>, vector<1024x64xf32>
    %dot_general3A = arith.constant dense<0.000000e+00> : vector<1024x1024xf32>
    %dot_general3A_9 = tpu.matmul %select_n3A, %select_n3A, %dot_general3A {dimension_numbers = #tpu.dot_dimension_numbers<[1], [1], [0], [0], [0, 0, 1, 0], [], []>, precision = #tpu.contract_precision<fp32>, transpose_lhs_hint = false} : vector<1024x64xf32>, vector<1024x64xf32>, vector<1024x1024xf32> -> vector<1024x1024xf32>
    %mul3A = arith.constant 1.250000e-01 : f32
    %mul3A_10 = vector.broadcast %mul3A : f32 to vector<1024x1024xf32>
    %mul3A_11 = arith.mulf %dot_general3A_9, %mul3A_10 : vector<1024x1024xf32>
    %get3A_12 = arith.constant 0 : index
    %get3A_13 = vector.load %arg4[%get3A_12] : memref<1xf32, #tpu.memory_space<vmem>>, vector<1xf32>
    %get3A_14 = vector.extract %get3A_13[0] : f32 from vector<1xf32>
    %add3A = vector.broadcast %get3A_14 : f32 to vector<1024x1024xf32>
    %add3A_15 = arith.addf %mul3A_11, %add3A : vector<1024x1024xf32>
    %logistic3A = arith.negf %add3A_15 : vector<1024x1024xf32>
    %logistic3A_16 = math.exp %logistic3A : vector<1024x1024xf32>
    %logistic3A_17 = arith.constant 1.000000e+00 : f32
    %logistic3A_18 = vector.broadcast %logistic3A_17 : f32 to vector<1024x1024xf32>
    %logistic3A_19 = arith.addf %logistic3A_18, %logistic3A_16 : vector<1024x1024xf32>
    %logistic3A_20 = arith.divf %logistic3A_18, %logistic3A_19 : vector<1024x1024xf32>
    %swap3A = arith.constant 0 : index
    %swap3A_21 = arith.constant 0 : index
    %swap3A_22 = arith.constant 0 : index
    %swap3A_23 = vector.load %arg5[%swap3A, %swap3A_21, %swap3A_22] : memref<1x1024x1024xf32, #tpu.memory_space<vmem>>, vector<1x1024x1024xf32>
    %swap3A_24 = vector.shape_cast %swap3A_23 : vector<1x1024x1024xf32> to vector<1024x1024xf32>
    %swap3A_25 = vector.shape_cast %logistic3A_20 : vector<1024x1024xf32> to vector<1x1024x1024xf32>
    tpu.vector_store %arg5[%swap3A, %swap3A_21, %swap3A_22], %swap3A_25 {strides = array<i32>} : memref<1x1024x1024xf32, #tpu.memory_space<vmem>>, vector<1x1024x1024xf32>,
    %iota3A_26 = tpu.iota {dimensions = array<i32: 1>} : vector<1x1024xi32>
    %lt3A_27 = vector.broadcast %get3A_2 : i32 to vector<1x1024xi32>
    %lt3A_28 = arith.cmpi slt, %iota3A_26, %lt3A_27 : vector<1x1024xi32>
    %convert_element_type3A = arith.extui %lt3A_28 : vector<1x1024xi1> to vector<1x1024xi32>
    %swap3A_29 = arith.constant 0 : index
    %swap3A_30 = arith.constant 0 : index
    %swap3A_31 = arith.constant 0 : index
    %swap3A_32 = vector.load %arg6[%swap3A_29, %swap3A_30, %swap3A_31] : memref<1x1x1024xi32, #tpu.memory_space<vmem>>, vector<1x1x1024xi32>
    %swap3A_33 = vector.shape_cast %swap3A_32 : vector<1x1x1024xi32> to vector<1x1024xi32>
    %swap3A_34 = vector.shape_cast %convert_element_type3A : vector<1x1024xi32> to vector<1x1x1024xi32>
    tpu.vector_store %arg6[%swap3A_29, %swap3A_30, %swap3A_31], %swap3A_34 {strides = array<i32>} : memref<1x1x1024xi32, #tpu.memory_space<vmem>>, vector<1x1x1024xi32>,
    return
  }
  func.func @transform_0(%arg0: i32, %arg1: memref<16xi32, #tpu.memory_space<smem>>, %arg2: memref<16xi32, #tpu.memory_space<smem>>) -> (i32, i32) {
    %c0_i32 = arith.constant 0 : i32
    %c0_i32_0 = arith.constant 0 : i32
    %c0_i32_1 = arith.constant 0 : i32
    return %c0_i32, %c0_i32_0 : i32, i32
  }
  func.func @transform_1(%arg0: i32, %arg1: memref<16xi32, #tpu.memory_space<smem>>, %arg2: memref<16xi32, #tpu.memory_space<smem>>) -> i32 {
    %c0_i32 = arith.constant 0 : i32
    %c0_i32_0 = arith.constant 0 : i32
    return %c0_i32 : i32
  }
  func.func @transform_2(%arg0: i32, %arg1: memref<16xi32, #tpu.memory_space<smem>>, %arg2: memref<16xi32, #tpu.memory_space<smem>>) -> (i32, i32, i32) {
    %c0_i32 = arith.constant 0 : i32
    %c0_i32_0 = arith.constant 0 : i32
    %c0_i32_1 = arith.constant 0 : i32
    return %arg0, %c0_i32, %c0_i32_0 : i32, i32, i32
  }
  func.func @transform_3(%arg0: i32, %arg1: memref<16xi32, #tpu.memory_space<smem>>, %arg2: memref<16xi32, #tpu.memory_space<smem>>) -> (i32, i32, i32) {
    %c0_i32 = arith.constant 0 : i32
    %c0_i32_0 = arith.constant 0 : i32
    %c0_i32_1 = arith.constant 0 : i32
    return %arg0, %c0_i32, %c0_i32_0 : i32, i32, i32
  }
}

</mosaic_0001>

<sc_bundles>
// kernel: kernel.10.cloned.1.call-start
scs
__scs_entry_jumppad:
0x0: {  	(pc) =	sbr.rel $0x88, $3  }
0x1: {  	(tag) =	ssettag $0x0;
	lr =	simm.s32 $0x1  }
0x2: {  	[smem:$0x3F94] =	sst lr;
	_ =	strace $0xD0000000  }
0x3: {  	_ = 	snop  }
0x4: {  	_ = 	snop  }
0x5: {  	_ = 	snop  }
0x6: {  	_ = 	snop  }
0x7: {  	_ = 	snop  }
__scs_overlays_trampoline_lowered:
0x8: {  	[smem:$0x3FA3] =	sst s0  }
0x9: {  	[smem:$0x3FA4] =	sst s1  }
0xa: {  	[smem:$0x3FA5] =	sst s2  }
0xb: {  	[smem:$0x3FA6] =	sst s3  }
0xc: {  	[smem:$0x3FA7] =	sst s4  }
0xd: {  	[smem:$0x3FA8] =	sst s5  }
0xe: {  	[smem:$0x3FA9] =	sst s6  }
0xf: {  	[smem:$0x3FAA] =	sst s7  }
0x10: {  	[smem:$0x3FAB] =	sst s8  }
0x11: {  	[smem:$0x3FAC] =	sst s9;
	s0 =	simm.s32 @!p0 $0x0  }
0x12: {  	s1 =	sld [smem:$0x3F92];
	s0 =	simm.s32 @p0 $0x1  }
0x13: {  	[smem:$0x3FAD] =	sst s0;
	s0 =	simm.s32 @!p1 $0x0  }
0x14: {  	s2 =	sld [smem:$0x3F91];
	s0 =	simm.s32 @p1 $0x1  }
0x15: {  	[smem:$0x3FAE] =	sst s0;
	s0 =	simm.s32 @!p2 $0x0  }
0x16: {  	s3 =	sld [smem:$0x3FDB];
	s0 =	simm.s32 @p2 $0x1  }
0x17: {  	s4 =	simm.s32 $0x1BF5;
	[smem:$0x3FB0] =	sst s0  }
0x18: {  	s0 =	sld [smem:$0x3F93];
	_ =	swait.ge [sflag:s4], $0x0  }
0x19: {  	s7 =	sld [smem:$0x3F94]  }
0x1a: {  	s8 =	sadd.s32 $0xFFFFE003, lr  }
0x1b: {  	s9 =	sadd.s32 $0xFFFFFEF7, lr;
	s5 =	simm.s32 $0xFFFFFFFF;
	p2 =	slt.u32 s8, $0xFFFFF086  }
0x1c: {  	p1 =	slt.u32 s9, $0xF7A;
	s5 =	simm.s32 @!p2 $0x0  }
0x1d: {  	s5 =	simm.s32 @p1 $0x1;
	p0 =	seq.s32 s7, s2  }
0x1e: {  	s7 =	smul.u32 @!p0 $0xF7A, s2;
	p2 =	seq.s32 @!p0 s5, $0x0  }
0x1f: {  	s9 =	smul.u32 $0xF7A, s1;
	s8 =	simm.s32 @!p0 $0x1BF5;
	p2 =	por !p2, p0  }
0x20: {  	[sflag:s8] =	ssyncset.s32 @!p0 $0xFFFFF086;
	s6 =	sadd.s32 @!p0 s3, s7;
	s7 =	simm.s32 @!p0 $0x108  }
0x21: {  	s3 =	sadd.s32 s3, s9;
	s6 =	sadd.s32 @!p0 $0x88, s6;
	s7 =	simm.s32 @p2 $0x1082  }
0x22: {  	[simem:s7], [sflag:s8] =	dma.local @!p0 [hbm:s6], $0xF7A  }
0x23: {  	s9 =	sor.u32 $0xD0000000, s2;
	s6 =	simm.s32 $0x108;
	_ =	swait.ge @!p0 [sflag:s8], $0x0  }
0x24: {  	s3 =	sadd.s32 $0x88, s3;
	s6 =	simm.s32 @!p1 $0x1082;
	[sflag:s4] =	ssyncset.s32 $0xFFFFF086  }
0x25: {  	[simem:s6], [sflag:s4] =	dma.local [hbm:s3], $0xF7A  }
0x26: {  	[smem:$0x3F94] =	sst s1;
	(tag) =	ssettag s2;
	_ =	strace s9  }
0x27: {  	s1 =	sld [smem:$0x3FA4]  }
0x28: {  	s2 =	sld [smem:$0x3FA5]  }
0x29: {  	s4 =	sld [smem:$0x3FA7]  }
0x2a: {  	p0 =	seq.s32 s5, $0x0;
	s5 =	sld [smem:$0x3FA8]  }
0x2b: {  	s6 =	sld [smem:$0x3FA9]  }
0x2c: {  	s7 =	sld [smem:$0x3FAA]  }
0x2d: {  	s3 =	simm.s32 $0x108;
	s8 =	sld [smem:$0x3FAB]  }
0x2e: {  	s3 =	simm.s32 @!p0 $0x1082;
	s9 =	sld [smem:$0x3FAC]  }
0x2f: {  	lr =	sadd.s32 s0, s3;
	s0 =	sld [smem:$0x3FA3]  }
0x30: {  	s3 =	sld [smem:$0x3FA6]  }
0x31: {  	[smem:$0x3FAF] =	sst s10  }
0x32: {  	s10 =	sld [smem:$0x3FAD];
	_ =	sdelay $0x3  }
0x33: {  	p0 =	seq.s32 s10, $0x1;
	s10 =	sld [smem:$0x3FAF];
	_ =	sdelay $0x3  }
0x34: {  	[smem:$0x3FAF] =	sst s10  }
0x35: {  	s10 =	sld [smem:$0x3FAE];
	_ =	sdelay $0x3  }
0x36: {  	p1 =	seq.s32 s10, $0x1;
	s10 =	sld [smem:$0x3FAF];
	_ =	sdelay $0x3  }
0x37: {  	[smem:$0x3FAF] =	sst s10  }
0x38: {  	s10 =	sld [smem:$0x3FB0]  }
0x39: {  	_ = 	snop;
	(pc) =	sbr.ind lr, $3  }
0x3a: {  	_ = 	snop  }
0x3b: {  	_ = 	snop  }
0x3c: {  	p2 =	seq.s32 s10, $0x1;
	s10 =	sld [smem:$0x3FAF]  }
0x3d: {  	_ =	shalt  }
0x3e: {  	_ =	shalt  }
0x3f: {  	_ =	shalt  }
0x40: {  	_ =	shalt  }
0x41: {  	_ =	shalt  }
0x42: {  	_ =	shalt  }
0x43: {  	_ =	shalt  }
0x44: {  	_ =	shalt  }
0x45: {  	_ =	shalt  }
0x46: {  	_ =	shalt  }
0x47: {  	_ =	shalt  }
0x48: {  	_ =	shalt  }
0x49: {  	_ =	shalt  }
0x4a: {  	_ =	shalt  }
0x4b: {  	_ =	shalt  }
0x4c: {  	_ =	shalt  }
0x4d: {  	_ =	shalt  }
0x4e: {  	_ =	shalt  }
0x4f: {  	_ =	shalt  }
0x50: {  	_ =	shalt  }
0x51: {  	_ =	shalt  }
0x52: {  	_ =	shalt  }
0x53: {  	_ =	shalt  }
0x54: {  	_ =	shalt  }
0x55: {  	_ =	shalt  }
0x56: {  	_ =	shalt  }
0x57: {  	_ =	shalt  }
0x58: {  	_ =	shalt  }
0x59: {  	_ =	shalt  }
0x5a: {  	_ =	shalt  }
0x5b: {  	_ =	shalt  }
0x5c: {  	_ =	shalt  }
0x5d: {  	_ =	shalt  }
0x5e: {  	_ =	shalt  }
0x5f: {  	_ =	shalt  }
0x60: {  	_ =	shalt  }
0x61: {  	_ =	shalt  }
0x62: {  	_ =	shalt  }
0x63: {  	_ =	shalt  }
0x64: {  	_ =	shalt  }
0x65: {  	_ =	shalt  }
0x66: {  	_ =	shalt  }
0x67: {  	_ =	shalt  }
0x68: {  	_ =	shalt  }
0x69: {  	_ =	shalt  }
0x6a: {  	_ =	shalt  }
0x6b: {  	_ =	shalt  }
0x6c: {  	_ =	shalt  }
0x6d: {  	_ =	shalt  }
0x6e: {  	_ =	shalt  }
0x6f: {  	_ =	shalt  }
0x70: {  	_ =	shalt  }
0x71: {  	_ =	shalt  }
0x72: {  	_ =	shalt  }
0x73: {  	_ =	shalt  }
0x74: {  	_ =	shalt  }
0x75: {  	_ =	shalt  }
0x76: {  	_ =	shalt  }
0x77: {  	_ =	shalt  }
0x78: {  	_ =	shalt  }
0x79: {  	_ =	shalt  }
0x7a: {  	_ =	shalt  }
0x7b: {  	_ =	shalt  }
0x7c: {  	_ =	shalt  }
0x7d: {  	_ =	shalt  }
0x7e: {  	_ =	shalt  }
0x7f: {  	_ =	shalt  }
0x80: {  	_ =	shalt  }
0x81: {  	_ =	shalt  }
0x82: {  	_ =	shalt  }
0x83: {  	_ =	shalt  }
0x84: {  	_ =	shalt  }
0x85: {  	_ =	shalt  }
0x86: {  	_ =	shalt  }
0x87: {  	_ =	shalt  }
.Lfunc_end0:
.L_simem_size_0:
called_computation_lowered:
.L_overlay_start_0:
0x88: {  	s2 =	sld [smem:$0x3FD9]  }
0x89: {  	s3 =	sld [smem:$0x3FFE];
	_ =	sdelay $0x1  }
0x8a: {  	s1 =	srdreg.scid  }
0x8b: {  	s0 =	sand.u32 $0x1, s1  }
0x8c: {  	s15 =	sshll.u32 s0, $0xA;
	s2 =	sadd.s32 s3, s2  }
0x8d: {  	s2 =	sadd.s32 s2, s15  }
0x8e: {  	[smem:$0x3FBB] =	sst s2  }
0x8f: {  	_ = 	snop  }
0x90: {  	s2 =	sld [smem:$0x3FD0];
	_ =	sdelay $0x2  }
0x91: {  	s16 =	simm.s32 $0xA;
	s4 =	simm.s32 $0x10  }
0x92: {  	[smem:s4], [sflag:s16] =	dma.local [hbm:s2], $0x1  }
0x93: {  	_ =	swait.eq [sflag:s16], $0x1  }
0x94: {  	s17 =	sld [smem:$0x10]  }
0x95: {  	s18 =	sld [smem:$0x11];
	[sflag:s16] =	ssyncset.done $0x0  }
0x96: {  	s5 =	sld [smem:$0x12];
	[sflag:s16] =	ssyncadd.s32 $0xFFFFFFFF  }
0x97: {  	s19 =	sld [smem:$0x13];
	(tm) =	ssettm $0x1  }
0x98: {  	s6 =	sld [smem:$0x3FFB];
	_ =	sdelay $0x3  }
0x99: {  	_ =	strace s6  }
0x9a: {  	s6 =	sld [smem:$0x3FFC];
	_ =	sdelay $0x3  }
0x9b: {  	_ =	strace s6  }
0x9c: {  	s6 =	sld [smem:$0x3FFD];
	_ =	sdelay $0x3  }
0x9d: {  	_ =	strace s6  }
0x9e: {  	_ =	strace $0x8FFFFFFF  }
0x9f: {  	s20 =	sld [smem:$0x3FDB];
	_ =	sdelay $0x1  }
0xa0: {  	s7 =	simm.s32 $_scs_section_size  }
0xa1: {  	s8 =	simm.s32 $_size__tile_overlayer_lowered;
	s9 =	simm.s32 $_tile_overlayer_lowered  }
0xa2: {  	s23 =	simm.s32 $0x1BFF;
	s22 =	sshll.u32 s9, $0x1;
	s6 =	sadd.s32 s7, s20  }
0xa3: {  	s10 =	simm.s32 $0x0;
	s21 =	sshll.u32 s8, $0x1;
	s8 =	sadd.s32 s22, s6  }
0xa4: {  	[timem:s10], [sflag:s23] =	dma.local [hbm:s8], s21  }
0xa5: {  	_ =	swait.ge [sflag:s23], s21  }
0xa6: {  	s7 =	ssub.s32 $0x0, s21;
	[sflag:s23] =	ssyncset.done $0x0  }
0xa7: {  	[sflag:s23] =	ssyncadd.s32 s7;
	_ =	sdelay $0x1  }
0xa8: {  	s24 =	simm.s32 $0x1B8B  }
0xa9: {  	_ =	swait.ge [sflag:s24], $0x1  }
0xaa: {  	[sflag:s24] =	ssyncset.done $0x0  }
0xab: {  	s25 =	simm.s32 $0x1B8E;
	[sflag:s24] =	ssyncadd.s32 $0xFFFFFFFF  }
0xac: {  	s26 =	simm.s32 $execute0_lowered;
	[smem:$0x3FD2] =	sst s25  }
0xad: {  	s7 =	sshll.u32 s26, $0x1;
	_ =	strace $0x80000046;
	[dreg:$0x1] =	wrdreg $0xFFFFFFFF  }
0xae: {  	s28 =	simm.s32 $_size_execute0_lowered;
	s6 =	sadd.s32 s6, s7;
	[dreg:$0x0] =	wrdreg $0x0  }
0xaf: {  	s7 =	sshll.u32 s28, $0x1;
	[dreg:$0x2] =	wrdreg s6  }
0xb0: {  	[dreg:$0x3] =	wrdreg s7  }
0xb1: {  	[dreg:$0x4] =	wrdreg $0xC0  }
0xb2: {  	_ =	task [dreg:s10], $0x5FFFF  }
0xb3: {  	[dreg:$0x1] =	wrdreg $0xFFFFFFFF  }
0xb4: {  	[dreg:$0x0] =	wrdreg $0x60  }
0xb5: {  	[dreg:$0x2] =	wrdreg s5  }
0xb6: {  	[dreg:$0x3] =	wrdreg s17  }
0xb7: {  	[dreg:$0x4] =	wrdreg s19  }
0xb8: {  	[dreg:$0x5] =	wrdreg s18  }
0xb9: {  	[dreg:$0x6] =	wrdreg $0x2B000  }
0xba: {  	[dreg:$0x7] =	wrdreg $0x9  }
0xbb: {  	_ =	task.clear_ibuf [dreg:s10], $0x8FFFF;
	_ =	strace $0x90000046  }
0xbc: {  	s29 =	simm.s32 $0x9;
	_ =	strace $0x80000048  }
0xbd: {  	_ =	swait.ge [sflag:s29], $0x1  }
0xbe: {  	[sflag:s29] =	ssyncadd.s32 $0xFFFFFFFF  }
0xbf: {  	_ =	strace $0x90000048  }
0xc0: {  	_ =	sfence  }
0xc1: {  	s30 =	sld [smem:$0x0];
	_ =	sdelay $0x2  }
0xc2: {  	s31 =	sshll.u32 s1, $0xD;
	s1 =	sshrl.u32 s1, $0x2  }
0xc3: {  	s3 =	sand.u32 $0x4000, s31;
	s1 =	sadd.s32 s1, s30  }
0xc4: {  	s0 =	sor.u32 s3, s0;
	s1 =	sshll.u32 s1, $0x11  }
0xc5: {  	s0 =	sor.u32 s1, s0  }
0xc6: {  	s0 =	sadd.s32 $0x8F2B, s0  }
0xc7: {  	[sflag:s0] =	ssyncadd.remote.s32 $0x1  }
0xc8: {  	_ =	sfence.sel $0xFFFF  }
0xc9: {  	[dreg:$0x0] =	wrdreg $0xFFFFFFFF;
	(pc) =	sbr.abs _section_cstart, $3  }
0xca: {  	[dreg:$0x1] =	wrdreg $0xFFFFFFFF  }
0xcb: {  	_ =	task.clear_ibuf [dreg:s10], $0x2FFFF;
	_ =	strace $0x9FFFFFFF  }
0xcc: {  	(tm) =	ssettm $0x7FFFFFFF  }
0xcd: {  	_ =	shalt  }
tec
execute0_lowered:
.L_overlay_start_1:
0x0: {  	(tag) =	ssettag $0x1  }
0x1: {  	s8 =	rddreg [dreg:$0x0]  }
0x2: {  	s1 =	rddreg [dreg:$0x1]  }
0x3: {  	s2 =	rddreg [dreg:$0x2]  }
0x4: {  	s10 =	rddreg [dreg:$0x3]  }
0x5: {  	s4 =	rddreg [dreg:$0x4]  }
0x6: {  	s0 =	rddreg [dreg:$0x5];
	s6 =	srdreg.scid  }
0x7: {  	s5 =	simm.s32 $0x0;
	s3 =	stileid.u32;
	s14 =	simm.s32 $0x2800  }
0x8: {  	s15 =	simm.s32 $0x80;
	s16 =	simm.s32 $0x1;
	s17 =	simm.s32 $0x0  }
0x9: {  	s6 =	sand.u32 $0x1, s6;
	[smem:$0x7FF] =	sst s5;
	s9 =	smul.u32 $0x270, s3  }
0xa: {  	p0 =	sne.s32 s3, $0xF;
	s7 =	ssub.s32 $0x2, s6;
	s12 =	sshll.u32 s6, $0x4  }
0xb: {  	s13 =	smul.u32 $0x2710, s6;
	_ =	strace $0x80000047;
	s11 =	sshrl.u32 s7, $0x1  }
0xc: {  	s31 =	sor.u32 s3, s12;
	s6 =	sadd.s32 s9, s4;
	s11 =	ssub.s32 s7, s11  }
0xd: {  	s12 =	smul.u32 $0x500, s31;
	s9 =	sadd.s32 s9, s13;
	s7 =	sadd.s32 $0x2700, s4  }
0xe: {  	s13 =	sshrl.u32 s13, $0x3;
	s9 =	sshrl.u32 s9, $0x3;
	s11 =	smax.u32 s11, $0x1  }
0xf: {  	s8 =	sadd.s32 s8, s12;
	s9 =	sadd.s32 s10, s9;
	s10 =	sadd.s32 s10, s13  }
0x10: {  	s12 =	simm.s32 $0x2880;
	s13 =	simm.s32 $0x2;
	s10 =	sadd.s32 $0x4E0, s10  }
.LBB2_1:
0x11: {  	[tilespmem:s12], [sflag:$0x2] =	stream.linear.gather [hbm4b:s2+s5], $0x280, $0x38;
	[tilespmem:$0x2D98] =	vst v63  }
0x12: {  	_ =	swait.ge [sflag:s13], $0x280  }
0x13: {  	[sflag:s13] =	ssyncset.done $0x0  }
0x14: {  	[sflag:s13] =	ssyncadd.s32 $0xFFFFFD80  }
0x15: {  	[spmem:s6] =	stream.linear.scatter [tilespmem:s12], [sflag:$0x2], $0x270, $0x38;
	[tilespmem:$0x2D98] =	vst v63  }
0x16: {  	_ =	swait.ge [sflag:s13], $0x270  }
0x17: {  	[sflag:s13] =	ssyncset.done $0x0  }
0x18: {  	s18 =	simm.s32 @!p0 $0x2880;
	[sflag:s13] =	ssyncadd.s32 $0xFFFFFD90  }
0x19: {  	[spmem:s7] =	stream.linear.scatter @!p0 [tilespmem:s18], [sflag:$0x2], $0x10, $0x38;
	[tilespmem:$0x2D98] =	vst v63  }
0x1a: {  	s18 =	simm.s32 @!p0 $0x2  }
0x1b: {  	_ =	swait.ge @!p0 [sflag:s18], $0x10  }
0x1c: {  	[sflag:s18] =	ssyncset.done @!p0 $0x0  }
0x1d: {  	[sflag:s18] =	ssyncadd.s32 @!p0 $0xFFFFFFF0  }
0x1e: {  	[tilespmem:s14], [sflag:$0x2] =	stream.linear.gather [hbm4b:s1+s5], $0x80, $0x38;
	[tilespmem:$0x2D98] =	vst v63  }
0x1f: {  	_ =	swait.ge [sflag:s13], $0x80  }
0x20: {  	[sflag:s13] =	ssyncset.done $0x0  }
0x21: {  	[sflag:s13] =	ssyncadd.s32 $0xFFFFFF80  }
0x22: {  	[tilespmem:s5], [sflag:$0x2] =	stream.linear.gather [hbm4b:s8+s5], $0x2800, $0x38;
	[tilespmem:$0x2D98] =	vst v63  }
0x23: {  	_ =	swait.ge [sflag:s13], $0x2800  }
0x24: {  	[sflag:s13] =	ssyncset.done $0x0  }
0x25: {  	[sflag:s13] =	ssyncadd.s32 $0xFFFFD800  }
0x26: {  	s23 =	simm.s32 $0x0;
	[bflag:$0x0] =	sbarrier.arrive $0xFFFF  }
0x27: {  	[spmem:s4] =	stream.indirect.scatter.add.f32 [tilespmem:s14], [sflag:$0x1], $0x1, s23, s15, $0xb8;
	[tilespmem:$0x2D98] =	vst v63  }
0x28: {  	s24 =	simm.s32 $0x80  }
0x29: {  	[spmem:s4] =	stream.indirect.scatter.add.f32 [tilespmem:s14], [sflag:$0x1], $0x1, s24, s15, $0xb8;
	[tilespmem:$0x2D98] =	vst v63  }
0x2a: {  	s25 =	simm.s32 $0x100  }
0x2b: {  	[spmem:s4] =	stream.indirect.scatter.add.f32 [tilespmem:s14], [sflag:$0x1], $0x1, s25, s15, $0xb8;
	[tilespmem:$0x2D98] =	vst v63  }
0x2c: {  	s26 =	simm.s32 $0x180  }
0x2d: {  	[spmem:s4] =	stream.indirect.scatter.add.f32 [tilespmem:s14], [sflag:$0x1], $0x1, s26, s15, $0xb8;
	[tilespmem:$0x2D98] =	vst v63  }
0x2e: {  	s28 =	simm.s32 $0x200  }
0x2f: {  	[spmem:s4] =	stream.indirect.scatter.add.f32 [tilespmem:s14], [sflag:$0x1], $0x1, s28, s15, $0xb8;
	[tilespmem:$0x2D98] =	vst v63  }
0x30: {  	s29 =	simm.s32 $0x280  }
0x31: {  	[spmem:s4] =	stream.indirect.scatter.add.f32 [tilespmem:s14], [sflag:$0x1], $0x1, s29, s15, $0xb8;
	[tilespmem:$0x2D98] =	vst v63  }
0x32: {  	s30 =	simm.s32 $0x300  }
0x33: {  	[spmem:s4] =	stream.indirect.scatter.add.f32 [tilespmem:s14], [sflag:$0x1], $0x1, s30, s15, $0xb8;
	[tilespmem:$0x2D98] =	vst v63  }
0x34: {  	s31 =	simm.s32 $0x380  }
0x35: {  	[spmem:s4] =	stream.indirect.scatter.add.f32 [tilespmem:s14], [sflag:$0x1], $0x1, s31, s15, $0xb8;
	[tilespmem:$0x2D98] =	vst v63  }
0x36: {  	_ =	swait.ge [sflag:s16], $0x80  }
0x37: {  	[sflag:s16] =	ssyncset.done $0x0  }
0x38: {  	[sflag:s16] =	ssyncadd.s32 $0xFFFFFF80  }
0x39: {  	_ =	swait.ge [sflag:s16], $0x80  }
0x3a: {  	[sflag:s16] =	ssyncset.done $0x0  }
0x3b: {  	[sflag:s16] =	ssyncadd.s32 $0xFFFFFF80  }
0x3c: {  	_ =	swait.ge [sflag:s16], $0x80  }
0x3d: {  	[sflag:s16] =	ssyncset.done $0x0  }
0x3e: {  	[sflag:s16] =	ssyncadd.s32 $0xFFFFFF80  }
0x3f: {  	_ =	swait.ge [sflag:s16], $0x80  }
0x40: {  	[sflag:s16] =	ssyncset.done $0x0  }
0x41: {  	[sflag:s16] =	ssyncadd.s32 $0xFFFFFF80  }
0x42: {  	_ =	swait.ge [sflag:s16], $0x80  }
0x43: {  	[sflag:s16] =	ssyncset.done $0x0  }
0x44: {  	[sflag:s16] =	ssyncadd.s32 $0xFFFFFF80  }
0x45: {  	_ =	swait.ge [sflag:s16], $0x80  }
0x46: {  	[sflag:s16] =	ssyncset.done $0x0  }
0x47: {  	[sflag:s16] =	ssyncadd.s32 $0xFFFFFF80  }
0x48: {  	_ =	swait.ge [sflag:s16], $0x80  }
0x49: {  	[sflag:s16] =	ssyncset.done $0x0  }
0x4a: {  	[sflag:s16] =	ssyncadd.s32 $0xFFFFFF80  }
0x4b: {  	_ =	swait.ge [sflag:s16], $0x80  }
0x4c: {  	s20 =	simm.s32 $0x2000;
	s18 =	simm.s32 $0x1000;
	[sflag:s16] =	ssyncset.done $0x0  }
.LBB2_2:
0x4d: {  	s21 =	sshra.s32 s18, $0x2  }
0x4e: {  	[sflag:s16] =	ssyncadd.s32 $0xFFFFFF80;
	s18 =	smov.u32 s20;
	s19 =	sadd.s32 $0x1000, s20  }
0x4f: {  	[spmem:s4] =	stream.indirect.scatter.add.f32 [tilespmem:s14], [sflag:$0x1], $0x1, s21, s15, $0xb8;
	[tilespmem:$0x2D98] =	vst v63  }
0x50: {  	p1 =	sne.s32 s20, $0x9000;
	s20 =	sadd.s32 $0x80, s21  }
0x51: {  	[spmem:s4] =	stream.indirect.scatter.add.f32 [tilespmem:s14], [sflag:$0x1], $0x1, s20, s15, $0xb8;
	[tilespmem:$0x2D98] =	vst v63  }
0x52: {  	s20 =	sadd.s32 $0x100, s21  }
0x53: {  	[spmem:s4] =	stream.indirect.scatter.add.f32 [tilespmem:s14], [sflag:$0x1], $0x1, s20, s15, $0xb8;
	[tilespmem:$0x2D98] =	vst v63  }
0x54: {  	s20 =	sadd.s32 $0x180, s21  }
0x55: {  	[spmem:s4] =	stream.indirect.scatter.add.f32 [tilespmem:s14], [sflag:$0x1], $0x1, s20, s15, $0xb8;
	[tilespmem:$0x2D98] =	vst v63  }
0x56: {  	s20 =	sadd.s32 $0x200, s21  }
0x57: {  	[spmem:s4] =	stream.indirect.scatter.add.f32 [tilespmem:s14], [sflag:$0x1], $0x1, s20, s15, $0xb8;
	[tilespmem:$0x2D98] =	vst v63  }
0x58: {  	s20 =	sadd.s32 $0x280, s21  }
0x59: {  	[spmem:s4] =	stream.indirect.scatter.add.f32 [tilespmem:s14], [sflag:$0x1], $0x1, s20, s15, $0xb8;
	[tilespmem:$0x2D98] =	vst v63  }
0x5a: {  	s20 =	sadd.s32 $0x300, s21  }
0x5b: {  	[spmem:s4] =	stream.indirect.scatter.add.f32 [tilespmem:s14], [sflag:$0x1], $0x1, s20, s15, $0xb8;
	[tilespmem:$0x2D98] =	vst v63  }
0x5c: {  	s20 =	sadd.s32 $0x380, s21  }
0x5d: {  	[spmem:s4] =	stream.indirect.scatter.add.f32 [tilespmem:s14], [sflag:$0x1], $0x1, s20, s15, $0xb8;
	[tilespmem:$0x2D98] =	vst v63  }
0x5e: {  	_ =	swait.ge [sflag:s16], $0x80  }
0x5f: {  	[sflag:s16] =	ssyncset.done $0x0  }
0x60: {  	[sflag:s16] =	ssyncadd.s32 $0xFFFFFF80  }
0x61: {  	_ =	swait.ge [sflag:s16], $0x80  }
0x62: {  	[sflag:s16] =	ssyncset.done $0x0  }
0x63: {  	[sflag:s16] =	ssyncadd.s32 $0xFFFFFF80  }
0x64: {  	_ =	swait.ge [sflag:s16], $0x80  }
0x65: {  	[sflag:s16] =	ssyncset.done $0x0  }
0x66: {  	[sflag:s16] =	ssyncadd.s32 $0xFFFFFF80  }
0x67: {  	_ =	swait.ge [sflag:s16], $0x80  }
0x68: {  	[sflag:s16] =	ssyncset.done $0x0  }
0x69: {  	[sflag:s16] =	ssyncadd.s32 $0xFFFFFF80  }
0x6a: {  	_ =	swait.ge [sflag:s16], $0x80  }
0x6b: {  	[sflag:s16] =	ssyncset.done $0x0  }
0x6c: {  	[sflag:s16] =	ssyncadd.s32 $0xFFFFFF80  }
0x6d: {  	_ =	swait.ge [sflag:s16], $0x80  }
0x6e: {  	[sflag:s16] =	ssyncset.done $0x0  }
0x6f: {  	[sflag:s16] =	ssyncadd.s32 $0xFFFFFF80  }
.Ltmp0:
0x70: {  	_ =	swait.ge [sflag:s16], $0x80;
	(pc) =	sbr.rel @p1 .LBB2_2-.Ltmp0, $4  }
0x71: {  	[sflag:s16] =	ssyncset.done $0x0  }
0x72: {  	[sflag:s16] =	ssyncadd.s32 $0xFFFFFF80  }
0x73: {  	_ =	swait.ge [sflag:s16], $0x80  }
0x74: {  	s20 =	smov.u32 s19;
	[sflag:s16] =	ssyncset.done $0x0  }
0x75: {  	s18 =	sshra.s32 s18, $0x2;
	[sflag:s16] =	ssyncadd.s32 $0xFFFFFF80  }
0x76: {  	[spmem:s4] =	stream.indirect.scatter.add.f32 [tilespmem:s14], [sflag:$0x1], $0x1, s18, s15, $0xb8;
	[tilespmem:$0x2D98] =	vst v63  }
0x77: {  	s19 =	sadd.s32 $0x80, s18  }
0x78: {  	[spmem:s4] =	stream.indirect.scatter.add.f32 [tilespmem:s14], [sflag:$0x1], $0x1, s19, s15, $0xb8;
	[tilespmem:$0x2D98] =	vst v63  }
0x79: {  	s26 =	sadd.s32 $0x100, s18  }
0x7a: {  	[spmem:s4] =	stream.indirect.scatter.add.f32 [tilespmem:s14], [sflag:$0x1], $0x1, s26, s15, $0xb8;
	[tilespmem:$0x2D98] =	vst v63  }
0x7b: {  	s28 =	sadd.s32 $0x180, s18  }
0x7c: {  	[spmem:s4] =	stream.indirect.scatter.add.f32 [tilespmem:s14], [sflag:$0x1], $0x1, s28, s15, $0xb8;
	[tilespmem:$0x2D98] =	vst v63  }
0x7d: {  	s29 =	sadd.s32 $0x200, s18  }
0x7e: {  	[spmem:s4] =	stream.indirect.scatter.add.f32 [tilespmem:s14], [sflag:$0x1], $0x1, s29, s15, $0xb8;
	[tilespmem:$0x2D98] =	vst v63  }
0x7f: {  	s30 =	sadd.s32 $0x280, s18  }
0x80: {  	[spmem:s4] =	stream.indirect.scatter.add.f32 [tilespmem:s14], [sflag:$0x1], $0x1, s30, s15, $0xb8;
	[tilespmem:$0x2D98] =	vst v63  }
0x81: {  	s31 =	sadd.s32 $0x300, s18  }
0x82: {  	[spmem:s4] =	stream.indirect.scatter.add.f32 [tilespmem:s14], [sflag:$0x1], $0x1, s31, s15, $0xb8;
	[tilespmem:$0x2D98] =	vst v63  }
0x83: {  	s18 =	sadd.s32 $0x380, s18  }
0x84: {  	[spmem:s4] =	stream.indirect.scatter.add.f32 [tilespmem:s14], [sflag:$0x1], $0x1, s18, s15, $0xb8;
	[tilespmem:$0x2D98] =	vst v63  }
0x85: {  	_ =	swait.ge [sflag:s16], $0x80  }
0x86: {  	[sflag:s16] =	ssyncset.done $0x0  }
0x87: {  	[sflag:s16] =	ssyncadd.s32 $0xFFFFFF80  }
0x88: {  	_ =	swait.ge [sflag:s16], $0x80  }
0x89: {  	[sflag:s16] =	ssyncset.done $0x0  }
0x8a: {  	[sflag:s16] =	ssyncadd.s32 $0xFFFFFF80  }
0x8b: {  	_ =	swait.ge [sflag:s16], $0x80  }
0x8c: {  	[sflag:s16] =	ssyncset.done $0x0  }
0x8d: {  	[sflag:s16] =	ssyncadd.s32 $0xFFFFFF80  }
0x8e: {  	_ =	swait.ge [sflag:s16], $0x80  }
0x8f: {  	[sflag:s16] =	ssyncset.done $0x0  }
0x90: {  	[sflag:s16] =	ssyncadd.s32 $0xFFFFFF80  }
0x91: {  	_ =	swait.ge [sflag:s16], $0x80  }
0x92: {  	[sflag:s16] =	ssyncset.done $0x0  }
0x93: {  	[sflag:s16] =	ssyncadd.s32 $0xFFFFFF80  }
0x94: {  	_ =	swait.ge [sflag:s16], $0x80  }
0x95: {  	[sflag:s16] =	ssyncset.done $0x0  }
0x96: {  	[sflag:s16] =	ssyncadd.s32 $0xFFFFFF80  }
0x97: {  	_ =	swait.ge [sflag:s16], $0x80  }
0x98: {  	[sflag:s16] =	ssyncset.done $0x0  }
0x99: {  	[sflag:s16] =	ssyncadd.s32 $0xFFFFFF80  }
0x9a: {  	_ =	swait.ge [sflag:s16], $0x80  }
0x9b: {  	[sflag:s16] =	ssyncset.done $0x0  }
0x9c: {  	[sflag:s16] =	ssyncadd.s32 $0xFFFFFF80  }
0x9d: {  	[bflag:$0x0] =	sbarrier.arrive $0xFFFF  }
0x9e: {  	[tilespmem:s12], [sflag:$0x2] =	stream.linear.gather [spmem:s6], $0x270, $0x38;
	[tilespmem:$0x2D98] =	vst v63  }
0x9f: {  	_ =	swait.ge [sflag:s13], $0x270  }
0xa0: {  	[sflag:s13] =	ssyncset.done $0x0  }
0xa1: {  	[sflag:s13] =	ssyncadd.s32 $0xFFFFFD90  }
0xa2: {  	[hbm4b:s9+s5] =	stream.linear.scatter [tilespmem:s12], [sflag:$0x2], $0x270, $0x38;
	[tilespmem:$0x2D98] =	vst v63  }
0xa3: {  	_ =	swait.ge [sflag:s13], $0x270  }
0xa4: {  	[sflag:s13] =	ssyncset.done $0x0  }
0xa5: {  	s19 =	simm.s32 @!p0 $0x2;
	s18 =	simm.s32 @!p0 $0x2AF0;
	[sflag:s13] =	ssyncadd.s32 $0xFFFFFD90  }
0xa6: {  	[tilespmem:s18], [sflag:$0x2] =	stream.linear.gather @!p0 [spmem:s7], $0x10, $0x38;
	[tilespmem:$0x2D98] =	vst v63  }
0xa7: {  	s17 =	sadd.s32 $0x1, s17;
	_ =	swait.ge @!p0 [sflag:s19], $0x10  }
0xa8: {  	p1 =	sne.s32 s17, s11;
	[sflag:s19] =	ssyncset.done @!p0 $0x0  }
.Ltmp1:
0xa9: {  	s20 =	simm.s32 @!p0 $0x0;
	[sflag:s19] =	ssyncadd.s32 @!p0 $0xFFFFFFF0;
	(pc) =	sbr.rel @p1 .LBB2_1-.Ltmp1, $4  }
0xaa: {  	[hbm4b:s10+s20] =	stream.linear.scatter @!p0 [tilespmem:s18], [sflag:$0x2], $0x10, $0x38;
	[tilespmem:$0x2D98] =	vst v63  }
0xab: {  	_ =	swait.ge @!p0 [sflag:s19], $0x10  }
0xac: {  	[sflag:s19] =	ssyncset.done @!p0 $0x0  }
0xad: {  	[sflag:s19] =	ssyncadd.s32 @!p0 $0xFFFFFFF0  }
0xae: {  	_ =	sfence.sel $0x180000  }
0xaf: {  	[bflag:$0x0] =	sbarrier.arrive $0xFFFF  }
0xb0: {  	p0 =	sne.s32 s3, $0x0;
	_ =	strace $0x90000047  }
0xb1: {  	s0 =	sadd.s32 @!p0 $0x100000, s0;
	[bflag:$0x2] =	sbarrier.arrive $0xFFFF  }
0xb2: {  	[sflag:s0] =	ssyncadd.tile.s32 @!p0 $0x1;
	_ =	shalt  }
.Lfunc_end2:
_tile_overlayer_lowered:
.L_overlay_start_2:
0xb3: {  	(tag) =	ssettag $0x2  }
0xb4: {  	s0 =	rddreg [dreg:$0x0];
	s2 =	stileid.u32  }
0xb5: {  	s1 =	rddreg [dreg:$0x1];
	p0 =	sne.s32 s2, $0x0  }
0xb6: {  	s3 =	rddreg [dreg:$0x2];
	[bflag:$0x3] =	sbarrier.arrive $0xFFFF;
	s2 =	simm.s32 @!p0 $0x1C02  }
0xb7: {  	[timem:s3], [sflag:s2] =	dma.local @!p0 [hbm:s0], s1  }
0xb8: {  	s0 =	simm.s32 @!p0 $0x2  }
0xb9: {  	_ =	swait.ge @!p0 [sflag:s0], s1  }
0xba: {  	s1 =	ssub.s32 @!p0 $0x0, s1;
	[sflag:s0] =	ssyncset.done @!p0 $0x0  }
0xbb: {  	[sflag:s0] =	ssyncadd.s32 @!p0 s1  }
0xbc: {  	[bflag:$0x3] =	sbarrier.arrive $0xFFFF  }
0xbd: {  	_ =	shalt  }

// kernel: kernel.13.cloned.1.call-start
scs
__scs_entry_jumppad:
0x0: {  	(pc) =	sbr.rel $0x88, $3  }
0x1: {  	(tag) =	ssettag $0x0;
	lr =	simm.s32 $0x1  }
0x2: {  	[smem:$0x3F94] =	sst lr;
	_ =	strace $0xD0000000  }
0x3: {  	_ = 	snop  }
0x4: {  	_ = 	snop  }
0x5: {  	_ = 	snop  }
0x6: {  	_ = 	snop  }
0x7: {  	_ = 	snop  }
__scs_overlays_trampoline_lowered:
0x8: {  	[smem:$0x3FA3] =	sst s0  }
0x9: {  	[smem:$0x3FA4] =	sst s1  }
0xa: {  	[smem:$0x3FA5] =	sst s2  }
0xb: {  	[smem:$0x3FA6] =	sst s3  }
0xc: {  	[smem:$0x3FA7] =	sst s4  }
0xd: {  	[smem:$0x3FA8] =	sst s5  }
0xe: {  	[smem:$0x3FA9] =	sst s6  }
0xf: {  	[smem:$0x3FAA] =	sst s7  }
0x10: {  	[smem:$0x3FAB] =	sst s8  }
0x11: {  	[smem:$0x3FAC] =	sst s9;
	s0 =	simm.s32 @!p0 $0x0  }
0x12: {  	s1 =	sld [smem:$0x3F92];
	s0 =	simm.s32 @p0 $0x1  }
0x13: {  	[smem:$0x3FAD] =	sst s0;
	s0 =	simm.s32 @!p1 $0x0  }
0x14: {  	s2 =	sld [smem:$0x3F91];
	s0 =	simm.s32 @p1 $0x1  }
0x15: {  	[smem:$0x3FAE] =	sst s0;
	s0 =	simm.s32 @!p2 $0x0  }
0x16: {  	s3 =	sld [smem:$0x3FDB];
	s0 =	simm.s32 @p2 $0x1  }
0x17: {  	s4 =	simm.s32 $0x1BF5;
	[smem:$0x3FB0] =	sst s0  }
0x18: {  	s0 =	sld [smem:$0x3F93];
	_ =	swait.ge [sflag:s4], $0x0  }
0x19: {  	s7 =	sld [smem:$0x3F94]  }
0x1a: {  	s8 =	sadd.s32 $0xFFFFE003, lr  }
0x1b: {  	s9 =	sadd.s32 $0xFFFFFEF7, lr;
	s5 =	simm.s32 $0xFFFFFFFF;
	p2 =	slt.u32 s8, $0xFFFFF086  }
0x1c: {  	p1 =	slt.u32 s9, $0xF7A;
	s5 =	simm.s32 @!p2 $0x0  }
0x1d: {  	s5 =	simm.s32 @p1 $0x1;
	p0 =	seq.s32 s7, s2  }
0x1e: {  	s7 =	smul.u32 @!p0 $0xF7A, s2;
	p2 =	seq.s32 @!p0 s5, $0x0  }
0x1f: {  	s9 =	smul.u32 $0xF7A, s1;
	s8 =	simm.s32 @!p0 $0x1BF5;
	p2 =	por !p2, p0  }
0x20: {  	[sflag:s8] =	ssyncset.s32 @!p0 $0xFFFFF086;
	s6 =	sadd.s32 @!p0 s3, s7;
	s7 =	simm.s32 @!p0 $0x108  }
0x21: {  	s3 =	sadd.s32 s3, s9;
	s6 =	sadd.s32 @!p0 $0x88, s6;
	s7 =	simm.s32 @p2 $0x1082  }
0x22: {  	[simem:s7], [sflag:s8] =	dma.local @!p0 [hbm:s6], $0xF7A  }
0x23: {  	s9 =	sor.u32 $0xD0000000, s2;
	s6 =	simm.s32 $0x108;
	_ =	swait.ge @!p0 [sflag:s8], $0x0  }
0x24: {  	s3 =	sadd.s32 $0x88, s3;
	s6 =	simm.s32 @!p1 $0x1082;
	[sflag:s4] =	ssyncset.s32 $0xFFFFF086  }
0x25: {  	[simem:s6], [sflag:s4] =	dma.local [hbm:s3], $0xF7A  }
0x26: {  	[smem:$0x3F94] =	sst s1;
	(tag) =	ssettag s2;
	_ =	strace s9  }
0x27: {  	s1 =	sld [smem:$0x3FA4]  }
0x28: {  	s2 =	sld [smem:$0x3FA5]  }
0x29: {  	s4 =	sld [smem:$0x3FA7]  }
0x2a: {  	p0 =	seq.s32 s5, $0x0;
	s5 =	sld [smem:$0x3FA8]  }
0x2b: {  	s6 =	sld [smem:$0x3FA9]  }
0x2c: {  	s7 =	sld [smem:$0x3FAA]  }
0x2d: {  	s3 =	simm.s32 $0x108;
	s8 =	sld [smem:$0x3FAB]  }
0x2e: {  	s3 =	simm.s32 @!p0 $0x1082;
	s9 =	sld [smem:$0x3FAC]  }
0x2f: {  	lr =	sadd.s32 s0, s3;
	s0 =	sld [smem:$0x3FA3]  }
0x30: {  	s3 =	sld [smem:$0x3FA6]  }
0x31: {  	[smem:$0x3FAF] =	sst s10  }
0x32: {  	s10 =	sld [smem:$0x3FAD];
	_ =	sdelay $0x3  }
0x33: {  	p0 =	seq.s32 s10, $0x1;
	s10 =	sld [smem:$0x3FAF];
	_ =	sdelay $0x3  }
0x34: {  	[smem:$0x3FAF] =	sst s10  }
0x35: {  	s10 =	sld [smem:$0x3FAE];
	_ =	sdelay $0x3  }
0x36: {  	p1 =	seq.s32 s10, $0x1;
	s10 =	sld [smem:$0x3FAF];
	_ =	sdelay $0x3  }
0x37: {  	[smem:$0x3FAF] =	sst s10  }
0x38: {  	s10 =	sld [smem:$0x3FB0]  }
0x39: {  	_ = 	snop;
	(pc) =	sbr.ind lr, $3  }
0x3a: {  	_ = 	snop  }
0x3b: {  	_ = 	snop  }
0x3c: {  	p2 =	seq.s32 s10, $0x1;
	s10 =	sld [smem:$0x3FAF]  }
0x3d: {  	_ =	shalt  }
0x3e: {  	_ =	shalt  }
0x3f: {  	_ =	shalt  }
0x40: {  	_ =	shalt  }
0x41: {  	_ =	shalt  }
0x42: {  	_ =	shalt  }
0x43: {  	_ =	shalt  }
0x44: {  	_ =	shalt  }
0x45: {  	_ =	shalt  }
0x46: {  	_ =	shalt  }
0x47: {  	_ =	shalt  }
0x48: {  	_ =	shalt  }
0x49: {  	_ =	shalt  }
0x4a: {  	_ =	shalt  }
0x4b: {  	_ =	shalt  }
0x4c: {  	_ =	shalt  }
0x4d: {  	_ =	shalt  }
0x4e: {  	_ =	shalt  }
0x4f: {  	_ =	shalt  }
0x50: {  	_ =	shalt  }
0x51: {  	_ =	shalt  }
0x52: {  	_ =	shalt  }
0x53: {  	_ =	shalt  }
0x54: {  	_ =	shalt  }
0x55: {  	_ =	shalt  }
0x56: {  	_ =	shalt  }
0x57: {  	_ =	shalt  }
0x58: {  	_ =	shalt  }
0x59: {  	_ =	shalt  }
0x5a: {  	_ =	shalt  }
0x5b: {  	_ =	shalt  }
0x5c: {  	_ =	shalt  }
0x5d: {  	_ =	shalt  }
0x5e: {  	_ =	shalt  }
0x5f: {  	_ =	shalt  }
0x60: {  	_ =	shalt  }
0x61: {  	_ =	shalt  }
0x62: {  	_ =	shalt  }
0x63: {  	_ =	shalt  }
0x64: {  	_ =	shalt  }
0x65: {  	_ =	shalt  }
0x66: {  	_ =	shalt  }
0x67: {  	_ =	shalt  }
0x68: {  	_ =	shalt  }
0x69: {  	_ =	shalt  }
0x6a: {  	_ =	shalt  }
0x6b: {  	_ =	shalt  }
0x6c: {  	_ =	shalt  }
0x6d: {  	_ =	shalt  }
0x6e: {  	_ =	shalt  }
0x6f: {  	_ =	shalt  }
0x70: {  	_ =	shalt  }
0x71: {  	_ =	shalt  }
0x72: {  	_ =	shalt  }
0x73: {  	_ =	shalt  }
0x74: {  	_ =	shalt  }
0x75: {  	_ =	shalt  }
0x76: {  	_ =	shalt  }
0x77: {  	_ =	shalt  }
0x78: {  	_ =	shalt  }
0x79: {  	_ =	shalt  }
0x7a: {  	_ =	shalt  }
0x7b: {  	_ =	shalt  }
0x7c: {  	_ =	shalt  }
0x7d: {  	_ =	shalt  }
0x7e: {  	_ =	shalt  }
0x7f: {  	_ =	shalt  }
0x80: {  	_ =	shalt  }
0x81: {  	_ =	shalt  }
0x82: {  	_ =	shalt  }
0x83: {  	_ =	shalt  }
0x84: {  	_ =	shalt  }
0x85: {  	_ =	shalt  }
0x86: {  	_ =	shalt  }
0x87: {  	_ =	shalt  }
.Lfunc_end0:
.L_simem_size_0:
called_computation.1_lowered:
.L_overlay_start_0:
0x88: {  	s2 =	sld [smem:$0x3FD9]  }
0x89: {  	s3 =	sld [smem:$0x3FFE];
	_ =	sdelay $0x1  }
0x8a: {  	s1 =	srdreg.scid  }
0x8b: {  	s0 =	sand.u32 $0x1, s1  }
0x8c: {  	s14 =	sshll.u32 s0, $0xA;
	s2 =	sadd.s32 s3, s2  }
0x8d: {  	s2 =	sadd.s32 s2, s14  }
0x8e: {  	[smem:$0x3FBB] =	sst s2  }
0x8f: {  	_ = 	snop  }
0x90: {  	s2 =	sld [smem:$0x3FD0];
	_ =	sdelay $0x2  }
0x91: {  	s15 =	simm.s32 $0xA;
	s4 =	simm.s32 $0x10  }
0x92: {  	[smem:s4], [sflag:s15] =	dma.local [hbm:s2], $0x1  }
0x93: {  	_ =	swait.eq [sflag:s15], $0x1  }
0x94: {  	s16 =	sld [smem:$0x10];
	[sflag:s15] =	ssyncset.done $0x0  }
0x95: {  	s17 =	sld [smem:$0x11];
	[sflag:s15] =	ssyncadd.s32 $0xFFFFFFFF  }
0x96: {  	s18 =	sld [smem:$0x12];
	(tm) =	ssettm $0x1  }
0x97: {  	s5 =	sld [smem:$0x3FFB];
	_ =	sdelay $0x3  }
0x98: {  	_ =	strace s5  }
0x99: {  	s5 =	sld [smem:$0x3FFC];
	_ =	sdelay $0x3  }
0x9a: {  	_ =	strace s5  }
0x9b: {  	s5 =	sld [smem:$0x3FFD];
	_ =	sdelay $0x3  }
0x9c: {  	_ =	strace s5  }
0x9d: {  	_ =	strace $0x8FFFFFFF  }
0x9e: {  	s19 =	sld [smem:$0x3FDB];
	_ =	sdelay $0x1  }
0x9f: {  	s6 =	simm.s32 $_scs_section_size  }
0xa0: {  	s7 =	simm.s32 $_size__tile_overlayer_lowered;
	s8 =	simm.s32 $_tile_overlayer_lowered  }
0xa1: {  	s22 =	simm.s32 $0x1BFF;
	s21 =	sshll.u32 s8, $0x1;
	s5 =	sadd.s32 s6, s19  }
0xa2: {  	s9 =	simm.s32 $0x0;
	s20 =	sshll.u32 s7, $0x1;
	s7 =	sadd.s32 s21, s5  }
0xa3: {  	[timem:s9], [sflag:s22] =	dma.local [hbm:s7], s20  }
0xa4: {  	_ =	swait.ge [sflag:s22], s20  }
0xa5: {  	s6 =	ssub.s32 $0x0, s20;
	[sflag:s22] =	ssyncset.done $0x0  }
0xa6: {  	[sflag:s22] =	ssyncadd.s32 s6;
	_ =	sdelay $0x1  }
0xa7: {  	s23 =	simm.s32 $0x1B8B  }
0xa8: {  	_ =	swait.ge [sflag:s23], $0x1  }
0xa9: {  	[sflag:s23] =	ssyncset.done $0x0  }
0xaa: {  	s25 =	simm.s32 $0x1B8E;
	s24 =	sld [smem:$0x3FFE];
	[sflag:s23] =	ssyncadd.s32 $0xFFFFFFFF  }
0xab: {  	s26 =	simm.s32 $execute0_lowered;
	[smem:$0x3FD2] =	sst s25  }
0xac: {  	s7 =	sshll.u32 s26, $0x1;
	_ =	strace $0x80000049;
	[dreg:$0x1] =	wrdreg $0xFFFFFFFF  }
0xad: {  	s28 =	simm.s32 $_size_execute0_lowered;
	s5 =	sadd.s32 s5, s7;
	[dreg:$0x0] =	wrdreg $0x0  }
0xae: {  	s7 =	sshll.u32 s28, $0x1;
	[dreg:$0x2] =	wrdreg s5  }
0xaf: {  	[dreg:$0x3] =	wrdreg s7  }
0xb0: {  	[dreg:$0x4] =	wrdreg $0xC0  }
0xb1: {  	_ =	task [dreg:s9], $0x5FFFF  }
0xb2: {  	[dreg:$0x1] =	wrdreg $0xFFFFFFFF  }
0xb3: {  	[dreg:$0x0] =	wrdreg $0x60  }
0xb4: {  	[dreg:$0x2] =	wrdreg s16  }
0xb5: {  	[dreg:$0x3] =	wrdreg s24  }
0xb6: {  	[dreg:$0x4] =	wrdreg s18  }
0xb7: {  	[dreg:$0x5] =	wrdreg s17  }
0xb8: {  	[dreg:$0x6] =	wrdreg $0x122000  }
0xb9: {  	[dreg:$0x7] =	wrdreg $0x9  }
0xba: {  	_ =	task.clear_ibuf [dreg:s9], $0x8FFFF;
	_ =	strace $0x90000049  }
0xbb: {  	s29 =	simm.s32 $0x9;
	_ =	strace $0x8000004B  }
0xbc: {  	_ =	swait.ge [sflag:s29], $0x1  }
0xbd: {  	[sflag:s29] =	ssyncadd.s32 $0xFFFFFFFF  }
0xbe: {  	_ =	strace $0x9000004B  }
0xbf: {  	_ =	sfence  }
0xc0: {  	s30 =	sld [smem:$0x0];
	_ =	sdelay $0x2  }
0xc1: {  	s31 =	sshll.u32 s1, $0xD;
	s1 =	sshrl.u32 s1, $0x2  }
0xc2: {  	s3 =	sand.u32 $0x4000, s31;
	s1 =	sadd.s32 s1, s30  }
0xc3: {  	s0 =	sor.u32 s3, s0;
	s1 =	sshll.u32 s1, $0x11  }
0xc4: {  	s0 =	sor.u32 s1, s0  }
0xc5: {  	s0 =	sadd.s32 $0x8F2B, s0  }
0xc6: {  	[sflag:s0] =	ssyncadd.remote.s32 $0x1  }
0xc7: {  	_ =	sfence.sel $0xFFFF  }
0xc8: {  	[dreg:$0x0] =	wrdreg $0xFFFFFFFF;
	(pc) =	sbr.abs _section_cstart, $3  }
0xc9: {  	[dreg:$0x1] =	wrdreg $0xFFFFFFFF  }
0xca: {  	_ =	task.clear_ibuf [dreg:s9], $0x2FFFF;
	_ =	strace $0x9FFFFFFF  }
0xcb: {  	(tm) =	ssettm $0x7FFFFFFF  }
tec
execute0_lowered:
.L_overlay_start_1:
0x0: {  	(tag) =	ssettag $0x1  }
0x1: {  	s1 =	rddreg [dreg:$0x0]  }
0x2: {  	s0 =	rddreg [dreg:$0x1]  }
0x3: {  	s4 =	rddreg [dreg:$0x2]  }
0x4: {  	s3 =	rddreg [dreg:$0x4];
	s5 =	simm.s32 $0x0;
	s19 =	stileid.u32  }
0x5: {  	s2 =	srdreg.scid;
	s29 =	simm.s32 $0x4;
	s8 =	smul.u32 $0x9C00, s19  }
0x6: {  	s30 =	simm.s32 $0x200;
	s31 =	simm.s32 $0x80;
	s13 =	smul.u32 $0x5000, s19  }
0x7: {  	[smem:$0x7FF] =	sst s5;
	s2 =	sand.u32 $0x1, s2;
	s23 =	smul.u32 $0xA00, s19  }
0x8: {  	s6 =	sadd.s32 $0x51C00, s0;
	s9 =	sadd.s32 $0x8D000, s0;
	s10 =	smul.u32 $0x50400, s2  }
0x9: {  	_ =	strace $0x8000004A;
	s7 =	ssub.s32 $0x2, s2;
	s16 =	smul.u32 $0x9C400, s2  }
0xa: {  	s14 =	sshrl.u32 s7, $0x1;
	s11 =	sadd.s32 $0x3400, s8;
	s12 =	sadd.s32 $0x4E00, s8  }
0xb: {  	s21 =	sadd.s32 $0x8200, s8;
	s17 =	sshrl.u32 s13, $0x3;
	s0 =	ssub.s32 s7, s14  }
0xc: {  	s7 =	sadd.s32 $0x1A00, s8;
	s14 =	sadd.s32 $0x6800, s8;
	s2 =	sadd.s32 s13, s10  }
0xd: {  	s13 =	sor.u32 $0x200, s13;
	s17 =	sadd.s32 s4, s17;
	s18 =	sadd.s32 s8, s16  }
0xe: {  	s22 =	sadd.s32 s16, s11;
	s26 =	sadd.s32 s16, s12;
	s8 =	sadd.s32 s8, s3  }
0xf: {  	s28 =	sadd.s32 s21, s3;
	[dreg:$0x11] =	wrdreg s17;
	s15 =	sshrl.u32 s13, $0x3  }
0x10: {  	s10 =	sadd.s32 s10, s13;
	s18 =	sshrl.u32 s18, $0x3;
	[smem:$0x7F9] =	sst s8  }
0x11: {  	s20 =	sadd.s32 s16, s7;
	s0 =	smax.u32 s0, $0x1;
	[dreg:$0x1c] =	wrdreg s28  }
0x12: {  	s17 =	sadd.s32 s4, s15;
	s13 =	sadd.s32 s9, s18;
	[smem:$0x7FA] =	sst s0  }
0x13: {  	s4 =	sadd.s32 s23, s4;
	s18 =	sadd.s32 s16, s14;
	[dreg:$0x12] =	wrdreg s17  }
0x14: {  	s23 =	sshrl.u32 s16, $0x3;
	[dreg:$0x13] =	wrdreg s13;
	s13 =	sshrl.u32 s20, $0x3  }
0x15: {  	s17 =	sshrl.u32 s22, $0x3;
	[dreg:$0x6] =	wrdreg s4;
	s20 =	simm.s32 $0x480  }
0x16: {  	s22 =	sadd.s32 s16, s21;
	s16 =	simm.s32 $0x680;
	[dreg:$0x8] =	wrdreg s20  }
0x17: {  	p0 =	sne.s32 s19, $0xF;
	s21 =	simm.s32 $0x780;
	[dreg:$0xe] =	wrdreg s16  }
0x18: {  	s25 =	sadd.s32 $0x600, s2;
	s13 =	sadd.s32 s9, s13;
	[dreg:$0x10] =	wrdreg s21  }
0x19: {  	s8 =	simm.s32 $0x180;
	s24 =	sadd.s32 s9, s17;
	[dreg:$0x14] =	wrdreg s13  }
0x1a: {  	s17 =	sshrl.u32 s26, $0x3;
	s26 =	simm.s32 $0x280;
	[dreg:$0x15] =	wrdreg s24  }
0x1b: {  	s0 =	simm.s32 $0x800;
	s20 =	simm.s32 $0x700;
	[dreg:$0xb] =	wrdreg s26  }
0x1c: {  	s4 =	sshrl.u32 s22, $0x3;
	s17 =	sadd.s32 s9, s17;
	[dreg:$0xf] =	wrdreg s20  }
0x1d: {  	s22 =	sshrl.u32 s2, $0x3;
	s4 =	sadd.s32 s9, s4;
	[dreg:$0x16] =	wrdreg s17  }
0x1e: {  	s21 =	simm.s32 $0xA800;
	s24 =	simm.s32 $0x500;
	[dreg:$0x18] =	wrdreg s4  }
0x1f: {  	s13 =	sshrl.u32 s25, $0x3;
	s25 =	simm.s32 $0x580;
	[dreg:$0x9] =	wrdreg s24  }
0x20: {  	s26 =	sadd.s32 $0x400, s2;
	s20 =	sadd.s32 $0x9C000, s3;
	[dreg:$0xa] =	wrdreg s25  }
0x21: {  	s2 =	simm.s32 $0x100;
	s15 =	sadd.s32 s13, s6;
	[smem:$0x7FB] =	sst s26  }
0x22: {  	s13 =	sshrl.u32 s18, $0x3;
	s4 =	sadd.s32 s9, s23;
	[smem:$0x7FC] =	sst s20  }
0x23: {  	s17 =	sadd.s32 s11, s3;
	s18 =	sadd.s32 s12, s3;
	[dreg:$0x7] =	wrdreg s15  }
0x24: {  	s25 =	sadd.s32 s14, s3;
	s23 =	sshrl.u32 s10, $0x3;
	[dreg:$0x19] =	wrdreg s17  }
0x25: {  	s10 =	simm.s32 $0x400;
	s11 =	simm.s32 $0x600;
	[dreg:$0x1a] =	wrdreg s18  }
0x26: {  	s12 =	simm.s32 $0x3;
	s13 =	sadd.s32 s9, s13;
	[dreg:$0x1b] =	wrdreg s25  }
0x27: {  	s14 =	simm.s32 $0x8800;
	s15 =	simm.s32 $0x380;
	[dreg:$0x17] =	wrdreg s13  }
0x28: {  	s9 =	sadd.s32 s7, s3;
	s7 =	sadd.s32 s6, s22;
	[dreg:$0xd] =	wrdreg s15  }
0x29: {  	s26 =	simm.s32 $0x0;
	s24 =	sadd.s32 s6, s23;
	[dreg:$0x1d] =	wrdreg s7  }
0x2a: {  	s4 =	sadd.s32 $0x13800, s4;
	s22 =	simm.s32 $0xC800;
	[dreg:$0x1e] =	wrdreg s24  }
0x2b: {  	s23 =	simm.s32 $0xE800;
	s13 =	simm.s32 $0x300;
	[dreg:$0x1f] =	wrdreg s4  }
0x2c: {  	s19 =	smov.u32 s9;
	s15 =	simm.s32 $0x10800;
	s4 =	simm.s32 $0x2800  }
0x2d: {  	s7 =	simm.s32 $0x4800;
	s9 =	simm.s32 $0x6800;
	[dreg:$0xc] =	wrdreg s13  }
0x2e: {  	s24 =	simm.s32 $0x2;
	s13 =	simm.s32 $0x1;
	[smem:$0x7FD] =	sst s19  }
.LBB2_1:
0x2f: {  	[smem:$0x7F8] =	sst s26  }
0x30: {  	s16 =	rddreg [dreg:$0x3]  }
0x31: {  	[tilespmem:s15], [sflag:$0x4] =	stream.linear.gather [hbm4b:s16+s5], $0x1A00, $0x38;
	[tilespmem:$0x1C640] =	vst v63  }
0x32: {  	_ =	swait.ge [sflag:s29], $0x1A00  }
0x33: {  	s16 =	sld [smem:$0x7F9]  }
0x34: {  	[sflag:s29] =	ssyncset.done $0x0  }
0x35: {  	[sflag:s29] =	ssyncadd.s32 $0xFFFFE600  }
0x36: {  	[spmem:s16] =	stream.linear.scatter [tilespmem:s15], [sflag:$0x4], $0x1A00, $0x38;
	[tilespmem:$0x1C640] =	vst v63  }
0x37: {  	_ =	swait.ge [sflag:s29], $0x1A00  }
0x38: {  	[sflag:s29] =	ssyncset.done $0x0  }
0x39: {  	[sflag:s29] =	ssyncadd.s32 $0xFFFFE600  }
0x3a: {  	[spmem:s19] =	stream.linear.scatter [tilespmem:s15], [sflag:$0x4], $0x1A00, $0x38;
	[tilespmem:$0x1C640] =	vst v63  }
0x3b: {  	_ =	swait.ge [sflag:s29], $0x1A00  }
0x3c: {  	[sflag:s29] =	ssyncset.done $0x0  }
0x3d: {  	[sflag:s29] =	ssyncadd.s32 $0xFFFFE600  }
0x3e: {  	[spmem:s17] =	stream.linear.scatter [tilespmem:s15], [sflag:$0x4], $0x1A00, $0x38;
	[tilespmem:$0x1C640] =	vst v63  }
0x3f: {  	_ =	swait.ge [sflag:s29], $0x1A00  }
0x40: {  	[sflag:s29] =	ssyncset.done $0x0  }
0x41: {  	[sflag:s29] =	ssyncadd.s32 $0xFFFFE600  }
0x42: {  	[spmem:s18] =	stream.linear.scatter [tilespmem:s15], [sflag:$0x4], $0x1A00, $0x38;
	[tilespmem:$0x1C640] =	vst v63  }
0x43: {  	_ =	swait.ge [sflag:s29], $0x1A00  }
0x44: {  	[sflag:s29] =	ssyncset.done $0x0  }
0x45: {  	[sflag:s29] =	ssyncadd.s32 $0xFFFFE600  }
0x46: {  	[spmem:s25] =	stream.linear.scatter [tilespmem:s15], [sflag:$0x4], $0x1A00, $0x38;
	[tilespmem:$0x1C640] =	vst v63  }
0x47: {  	_ =	swait.ge [sflag:s29], $0x1A00  }
0x48: {  	[sflag:s29] =	ssyncset.done $0x0  }
0x49: {  	[sflag:s29] =	ssyncadd.s32 $0xFFFFE600  }
0x4a: {  	[spmem:s28] =	stream.linear.scatter [tilespmem:s15], [sflag:$0x4], $0x1A00, $0x38;
	[tilespmem:$0x1C640] =	vst v63  }
0x4b: {  	_ =	swait.ge [sflag:s29], $0x1A00  }
0x4c: {  	[sflag:s29] =	ssyncset.done $0x0  }
0x4d: {  	s26 =	smov.u32 s16;
	s16 =	simm.s32 @!p0 $0x10800;
	[sflag:s29] =	ssyncadd.s32 $0xFFFFE600  }
0x4e: {  	[spmem:s20] =	stream.linear.scatter @!p0 [tilespmem:s16], [sflag:$0x4], $0x400, $0x38;
	[tilespmem:$0x1C640] =	vst v63  }
0x4f: {  	s16 =	simm.s32 @!p0 $0x4  }
0x50: {  	_ =	swait.ge @!p0 [sflag:s16], $0x400  }
0x51: {  	[sflag:s16] =	ssyncset.done @!p0 $0x0  }
0x52: {  	[sflag:s16] =	ssyncadd.s32 @!p0 $0xFFFFFC00  }
0x53: {  	[bflag:$0x0] =	sbarrier.arrive $0xFFFF  }
0x54: {  	s18 =	rddreg [dreg:$0x1d]  }
0x55: {  	[tilespmem:s5], [sflag:$0x4] =	stream.linear.gather [hbm4b:s18+s5], $0x200, $0x38;
	[tilespmem:$0x1C640] =	vst v63  }
0x56: {  	_ =	swait.ge [sflag:s29], $0x200  }
0x57: {  	[sflag:s29] =	ssyncset.done $0x0  }
0x58: {  	s19 =	rddreg [dreg:$0x11];
	[sflag:s29] =	ssyncadd.s32 $0xFFFFFE00  }
0x59: {  	[tilespmem:s30], [sflag:$0x4] =	stream.linear.gather [hbm4b:s19+s5], $0x200, $0x38;
	[tilespmem:$0x1C640] =	vst v63  }
0x5a: {  	_ =	swait.ge [sflag:s29], $0x200  }
0x5b: {  	[sflag:s29] =	ssyncset.done $0x0  }
0x5c: {  	[sflag:s29] =	ssyncadd.s32 $0xFFFFFE00  }
0x5d: {  	[tilespmem:s0], [sflag:$0x1] =	stream.indirect.gather [hbm4b:s1+s31], $0x40, s5, s31, $0xb8;
	[tilespmem:$0x1C640] =	vst v63  }
0x5e: {  	_ = 	snop  }
0x5f: {  	[tilespmem:s4], [sflag:$0x1] =	stream.indirect.gather [hbm4b:s1+s31], $0x40, s31, s31, $0xb8;
	[tilespmem:$0x1C640] =	vst v63  }
0x60: {  	_ = 	snop  }
0x61: {  	[tilespmem:s7], [sflag:$0x1] =	stream.indirect.gather [hbm4b:s1+s31], $0x40, s2, s31, $0xb8;
	[tilespmem:$0x1C640] =	vst v63  }
0x62: {  	_ = 	snop  }
0x63: {  	[tilespmem:s9], [sflag:$0x1] =	stream.indirect.gather [hbm4b:s1+s31], $0x40, s8, s31, $0xb8;
	[tilespmem:$0x1C640] =	vst v63  }
0x64: {  	s20 =	rddreg [dreg:$0x1e]  }
0x65: {  	[tilespmem:s10], [sflag:$0x3] =	stream.linear.gather [hbm4b:s20+s5], $0x200, $0x38;
	[tilespmem:$0x1C640] =	vst v63  }
0x66: {  	s25 =	rddreg [dreg:$0x12]  }
0x67: {  	[tilespmem:s11], [sflag:$0x3] =	stream.linear.gather [hbm4b:s25+s5], $0x200, $0x38;
	[tilespmem:$0x1C640] =	vst v63  }
0x68: {  	_ =	swait.ge [sflag:s12], $0x200  }
0x69: {  	[sflag:s12] =	ssyncset.done $0x0  }
0x6a: {  	[sflag:s12] =	ssyncadd.s32 $0xFFFFFE00  }
0x6b: {  	_ =	swait.ge [sflag:s12], $0x200  }
0x6c: {  	[sflag:s12] =	ssyncset.done $0x0  }
0x6d: {  	[sflag:s12] =	ssyncadd.s32 $0xFFFFFE00  }
0x6e: {  	_ =	swait.ge [sflag:s13], $0x2000  }
0x6f: {  	[sflag:s13] =	ssyncset.done $0x0  }
0x70: {  	[sflag:s13] =	ssyncadd.s32 $0xFFFFE000  }
0x71: {  	_ =	swait.ge [sflag:s13], $0x2000  }
0x72: {  	[sflag:s13] =	ssyncset.done $0x0  }
0x73: {  	[sflag:s13] =	ssyncadd.s32 $0xFFFFE000  }
0x74: {  	_ =	swait.ge [sflag:s13], $0x2000  }
0x75: {  	[sflag:s13] =	ssyncset.done $0x0  }
0x76: {  	[sflag:s13] =	ssyncadd.s32 $0xFFFFE000  }
0x77: {  	_ =	swait.ge [sflag:s13], $0x2000  }
0x78: {  	[sflag:s13] =	ssyncset.done $0x0  }
0x79: {  	[sflag:s13] =	ssyncadd.s32 $0xFFFFE000  }
0x7a: {  	[tilespmem:s14], [sflag:$0x2] =	stream.indirect.gather [hbm4b:s1+s31], $0x40, s10, s31, $0xb8;
	[tilespmem:$0x1C640] =	vst v63  }
0x7b: {  	s28 =	rddreg [dreg:$0x8]  }
0x7c: {  	[tilespmem:s21], [sflag:$0x2] =	stream.indirect.gather [hbm4b:s1+s31], $0x40, s28, s31, $0xb8;
	[tilespmem:$0x1C640] =	vst v63  }
0x7d: {  	s15 =	rddreg [dreg:$0x9]  }
0x7e: {  	[tilespmem:s22], [sflag:$0x2] =	stream.indirect.gather [hbm4b:s1+s31], $0x40, s15, s31, $0xb8;
	[tilespmem:$0x1C640] =	vst v63  }
0x7f: {  	s18 =	rddreg [dreg:$0xa]  }
0x80: {  	[tilespmem:s23], [sflag:$0x2] =	stream.indirect.gather [hbm4b:s1+s31], $0x40, s18, s31, $0xb8;
	[tilespmem:$0x1C640] =	vst v63  }
0x81: {  	_ = 	snop  }
0x82: {  	[spmem:s3] =	stream.indirect.scatter.add.f32 [tilespmem:s0], [sflag:$0x4], $0x40, s30, s31, $0xb8;
	[tilespmem:$0x1C640] =	vst v63  }
0x83: {  	_ =	swait.ge [sflag:s29], $0x2000  }
0x84: {  	[sflag:s29] =	ssyncset.done $0x0  }
0x85: {  	s19 =	rddreg [dreg:$0xb];
	[sflag:s29] =	ssyncadd.s32 $0xFFFFE000  }
0x86: {  	[spmem:s3] =	stream.indirect.scatter.add.f32 [tilespmem:s4], [sflag:$0x4], $0x40, s19, s31, $0xb8;
	[tilespmem:$0x1C640] =	vst v63  }
0x87: {  	_ =	swait.ge [sflag:s29], $0x2000  }
0x88: {  	[sflag:s29] =	ssyncset.done $0x0  }
0x89: {  	s20 =	rddreg [dreg:$0xc];
	[sflag:s29] =	ssyncadd.s32 $0xFFFFE000  }
0x8a: {  	[spmem:s3] =	stream.indirect.scatter.add.f32 [tilespmem:s7], [sflag:$0x4], $0x40, s20, s31, $0xb8;
	[tilespmem:$0x1C640] =	vst v63  }
0x8b: {  	_ =	swait.ge [sflag:s29], $0x2000  }
0x8c: {  	[sflag:s29] =	ssyncset.done $0x0  }
0x8d: {  	s25 =	rddreg [dreg:$0xd];
	[sflag:s29] =	ssyncadd.s32 $0xFFFFE000  }
0x8e: {  	[spmem:s3] =	stream.indirect.scatter.add.f32 [tilespmem:s9], [sflag:$0x4], $0x40, s25, s31, $0xb8;
	[tilespmem:$0x1C640] =	vst v63  }
0x8f: {  	_ =	swait.ge [sflag:s29], $0x2000  }
0x90: {  	s15 =	sld [smem:$0x7FB];
	_ =	sdelay $0x2  }
0x91: {  	[sflag:s29] =	ssyncset.done $0x0;
	s28 =	sshrl.u32 s15, $0x3  }
0x92: {  	[sflag:s29] =	ssyncadd.s32 $0xFFFFE000;
	s16 =	sadd.s32 s6, s28  }
0x93: {  	[tilespmem:s5], [sflag:$0x4] =	stream.linear.gather [hbm4b:s16+s5], $0x200, $0x38;
	[tilespmem:$0x1C640] =	vst v63  }
0x94: {  	_ =	swait.ge [sflag:s29], $0x200  }
0x95: {  	s17 =	rddreg [dreg:$0x6]  }
0x96: {  	[sflag:s29] =	ssyncset.done $0x0;
	s18 =	sadd.s32 $0x0, s17  }
0x97: {  	[sflag:s29] =	ssyncadd.s32 $0xFFFFFE00;
	s16 =	sadd.s32 $0x80, s18  }
0x98: {  	[tilespmem:s30], [sflag:$0x4] =	stream.linear.gather [hbm4b:s16+s5], $0x200, $0x38;
	[tilespmem:$0x1C640] =	vst v63  }
0x99: {  	_ =	swait.ge [sflag:s29], $0x200  }
0x9a: {  	[sflag:s29] =	ssyncset.done $0x0  }
0x9b: {  	[sflag:s29] =	ssyncadd.s32 $0xFFFFFE00  }
0x9c: {  	_ =	swait.ge [sflag:s24], $0x2000  }
0x9d: {  	[sflag:s24] =	ssyncset.done $0x0  }
0x9e: {  	[sflag:s24] =	ssyncadd.s32 $0xFFFFE000  }
0x9f: {  	_ =	swait.ge [sflag:s24], $0x2000  }
0xa0: {  	[sflag:s24] =	ssyncset.done $0x0  }
0xa1: {  	[sflag:s24] =	ssyncadd.s32 $0xFFFFE000  }
0xa2: {  	_ =	swait.ge [sflag:s24], $0x2000  }
0xa3: {  	[sflag:s24] =	ssyncset.done $0x0  }
0xa4: {  	[sflag:s24] =	ssyncadd.s32 $0xFFFFE000  }
0xa5: {  	_ =	swait.ge [sflag:s24], $0x2000  }
0xa6: {  	[sflag:s24] =	ssyncset.done $0x0  }
0xa7: {  	[sflag:s24] =	ssyncadd.s32 $0xFFFFE000  }
0xa8: {  	[tilespmem:s0], [sflag:$0x1] =	stream.indirect.gather [hbm4b:s1+s31], $0x40, s5, s31, $0xb8;
	[tilespmem:$0x1C640] =	vst v63  }
0xa9: {  	_ = 	snop  }
0xaa: {  	[tilespmem:s4], [sflag:$0x1] =	stream.indirect.gather [hbm4b:s1+s31], $0x40, s31, s31, $0xb8;
	[tilespmem:$0x1C640] =	vst v63  }
0xab: {  	_ = 	snop  }
0xac: {  	[tilespmem:s7], [sflag:$0x1] =	stream.indirect.gather [hbm4b:s1+s31], $0x40, s2, s31, $0xb8;
	[tilespmem:$0x1C640] =	vst v63  }
0xad: {  	_ = 	snop  }
0xae: {  	[tilespmem:s9], [sflag:$0x1] =	stream.indirect.gather [hbm4b:s1+s31], $0x40, s8, s31, $0xb8;
	[tilespmem:$0x1C640] =	vst v63  }
0xaf: {  	_ = 	snop  }
0xb0: {  	[spmem:s3] =	stream.indirect.scatter.add.f32 [tilespmem:s14], [sflag:$0x4], $0x40, s11, s31, $0xb8;
	[tilespmem:$0x1C640] =	vst v63  }
0xb1: {  	_ =	swait.ge [sflag:s29], $0x2000  }
0xb2: {  	[sflag:s29] =	ssyncset.done $0x0  }
0xb3: {  	s19 =	rddreg [dreg:$0xe];
	[sflag:s29] =	ssyncadd.s32 $0xFFFFE000  }
0xb4: {  	[spmem:s3] =	stream.indirect.scatter.add.f32 [tilespmem:s21], [sflag:$0x4], $0x40, s19, s31, $0xb8;
	[tilespmem:$0x1C640] =	vst v63  }
0xb5: {  	_ =	swait.ge [sflag:s29], $0x2000  }
0xb6: {  	[sflag:s29] =	ssyncset.done $0x0  }
0xb7: {  	s20 =	rddreg [dreg:$0xf];
	[sflag:s29] =	ssyncadd.s32 $0xFFFFE000  }
0xb8: {  	[spmem:s3] =	stream.indirect.scatter.add.f32 [tilespmem:s22], [sflag:$0x4], $0x40, s20, s31, $0xb8;
	[tilespmem:$0x1C640] =	vst v63  }
0xb9: {  	_ =	swait.ge [sflag:s29], $0x2000  }
0xba: {  	[sflag:s29] =	ssyncset.done $0x0  }
0xbb: {  	s25 =	rddreg [dreg:$0x10];
	[sflag:s29] =	ssyncadd.s32 $0xFFFFE000  }
0xbc: {  	[spmem:s3] =	stream.indirect.scatter.add.f32 [tilespmem:s23], [sflag:$0x4], $0x40, s25, s31, $0xb8;
	[tilespmem:$0x1C640] =	vst v63  }
0xbd: {  	_ =	swait.ge [sflag:s29], $0x2000  }
0xbe: {  	s28 =	rddreg [dreg:$0x7];
	[sflag:s29] =	ssyncset.done $0x0  }
0xbf: {  	[sflag:s29] =	ssyncadd.s32 $0xFFFFE000;
	s16 =	sadd.s32 $0x0, s28  }
0xc0: {  	[tilespmem:s10], [sflag:$0x3] =	stream.linear.gather [hbm4b:s16+s5], $0x200, $0x38;
	[tilespmem:$0x1C640] =	vst v63  }
0xc1: {  	s17 =	sadd.s32 $0x400, s15;
	s18 =	sadd.s32 $0xC0, s18;
	s16 =	simm.s32 $0x80  }
.LBB2_2:
0xc2: {  	[tilespmem:s11], [sflag:$0x3] =	stream.linear.gather [hbm4b:s18+s5], $0x200, $0x38;
	[tilespmem:$0x1C640] =	vst v63  }
0xc3: {  	_ =	swait.ge [sflag:s12], $0x200  }
0xc4: {  	[sflag:s12] =	ssyncset.done $0x0  }
0xc5: {  	[sflag:s12] =	ssyncadd.s32 $0xFFFFFE00  }
0xc6: {  	_ =	swait.ge [sflag:s12], $0x200  }
0xc7: {  	[sflag:s12] =	ssyncset.done $0x0  }
0xc8: {  	[sflag:s12] =	ssyncadd.s32 $0xFFFFFE00  }
0xc9: {  	_ =	swait.ge [sflag:s13], $0x2000  }
0xca: {  	[sflag:s13] =	ssyncset.done $0x0  }
0xcb: {  	[sflag:s13] =	ssyncadd.s32 $0xFFFFE000  }
0xcc: {  	_ =	swait.ge [sflag:s13], $0x2000  }
0xcd: {  	[sflag:s13] =	ssyncset.done $0x0  }
0xce: {  	[sflag:s13] =	ssyncadd.s32 $0xFFFFE000  }
0xcf: {  	_ =	swait.ge [sflag:s13], $0x2000  }
0xd0: {  	[sflag:s13] =	ssyncset.done $0x0  }
0xd1: {  	[sflag:s13] =	ssyncadd.s32 $0xFFFFE000  }
0xd2: {  	_ =	swait.ge [sflag:s13], $0x2000  }
0xd3: {  	[sflag:s13] =	ssyncset.done $0x0  }
0xd4: {  	[sflag:s13] =	ssyncadd.s32 $0xFFFFE000  }
0xd5: {  	[tilespmem:s14], [sflag:$0x2] =	stream.indirect.gather [hbm4b:s1+s31], $0x40, s10, s31, $0xb8;
	[tilespmem:$0x1C640] =	vst v63  }
0xd6: {  	s19 =	rddreg [dreg:$0x8]  }
0xd7: {  	[tilespmem:s21], [sflag:$0x2] =	stream.indirect.gather [hbm4b:s1+s31], $0x40, s19, s31, $0xb8;
	[tilespmem:$0x1C640] =	vst v63  }
0xd8: {  	s20 =	rddreg [dreg:$0x9]  }
0xd9: {  	[tilespmem:s22], [sflag:$0x2] =	stream.indirect.gather [hbm4b:s1+s31], $0x40, s20, s31, $0xb8;
	[tilespmem:$0x1C640] =	vst v63  }
0xda: {  	s15 =	rddreg [dreg:$0xa]  }
0xdb: {  	[tilespmem:s23], [sflag:$0x2] =	stream.indirect.gather [hbm4b:s1+s31], $0x40, s15, s31, $0xb8;
	[tilespmem:$0x1C640] =	vst v63  }
0xdc: {  	_ = 	snop  }
0xdd: {  	[spmem:s3] =	stream.indirect.scatter.add.f32 [tilespmem:s0], [sflag:$0x4], $0x40, s30, s31, $0xb8;
	[tilespmem:$0x1C640] =	vst v63  }
0xde: {  	_ =	swait.ge [sflag:s29], $0x2000  }
0xdf: {  	[sflag:s29] =	ssyncset.done $0x0  }
0xe0: {  	s20 =	rddreg [dreg:$0xb];
	[sflag:s29] =	ssyncadd.s32 $0xFFFFE000  }
0xe1: {  	[spmem:s3] =	stream.indirect.scatter.add.f32 [tilespmem:s4], [sflag:$0x4], $0x40, s20, s31, $0xb8;
	[tilespmem:$0x1C640] =	vst v63  }
0xe2: {  	_ =	swait.ge [sflag:s29], $0x2000  }
0xe3: {  	[sflag:s29] =	ssyncset.done $0x0  }
0xe4: {  	s25 =	rddreg [dreg:$0xc];
	[sflag:s29] =	ssyncadd.s32 $0xFFFFE000  }
0xe5: {  	[spmem:s3] =	stream.indirect.scatter.add.f32 [tilespmem:s7], [sflag:$0x4], $0x40, s25, s31, $0xb8;
	[tilespmem:$0x1C640] =	vst v63  }
0xe6: {  	_ =	swait.ge [sflag:s29], $0x2000  }
0xe7: {  	[sflag:s29] =	ssyncset.done $0x0  }
0xe8: {  	s28 =	rddreg [dreg:$0xd];
	[sflag:s29] =	ssyncadd.s32 $0xFFFFE000  }
0xe9: {  	[spmem:s3] =	stream.indirect.scatter.add.f32 [tilespmem:s9], [sflag:$0x4], $0x40, s28, s31, $0xb8;
	[tilespmem:$0x1C640] =	vst v63  }
0xea: {  	_ =	swait.ge [sflag:s29], $0x2000  }
0xeb: {  	s15 =	sshrl.u32 s17, $0x3;
	[sflag:s29] =	ssyncset.done $0x0  }
0xec: {  	s19 =	sadd.s32 s6, s15;
	[sflag:s29] =	ssyncadd.s32 $0xFFFFE000  }
0xed: {  	[tilespmem:s5], [sflag:$0x4] =	stream.linear.gather [hbm4b:s19+s5], $0x200, $0x38;
	[tilespmem:$0x1C640] =	vst v63  }
0xee: {  	_ =	swait.ge [sflag:s29], $0x200  }
0xef: {  	s18 =	smov.u32 s16;
	s20 =	rddreg [dreg:$0x6]  }
0xf0: {  	[sflag:s29] =	ssyncset.done $0x0;
	s19 =	sadd.s32 s18, s20  }
0xf1: {  	[sflag:s29] =	ssyncadd.s32 $0xFFFFFE00;
	s25 =	sadd.s32 $0x80, s19  }
0xf2: {  	[tilespmem:s30], [sflag:$0x4] =	stream.linear.gather [hbm4b:s25+s5], $0x200, $0x38;
	[tilespmem:$0x1C640] =	vst v63  }
0xf3: {  	_ =	swait.ge [sflag:s29], $0x200  }
0xf4: {  	[sflag:s29] =	ssyncset.done $0x0  }
0xf5: {  	[sflag:s29] =	ssyncadd.s32 $0xFFFFFE00  }
0xf6: {  	_ =	swait.ge [sflag:s24], $0x2000  }
0xf7: {  	[sflag:s24] =	ssyncset.done $0x0  }
0xf8: {  	[sflag:s24] =	ssyncadd.s32 $0xFFFFE000  }
0xf9: {  	_ =	swait.ge [sflag:s24], $0x2000  }
0xfa: {  	[sflag:s24] =	ssyncset.done $0x0  }
0xfb: {  	[sflag:s24] =	ssyncadd.s32 $0xFFFFE000  }
0xfc: {  	_ =	swait.ge [sflag:s24], $0x2000  }
0xfd: {  	[sflag:s24] =	ssyncset.done $0x0  }
0xfe: {  	[sflag:s24] =	ssyncadd.s32 $0xFFFFE000  }
0xff: {  	_ =	swait.ge [sflag:s24], $0x2000  }
0x100: {  	[sflag:s24] =	ssyncset.done $0x0  }
0x101: {  	[sflag:s24] =	ssyncadd.s32 $0xFFFFE000  }
0x102: {  	[tilespmem:s0], [sflag:$0x1] =	stream.indirect.gather [hbm4b:s1+s31], $0x40, s5, s31, $0xb8;
	[tilespmem:$0x1C640] =	vst v63  }
0x103: {  	_ = 	snop  }
0x104: {  	[tilespmem:s4], [sflag:$0x1] =	stream.indirect.gather [hbm4b:s1+s31], $0x40, s31, s31, $0xb8;
	[tilespmem:$0x1C640] =	vst v63  }
0x105: {  	_ = 	snop  }
0x106: {  	[tilespmem:s7], [sflag:$0x1] =	stream.indirect.gather [hbm4b:s1+s31], $0x40, s2, s31, $0xb8;
	[tilespmem:$0x1C640] =	vst v63  }
0x107: {  	_ = 	snop  }
0x108: {  	[tilespmem:s9], [sflag:$0x1] =	stream.indirect.gather [hbm4b:s1+s31], $0x40, s8, s31, $0xb8;
	[tilespmem:$0x1C640] =	vst v63  }
0x109: {  	_ = 	snop  }
0x10a: {  	[spmem:s3] =	stream.indirect.scatter.add.f32 [tilespmem:s14], [sflag:$0x4], $0x40, s11, s31, $0xb8;
	[tilespmem:$0x1C640] =	vst v63  }
0x10b: {  	_ =	swait.ge [sflag:s29], $0x2000  }
0x10c: {  	[sflag:s29] =	ssyncset.done $0x0  }
0x10d: {  	s28 =	rddreg [dreg:$0xe];
	[sflag:s29] =	ssyncadd.s32 $0xFFFFE000  }
0x10e: {  	[spmem:s3] =	stream.indirect.scatter.add.f32 [tilespmem:s21], [sflag:$0x4], $0x40, s28, s31, $0xb8;
	[tilespmem:$0x1C640] =	vst v63  }
0x10f: {  	_ =	swait.ge [sflag:s29], $0x2000  }
0x110: {  	[sflag:s29] =	ssyncset.done $0x0  }
0x111: {  	s15 =	rddreg [dreg:$0xf];
	[sflag:s29] =	ssyncadd.s32 $0xFFFFE000  }
0x112: {  	[spmem:s3] =	stream.indirect.scatter.add.f32 [tilespmem:s22], [sflag:$0x4], $0x40, s15, s31, $0xb8;
	[tilespmem:$0x1C640] =	vst v63  }
0x113: {  	_ =	swait.ge [sflag:s29], $0x2000  }
0x114: {  	[sflag:s29] =	ssyncset.done $0x0  }
0x115: {  	p1 =	sne.s32 s16, $0x980;
	s25 =	rddreg [dreg:$0x10];
	[sflag:s29] =	ssyncadd.s32 $0xFFFFE000  }
0x116: {  	[spmem:s3] =	stream.indirect.scatter.add.f32 [tilespmem:s23], [sflag:$0x4], $0x40, s25, s31, $0xb8;
	[tilespmem:$0x1C640] =	vst v63  }
.Ltmp0:
0x117: {  	_ =	swait.ge [sflag:s29], $0x2000;
	(pc) =	sbr.rel @p1 .LBB2_2-.Ltmp0, $4  }
0x118: {  	s28 =	rddreg [dreg:$0x7];
	[sflag:s29] =	ssyncset.done $0x0  }
0x119: {  	[sflag:s29] =	ssyncadd.s32 $0xFFFFE000;
	s18 =	sadd.s32 s18, s28  }
0x11a: {  	[tilespmem:s10], [sflag:$0x3] =	stream.linear.gather [hbm4b:s18+s5], $0x200, $0x38;
	[tilespmem:$0x1C640] =	vst v63  }
0x11b: {  	s16 =	sadd.s32 $0x80, s16;
	s17 =	sadd.s32 $0x400, s17;
	s18 =	sadd.s32 $0xC0, s19  }
0x11c: {  	[tilespmem:s11], [sflag:$0x3] =	stream.linear.gather [hbm4b:s18+s5], $0x200, $0x38;
	[tilespmem:$0x1C640] =	vst v63  }
0x11d: {  	_ =	swait.ge [sflag:s13], $0x2000  }
0x11e: {  	[sflag:s13] =	ssyncset.done $0x0  }
0x11f: {  	[sflag:s13] =	ssyncadd.s32 $0xFFFFE000  }
0x120: {  	_ =	swait.ge [sflag:s13], $0x2000  }
0x121: {  	[sflag:s13] =	ssyncset.done $0x0  }
0x122: {  	[sflag:s13] =	ssyncadd.s32 $0xFFFFE000  }
0x123: {  	_ =	swait.ge [sflag:s13], $0x2000  }
0x124: {  	[sflag:s13] =	ssyncset.done $0x0  }
0x125: {  	[sflag:s13] =	ssyncadd.s32 $0xFFFFE000  }
0x126: {  	_ =	swait.ge [sflag:s13], $0x2000  }
0x127: {  	[sflag:s13] =	ssyncset.done $0x0  }
0x128: {  	[sflag:s13] =	ssyncadd.s32 $0xFFFFE000  }
0x129: {  	_ =	swait.ge [sflag:s12], $0x200  }
0x12a: {  	[sflag:s12] =	ssyncset.done $0x0  }
0x12b: {  	[sflag:s12] =	ssyncadd.s32 $0xFFFFFE00  }
0x12c: {  	_ =	swait.ge [sflag:s12], $0x200  }
0x12d: {  	[sflag:s12] =	ssyncset.done $0x0  }
0x12e: {  	[sflag:s12] =	ssyncadd.s32 $0xFFFFFE00  }
0x12f: {  	s15 =	simm.s32 $0x10800;
	[bflag:$0x0] =	sbarrier.arrive $0xFFFF  }
0x130: {  	[tilespmem:s15], [sflag:$0x4] =	stream.linear.gather [spmem:s26], $0x1A00, $0x38;
	[tilespmem:$0x1C640] =	vst v63  }
0x131: {  	_ =	swait.ge [sflag:s29], $0x1A00  }
0x132: {  	[sflag:s29] =	ssyncset.done $0x0  }
0x133: {  	s16 =	rddreg [dreg:$0x13];
	[sflag:s29] =	ssyncadd.s32 $0xFFFFE600  }
0x134: {  	[hbm4b:s16+s5] =	stream.linear.scatter [tilespmem:s15], [sflag:$0x4], $0x1A00, $0x38;
	[tilespmem:$0x1C640] =	vst v63  }
0x135: {  	_ =	swait.ge [sflag:s29], $0x1A00  }
0x136: {  	s19 =	sld [smem:$0x7FD]  }
0x137: {  	[sflag:s29] =	ssyncset.done $0x0  }
0x138: {  	[sflag:s29] =	ssyncadd.s32 $0xFFFFE600  }
0x139: {  	[tilespmem:s15], [sflag:$0x4] =	stream.linear.gather [spmem:s19], $0x1A00, $0x38;
	[tilespmem:$0x1C640] =	vst v63  }
0x13a: {  	_ =	swait.ge [sflag:s29], $0x1A00  }
0x13b: {  	[sflag:s29] =	ssyncset.done $0x0  }
0x13c: {  	s20 =	rddreg [dreg:$0x14];
	[sflag:s29] =	ssyncadd.s32 $0xFFFFE600  }
0x13d: {  	[hbm4b:s20+s5] =	stream.linear.scatter [tilespmem:s15], [sflag:$0x4], $0x1A00, $0x38;
	[tilespmem:$0x1C640] =	vst v63  }
0x13e: {  	_ =	swait.ge [sflag:s29], $0x1A00  }
0x13f: {  	[sflag:s29] =	ssyncset.done $0x0  }
0x140: {  	s25 =	rddreg [dreg:$0x19];
	[sflag:s29] =	ssyncadd.s32 $0xFFFFE600  }
0x141: {  	[tilespmem:s15], [sflag:$0x4] =	stream.linear.gather [spmem:s25], $0x1A00, $0x38;
	[tilespmem:$0x1C640] =	vst v63  }
0x142: {  	_ =	swait.ge [sflag:s29], $0x1A00  }
0x143: {  	[sflag:s29] =	ssyncset.done $0x0  }
0x144: {  	s26 =	rddreg [dreg:$0x15];
	[sflag:s29] =	ssyncadd.s32 $0xFFFFE600  }
0x145: {  	[hbm4b:s26+s5] =	stream.linear.scatter [tilespmem:s15], [sflag:$0x4], $0x1A00, $0x38;
	[tilespmem:$0x1C640] =	vst v63  }
0x146: {  	_ =	swait.ge [sflag:s29], $0x1A00  }
0x147: {  	[sflag:s29] =	ssyncset.done $0x0  }
0x148: {  	s26 =	rddreg [dreg:$0x1a];
	[sflag:s29] =	ssyncadd.s32 $0xFFFFE600  }
0x149: {  	[tilespmem:s15], [sflag:$0x4] =	stream.linear.gather [spmem:s26], $0x1A00, $0x38;
	[tilespmem:$0x1C640] =	vst v63  }
0x14a: {  	_ =	swait.ge [sflag:s29], $0x1A00  }
0x14b: {  	[sflag:s29] =	ssyncset.done $0x0  }
0x14c: {  	s17 =	rddreg [dreg:$0x16];
	[sflag:s29] =	ssyncadd.s32 $0xFFFFE600  }
0x14d: {  	[hbm4b:s17+s5] =	stream.linear.scatter [tilespmem:s15], [sflag:$0x4], $0x1A00, $0x38;
	[tilespmem:$0x1C640] =	vst v63  }
0x14e: {  	_ =	swait.ge [sflag:s29], $0x1A00  }
0x14f: {  	[sflag:s29] =	ssyncset.done $0x0  }
0x150: {  	s25 =	rddreg [dreg:$0x1b];
	[sflag:s29] =	ssyncadd.s32 $0xFFFFE600  }
0x151: {  	[tilespmem:s15], [sflag:$0x4] =	stream.linear.gather [spmem:s25], $0x1A00, $0x38;
	[tilespmem:$0x1C640] =	vst v63  }
0x152: {  	_ =	swait.ge [sflag:s29], $0x1A00  }
0x153: {  	[sflag:s29] =	ssyncset.done $0x0  }
0x154: {  	s18 =	rddreg [dreg:$0x17];
	[sflag:s29] =	ssyncadd.s32 $0xFFFFE600  }
0x155: {  	[hbm4b:s18+s5] =	stream.linear.scatter [tilespmem:s15], [sflag:$0x4], $0x1A00, $0x38;
	[tilespmem:$0x1C640] =	vst v63  }
0x156: {  	_ =	swait.ge [sflag:s29], $0x1A00  }
0x157: {  	[sflag:s29] =	ssyncset.done $0x0  }
0x158: {  	s28 =	rddreg [dreg:$0x1c];
	[sflag:s29] =	ssyncadd.s32 $0xFFFFE600  }
0x159: {  	[tilespmem:s15], [sflag:$0x4] =	stream.linear.gather [spmem:s28], $0x1A00, $0x38;
	[tilespmem:$0x1C640] =	vst v63  }
0x15a: {  	_ =	swait.ge [sflag:s29], $0x1A00  }
0x15b: {  	[sflag:s29] =	ssyncset.done $0x0  }
0x15c: {  	s20 =	rddreg [dreg:$0x18];
	[sflag:s29] =	ssyncadd.s32 $0xFFFFE600  }
0x15d: {  	[hbm4b:s20+s5] =	stream.linear.scatter [tilespmem:s15], [sflag:$0x4], $0x1A00, $0x38;
	[tilespmem:$0x1C640] =	vst v63  }
0x15e: {  	_ =	swait.ge [sflag:s29], $0x1A00  }
0x15f: {  	s15 =	sld [smem:$0x7FC]  }
0x160: {  	[sflag:s29] =	ssyncset.done $0x0  }
0x161: {  	s16 =	simm.s32 @!p0 $0x10800;
	s17 =	simm.s32 @!p0 $0x4;
	[sflag:s29] =	ssyncadd.s32 $0xFFFFE600  }
0x162: {  	[tilespmem:s16], [sflag:$0x4] =	stream.linear.gather @!p0 [spmem:s15], $0x400, $0x38;
	[tilespmem:$0x1C640] =	vst v63  }
0x163: {  	_ =	swait.ge @!p0 [sflag:s17], $0x400  }
0x164: {  	[sflag:s17] =	ssyncset.done @!p0 $0x0  }
0x165: {  	s18 =	simm.s32 @!p0 $0x0;
	s20 =	rddreg [dreg:$0x1f];
	[sflag:s17] =	ssyncadd.s32 @!p0 $0xFFFFFC00  }
0x166: {  	[hbm4b:s20+s18] =	stream.linear.scatter @!p0 [tilespmem:s16], [sflag:$0x4], $0x400, $0x38;
	[tilespmem:$0x1C640] =	vst v63  }
0x167: {  	_ =	swait.ge @!p0 [sflag:s17], $0x400  }
0x168: {  	s16 =	sld [smem:$0x7F8];
	_ =	sdelay $0x2  }
0x169: {  	s18 =	smov.u32 s26;
	s26 =	sadd.s32 $0x1, s16;
	s16 =	sld [smem:$0x7FA]  }
0x16a: {  	_ =	sdelay $0x1  }
0x16b: {  	p1 =	sne.s32 s26, s16  }
.Ltmp1:
0x16c: {  	_ = 	snop;
	(pc) =	sbr.rel @p1 .LBB2_1-.Ltmp1, $3  }
0x16d: {  	_ =	sdelay $0x1  }
0x16e: {  	s20 =	smov.u32 s15;
	[sflag:s17] =	ssyncset.done @!p0 $0x0  }
0x16f: {  	s15 =	simm.s32 $0x10800;
	[sflag:s17] =	ssyncadd.s32 @!p0 $0xFFFFFC00;
	s17 =	rddreg [dreg:$0x19]  }
0x170: {  	_ =	sfence.sel $0x180000  }
0x171: {  	[bflag:$0x0] =	sbarrier.arrive $0xFFFF  }
0x172: {  	_ =	strace $0x9000004A  }
0x173: {  	s0 =	stileid.u32;
	[bflag:$0x2] =	sbarrier.arrive $0xFFFF  }
0x174: {  	p0 =	sne.s32 s0, $0x0;
	s0 =	rddreg [dreg:$0x5]  }
0x175: {  	s0 =	sadd.s32 @!p0 $0x100000, s0  }
0x176: {  	[sflag:s0] =	ssyncadd.tile.s32 @!p0 $0x1;
	_ =	shalt  }
.Lfunc_end2:
_tile_overlayer_lowered:
.L_overlay_start_2:
0x177: {  	(tag) =	ssettag $0x2  }
0x178: {  	s0 =	rddreg [dreg:$0x0];
	s2 =	stileid.u32  }
0x179: {  	s1 =	rddreg [dreg:$0x1];
	p0 =	sne.s32 s2, $0x0  }
0x17a: {  	s3 =	rddreg [dreg:$0x2];
	[bflag:$0x3] =	sbarrier.arrive $0xFFFF;
	s2 =	simm.s32 @!p0 $0x1C04  }
0x17b: {  	[timem:s3], [sflag:s2] =	dma.local @!p0 [hbm:s0], s1  }
0x17c: {  	s0 =	simm.s32 @!p0 $0x4  }
0x17d: {  	_ =	swait.ge @!p0 [sflag:s0], s1  }
0x17e: {  	s1 =	ssub.s32 @!p0 $0x0, s1;
	[sflag:s0] =	ssyncset.done @!p0 $0x0  }
0x17f: {  	[sflag:s0] =	ssyncadd.s32 @!p0 s1  }
0x180: {  	[bflag:$0x3] =	sbarrier.arrive $0xFFFF  }
0x181: {  	_ =	shalt  }

// kernel: kernel.16.cloned.1.call-start
scs
__scs_entry_jumppad:
0x0: {  	(pc) =	sbr.rel $0x88, $3  }
0x1: {  	(tag) =	ssettag $0x0;
	lr =	simm.s32 $0x1  }
0x2: {  	[smem:$0x3F94] =	sst lr;
	_ =	strace $0xD0000000  }
0x3: {  	_ = 	snop  }
0x4: {  	_ = 	snop  }
0x5: {  	_ = 	snop  }
0x6: {  	_ = 	snop  }
0x7: {  	_ = 	snop  }
__scs_overlays_trampoline_lowered:
0x8: {  	[smem:$0x3FA3] =	sst s0  }
0x9: {  	[smem:$0x3FA4] =	sst s1  }
0xa: {  	[smem:$0x3FA5] =	sst s2  }
0xb: {  	[smem:$0x3FA6] =	sst s3  }
0xc: {  	[smem:$0x3FA7] =	sst s4  }
0xd: {  	[smem:$0x3FA8] =	sst s5  }
0xe: {  	[smem:$0x3FA9] =	sst s6  }
0xf: {  	[smem:$0x3FAA] =	sst s7  }
0x10: {  	[smem:$0x3FAB] =	sst s8  }
0x11: {  	[smem:$0x3FAC] =	sst s9;
	s0 =	simm.s32 @!p0 $0x0  }
0x12: {  	s1 =	sld [smem:$0x3F92];
	s0 =	simm.s32 @p0 $0x1  }
0x13: {  	[smem:$0x3FAD] =	sst s0;
	s0 =	simm.s32 @!p1 $0x0  }
0x14: {  	s2 =	sld [smem:$0x3F91];
	s0 =	simm.s32 @p1 $0x1  }
0x15: {  	[smem:$0x3FAE] =	sst s0;
	s0 =	simm.s32 @!p2 $0x0  }
0x16: {  	s3 =	sld [smem:$0x3FDB];
	s0 =	simm.s32 @p2 $0x1  }
0x17: {  	s4 =	simm.s32 $0x1BF5;
	[smem:$0x3FB0] =	sst s0  }
0x18: {  	s0 =	sld [smem:$0x3F93];
	_ =	swait.ge [sflag:s4], $0x0  }
0x19: {  	s7 =	sld [smem:$0x3F94]  }
0x1a: {  	s8 =	sadd.s32 $0xFFFFE003, lr  }
0x1b: {  	s9 =	sadd.s32 $0xFFFFFEF7, lr;
	s5 =	simm.s32 $0xFFFFFFFF;
	p2 =	slt.u32 s8, $0xFFFFF086  }
0x1c: {  	p1 =	slt.u32 s9, $0xF7A;
	s5 =	simm.s32 @!p2 $0x0  }
0x1d: {  	s5 =	simm.s32 @p1 $0x1;
	p0 =	seq.s32 s7, s2  }
0x1e: {  	s7 =	smul.u32 @!p0 $0xF7A, s2;
	p2 =	seq.s32 @!p0 s5, $0x0  }
0x1f: {  	s9 =	smul.u32 $0xF7A, s1;
	s8 =	simm.s32 @!p0 $0x1BF5;
	p2 =	por !p2, p0  }
0x20: {  	[sflag:s8] =	ssyncset.s32 @!p0 $0xFFFFF086;
	s6 =	sadd.s32 @!p0 s3, s7;
	s7 =	simm.s32 @!p0 $0x108  }
0x21: {  	s3 =	sadd.s32 s3, s9;
	s6 =	sadd.s32 @!p0 $0x88, s6;
	s7 =	simm.s32 @p2 $0x1082  }
0x22: {  	[simem:s7], [sflag:s8] =	dma.local @!p0 [hbm:s6], $0xF7A  }
0x23: {  	s9 =	sor.u32 $0xD0000000, s2;
	s6 =	simm.s32 $0x108;
	_ =	swait.ge @!p0 [sflag:s8], $0x0  }
0x24: {  	s3 =	sadd.s32 $0x88, s3;
	s6 =	simm.s32 @!p1 $0x1082;
	[sflag:s4] =	ssyncset.s32 $0xFFFFF086  }
0x25: {  	[simem:s6], [sflag:s4] =	dma.local [hbm:s3], $0xF7A  }
0x26: {  	[smem:$0x3F94] =	sst s1;
	(tag) =	ssettag s2;
	_ =	strace s9  }
0x27: {  	s1 =	sld [smem:$0x3FA4]  }
0x28: {  	s2 =	sld [smem:$0x3FA5]  }
0x29: {  	s4 =	sld [smem:$0x3FA7]  }
0x2a: {  	p0 =	seq.s32 s5, $0x0;
	s5 =	sld [smem:$0x3FA8]  }
0x2b: {  	s6 =	sld [smem:$0x3FA9]  }
0x2c: {  	s7 =	sld [smem:$0x3FAA]  }
0x2d: {  	s3 =	simm.s32 $0x108;
	s8 =	sld [smem:$0x3FAB]  }
0x2e: {  	s3 =	simm.s32 @!p0 $0x1082;
	s9 =	sld [smem:$0x3FAC]  }
0x2f: {  	lr =	sadd.s32 s0, s3;
	s0 =	sld [smem:$0x3FA3]  }
0x30: {  	s3 =	sld [smem:$0x3FA6]  }
0x31: {  	[smem:$0x3FAF] =	sst s10  }
0x32: {  	s10 =	sld [smem:$0x3FAD];
	_ =	sdelay $0x3  }
0x33: {  	p0 =	seq.s32 s10, $0x1;
	s10 =	sld [smem:$0x3FAF];
	_ =	sdelay $0x3  }
0x34: {  	[smem:$0x3FAF] =	sst s10  }
0x35: {  	s10 =	sld [smem:$0x3FAE];
	_ =	sdelay $0x3  }
0x36: {  	p1 =	seq.s32 s10, $0x1;
	s10 =	sld [smem:$0x3FAF];
	_ =	sdelay $0x3  }
0x37: {  	[smem:$0x3FAF] =	sst s10  }
0x38: {  	s10 =	sld [smem:$0x3FB0]  }
0x39: {  	_ = 	snop;
	(pc) =	sbr.ind lr, $3  }
0x3a: {  	_ = 	snop  }
0x3b: {  	_ = 	snop  }
0x3c: {  	p2 =	seq.s32 s10, $0x1;
	s10 =	sld [smem:$0x3FAF]  }
0x3d: {  	_ =	shalt  }
0x3e: {  	_ =	shalt  }
0x3f: {  	_ =	shalt  }
0x40: {  	_ =	shalt  }
0x41: {  	_ =	shalt  }
0x42: {  	_ =	shalt  }
0x43: {  	_ =	shalt  }
0x44: {  	_ =	shalt  }
0x45: {  	_ =	shalt  }
0x46: {  	_ =	shalt  }
0x47: {  	_ =	shalt  }
0x48: {  	_ =	shalt  }
0x49: {  	_ =	shalt  }
0x4a: {  	_ =	shalt  }
0x4b: {  	_ =	shalt  }
0x4c: {  	_ =	shalt  }
0x4d: {  	_ =	shalt  }
0x4e: {  	_ =	shalt  }
0x4f: {  	_ =	shalt  }
0x50: {  	_ =	shalt  }
0x51: {  	_ =	shalt  }
0x52: {  	_ =	shalt  }
0x53: {  	_ =	shalt  }
0x54: {  	_ =	shalt  }
0x55: {  	_ =	shalt  }
0x56: {  	_ =	shalt  }
0x57: {  	_ =	shalt  }
0x58: {  	_ =	shalt  }
0x59: {  	_ =	shalt  }
0x5a: {  	_ =	shalt  }
0x5b: {  	_ =	shalt  }
0x5c: {  	_ =	shalt  }
0x5d: {  	_ =	shalt  }
0x5e: {  	_ =	shalt  }
0x5f: {  	_ =	shalt  }
0x60: {  	_ =	shalt  }
0x61: {  	_ =	shalt  }
0x62: {  	_ =	shalt  }
0x63: {  	_ =	shalt  }
0x64: {  	_ =	shalt  }
0x65: {  	_ =	shalt  }
0x66: {  	_ =	shalt  }
0x67: {  	_ =	shalt  }
0x68: {  	_ =	shalt  }
0x69: {  	_ =	shalt  }
0x6a: {  	_ =	shalt  }
0x6b: {  	_ =	shalt  }
0x6c: {  	_ =	shalt  }
0x6d: {  	_ =	shalt  }
0x6e: {  	_ =	shalt  }
0x6f: {  	_ =	shalt  }
0x70: {  	_ =	shalt  }
0x71: {  	_ =	shalt  }
0x72: {  	_ =	shalt  }
0x73: {  	_ =	shalt  }
0x74: {  	_ =	shalt  }
0x75: {  	_ =	shalt  }
0x76: {  	_ =	shalt  }
0x77: {  	_ =	shalt  }
0x78: {  	_ =	shalt  }
0x79: {  	_ =	shalt  }
0x7a: {  	_ =	shalt  }
0x7b: {  	_ =	shalt  }
0x7c: {  	_ =	shalt  }
0x7d: {  	_ =	shalt  }
0x7e: {  	_ =	shalt  }
0x7f: {  	_ =	shalt  }
0x80: {  	_ =	shalt  }
0x81: {  	_ =	shalt  }
0x82: {  	_ =	shalt  }
0x83: {  	_ =	shalt  }
0x84: {  	_ =	shalt  }
0x85: {  	_ =	shalt  }
0x86: {  	_ =	shalt  }
0x87: {  	_ =	shalt  }
.Lfunc_end0:
.L_simem_size_0:
called_computation.2_lowered:
.L_overlay_start_0:
0x88: {  	s2 =	sld [smem:$0x3FD9]  }
0x89: {  	s3 =	sld [smem:$0x3FFE];
	_ =	sdelay $0x1  }
0x8a: {  	s1 =	srdreg.scid  }
0x8b: {  	s0 =	sand.u32 $0x1, s1  }
0x8c: {  	s14 =	sshll.u32 s0, $0xA;
	s2 =	sadd.s32 s3, s2  }
0x8d: {  	s2 =	sadd.s32 s2, s14  }
0x8e: {  	[smem:$0x3FBB] =	sst s2  }
0x8f: {  	_ = 	snop  }
0x90: {  	s2 =	sld [smem:$0x3FD0];
	_ =	sdelay $0x2  }
0x91: {  	s15 =	simm.s32 $0xA;
	s4 =	simm.s32 $0x10  }
0x92: {  	[smem:s4], [sflag:s15] =	dma.local [hbm:s2], $0x1  }
0x93: {  	_ =	swait.eq [sflag:s15], $0x1  }
0x94: {  	s16 =	sld [smem:$0x10];
	[sflag:s15] =	ssyncset.done $0x0  }
0x95: {  	s17 =	sld [smem:$0x11];
	[sflag:s15] =	ssyncadd.s32 $0xFFFFFFFF  }
0x96: {  	s18 =	sld [smem:$0x12];
	(tm) =	ssettm $0x1  }
0x97: {  	s5 =	sld [smem:$0x3FFB];
	_ =	sdelay $0x3  }
0x98: {  	_ =	strace s5  }
0x99: {  	s5 =	sld [smem:$0x3FFC];
	_ =	sdelay $0x3  }
0x9a: {  	_ =	strace s5  }
0x9b: {  	s5 =	sld [smem:$0x3FFD];
	_ =	sdelay $0x3  }
0x9c: {  	_ =	strace s5  }
0x9d: {  	_ =	strace $0x8FFFFFFF  }
0x9e: {  	s19 =	sld [smem:$0x3FDB];
	_ =	sdelay $0x1  }
0x9f: {  	s6 =	simm.s32 $_scs_section_size  }
0xa0: {  	s7 =	simm.s32 $_size__tile_overlayer_lowered;
	s8 =	simm.s32 $_tile_overlayer_lowered  }
0xa1: {  	s22 =	simm.s32 $0x1BFF;
	s21 =	sshll.u32 s8, $0x1;
	s5 =	sadd.s32 s6, s19  }
0xa2: {  	s9 =	simm.s32 $0x0;
	s20 =	sshll.u32 s7, $0x1;
	s7 =	sadd.s32 s21, s5  }
0xa3: {  	[timem:s9], [sflag:s22] =	dma.local [hbm:s7], s20  }
0xa4: {  	_ =	swait.ge [sflag:s22], s20  }
0xa5: {  	s6 =	ssub.s32 $0x0, s20;
	[sflag:s22] =	ssyncset.done $0x0  }
0xa6: {  	[sflag:s22] =	ssyncadd.s32 s6;
	_ =	sdelay $0x1  }
0xa7: {  	s23 =	simm.s32 $0x1B8B  }
0xa8: {  	_ =	swait.ge [sflag:s23], $0x1  }
0xa9: {  	[sflag:s23] =	ssyncset.done $0x0  }
0xaa: {  	s25 =	simm.s32 $0x1B8E;
	s24 =	sld [smem:$0x3FFE];
	[sflag:s23] =	ssyncadd.s32 $0xFFFFFFFF  }
0xab: {  	s26 =	simm.s32 $execute0_lowered;
	[smem:$0x3FD2] =	sst s25  }
0xac: {  	s7 =	sshll.u32 s26, $0x1;
	_ =	strace $0x8000004C;
	[dreg:$0x1] =	wrdreg $0xFFFFFFFF  }
0xad: {  	s28 =	simm.s32 $_size_execute0_lowered;
	s5 =	sadd.s32 s5, s7;
	[dreg:$0x0] =	wrdreg $0x0  }
0xae: {  	s7 =	sshll.u32 s28, $0x1;
	[dreg:$0x2] =	wrdreg s5  }
0xaf: {  	[dreg:$0x3] =	wrdreg s7  }
0xb0: {  	[dreg:$0x4] =	wrdreg $0xC0  }
0xb1: {  	_ =	task [dreg:s9], $0x5FFFF  }
0xb2: {  	[dreg:$0x1] =	wrdreg $0xFFFFFFFF  }
0xb3: {  	[dreg:$0x0] =	wrdreg $0x60  }
0xb4: {  	[dreg:$0x2] =	wrdreg s16  }
0xb5: {  	[dreg:$0x3] =	wrdreg s24  }
0xb6: {  	[dreg:$0x4] =	wrdreg s18  }
0xb7: {  	[dreg:$0x5] =	wrdreg s17  }
0xb8: {  	[dreg:$0x6] =	wrdreg $0x122000  }
0xb9: {  	[dreg:$0x7] =	wrdreg $0x9  }
0xba: {  	_ =	task.clear_ibuf [dreg:s9], $0x8FFFF;
	_ =	strace $0x9000004C  }
0xbb: {  	s29 =	simm.s32 $0x9;
	_ =	strace $0x8000004E  }
0xbc: {  	_ =	swait.ge [sflag:s29], $0x1  }
0xbd: {  	[sflag:s29] =	ssyncadd.s32 $0xFFFFFFFF  }
0xbe: {  	_ =	strace $0x9000004E  }
0xbf: {  	_ =	sfence  }
0xc0: {  	s30 =	sld [smem:$0x0];
	_ =	sdelay $0x2  }
0xc1: {  	s31 =	sshll.u32 s1, $0xD;
	s1 =	sshrl.u32 s1, $0x2  }
0xc2: {  	s3 =	sand.u32 $0x4000, s31;
	s1 =	sadd.s32 s1, s30  }
0xc3: {  	s0 =	sor.u32 s3, s0;
	s1 =	sshll.u32 s1, $0x11  }
0xc4: {  	s0 =	sor.u32 s1, s0  }
0xc5: {  	s0 =	sadd.s32 $0x8F2B, s0  }
0xc6: {  	[sflag:s0] =	ssyncadd.remote.s32 $0x1  }
0xc7: {  	_ =	sfence.sel $0xFFFF  }
0xc8: {  	[dreg:$0x0] =	wrdreg $0xFFFFFFFF;
	(pc) =	sbr.abs _section_cstart, $3  }
0xc9: {  	[dreg:$0x1] =	wrdreg $0xFFFFFFFF  }
0xca: {  	_ =	task.clear_ibuf [dreg:s9], $0x2FFFF;
	_ =	strace $0x9FFFFFFF  }
0xcb: {  	(tm) =	ssettm $0x7FFFFFFF  }
tec
execute0_lowered:
.L_overlay_start_1:
0x0: {  	(tag) =	ssettag $0x1  }
0x1: {  	s1 =	rddreg [dreg:$0x0]  }
0x2: {  	s0 =	rddreg [dreg:$0x1]  }
0x3: {  	s4 =	rddreg [dreg:$0x2]  }
0x4: {  	s3 =	rddreg [dreg:$0x4];
	s5 =	simm.s32 $0x0;
	s19 =	stileid.u32  }
0x5: {  	s2 =	srdreg.scid;
	s29 =	simm.s32 $0x4;
	s8 =	smul.u32 $0x9C00, s19  }
0x6: {  	s30 =	simm.s32 $0x200;
	s31 =	simm.s32 $0x80;
	s13 =	smul.u32 $0x5000, s19  }
0x7: {  	[smem:$0x7FF] =	sst s5;
	s2 =	sand.u32 $0x1, s2;
	s23 =	smul.u32 $0xA00, s19  }
0x8: {  	s6 =	sadd.s32 $0x51C00, s0;
	s9 =	sadd.s32 $0x8D000, s0;
	s10 =	smul.u32 $0x50400, s2  }
0x9: {  	_ =	strace $0x8000004D;
	s7 =	ssub.s32 $0x2, s2;
	s16 =	smul.u32 $0x9C400, s2  }
0xa: {  	s14 =	sshrl.u32 s7, $0x1;
	s11 =	sadd.s32 $0x3400, s8;
	s12 =	sadd.s32 $0x4E00, s8  }
0xb: {  	s21 =	sadd.s32 $0x8200, s8;
	s17 =	sshrl.u32 s13, $0x3;
	s0 =	ssub.s32 s7, s14  }
0xc: {  	s7 =	sadd.s32 $0x1A00, s8;
	s14 =	sadd.s32 $0x6800, s8;
	s2 =	sadd.s32 s13, s10  }
0xd: {  	s13 =	sor.u32 $0x200, s13;
	s17 =	sadd.s32 s4, s17;
	s18 =	sadd.s32 s8, s16  }
0xe: {  	s22 =	sadd.s32 s16, s11;
	s26 =	sadd.s32 s16, s12;
	s8 =	sadd.s32 s8, s3  }
0xf: {  	s28 =	sadd.s32 s21, s3;
	[dreg:$0x11] =	wrdreg s17;
	s15 =	sshrl.u32 s13, $0x3  }
0x10: {  	s10 =	sadd.s32 s10, s13;
	s18 =	sshrl.u32 s18, $0x3;
	[smem:$0x7F9] =	sst s8  }
0x11: {  	s20 =	sadd.s32 s16, s7;
	s0 =	smax.u32 s0, $0x1;
	[dreg:$0x1c] =	wrdreg s28  }
0x12: {  	s17 =	sadd.s32 s4, s15;
	s13 =	sadd.s32 s9, s18;
	[smem:$0x7FA] =	sst s0  }
0x13: {  	s4 =	sadd.s32 s23, s4;
	s18 =	sadd.s32 s16, s14;
	[dreg:$0x12] =	wrdreg s17  }
0x14: {  	s23 =	sshrl.u32 s16, $0x3;
	[dreg:$0x13] =	wrdreg s13;
	s13 =	sshrl.u32 s20, $0x3  }
0x15: {  	s17 =	sshrl.u32 s22, $0x3;
	[dreg:$0x6] =	wrdreg s4;
	s20 =	simm.s32 $0x480  }
0x16: {  	s22 =	sadd.s32 s16, s21;
	s16 =	simm.s32 $0x680;
	[dreg:$0x8] =	wrdreg s20  }
0x17: {  	p0 =	sne.s32 s19, $0xF;
	s21 =	simm.s32 $0x780;
	[dreg:$0xe] =	wrdreg s16  }
0x18: {  	s25 =	sadd.s32 $0x600, s2;
	s13 =	sadd.s32 s9, s13;
	[dreg:$0x10] =	wrdreg s21  }
0x19: {  	s8 =	simm.s32 $0x180;
	s24 =	sadd.s32 s9, s17;
	[dreg:$0x14] =	wrdreg s13  }
0x1a: {  	s17 =	sshrl.u32 s26, $0x3;
	s26 =	simm.s32 $0x280;
	[dreg:$0x15] =	wrdreg s24  }
0x1b: {  	s0 =	simm.s32 $0x800;
	s20 =	simm.s32 $0x700;
	[dreg:$0xb] =	wrdreg s26  }
0x1c: {  	s4 =	sshrl.u32 s22, $0x3;
	s17 =	sadd.s32 s9, s17;
	[dreg:$0xf] =	wrdreg s20  }
0x1d: {  	s22 =	sshrl.u32 s2, $0x3;
	s4 =	sadd.s32 s9, s4;
	[dreg:$0x16] =	wrdreg s17  }
0x1e: {  	s21 =	simm.s32 $0xA800;
	s24 =	simm.s32 $0x500;
	[dreg:$0x18] =	wrdreg s4  }
0x1f: {  	s13 =	sshrl.u32 s25, $0x3;
	s25 =	simm.s32 $0x580;
	[dreg:$0x9] =	wrdreg s24  }
0x20: {  	s26 =	sadd.s32 $0x400, s2;
	s20 =	sadd.s32 $0x9C000, s3;
	[dreg:$0xa] =	wrdreg s25  }
0x21: {  	s2 =	simm.s32 $0x100;
	s15 =	sadd.s32 s13, s6;
	[smem:$0x7FB] =	sst s26  }
0x22: {  	s13 =	sshrl.u32 s18, $0x3;
	s4 =	sadd.s32 s9, s23;
	[smem:$0x7FC] =	sst s20  }
0x23: {  	s17 =	sadd.s32 s11, s3;
	s18 =	sadd.s32 s12, s3;
	[dreg:$0x7] =	wrdreg s15  }
0x24: {  	s25 =	sadd.s32 s14, s3;
	s23 =	sshrl.u32 s10, $0x3;
	[dreg:$0x19] =	wrdreg s17  }
0x25: {  	s10 =	simm.s32 $0x400;
	s11 =	simm.s32 $0x600;
	[dreg:$0x1a] =	wrdreg s18  }
0x26: {  	s12 =	simm.s32 $0x3;
	s13 =	sadd.s32 s9, s13;
	[dreg:$0x1b] =	wrdreg s25  }
0x27: {  	s14 =	simm.s32 $0x8800;
	s15 =	simm.s32 $0x380;
	[dreg:$0x17] =	wrdreg s13  }
0x28: {  	s9 =	sadd.s32 s7, s3;
	s7 =	sadd.s32 s6, s22;
	[dreg:$0xd] =	wrdreg s15  }
0x29: {  	s26 =	simm.s32 $0x0;
	s24 =	sadd.s32 s6, s23;
	[dreg:$0x1d] =	wrdreg s7  }
0x2a: {  	s4 =	sadd.s32 $0x13800, s4;
	s22 =	simm.s32 $0xC800;
	[dreg:$0x1e] =	wrdreg s24  }
0x2b: {  	s23 =	simm.s32 $0xE800;
	s13 =	simm.s32 $0x300;
	[dreg:$0x1f] =	wrdreg s4  }
0x2c: {  	s19 =	smov.u32 s9;
	s15 =	simm.s32 $0x10800;
	s4 =	simm.s32 $0x2800  }
0x2d: {  	s7 =	simm.s32 $0x4800;
	s9 =	simm.s32 $0x6800;
	[dreg:$0xc] =	wrdreg s13  }
0x2e: {  	s24 =	simm.s32 $0x2;
	s13 =	simm.s32 $0x1;
	[smem:$0x7FD] =	sst s19  }
.LBB2_1:
0x2f: {  	[smem:$0x7F8] =	sst s26  }
0x30: {  	s16 =	rddreg [dreg:$0x3]  }
0x31: {  	[tilespmem:s15], [sflag:$0x4] =	stream.linear.gather [hbm4b:s16+s5], $0x1A00, $0x38;
	[tilespmem:$0x1C640] =	vst v63  }
0x32: {  	_ =	swait.ge [sflag:s29], $0x1A00  }
0x33: {  	s16 =	sld [smem:$0x7F9]  }
0x34: {  	[sflag:s29] =	ssyncset.done $0x0  }
0x35: {  	[sflag:s29] =	ssyncadd.s32 $0xFFFFE600  }
0x36: {  	[spmem:s16] =	stream.linear.scatter [tilespmem:s15], [sflag:$0x4], $0x1A00, $0x38;
	[tilespmem:$0x1C640] =	vst v63  }
0x37: {  	_ =	swait.ge [sflag:s29], $0x1A00  }
0x38: {  	[sflag:s29] =	ssyncset.done $0x0  }
0x39: {  	[sflag:s29] =	ssyncadd.s32 $0xFFFFE600  }
0x3a: {  	[spmem:s19] =	stream.linear.scatter [tilespmem:s15], [sflag:$0x4], $0x1A00, $0x38;
	[tilespmem:$0x1C640] =	vst v63  }
0x3b: {  	_ =	swait.ge [sflag:s29], $0x1A00  }
0x3c: {  	[sflag:s29] =	ssyncset.done $0x0  }
0x3d: {  	[sflag:s29] =	ssyncadd.s32 $0xFFFFE600  }
0x3e: {  	[spmem:s17] =	stream.linear.scatter [tilespmem:s15], [sflag:$0x4], $0x1A00, $0x38;
	[tilespmem:$0x1C640] =	vst v63  }
0x3f: {  	_ =	swait.ge [sflag:s29], $0x1A00  }
0x40: {  	[sflag:s29] =	ssyncset.done $0x0  }
0x41: {  	[sflag:s29] =	ssyncadd.s32 $0xFFFFE600  }
0x42: {  	[spmem:s18] =	stream.linear.scatter [tilespmem:s15], [sflag:$0x4], $0x1A00, $0x38;
	[tilespmem:$0x1C640] =	vst v63  }
0x43: {  	_ =	swait.ge [sflag:s29], $0x1A00  }
0x44: {  	[sflag:s29] =	ssyncset.done $0x0  }
0x45: {  	[sflag:s29] =	ssyncadd.s32 $0xFFFFE600  }
0x46: {  	[spmem:s25] =	stream.linear.scatter [tilespmem:s15], [sflag:$0x4], $0x1A00, $0x38;
	[tilespmem:$0x1C640] =	vst v63  }
0x47: {  	_ =	swait.ge [sflag:s29], $0x1A00  }
0x48: {  	[sflag:s29] =	ssyncset.done $0x0  }
0x49: {  	[sflag:s29] =	ssyncadd.s32 $0xFFFFE600  }
0x4a: {  	[spmem:s28] =	stream.linear.scatter [tilespmem:s15], [sflag:$0x4], $0x1A00, $0x38;
	[tilespmem:$0x1C640] =	vst v63  }
0x4b: {  	_ =	swait.ge [sflag:s29], $0x1A00  }
0x4c: {  	[sflag:s29] =	ssyncset.done $0x0  }
0x4d: {  	s26 =	smov.u32 s16;
	s16 =	simm.s32 @!p0 $0x10800;
	[sflag:s29] =	ssyncadd.s32 $0xFFFFE600  }
0x4e: {  	[spmem:s20] =	stream.linear.scatter @!p0 [tilespmem:s16], [sflag:$0x4], $0x400, $0x38;
	[tilespmem:$0x1C640] =	vst v63  }
0x4f: {  	s16 =	simm.s32 @!p0 $0x4  }
0x50: {  	_ =	swait.ge @!p0 [sflag:s16], $0x400  }
0x51: {  	[sflag:s16] =	ssyncset.done @!p0 $0x0  }
0x52: {  	[sflag:s16] =	ssyncadd.s32 @!p0 $0xFFFFFC00  }
0x53: {  	[bflag:$0x0] =	sbarrier.arrive $0xFFFF  }
0x54: {  	s18 =	rddreg [dreg:$0x1d]  }
0x55: {  	[tilespmem:s5], [sflag:$0x4] =	stream.linear.gather [hbm4b:s18+s5], $0x200, $0x38;
	[tilespmem:$0x1C640] =	vst v63  }
0x56: {  	_ =	swait.ge [sflag:s29], $0x200  }
0x57: {  	[sflag:s29] =	ssyncset.done $0x0  }
0x58: {  	s19 =	rddreg [dreg:$0x11];
	[sflag:s29] =	ssyncadd.s32 $0xFFFFFE00  }
0x59: {  	[tilespmem:s30], [sflag:$0x4] =	stream.linear.gather [hbm4b:s19+s5], $0x200, $0x38;
	[tilespmem:$0x1C640] =	vst v63  }
0x5a: {  	_ =	swait.ge [sflag:s29], $0x200  }
0x5b: {  	[sflag:s29] =	ssyncset.done $0x0  }
0x5c: {  	[sflag:s29] =	ssyncadd.s32 $0xFFFFFE00  }
0x5d: {  	[tilespmem:s0], [sflag:$0x1] =	stream.indirect.gather [hbm4b:s1+s31], $0x40, s5, s31, $0xb8;
	[tilespmem:$0x1C640] =	vst v63  }
0x5e: {  	_ = 	snop  }
0x5f: {  	[tilespmem:s4], [sflag:$0x1] =	stream.indirect.gather [hbm4b:s1+s31], $0x40, s31, s31, $0xb8;
	[tilespmem:$0x1C640] =	vst v63  }
0x60: {  	_ = 	snop  }
0x61: {  	[tilespmem:s7], [sflag:$0x1] =	stream.indirect.gather [hbm4b:s1+s31], $0x40, s2, s31, $0xb8;
	[tilespmem:$0x1C640] =	vst v63  }
0x62: {  	_ = 	snop  }
0x63: {  	[tilespmem:s9], [sflag:$0x1] =	stream.indirect.gather [hbm4b:s1+s31], $0x40, s8, s31, $0xb8;
	[tilespmem:$0x1C640] =	vst v63  }
0x64: {  	s20 =	rddreg [dreg:$0x1e]  }
0x65: {  	[tilespmem:s10], [sflag:$0x3] =	stream.linear.gather [hbm4b:s20+s5], $0x200, $0x38;
	[tilespmem:$0x1C640] =	vst v63  }
0x66: {  	s25 =	rddreg [dreg:$0x12]  }
0x67: {  	[tilespmem:s11], [sflag:$0x3] =	stream.linear.gather [hbm4b:s25+s5], $0x200, $0x38;
	[tilespmem:$0x1C640] =	vst v63  }
0x68: {  	_ =	swait.ge [sflag:s12], $0x200  }
0x69: {  	[sflag:s12] =	ssyncset.done $0x0  }
0x6a: {  	[sflag:s12] =	ssyncadd.s32 $0xFFFFFE00  }
0x6b: {  	_ =	swait.ge [sflag:s12], $0x200  }
0x6c: {  	[sflag:s12] =	ssyncset.done $0x0  }
0x6d: {  	[sflag:s12] =	ssyncadd.s32 $0xFFFFFE00  }
0x6e: {  	_ =	swait.ge [sflag:s13], $0x2000  }
0x6f: {  	[sflag:s13] =	ssyncset.done $0x0  }
0x70: {  	[sflag:s13] =	ssyncadd.s32 $0xFFFFE000  }
0x71: {  	_ =	swait.ge [sflag:s13], $0x2000  }
0x72: {  	[sflag:s13] =	ssyncset.done $0x0  }
0x73: {  	[sflag:s13] =	ssyncadd.s32 $0xFFFFE000  }
0x74: {  	_ =	swait.ge [sflag:s13], $0x2000  }
0x75: {  	[sflag:s13] =	ssyncset.done $0x0  }
0x76: {  	[sflag:s13] =	ssyncadd.s32 $0xFFFFE000  }
0x77: {  	_ =	swait.ge [sflag:s13], $0x2000  }
0x78: {  	[sflag:s13] =	ssyncset.done $0x0  }
0x79: {  	[sflag:s13] =	ssyncadd.s32 $0xFFFFE000  }
0x7a: {  	[tilespmem:s14], [sflag:$0x2] =	stream.indirect.gather [hbm4b:s1+s31], $0x40, s10, s31, $0xb8;
	[tilespmem:$0x1C640] =	vst v63  }
0x7b: {  	s28 =	rddreg [dreg:$0x8]  }
0x7c: {  	[tilespmem:s21], [sflag:$0x2] =	stream.indirect.gather [hbm4b:s1+s31], $0x40, s28, s31, $0xb8;
	[tilespmem:$0x1C640] =	vst v63  }
0x7d: {  	s15 =	rddreg [dreg:$0x9]  }
0x7e: {  	[tilespmem:s22], [sflag:$0x2] =	stream.indirect.gather [hbm4b:s1+s31], $0x40, s15, s31, $0xb8;
	[tilespmem:$0x1C640] =	vst v63  }
0x7f: {  	s18 =	rddreg [dreg:$0xa]  }
0x80: {  	[tilespmem:s23], [sflag:$0x2] =	stream.indirect.gather [hbm4b:s1+s31], $0x40, s18, s31, $0xb8;
	[tilespmem:$0x1C640] =	vst v63  }
0x81: {  	_ = 	snop  }
0x82: {  	[spmem:s3] =	stream.indirect.scatter.add.f32 [tilespmem:s0], [sflag:$0x4], $0x40, s30, s31, $0xb8;
	[tilespmem:$0x1C640] =	vst v63  }
0x83: {  	_ =	swait.ge [sflag:s29], $0x2000  }
0x84: {  	[sflag:s29] =	ssyncset.done $0x0  }
0x85: {  	s19 =	rddreg [dreg:$0xb];
	[sflag:s29] =	ssyncadd.s32 $0xFFFFE000  }
0x86: {  	[spmem:s3] =	stream.indirect.scatter.add.f32 [tilespmem:s4], [sflag:$0x4], $0x40, s19, s31, $0xb8;
	[tilespmem:$0x1C640] =	vst v63  }
0x87: {  	_ =	swait.ge [sflag:s29], $0x2000  }
0x88: {  	[sflag:s29] =	ssyncset.done $0x0  }
0x89: {  	s20 =	rddreg [dreg:$0xc];
	[sflag:s29] =	ssyncadd.s32 $0xFFFFE000  }
0x8a: {  	[spmem:s3] =	stream.indirect.scatter.add.f32 [tilespmem:s7], [sflag:$0x4], $0x40, s20, s31, $0xb8;
	[tilespmem:$0x1C640] =	vst v63  }
0x8b: {  	_ =	swait.ge [sflag:s29], $0x2000  }
0x8c: {  	[sflag:s29] =	ssyncset.done $0x0  }
0x8d: {  	s25 =	rddreg [dreg:$0xd];
	[sflag:s29] =	ssyncadd.s32 $0xFFFFE000  }
0x8e: {  	[spmem:s3] =	stream.indirect.scatter.add.f32 [tilespmem:s9], [sflag:$0x4], $0x40, s25, s31, $0xb8;
	[tilespmem:$0x1C640] =	vst v63  }
0x8f: {  	_ =	swait.ge [sflag:s29], $0x2000  }
0x90: {  	s15 =	sld [smem:$0x7FB];
	_ =	sdelay $0x2  }
0x91: {  	[sflag:s29] =	ssyncset.done $0x0;
	s28 =	sshrl.u32 s15, $0x3  }
0x92: {  	[sflag:s29] =	ssyncadd.s32 $0xFFFFE000;
	s16 =	sadd.s32 s6, s28  }
0x93: {  	[tilespmem:s5], [sflag:$0x4] =	stream.linear.gather [hbm4b:s16+s5], $0x200, $0x38;
	[tilespmem:$0x1C640] =	vst v63  }
0x94: {  	_ =	swait.ge [sflag:s29], $0x200  }
0x95: {  	s17 =	rddreg [dreg:$0x6]  }
0x96: {  	[sflag:s29] =	ssyncset.done $0x0;
	s18 =	sadd.s32 $0x0, s17  }
0x97: {  	[sflag:s29] =	ssyncadd.s32 $0xFFFFFE00;
	s16 =	sadd.s32 $0x80, s18  }
0x98: {  	[tilespmem:s30], [sflag:$0x4] =	stream.linear.gather [hbm4b:s16+s5], $0x200, $0x38;
	[tilespmem:$0x1C640] =	vst v63  }
0x99: {  	_ =	swait.ge [sflag:s29], $0x200  }
0x9a: {  	[sflag:s29] =	ssyncset.done $0x0  }
0x9b: {  	[sflag:s29] =	ssyncadd.s32 $0xFFFFFE00  }
0x9c: {  	_ =	swait.ge [sflag:s24], $0x2000  }
0x9d: {  	[sflag:s24] =	ssyncset.done $0x0  }
0x9e: {  	[sflag:s24] =	ssyncadd.s32 $0xFFFFE000  }
0x9f: {  	_ =	swait.ge [sflag:s24], $0x2000  }
0xa0: {  	[sflag:s24] =	ssyncset.done $0x0  }
0xa1: {  	[sflag:s24] =	ssyncadd.s32 $0xFFFFE000  }
0xa2: {  	_ =	swait.ge [sflag:s24], $0x2000  }
0xa3: {  	[sflag:s24] =	ssyncset.done $0x0  }
0xa4: {  	[sflag:s24] =	ssyncadd.s32 $0xFFFFE000  }
0xa5: {  	_ =	swait.ge [sflag:s24], $0x2000  }
0xa6: {  	[sflag:s24] =	ssyncset.done $0x0  }
0xa7: {  	[sflag:s24] =	ssyncadd.s32 $0xFFFFE000  }
0xa8: {  	[tilespmem:s0], [sflag:$0x1] =	stream.indirect.gather [hbm4b:s1+s31], $0x40, s5, s31, $0xb8;
	[tilespmem:$0x1C640] =	vst v63  }
0xa9: {  	_ = 	snop  }
0xaa: {  	[tilespmem:s4], [sflag:$0x1] =	stream.indirect.gather [hbm4b:s1+s31], $0x40, s31, s31, $0xb8;
	[tilespmem:$0x1C640] =	vst v63  }
0xab: {  	_ = 	snop  }
0xac: {  	[tilespmem:s7], [sflag:$0x1] =	stream.indirect.gather [hbm4b:s1+s31], $0x40, s2, s31, $0xb8;
	[tilespmem:$0x1C640] =	vst v63  }
0xad: {  	_ = 	snop  }
0xae: {  	[tilespmem:s9], [sflag:$0x1] =	stream.indirect.gather [hbm4b:s1+s31], $0x40, s8, s31, $0xb8;
	[tilespmem:$0x1C640] =	vst v63  }
0xaf: {  	_ = 	snop  }
0xb0: {  	[spmem:s3] =	stream.indirect.scatter.add.f32 [tilespmem:s14], [sflag:$0x4], $0x40, s11, s31, $0xb8;
	[tilespmem:$0x1C640] =	vst v63  }
0xb1: {  	_ =	swait.ge [sflag:s29], $0x2000  }
0xb2: {  	[sflag:s29] =	ssyncset.done $0x0  }
0xb3: {  	s19 =	rddreg [dreg:$0xe];
	[sflag:s29] =	ssyncadd.s32 $0xFFFFE000  }
0xb4: {  	[spmem:s3] =	stream.indirect.scatter.add.f32 [tilespmem:s21], [sflag:$0x4], $0x40, s19, s31, $0xb8;
	[tilespmem:$0x1C640] =	vst v63  }
0xb5: {  	_ =	swait.ge [sflag:s29], $0x2000  }
0xb6: {  	[sflag:s29] =	ssyncset.done $0x0  }
0xb7: {  	s20 =	rddreg [dreg:$0xf];
	[sflag:s29] =	ssyncadd.s32 $0xFFFFE000  }
0xb8: {  	[spmem:s3] =	stream.indirect.scatter.add.f32 [tilespmem:s22], [sflag:$0x4], $0x40, s20, s31, $0xb8;
	[tilespmem:$0x1C640] =	vst v63  }
0xb9: {  	_ =	swait.ge [sflag:s29], $0x2000  }
0xba: {  	[sflag:s29] =	ssyncset.done $0x0  }
0xbb: {  	s25 =	rddreg [dreg:$0x10];
	[sflag:s29] =	ssyncadd.s32 $0xFFFFE000  }
0xbc: {  	[spmem:s3] =	stream.indirect.scatter.add.f32 [tilespmem:s23], [sflag:$0x4], $0x40, s25, s31, $0xb8;
	[tilespmem:$0x1C640] =	vst v63  }
0xbd: {  	_ =	swait.ge [sflag:s29], $0x2000  }
0xbe: {  	s28 =	rddreg [dreg:$0x7];
	[sflag:s29] =	ssyncset.done $0x0  }
0xbf: {  	[sflag:s29] =	ssyncadd.s32 $0xFFFFE000;
	s16 =	sadd.s32 $0x0, s28  }
0xc0: {  	[tilespmem:s10], [sflag:$0x3] =	stream.linear.gather [hbm4b:s16+s5], $0x200, $0x38;
	[tilespmem:$0x1C640] =	vst v63  }
0xc1: {  	s17 =	sadd.s32 $0x400, s15;
	s18 =	sadd.s32 $0xC0, s18;
	s16 =	simm.s32 $0x80  }
.LBB2_2:
0xc2: {  	[tilespmem:s11], [sflag:$0x3] =	stream.linear.gather [hbm4b:s18+s5], $0x200, $0x38;
	[tilespmem:$0x1C640] =	vst v63  }
0xc3: {  	_ =	swait.ge [sflag:s12], $0x200  }
0xc4: {  	[sflag:s12] =	ssyncset.done $0x0  }
0xc5: {  	[sflag:s12] =	ssyncadd.s32 $0xFFFFFE00  }
0xc6: {  	_ =	swait.ge [sflag:s12], $0x200  }
0xc7: {  	[sflag:s12] =	ssyncset.done $0x0  }
0xc8: {  	[sflag:s12] =	ssyncadd.s32 $0xFFFFFE00  }
0xc9: {  	_ =	swait.ge [sflag:s13], $0x2000  }
0xca: {  	[sflag:s13] =	ssyncset.done $0x0  }
0xcb: {  	[sflag:s13] =	ssyncadd.s32 $0xFFFFE000  }
0xcc: {  	_ =	swait.ge [sflag:s13], $0x2000  }
0xcd: {  	[sflag:s13] =	ssyncset.done $0x0  }
0xce: {  	[sflag:s13] =	ssyncadd.s32 $0xFFFFE000  }
0xcf: {  	_ =	swait.ge [sflag:s13], $0x2000  }
0xd0: {  	[sflag:s13] =	ssyncset.done $0x0  }
0xd1: {  	[sflag:s13] =	ssyncadd.s32 $0xFFFFE000  }
0xd2: {  	_ =	swait.ge [sflag:s13], $0x2000  }
0xd3: {  	[sflag:s13] =	ssyncset.done $0x0  }
0xd4: {  	[sflag:s13] =	ssyncadd.s32 $0xFFFFE000  }
0xd5: {  	[tilespmem:s14], [sflag:$0x2] =	stream.indirect.gather [hbm4b:s1+s31], $0x40, s10, s31, $0xb8;
	[tilespmem:$0x1C640] =	vst v63  }
0xd6: {  	s19 =	rddreg [dreg:$0x8]  }
0xd7: {  	[tilespmem:s21], [sflag:$0x2] =	stream.indirect.gather [hbm4b:s1+s31], $0x40, s19, s31, $0xb8;
	[tilespmem:$0x1C640] =	vst v63  }
0xd8: {  	s20 =	rddreg [dreg:$0x9]  }
0xd9: {  	[tilespmem:s22], [sflag:$0x2] =	stream.indirect.gather [hbm4b:s1+s31], $0x40, s20, s31, $0xb8;
	[tilespmem:$0x1C640] =	vst v63  }
0xda: {  	s15 =	rddreg [dreg:$0xa]  }
0xdb: {  	[tilespmem:s23], [sflag:$0x2] =	stream.indirect.gather [hbm4b:s1+s31], $0x40, s15, s31, $0xb8;
	[tilespmem:$0x1C640] =	vst v63  }
0xdc: {  	_ = 	snop  }
0xdd: {  	[spmem:s3] =	stream.indirect.scatter.add.f32 [tilespmem:s0], [sflag:$0x4], $0x40, s30, s31, $0xb8;
	[tilespmem:$0x1C640] =	vst v63  }
0xde: {  	_ =	swait.ge [sflag:s29], $0x2000  }
0xdf: {  	[sflag:s29] =	ssyncset.done $0x0  }
0xe0: {  	s20 =	rddreg [dreg:$0xb];
	[sflag:s29] =	ssyncadd.s32 $0xFFFFE000  }
0xe1: {  	[spmem:s3] =	stream.indirect.scatter.add.f32 [tilespmem:s4], [sflag:$0x4], $0x40, s20, s31, $0xb8;
	[tilespmem:$0x1C640] =	vst v63  }
0xe2: {  	_ =	swait.ge [sflag:s29], $0x2000  }
0xe3: {  	[sflag:s29] =	ssyncset.done $0x0  }
0xe4: {  	s25 =	rddreg [dreg:$0xc];
	[sflag:s29] =	ssyncadd.s32 $0xFFFFE000  }
0xe5: {  	[spmem:s3] =	stream.indirect.scatter.add.f32 [tilespmem:s7], [sflag:$0x4], $0x40, s25, s31, $0xb8;
	[tilespmem:$0x1C640] =	vst v63  }
0xe6: {  	_ =	swait.ge [sflag:s29], $0x2000  }
0xe7: {  	[sflag:s29] =	ssyncset.done $0x0  }
0xe8: {  	s28 =	rddreg [dreg:$0xd];
	[sflag:s29] =	ssyncadd.s32 $0xFFFFE000  }
0xe9: {  	[spmem:s3] =	stream.indirect.scatter.add.f32 [tilespmem:s9], [sflag:$0x4], $0x40, s28, s31, $0xb8;
	[tilespmem:$0x1C640] =	vst v63  }
0xea: {  	_ =	swait.ge [sflag:s29], $0x2000  }
0xeb: {  	s15 =	sshrl.u32 s17, $0x3;
	[sflag:s29] =	ssyncset.done $0x0  }
0xec: {  	s19 =	sadd.s32 s6, s15;
	[sflag:s29] =	ssyncadd.s32 $0xFFFFE000  }
0xed: {  	[tilespmem:s5], [sflag:$0x4] =	stream.linear.gather [hbm4b:s19+s5], $0x200, $0x38;
	[tilespmem:$0x1C640] =	vst v63  }
0xee: {  	_ =	swait.ge [sflag:s29], $0x200  }
0xef: {  	s18 =	smov.u32 s16;
	s20 =	rddreg [dreg:$0x6]  }
0xf0: {  	[sflag:s29] =	ssyncset.done $0x0;
	s19 =	sadd.s32 s18, s20  }
0xf1: {  	[sflag:s29] =	ssyncadd.s32 $0xFFFFFE00;
	s25 =	sadd.s32 $0x80, s19  }
0xf2: {  	[tilespmem:s30], [sflag:$0x4] =	stream.linear.gather [hbm4b:s25+s5], $0x200, $0x38;
	[tilespmem:$0x1C640] =	vst v63  }
0xf3: {  	_ =	swait.ge [sflag:s29], $0x200  }
0xf4: {  	[sflag:s29] =	ssyncset.done $0x0  }
0xf5: {  	[sflag:s29] =	ssyncadd.s32 $0xFFFFFE00  }
0xf6: {  	_ =	swait.ge [sflag:s24], $0x2000  }
0xf7: {  	[sflag:s24] =	ssyncset.done $0x0  }
0xf8: {  	[sflag:s24] =	ssyncadd.s32 $0xFFFFE000  }
0xf9: {  	_ =	swait.ge [sflag:s24], $0x2000  }
0xfa: {  	[sflag:s24] =	ssyncset.done $0x0  }
0xfb: {  	[sflag:s24] =	ssyncadd.s32 $0xFFFFE000  }
0xfc: {  	_ =	swait.ge [sflag:s24], $0x2000  }
0xfd: {  	[sflag:s24] =	ssyncset.done $0x0  }
0xfe: {  	[sflag:s24] =	ssyncadd.s32 $0xFFFFE000  }
0xff: {  	_ =	swait.ge [sflag:s24], $0x2000  }
0x100: {  	[sflag:s24] =	ssyncset.done $0x0  }
0x101: {  	[sflag:s24] =	ssyncadd.s32 $0xFFFFE000  }
0x102: {  	[tilespmem:s0], [sflag:$0x1] =	stream.indirect.gather [hbm4b:s1+s31], $0x40, s5, s31, $0xb8;
	[tilespmem:$0x1C640] =	vst v63  }
0x103: {  	_ = 	snop  }
0x104: {  	[tilespmem:s4], [sflag:$0x1] =	stream.indirect.gather [hbm4b:s1+s31], $0x40, s31, s31, $0xb8;
	[tilespmem:$0x1C640] =	vst v63  }
0x105: {  	_ = 	snop  }
0x106: {  	[tilespmem:s7], [sflag:$0x1] =	stream.indirect.gather [hbm4b:s1+s31], $0x40, s2, s31, $0xb8;
	[tilespmem:$0x1C640] =	vst v63  }
0x107: {  	_ = 	snop  }
0x108: {  	[tilespmem:s9], [sflag:$0x1] =	stream.indirect.gather [hbm4b:s1+s31], $0x40, s8, s31, $0xb8;
	[tilespmem:$0x1C640] =	vst v63  }
0x109: {  	_ = 	snop  }
0x10a: {  	[spmem:s3] =	stream.indirect.scatter.add.f32 [tilespmem:s14], [sflag:$0x4], $0x40, s11, s31, $0xb8;
	[tilespmem:$0x1C640] =	vst v63  }
0x10b: {  	_ =	swait.ge [sflag:s29], $0x2000  }
0x10c: {  	[sflag:s29] =	ssyncset.done $0x0  }
0x10d: {  	s28 =	rddreg [dreg:$0xe];
	[sflag:s29] =	ssyncadd.s32 $0xFFFFE000  }
0x10e: {  	[spmem:s3] =	stream.indirect.scatter.add.f32 [tilespmem:s21], [sflag:$0x4], $0x40, s28, s31, $0xb8;
	[tilespmem:$0x1C640] =	vst v63  }
0x10f: {  	_ =	swait.ge [sflag:s29], $0x2000  }
0x110: {  	[sflag:s29] =	ssyncset.done $0x0  }
0x111: {  	s15 =	rddreg [dreg:$0xf];
	[sflag:s29] =	ssyncadd.s32 $0xFFFFE000  }
0x112: {  	[spmem:s3] =	stream.indirect.scatter.add.f32 [tilespmem:s22], [sflag:$0x4], $0x40, s15, s31, $0xb8;
	[tilespmem:$0x1C640] =	vst v63  }
0x113: {  	_ =	swait.ge [sflag:s29], $0x2000  }
0x114: {  	[sflag:s29] =	ssyncset.done $0x0  }
0x115: {  	p1 =	sne.s32 s16, $0x980;
	s25 =	rddreg [dreg:$0x10];
	[sflag:s29] =	ssyncadd.s32 $0xFFFFE000  }
0x116: {  	[spmem:s3] =	stream.indirect.scatter.add.f32 [tilespmem:s23], [sflag:$0x4], $0x40, s25, s31, $0xb8;
	[tilespmem:$0x1C640] =	vst v63  }
.Ltmp0:
0x117: {  	_ =	swait.ge [sflag:s29], $0x2000;
	(pc) =	sbr.rel @p1 .LBB2_2-.Ltmp0, $4  }
0x118: {  	s28 =	rddreg [dreg:$0x7];
	[sflag:s29] =	ssyncset.done $0x0  }
0x119: {  	[sflag:s29] =	ssyncadd.s32 $0xFFFFE000;
	s18 =	sadd.s32 s18, s28  }
0x11a: {  	[tilespmem:s10], [sflag:$0x3] =	stream.linear.gather [hbm4b:s18+s5], $0x200, $0x38;
	[tilespmem:$0x1C640] =	vst v63  }
0x11b: {  	s16 =	sadd.s32 $0x80, s16;
	s17 =	sadd.s32 $0x400, s17;
	s18 =	sadd.s32 $0xC0, s19  }
0x11c: {  	[tilespmem:s11], [sflag:$0x3] =	stream.linear.gather [hbm4b:s18+s5], $0x200, $0x38;
	[tilespmem:$0x1C640] =	vst v63  }
0x11d: {  	_ =	swait.ge [sflag:s13], $0x2000  }
0x11e: {  	[sflag:s13] =	ssyncset.done $0x0  }
0x11f: {  	[sflag:s13] =	ssyncadd.s32 $0xFFFFE000  }
0x120: {  	_ =	swait.ge [sflag:s13], $0x2000  }
0x121: {  	[sflag:s13] =	ssyncset.done $0x0  }
0x122: {  	[sflag:s13] =	ssyncadd.s32 $0xFFFFE000  }
0x123: {  	_ =	swait.ge [sflag:s13], $0x2000  }
0x124: {  	[sflag:s13] =	ssyncset.done $0x0  }
0x125: {  	[sflag:s13] =	ssyncadd.s32 $0xFFFFE000  }
0x126: {  	_ =	swait.ge [sflag:s13], $0x2000  }
0x127: {  	[sflag:s13] =	ssyncset.done $0x0  }
0x128: {  	[sflag:s13] =	ssyncadd.s32 $0xFFFFE000  }
0x129: {  	_ =	swait.ge [sflag:s12], $0x200  }
0x12a: {  	[sflag:s12] =	ssyncset.done $0x0  }
0x12b: {  	[sflag:s12] =	ssyncadd.s32 $0xFFFFFE00  }
0x12c: {  	_ =	swait.ge [sflag:s12], $0x200  }
0x12d: {  	[sflag:s12] =	ssyncset.done $0x0  }
0x12e: {  	[sflag:s12] =	ssyncadd.s32 $0xFFFFFE00  }
0x12f: {  	s15 =	simm.s32 $0x10800;
	[bflag:$0x0] =	sbarrier.arrive $0xFFFF  }
0x130: {  	[tilespmem:s15], [sflag:$0x4] =	stream.linear.gather [spmem:s26], $0x1A00, $0x38;
	[tilespmem:$0x1C640] =	vst v63  }
0x131: {  	_ =	swait.ge [sflag:s29], $0x1A00  }
0x132: {  	[sflag:s29] =	ssyncset.done $0x0  }
0x133: {  	s16 =	rddreg [dreg:$0x13];
	[sflag:s29] =	ssyncadd.s32 $0xFFFFE600  }
0x134: {  	[hbm4b:s16+s5] =	stream.linear.scatter [tilespmem:s15], [sflag:$0x4], $0x1A00, $0x38;
	[tilespmem:$0x1C640] =	vst v63  }
0x135: {  	_ =	swait.ge [sflag:s29], $0x1A00  }
0x136: {  	s19 =	sld [smem:$0x7FD]  }
0x137: {  	[sflag:s29] =	ssyncset.done $0x0  }
0x138: {  	[sflag:s29] =	ssyncadd.s32 $0xFFFFE600  }
0x139: {  	[tilespmem:s15], [sflag:$0x4] =	stream.linear.gather [spmem:s19], $0x1A00, $0x38;
	[tilespmem:$0x1C640] =	vst v63  }
0x13a: {  	_ =	swait.ge [sflag:s29], $0x1A00  }
0x13b: {  	[sflag:s29] =	ssyncset.done $0x0  }
0x13c: {  	s20 =	rddreg [dreg:$0x14];
	[sflag:s29] =	ssyncadd.s32 $0xFFFFE600  }
0x13d: {  	[hbm4b:s20+s5] =	stream.linear.scatter [tilespmem:s15], [sflag:$0x4], $0x1A00, $0x38;
	[tilespmem:$0x1C640] =	vst v63  }
0x13e: {  	_ =	swait.ge [sflag:s29], $0x1A00  }
0x13f: {  	[sflag:s29] =	ssyncset.done $0x0  }
0x140: {  	s25 =	rddreg [dreg:$0x19];
	[sflag:s29] =	ssyncadd.s32 $0xFFFFE600  }
0x141: {  	[tilespmem:s15], [sflag:$0x4] =	stream.linear.gather [spmem:s25], $0x1A00, $0x38;
	[tilespmem:$0x1C640] =	vst v63  }
0x142: {  	_ =	swait.ge [sflag:s29], $0x1A00  }
0x143: {  	[sflag:s29] =	ssyncset.done $0x0  }
0x144: {  	s26 =	rddreg [dreg:$0x15];
	[sflag:s29] =	ssyncadd.s32 $0xFFFFE600  }
0x145: {  	[hbm4b:s26+s5] =	stream.linear.scatter [tilespmem:s15], [sflag:$0x4], $0x1A00, $0x38;
	[tilespmem:$0x1C640] =	vst v63  }
0x146: {  	_ =	swait.ge [sflag:s29], $0x1A00  }
0x147: {  	[sflag:s29] =	ssyncset.done $0x0  }
0x148: {  	s26 =	rddreg [dreg:$0x1a];
	[sflag:s29] =	ssyncadd.s32 $0xFFFFE600  }
0x149: {  	[tilespmem:s15], [sflag:$0x4] =	stream.linear.gather [spmem:s26], $0x1A00, $0x38;
	[tilespmem:$0x1C640] =	vst v63  }
0x14a: {  	_ =	swait.ge [sflag:s29], $0x1A00  }
0x14b: {  	[sflag:s29] =	ssyncset.done $0x0  }
0x14c: {  	s17 =	rddreg [dreg:$0x16];
	[sflag:s29] =	ssyncadd.s32 $0xFFFFE600  }
0x14d: {  	[hbm4b:s17+s5] =	stream.linear.scatter [tilespmem:s15], [sflag:$0x4], $0x1A00, $0x38;
	[tilespmem:$0x1C640] =	vst v63  }
0x14e: {  	_ =	swait.ge [sflag:s29], $0x1A00  }
0x14f: {  	[sflag:s29] =	ssyncset.done $0x0  }
0x150: {  	s25 =	rddreg [dreg:$0x1b];
	[sflag:s29] =	ssyncadd.s32 $0xFFFFE600  }
0x151: {  	[tilespmem:s15], [sflag:$0x4] =	stream.linear.gather [spmem:s25], $0x1A00, $0x38;
	[tilespmem:$0x1C640] =	vst v63  }
0x152: {  	_ =	swait.ge [sflag:s29], $0x1A00  }
0x153: {  	[sflag:s29] =	ssyncset.done $0x0  }
0x154: {  	s18 =	rddreg [dreg:$0x17];
	[sflag:s29] =	ssyncadd.s32 $0xFFFFE600  }
0x155: {  	[hbm4b:s18+s5] =	stream.linear.scatter [tilespmem:s15], [sflag:$0x4], $0x1A00, $0x38;
	[tilespmem:$0x1C640] =	vst v63  }
0x156: {  	_ =	swait.ge [sflag:s29], $0x1A00  }
0x157: {  	[sflag:s29] =	ssyncset.done $0x0  }
0x158: {  	s28 =	rddreg [dreg:$0x1c];
	[sflag:s29] =	ssyncadd.s32 $0xFFFFE600  }
0x159: {  	[tilespmem:s15], [sflag:$0x4] =	stream.linear.gather [spmem:s28], $0x1A00, $0x38;
	[tilespmem:$0x1C640] =	vst v63  }
0x15a: {  	_ =	swait.ge [sflag:s29], $0x1A00  }
0x15b: {  	[sflag:s29] =	ssyncset.done $0x0  }
0x15c: {  	s20 =	rddreg [dreg:$0x18];
	[sflag:s29] =	ssyncadd.s32 $0xFFFFE600  }
0x15d: {  	[hbm4b:s20+s5] =	stream.linear.scatter [tilespmem:s15], [sflag:$0x4], $0x1A00, $0x38;
	[tilespmem:$0x1C640] =	vst v63  }
0x15e: {  	_ =	swait.ge [sflag:s29], $0x1A00  }
0x15f: {  	s15 =	sld [smem:$0x7FC]  }
0x160: {  	[sflag:s29] =	ssyncset.done $0x0  }
0x161: {  	s16 =	simm.s32 @!p0 $0x10800;
	s17 =	simm.s32 @!p0 $0x4;
	[sflag:s29] =	ssyncadd.s32 $0xFFFFE600  }
0x162: {  	[tilespmem:s16], [sflag:$0x4] =	stream.linear.gather @!p0 [spmem:s15], $0x400, $0x38;
	[tilespmem:$0x1C640] =	vst v63  }
0x163: {  	_ =	swait.ge @!p0 [sflag:s17], $0x400  }
0x164: {  	[sflag:s17] =	ssyncset.done @!p0 $0x0  }
0x165: {  	s18 =	simm.s32 @!p0 $0x0;
	s20 =	rddreg [dreg:$0x1f];
	[sflag:s17] =	ssyncadd.s32 @!p0 $0xFFFFFC00  }
0x166: {  	[hbm4b:s20+s18] =	stream.linear.scatter @!p0 [tilespmem:s16], [sflag:$0x4], $0x400, $0x38;
	[tilespmem:$0x1C640] =	vst v63  }
0x167: {  	_ =	swait.ge @!p0 [sflag:s17], $0x400  }
0x168: {  	s16 =	sld [smem:$0x7F8];
	_ =	sdelay $0x2  }
0x169: {  	s18 =	smov.u32 s26;
	s26 =	sadd.s32 $0x1, s16;
	s16 =	sld [smem:$0x7FA]  }
0x16a: {  	_ =	sdelay $0x1  }
0x16b: {  	p1 =	sne.s32 s26, s16  }
.Ltmp1:
0x16c: {  	_ = 	snop;
	(pc) =	sbr.rel @p1 .LBB2_1-.Ltmp1, $3  }
0x16d: {  	_ =	sdelay $0x1  }
0x16e: {  	s20 =	smov.u32 s15;
	[sflag:s17] =	ssyncset.done @!p0 $0x0  }
0x16f: {  	s15 =	simm.s32 $0x10800;
	[sflag:s17] =	ssyncadd.s32 @!p0 $0xFFFFFC00;
	s17 =	rddreg [dreg:$0x19]  }
0x170: {  	_ =	sfence.sel $0x180000  }
0x171: {  	[bflag:$0x0] =	sbarrier.arrive $0xFFFF  }
0x172: {  	_ =	strace $0x9000004D  }
0x173: {  	s0 =	stileid.u32;
	[bflag:$0x2] =	sbarrier.arrive $0xFFFF  }
0x174: {  	p0 =	sne.s32 s0, $0x0;
	s0 =	rddreg [dreg:$0x5]  }
0x175: {  	s0 =	sadd.s32 @!p0 $0x100000, s0  }
0x176: {  	[sflag:s0] =	ssyncadd.tile.s32 @!p0 $0x1;
	_ =	shalt  }
.Lfunc_end2:
_tile_overlayer_lowered:
.L_overlay_start_2:
0x177: {  	(tag) =	ssettag $0x2  }
0x178: {  	s0 =	rddreg [dreg:$0x0];
	s2 =	stileid.u32  }
0x179: {  	s1 =	rddreg [dreg:$0x1];
	p0 =	sne.s32 s2, $0x0  }
0x17a: {  	s3 =	rddreg [dreg:$0x2];
	[bflag:$0x3] =	sbarrier.arrive $0xFFFF;
	s2 =	simm.s32 @!p0 $0x1C04  }
0x17b: {  	[timem:s3], [sflag:s2] =	dma.local @!p0 [hbm:s0], s1  }
0x17c: {  	s0 =	simm.s32 @!p0 $0x4  }
0x17d: {  	_ =	swait.ge @!p0 [sflag:s0], s1  }
0x17e: {  	s1 =	ssub.s32 @!p0 $0x0, s1;
	[sflag:s0] =	ssyncset.done @!p0 $0x0  }
0x17f: {  	[sflag:s0] =	ssyncadd.s32 @!p0 s1  }
0x180: {  	[bflag:$0x3] =	sbarrier.arrive $0xFFFF  }
0x181: {  	_ =	shalt  }

</sc_bundles>
